<compile_context>
chip_gen: v7x
topology: tpu7x:2x2x1
jax: 0.10.2.dev20260603
libtpu: 0.0.44.dev20260713+nightly
codegen_flags: <defaults>
</compile_context>

<pallas_src>
import functools

import jax
import jax.numpy as jnp
from jax import lax
from jax.experimental import pallas as pl
from jax.experimental.pallas import tpu as pltpu
from jax.experimental.pallas import tpu_sc as plsc

_N = 10000
_E = 320000
_H = 100
_HP = 128
_BN_EPS = 1e-5

_NC = 2
_NS = 16
_NW = _NC * _NS
_K = 128
_CHUNKS = _E // _K
_BASE_CH = _CHUNKS // _NW
_EXTRA = _CHUNKS % _NW
_ZR = 16
_NHALF = _N // 2
_NAGG = 5120
_KA = 64
_CHA = _E // _KA

_PREC = None



def _mm_body(x_ref, w_ref, b_ref, o_ref):
    o_ref[...] = (
        jnp.dot(x_ref[...], w_ref[...], precision=_PREC) + b_ref[...]
    )


def _mm(x, w, b, block):
    n, d = x.shape
    dout = w.shape[1]
    return pl.pallas_call(
        _mm_body,
        grid=(n // block,),
        in_specs=[
            pl.BlockSpec((block, d), lambda i: (i, 0)),
            pl.BlockSpec((d, dout), lambda i: (0, 0)),
            pl.BlockSpec((1, dout), lambda i: (0, 0)),
        ],
        out_specs=pl.BlockSpec((block, dout), lambda i: (i, 0)),
        out_shape=jax.ShapeDtypeStruct((n, dout), jnp.float32),
    )(x, w, b)


def _edge_body(g_ref, e_ref, w1_ref, w2_ref, b2_ref, o_ref):
    e = e_ref[...]
    t = jnp.maximum(g_ref[...] + jnp.dot(e, w1_ref[...], precision=_PREC), 0.0)
    o_ref[...] = e + (jnp.dot(t, w2_ref[...], precision=_PREC) + b2_ref[...]) * 0.5


def _edge_update(gsum, e, w1c, w2e, b2e, block=2000):
    full = lambda a: pl.BlockSpec(a.shape, lambda i: (0,) * a.ndim)
    return pl.pallas_call(
        _edge_body,
        grid=(_E // block,),
        in_specs=[
            pl.BlockSpec((block, _HP), lambda i: (i, 0)),
            pl.BlockSpec((block, _HP), lambda i: (i, 0)),
            full(w1c), full(w2e), full(b2e),
        ],
        out_specs=pl.BlockSpec((block, _HP), lambda i: (i, 0)),
        out_shape=jax.ShapeDtypeStruct((_E, _HP), jnp.float32),
    )(gsum, e, w1c, w2e, b2e)


def _final_body(gu_ref, ga_ref, e_ref, w1c_ref, w2e_ref, b2e_ref, cw_ref,
                w2_ref, b2_ref, w3_ref, b3_ref, o_ref):
    e = e_ref[...]
    t = jnp.maximum(gu_ref[...] + jnp.dot(e, w1c_ref[...], precision=_PREC), 0.0)
    e2 = e + (jnp.dot(t, w2e_ref[...], precision=_PREC) + b2e_ref[...]) * 0.5
    q = jnp.maximum(ga_ref[...] + jnp.dot(e2, cw_ref[...], precision=_PREC), 0.0)
    q = jnp.maximum(jnp.dot(q, w2_ref[...], precision=_PREC) + b2_ref[...], 0.0)
    o_ref[...] = jnp.dot(q, w3_ref[...], precision=_PREC) + b3_ref[...]


def _final(gu, ga, e, w1c, w2e, b2e, cw, w2, b2, w3, b3, block=2000):
    full = lambda a: pl.BlockSpec(a.shape, lambda i: (0,) * a.ndim)
    return pl.pallas_call(
        _final_body,
        grid=(_E // block,),
        in_specs=[
            pl.BlockSpec((block, _HP), lambda i: (i, 0)),
            pl.BlockSpec((block, 64), lambda i: (i, 0)),
            pl.BlockSpec((block, _HP), lambda i: (i, 0)),
            full(w1c), full(w2e), full(b2e), full(cw),
            full(w2), full(b2), full(w3), full(b3),
        ],
        out_specs=pl.BlockSpec((block, 8), lambda i: (i, 0)),
        out_shape=jax.ShapeDtypeStruct((_E, 8), jnp.float32),
    )(gu, ga, e, w1c, w2e, b2e, cw, w2, b2, w3, b3)


def _node0_body(h_ref, parts_ref, w1_ref, b1_ref, w2_ref, b2_ref,
                g_ref, bt_ref, wa_ref, ba_ref, wb_ref,
                ho_ref, uo_ref, vo_ref):
    h = h_ref[...]
    p = parts_ref[...]
    z0 = h + jnp.concatenate(
        [p[:_NHALF], p[_NAGG:_NAGG + _NHALF]], axis=0)
    t = jnp.maximum(jnp.dot(z0, w1_ref[...], precision=_PREC) + b1_ref[...], 0.0)
    z = jnp.dot(t, w2_ref[...], precision=_PREC) + b2_ref[...]
    mu = jnp.mean(z, axis=0, keepdims=True)
    var = jnp.mean((z - mu) ** 2, axis=0, keepdims=True)
    zn = (z - mu) * (g_ref[...] * lax.rsqrt(var + _BN_EPS)) + bt_ref[...]
    hn = (h + jnp.maximum(zn, 0.0)) * 0.5
    ho_ref[...] = hn
    uo_ref[...] = jnp.dot(hn, wa_ref[...], precision=_PREC) + ba_ref[...]
    vo_ref[...] = jnp.dot(hn, wb_ref[...], precision=_PREC)


def _node0(h, parts, w1, b1, w2, b2, g, bt, wa, ba, wb):
    s = jax.ShapeDtypeStruct((_N, _HP), jnp.float32)
    return pl.pallas_call(
        _node0_body,
        out_shape=(s, s, s),
    )(h, parts, w1, b1, w2, b2, g, bt, wa, ba, wb)


def _node1_body(h_ref, parts_ref, w1_ref, b1_ref, w2_ref, b2_ref,
                g_ref, bt_ref, ho_ref):
    h = h_ref[...]
    p = parts_ref[...]
    z0 = h + jnp.concatenate(
        [p[:_NHALF], p[_NAGG:_NAGG + _NHALF]], axis=0)
    t = jnp.maximum(jnp.dot(z0, w1_ref[...], precision=_PREC) + b1_ref[...], 0.0)
    z = jnp.dot(t, w2_ref[...], precision=_PREC) + b2_ref[...]
    mu = jnp.mean(z, axis=0, keepdims=True)
    var = jnp.mean((z - mu) ** 2, axis=0, keepdims=True)
    zn = (z - mu) * (g_ref[...] * lax.rsqrt(var + _BN_EPS)) + bt_ref[...]
    ho_ref[...] = (h + jnp.maximum(zn, 0.0)) * 0.5


def _node1(h, parts, w1, b1, w2, b2, g, bt):
    s = jax.ShapeDtypeStruct((_N, _HP), jnp.float32)
    return pl.pallas_call(
        _node1_body,
        out_shape=s,
    )(h, parts, w1, b1, w2, b2, g, bt)


def _tables_body(h_ref, wa_ref, ba_ref, wb_ref, wa2_ref, ba2_ref, wb2_ref,
                 uo_ref, vo_ref, ao_ref, bo_ref):
    hn = h_ref[...]
    hr = jnp.maximum(hn, 0.0)
    uo_ref[...] = jnp.dot(hn, wa_ref[...], precision=_PREC) + ba_ref[...]
    vo_ref[...] = jnp.dot(hn, wb_ref[...], precision=_PREC)
    ao_ref[...] = jnp.dot(hr, wa2_ref[...], precision=_PREC) + ba2_ref[...]
    bo_ref[...] = jnp.dot(hr, wb2_ref[...], precision=_PREC)


def _tables(hn, wa, ba, wb, wa2, ba2, wb2, block=1000):
    full = lambda a: pl.BlockSpec(a.shape, lambda i: (0,) * a.ndim)
    s = jax.ShapeDtypeStruct((_N, _HP), jnp.float32)
    bs = pl.BlockSpec((block, _HP), lambda i: (i, 0))
    return pl.pallas_call(
        _tables_body,
        grid=(_N // block,),
        in_specs=[bs, full(wa), full(ba), full(wb),
                  full(wa2), full(ba2), full(wb2)],
        out_specs=(bs, bs, bs, bs),
        out_shape=(s, s, s, s),
    )(hn, wa, ba, wb, wa2, ba2, wb2)



@functools.cache
def _get_sc_agg():
  mesh = plsc.VectorSubcoreMesh(core_axis_name="c", subcore_axis_name="s")

  @functools.partial(
      pl.kernel,
      mesh=mesh,
      out_type=jax.ShapeDtypeStruct((2 * _NAGG, _HP), jnp.float32),
      scratch_types=[
          pltpu.VMEM((_KA,), jnp.int32),
          pltpu.VMEM((_KA,), jnp.int32),
          pltpu.VMEM((_KA, _HP), jnp.float32),
          pltpu.VMEM((_KA, _HP), jnp.float32),
          pltpu.VMEM((_KA, _HP), jnp.float32),
          pltpu.VMEM((_ZR, _HP), jnp.float32),
          pltpu.VMEM_SHARED((_NAGG, _HP), jnp.float32),
          pltpu.SemaphoreType.DMA,
      ],
  )
  def _sc_agg(h_hbm, e_hbm, src_hbm, dst_hbm, parts_hbm,
              idxs, idxd, rows, ebuf, msg, zbuf, agg, sem):
    c = lax.axis_index("c")
    s = lax.axis_index("s")

    def _zrow(r, carry):
        for v in range(_HP // 16):
            zbuf[r, v * 16:(v + 1) * 16] = jnp.zeros((16,), jnp.float32)
        return carry
    lax.fori_loop(0, _ZR, _zrow, 0)
    rbase = s * (_NAGG // _NS)
    for i in range(_NAGG // _NS // _ZR):
        pltpu.sync_copy(zbuf, agg.at[pl.ds(rbase + i * _ZR, _ZR)])
    plsc.subcore_barrier()

    nch = _CHA // _NS + jnp.where(s < _CHA % _NS, 1, 0)
    base = c * _NHALF

    def _chunk(jj, carry):
        off = (s + jj * _NS) * _KA
        pltpu.sync_copy(src_hbm.at[pl.ds(off, _KA)], idxs)
        pltpu.sync_copy(dst_hbm.at[pl.ds(off, _KA)], idxd)
        cp = pltpu.async_copy(h_hbm.at[idxs], rows, sem)
        pltpu.sync_copy(e_hbm.at[pl.ds(off, _KA)], ebuf)
        cp.wait()

        def _row(k, carry2):
            for v in range(_HP // 16):
                sl = slice(v * 16, (v + 1) * 16)
                msg[k, sl] = jnp.maximum(rows[k, sl] + ebuf[k, sl], 0.0)
            return carry2
        lax.fori_loop(0, _KA, _row, 0)

        def _fix(v, carry3):
            d = idxd[pl.ds(v * 16, 16)]
            t = d - base
            ok = (t >= 0) & (t < _NHALF)
            idxd[pl.ds(v * 16, 16)] = jnp.where(ok, t, _NAGG - 1)
            return carry3
        lax.fori_loop(0, _KA // 16, _fix, 0)
        pltpu.sync_copy(msg, agg.at[idxd], add=True)
        return carry
    lax.fori_loop(0, nch, _chunk, 0)

    plsc.subcore_barrier()

    def _wb(i, carry):
        r0 = rbase + i * _ZR
        pltpu.sync_copy(agg.at[pl.ds(r0, _ZR)], zbuf)
        pltpu.sync_copy(zbuf, parts_hbm.at[pl.ds(c * _NAGG + r0, _ZR)])
        return carry
    lax.fori_loop(0, _NAGG // _NS // _ZR, _wb, 0)

  return _sc_agg


@functools.cache
def _make_gsum(aux):
    mesh = plsc.VectorSubcoreMesh(core_axis_name="c", subcore_axis_name="s")
    outs = [jax.ShapeDtypeStruct((_E, _HP), jnp.float32)]
    scratch = [
        pltpu.VMEM((_K,), jnp.int32),
        pltpu.VMEM((_K,), jnp.int32),
        pltpu.VMEM((_K, _HP), jnp.float32),
        pltpu.VMEM((_K, _HP), jnp.float32),
        pltpu.VMEM((_K, _HP), jnp.float32),
    ]
    if aux:
        outs.append(jax.ShapeDtypeStruct((_E, 64), jnp.float32))
        scratch += [
            pltpu.VMEM((_K, _HP), jnp.float32),
            pltpu.VMEM((_K, _HP), jnp.float32),
            pltpu.VMEM((_K, 64), jnp.float32),
        ]
    scratch.append(pltpu.SemaphoreType.DMA)

    @functools.partial(
        pl.kernel,
        mesh=mesh,
        out_type=tuple(outs) if aux else outs[0],
        scratch_types=scratch,
    )
    def _gsum(*args):
        if aux:
            (u_hbm, v_hbm, ua_hbm, va_hbm, src_hbm, dst_hbm,
             gu_hbm, ga_hbm, idxs, idxd, ru, rv, sbu, rua, rva, sba,
             sem) = args
        else:
            (u_hbm, v_hbm, src_hbm, dst_hbm, gu_hbm,
             idxs, idxd, ru, rv, sbu, sem) = args
        c = lax.axis_index("c")
        s = lax.axis_index("s")
        wid = s * _NC + c
        nch = _BASE_CH + jnp.where(wid < _EXTRA, 1, 0)

        def _chunk(jj, carry):
            off = (wid + jj * _NW) * _K
            pltpu.sync_copy(src_hbm.at[pl.ds(off, _K)], idxs)
            pltpu.sync_copy(dst_hbm.at[pl.ds(off, _K)], idxd)
            cps = [pltpu.async_copy(u_hbm.at[idxs], ru, sem),
                   pltpu.async_copy(v_hbm.at[idxd], rv, sem)]
            if aux:
                cps += [pltpu.async_copy(ua_hbm.at[idxs], rua, sem),
                        pltpu.async_copy(va_hbm.at[idxd], rva, sem)]
            for cp in cps:
                cp.wait()

            def _row(k, carry2):
                for v in range(_HP // 16):
                    sl = slice(v * 16, (v + 1) * 16)
                    sbu[k, sl] = ru[k, sl] + rv[k, sl]
                if aux:
                    for v in range(64 // 16):
                        sl = slice(v * 16, (v + 1) * 16)
                        sba[k, sl] = rua[k, sl] + rva[k, sl]
                return carry2
            lax.fori_loop(0, _K, _row, 0)
            pltpu.sync_copy(sbu, gu_hbm.at[pl.ds(off, _K)])
            if aux:
                pltpu.sync_copy(sba, ga_hbm.at[pl.ds(off, _K)])
            return carry
        lax.fori_loop(0, nch, _chunk, 0)

    return _gsum



def kernel(x, edge_index, edge_attr, node_emb_w, node_emb_b, edge_emb_w,
           edge_emb_b, conv_w1, conv_b1, conv_w2, conv_b2, emlp_w1, emlp_b1,
           emlp_w2, emlp_b2, bn_gamma, bn_beta, mlp_w1, mlp_b1, mlp_w2,
           mlp_b2, mlp_w3, mlp_b3):
    H = _H
    src = edge_index[0]
    dst = edge_index[1]

    def pad_rc(w, r, c):
        return jnp.pad(w, ((0, r - w.shape[0]), (0, c - w.shape[1])))

    def pv(b, c):
        return jnp.pad(b, (0, c - b.shape[0]))[None, :]

    h0 = _mm(x, pad_rc(node_emb_w, _HP, _HP), pv(node_emb_b, _HP), 1000)
    e0 = _mm(edge_attr, pad_rc(edge_emb_w, 16, _HP), pv(edge_emb_b, _HP), 2000)

    sc_agg = _get_sc_agg()
    gsum1 = _make_gsum(False)
    gsum2 = _make_gsum(True)

    parts0 = sc_agg(h0, e0, src, dst)

    w1_0 = pad_rc(conv_w1[0], _HP, _HP)
    b1_0 = pv(conv_b1[0], _HP)
    w2_0 = pad_rc(conv_w2[0], _HP, _HP)
    b2_0 = pv(conv_b2[0], _HP)
    g_0 = pv(bn_gamma[0], _HP)
    bt_0 = pv(bn_beta[0], _HP)
    wa_0 = pad_rc(emlp_w1[0][:H], _HP, _HP)
    ba_0 = pv(emlp_b1[0], _HP)
    wb_0 = pad_rc(emlp_w1[0][H:2 * H], _HP, _HP)
    h1, u1, v1 = _node0(h0, parts0,
                        w1_0, b1_0, w2_0, b2_0, g_0, bt_0, wa_0, ba_0, wb_0)

    gs0 = gsum1(u1, v1, src, dst)
    w1c_0 = pad_rc(emlp_w1[0][2 * H:], _HP, _HP)
    w2e_0 = pad_rc(emlp_w2[0], _HP, _HP)
    b2e_0 = pv(emlp_b2[0], _HP)
    e1 = _edge_update(gs0, e0, w1c_0, w2e_0, b2e_0)

    parts1 = sc_agg(h1, e1, src, dst)

    w1_1 = pad_rc(conv_w1[1], _HP, _HP)
    b1_1 = pv(conv_b1[1], _HP)
    w2_1 = pad_rc(conv_w2[1], _HP, _HP)
    b2_1 = pv(conv_b2[1], _HP)
    g_1 = pv(bn_gamma[1], _HP)
    bt_1 = pv(bn_beta[1], _HP)
    wa_1 = pad_rc(emlp_w1[1][:H], _HP, _HP)
    ba_1 = pv(emlp_b1[1], _HP)
    wb_1 = pad_rc(emlp_w1[1][H:2 * H], _HP, _HP)
    wa_2 = pad_rc(mlp_w1[:H], _HP, _HP)
    ba_2 = pv(mlp_b1, _HP)
    wb_2 = pad_rc(mlp_w1[H:2 * H], _HP, _HP)
    h2 = _node1(h1, parts1, w1_1, b1_1, w2_1, b2_1, g_1, bt_1)
    u2, v2, a2, b2 = _tables(h2, wa_1, ba_1, wb_1, wa_2, ba_2, wb_2)

    gu, ga = gsum2(u2, v2, a2, b2, src, dst)

    w1c_1 = pad_rc(emlp_w1[1][2 * H:], _HP, _HP)
    w2e_1 = pad_rc(emlp_w2[1], _HP, _HP)
    b2e_1 = pv(emlp_b2[1], _HP)
    cw = pad_rc(mlp_w1[2 * H:], _HP, 64)
    w2p = pad_rc(mlp_w2, 64, 32)
    b2p = pv(mlp_b2, 32)
    w3p = pad_rc(mlp_w3, 32, 8)
    b3p = pv(mlp_b3, 8)
    out8 = _final(gu, ga, e1, w1c_1, w2e_1, b2e_1, cw, w2p, b2p, w3p, b3p)
    return out8[:, :2]

# --- scband reference (transcript-rebuilt; emitter-appended) ---
"""Pipeline reference for scband-gine-8830452760941 (READ-ONLY COPY).

The authoritative reference and input builder live on the scoring server;
editing this copy changes nothing except your own understanding.
"""

import jax, jax.numpy as jnp
import numpy as np

N = 10000
E = 320000
D_FEAT = 128
D_EDGE = 16
H = 100
L = 2
BN_EPS = 1e-5


def setup_inputs(seed: int = 0):
    key = jax.random.key(seed)
    ks = jax.random.split(key, 16)
    s = 0.05
    return {
        "x": jax.random.normal(ks[0], (N, D_FEAT), dtype=jnp.float32),
        "edge_index": jax.random.randint(ks[1], (2, E), 0, N, dtype=jnp.int32),
        "edge_attr": jax.random.normal(ks[2], (E, D_EDGE), dtype=jnp.float32),
        "node_emb_w": jax.random.normal(ks[3], (D_FEAT, H), dtype=jnp.float32) * s,
        "node_emb_b": jnp.zeros((H,), dtype=jnp.float32),
        "edge_emb_w": jax.random.normal(ks[4], (D_EDGE, H), dtype=jnp.float32) * s,
        "edge_emb_b": jnp.zeros((H,), dtype=jnp.float32),
        "conv_w1": jax.random.normal(ks[5], (L, H, H), dtype=jnp.float32) * s,
        "conv_b1": jnp.zeros((L, H), dtype=jnp.float32),
        "conv_w2": jax.random.normal(ks[6], (L, H, H), dtype=jnp.float32) * s,
        "conv_b2": jnp.zeros((L, H), dtype=jnp.float32),
        "emlp_w1": jax.random.normal(ks[7], (L, 3 * H, H), dtype=jnp.float32) * s,
        "emlp_b1": jnp.zeros((L, H), dtype=jnp.float32),
        "emlp_w2": jax.random.normal(ks[8], (L, H, H), dtype=jnp.float32) * s,
        "emlp_b2": jnp.zeros((L, H), dtype=jnp.float32),
        "bn_gamma": jnp.ones((L, H), dtype=jnp.float32),
        "bn_beta": jnp.zeros((L, H), dtype=jnp.float32),
        "mlp_w1": jax.random.normal(ks[9], (3 * H, 50), dtype=jnp.float32) * s,
        "mlp_b1": jnp.zeros((50,), dtype=jnp.float32),
        "mlp_w2": jax.random.normal(ks[10], (50, 25), dtype=jnp.float32) * s,
        "mlp_b2": jnp.zeros((25,), dtype=jnp.float32),
        "mlp_w3": jax.random.normal(ks[11], (25, 2), dtype=jnp.float32) * s,
        "mlp_b3": jnp.zeros((2,), dtype=jnp.float32),
    }


def reference(x, edge_index, edge_attr, node_emb_w, node_emb_b, edge_emb_w,
              edge_emb_b, conv_w1, conv_b1, conv_w2, conv_b2, emlp_w1, emlp_b1,
              emlp_w2, emlp_b2, bn_gamma, bn_beta, mlp_w1, mlp_b1, mlp_w2,
              mlp_b2, mlp_w3, mlp_b3):
    src = edge_index[0]
    dst = edge_index[1]
    h = x @ node_emb_w + node_emb_b
    e = edge_attr @ edge_emb_w + edge_emb_b
    for i in range(L):
        # GINEConv: message = relu(x_j + edge_attr), sum-aggregated at dst; eps=0
        msg = jax.nn.relu(h[src] + e)
        agg = jax.ops.segment_sum(msg, dst, num_segments=N)
        z = h + agg
        z = jax.nn.relu(z @ conv_w1[i] + conv_b1[i]) @ conv_w2[i] + conv_b2[i]
        # BatchNorm (training-mode batch statistics)
        mean = jnp.mean(z, axis=0)
        var = jnp.var(z, axis=0)
        z = (z - mean) / jnp.sqrt(var + BN_EPS) * bn_gamma[i] + bn_beta[i]
        h = (h + jax.nn.relu(z)) / 2.0
        # edge update
        cat = jnp.concatenate([h[src], h[dst], e], axis=-1)
        e = e + (jax.nn.relu(cat @ emlp_w1[i] + emlp_b1[i]) @ emlp_w2[i] + emlp_b2[i]) / 2.0
    pair = jax.nn.relu(jnp.concatenate([h[src], h[dst]], axis=-1))
    out = jnp.concatenate([pair, e], axis=1)
    # final MLP (dropout is identity in eval mode)
    out = jax.nn.relu(out @ mlp_w1 + mlp_b1)
    out = jax.nn.relu(out @ mlp_w2 + mlp_b2)
    out = out @ mlp_w3 + mlp_b3
    return out

if __name__ == "__main__":
    import jax
    _d = setup_inputs()
    print(jax.jit(kernel)(*tuple(_d.values())))

</pallas_src>

<mosaic_0001>
#map = affine_map<(d0, d1) -> (0, 0)>
#map1 = affine_map<(d0, d1) -> (0)>
module attributes {stable_mosaic.version = 14 : i64} {
  func.func @_gsum(%arg0: i32, %arg1: i32, %arg2: memref<10000x128xf32, #tpu.memory_space<hbm>>, %arg3: memref<10000x128xf32, #tpu.memory_space<hbm>>, %arg4: memref<320000xi32, #tpu.memory_space<hbm>>, %arg5: memref<320000xi32, #tpu.memory_space<hbm>>, %arg6: memref<320000x128xf32, #tpu.memory_space<hbm>>, %arg7: memref<128xi32, #tpu.memory_space<vmem>>, %arg8: memref<128xi32, #tpu.memory_space<vmem>>, %arg9: memref<128x128xf32, #tpu.memory_space<vmem>>, %arg10: memref<128x128xf32, #tpu.memory_space<vmem>>, %arg11: memref<128x128xf32, #tpu.memory_space<vmem>>, %arg12: memref<!tpu.dma_semaphore, #tpu.memory_space<semaphore_mem>>) attributes {dimension_semantics = [#tpu.dimension_semantics<core_parallel>, #tpu.dimension_semantics<subcore_parallel>], iteration_bounds = array<i64: 2, 16>, scalar_prefetch = 0 : i64, scratch_operands = 6 : i64, tpu.core_type = #tpu.core_type<sc_vector_subcore>, window_params = [{transform_indices = #map}, {transform_indices = #map}, {transform_indices = #map1}, {transform_indices = #map1}, {transform_indices = #map}]} {
    %mul3A = arith.constant 2 : i32
    %mul3A_0 = arith.muli %arg1, %mul3A : i32
    %add3A = arith.addi %mul3A_0, %arg0 : i32
    %lt3A = arith.constant 4 : i32
    %lt3A_1 = arith.cmpi slt, %add3A, %lt3A : i32
    %jit3A = arith.constant 1 : i32
    %jit3A_2 = arith.constant 0 : i32
    %select_n3A = arith.select %lt3A_1, %jit3A, %jit3A_2 : i32
    %add3A_3 = arith.constant 78 : i32
    %add3A_4 = arith.addi %add3A_3, %select_n3A : i32
    %while3A = arith.constant 0 : i32
    %while3A_5 = arith.constant 0 : i32
    %while3A_6 = arith.subi %add3A_4, %while3A_5 : i32
    %while3A_7 = arith.addi %while3A_5, %while3A_6 : i32
    %while3A_8 = arith.constant 1 : i32
    %while3A_9 = arith.divsi %while3A_6, %while3A_8 : i32
    %while3A_10 = arith.muli %while3A_9, %while3A_8 : i32
    %while3A_11 = arith.addi %while3A_5, %while3A_10 : i32
    %while3A_12 = arith.constant 1 : i32
    scf.for %while3A_14 = %while3A_5 to %while3A_11 step %while3A_12  : i32 {
      %mul3A_15 = arith.constant 32 : i32
      %mul3A_16 = arith.muli %while3A_14, %mul3A_15 : i32
      %add3A_17 = arith.addi %add3A, %mul3A_16 : i32
      %mul3A_18 = arith.constant 128 : i32
      %mul3A_19 = arith.muli %add3A_17, %mul3A_18 : i32
      "tpu.region"() ({
        %run_scoped3A = tpu.sem_alloc : memref<!tpu.dma_semaphore, #tpu.memory_space<semaphore_mem>>
        %dma_start3A_35 = tpu.memref_slice %arg4[%mul3A_19] : memref<320000xi32, #tpu.memory_space<hbm>> -> memref<128xi32, #tpu.memory_space<hbm>>
        %dma_start3A_36 = tpu.memref_slice %arg4[%mul3A_19] : memref<320000xi32, #tpu.memory_space<hbm>> -> memref<128xi32, #tpu.memory_space<hbm>>
        tpu.enqueue_dma source(%dma_start3A_36 : memref<128xi32, #tpu.memory_space<hbm>>) target(%arg7 : memref<128xi32, #tpu.memory_space<vmem>>) target_semaphore(%run_scoped3A : memref<!tpu.dma_semaphore, #tpu.memory_space<semaphore_mem>>)
        %dma_wait3A_37 = tpu.memref_slice %arg4[%mul3A_19] : memref<320000xi32, #tpu.memory_space<hbm>> -> memref<128xi32, #tpu.memory_space<hbm>>
        %dma_wait3A_38 = tpu.memref_slice %arg4[%mul3A_19] : memref<320000xi32, #tpu.memory_space<hbm>> -> memref<128xi32, #tpu.memory_space<hbm>>
        tpu.wait_dma2 semaphore(%run_scoped3A : memref<!tpu.dma_semaphore, #tpu.memory_space<semaphore_mem>>) src(%dma_wait3A_38 : memref<128xi32, #tpu.memory_space<hbm>>) dst(%arg7 : memref<128xi32, #tpu.memory_space<vmem>>)
        tpu.yield
      }) : () -> ()
      "tpu.region"() ({
        %run_scoped3A = tpu.sem_alloc : memref<!tpu.dma_semaphore, #tpu.memory_space<semaphore_mem>>
        %dma_start3A_35 = tpu.memref_slice %arg5[%mul3A_19] : memref<320000xi32, #tpu.memory_space<hbm>> -> memref<128xi32, #tpu.memory_space<hbm>>
        %dma_start3A_36 = tpu.memref_slice %arg5[%mul3A_19] : memref<320000xi32, #tpu.memory_space<hbm>> -> memref<128xi32, #tpu.memory_space<hbm>>
        tpu.enqueue_dma source(%dma_start3A_36 : memref<128xi32, #tpu.memory_space<hbm>>) target(%arg8 : memref<128xi32, #tpu.memory_space<vmem>>) target_semaphore(%run_scoped3A : memref<!tpu.dma_semaphore, #tpu.memory_space<semaphore_mem>>)
        %dma_wait3A_37 = tpu.memref_slice %arg5[%mul3A_19] : memref<320000xi32, #tpu.memory_space<hbm>> -> memref<128xi32, #tpu.memory_space<hbm>>
        %dma_wait3A_38 = tpu.memref_slice %arg5[%mul3A_19] : memref<320000xi32, #tpu.memory_space<hbm>> -> memref<128xi32, #tpu.memory_space<hbm>>
        tpu.wait_dma2 semaphore(%run_scoped3A : memref<!tpu.dma_semaphore, #tpu.memory_space<semaphore_mem>>) src(%dma_wait3A_38 : memref<128xi32, #tpu.memory_space<hbm>>) dst(%arg8 : memref<128xi32, #tpu.memory_space<vmem>>)
        tpu.yield
      }) : () -> ()
      %dma_start3A = arith.constant 0 : i32
      %dma_start3A_20 = arith.constant 0 : i32
      %dma_start3A_21 = tpu.memref_slice %arg2[%dma_start3A, %dma_start3A_20] : memref<10000x128xf32, #tpu.memory_space<hbm>> -> memref<10000x128xf32, #tpu.memory_space<hbm>>
      tpu.enqueue_indirect_dma source(%dma_start3A_21 : memref<10000x128xf32, #tpu.memory_space<hbm>>) target(%arg9 : memref<128x128xf32, #tpu.memory_space<vmem>>) offsets(%arg7 : memref<128xi32, #tpu.memory_space<vmem>>) semaphore(%arg12 : memref<!tpu.dma_semaphore, #tpu.memory_space<semaphore_mem>>)
      %dma_start3A_22 = arith.constant 0 : i32
      %dma_start3A_23 = arith.constant 0 : i32
      %dma_start3A_24 = tpu.memref_slice %arg3[%dma_start3A_22, %dma_start3A_23] : memref<10000x128xf32, #tpu.memory_space<hbm>> -> memref<10000x128xf32, #tpu.memory_space<hbm>>
      tpu.enqueue_indirect_dma source(%dma_start3A_24 : memref<10000x128xf32, #tpu.memory_space<hbm>>) target(%arg10 : memref<128x128xf32, #tpu.memory_space<vmem>>) offsets(%arg8 : memref<128xi32, #tpu.memory_space<vmem>>) semaphore(%arg12 : memref<!tpu.dma_semaphore, #tpu.memory_space<semaphore_mem>>)
      %dma_wait3A = arith.constant 0 : i32
      %dma_wait3A_25 = arith.constant 0 : i32
      %dma_wait3A_26 = tpu.memref_slice %arg2[%dma_wait3A, %dma_wait3A_25] : memref<10000x128xf32, #tpu.memory_space<hbm>> -> memref<10000x128xf32, #tpu.memory_space<hbm>>
      tpu.wait_indirect_dma semaphore(%arg12 : memref<!tpu.dma_semaphore, #tpu.memory_space<semaphore_mem>>) src(%dma_wait3A_26 : memref<10000x128xf32, #tpu.memory_space<hbm>>) dst(%arg9 : memref<128x128xf32, #tpu.memory_space<vmem>>)
      %dma_wait3A_27 = arith.constant 0 : i32
      %dma_wait3A_28 = arith.constant 0 : i32
      %dma_wait3A_29 = tpu.memref_slice %arg3[%dma_wait3A_27, %dma_wait3A_28] : memref<10000x128xf32, #tpu.memory_space<hbm>> -> memref<10000x128xf32, #tpu.memory_space<hbm>>
      tpu.wait_indirect_dma semaphore(%arg12 : memref<!tpu.dma_semaphore, #tpu.memory_space<semaphore_mem>>) src(%dma_wait3A_29 : memref<10000x128xf32, #tpu.memory_space<hbm>>) dst(%arg10 : memref<128x128xf32, #tpu.memory_space<vmem>>)
      %scan3A = arith.constant 0 : i32
      %scan3A_30 = arith.constant 0 : i32
      %scan3A_31 = arith.constant 128 : i32
      %scan3A_32 = arith.addi %scan3A_30, %scan3A_31 : i32
      %scan3A_33 = arith.constant 1 : i32
      scf.for %scan3A_35 = %scan3A_30 to %scan3A_32 step %scan3A_33  : i32 {
        %get3A = arith.index_cast %scan3A_35 : i32 to index
        %get3A_36 = arith.constant 0 : index
        %get3A_37 = tpu.vector_load %arg9[%get3A, %get3A_36] {strides = array<i32>} : memref<128x128xf32, #tpu.memory_space<vmem>>, vector<1x16xf32>,
        %get3A_38 = vector.shape_cast %get3A_37 : vector<1x16xf32> to vector<16xf32>
        %get3A_39 = arith.index_cast %scan3A_35 : i32 to index
        %get3A_40 = arith.constant 0 : index
        %get3A_41 = tpu.vector_load %arg10[%get3A_39, %get3A_40] {strides = array<i32>} : memref<128x128xf32, #tpu.memory_space<vmem>>, vector<1x16xf32>,
        %get3A_42 = vector.shape_cast %get3A_41 : vector<1x16xf32> to vector<16xf32>
        %add3A_43 = arith.addf %get3A_38, %get3A_42 : vector<16xf32>
        %swap3A = arith.index_cast %scan3A_35 : i32 to index
        %swap3A_44 = arith.constant 0 : index
        %swap3A_45 = tpu.vector_load %arg11[%swap3A, %swap3A_44] {strides = array<i32>} : memref<128x128xf32, #tpu.memory_space<vmem>>, vector<1x16xf32>,
        %swap3A_46 = vector.shape_cast %swap3A_45 : vector<1x16xf32> to vector<16xf32>
        %swap3A_47 = vector.shape_cast %add3A_43 : vector<16xf32> to vector<1x16xf32>
        tpu.vector_store %arg11[%swap3A, %swap3A_44], %swap3A_47 {strides = array<i32>} : memref<128x128xf32, #tpu.memory_space<vmem>>, vector<1x16xf32>,
        %get3A_48 = arith.index_cast %scan3A_35 : i32 to index
        %get3A_49 = arith.constant 16 : index
        %get3A_50 = tpu.vector_load %arg9[%get3A_48, %get3A_49] {strides = array<i32>} : memref<128x128xf32, #tpu.memory_space<vmem>>, vector<1x16xf32>,
        %get3A_51 = vector.shape_cast %get3A_50 : vector<1x16xf32> to vector<16xf32>
        %get3A_52 = arith.index_cast %scan3A_35 : i32 to index
        %get3A_53 = arith.constant 16 : index
        %get3A_54 = tpu.vector_load %arg10[%get3A_52, %get3A_53] {strides = array<i32>} : memref<128x128xf32, #tpu.memory_space<vmem>>, vector<1x16xf32>,
        %get3A_55 = vector.shape_cast %get3A_54 : vector<1x16xf32> to vector<16xf32>
        %add3A_56 = arith.addf %get3A_51, %get3A_55 : vector<16xf32>
        %swap3A_57 = arith.index_cast %scan3A_35 : i32 to index
        %swap3A_58 = arith.constant 16 : index
        %swap3A_59 = tpu.vector_load %arg11[%swap3A_57, %swap3A_58] {strides = array<i32>} : memref<128x128xf32, #tpu.memory_space<vmem>>, vector<1x16xf32>,
        %swap3A_60 = vector.shape_cast %swap3A_59 : vector<1x16xf32> to vector<16xf32>
        %swap3A_61 = vector.shape_cast %add3A_56 : vector<16xf32> to vector<1x16xf32>
        tpu.vector_store %arg11[%swap3A_57, %swap3A_58], %swap3A_61 {strides = array<i32>} : memref<128x128xf32, #tpu.memory_space<vmem>>, vector<1x16xf32>,
        %get3A_62 = arith.index_cast %scan3A_35 : i32 to index
        %get3A_63 = arith.constant 32 : index
        %get3A_64 = tpu.vector_load %arg9[%get3A_62, %get3A_63] {strides = array<i32>} : memref<128x128xf32, #tpu.memory_space<vmem>>, vector<1x16xf32>,
        %get3A_65 = vector.shape_cast %get3A_64 : vector<1x16xf32> to vector<16xf32>
        %get3A_66 = arith.index_cast %scan3A_35 : i32 to index
        %get3A_67 = arith.constant 32 : index
        %get3A_68 = tpu.vector_load %arg10[%get3A_66, %get3A_67] {strides = array<i32>} : memref<128x128xf32, #tpu.memory_space<vmem>>, vector<1x16xf32>,
        %get3A_69 = vector.shape_cast %get3A_68 : vector<1x16xf32> to vector<16xf32>
        %add3A_70 = arith.addf %get3A_65, %get3A_69 : vector<16xf32>
        %swap3A_71 = arith.index_cast %scan3A_35 : i32 to index
        %swap3A_72 = arith.constant 32 : index
        %swap3A_73 = tpu.vector_load %arg11[%swap3A_71, %swap3A_72] {strides = array<i32>} : memref<128x128xf32, #tpu.memory_space<vmem>>, vector<1x16xf32>,
        %swap3A_74 = vector.shape_cast %swap3A_73 : vector<1x16xf32> to vector<16xf32>
        %swap3A_75 = vector.shape_cast %add3A_70 : vector<16xf32> to vector<1x16xf32>
        tpu.vector_store %arg11[%swap3A_71, %swap3A_72], %swap3A_75 {strides = array<i32>} : memref<128x128xf32, #tpu.memory_space<vmem>>, vector<1x16xf32>,
        %get3A_76 = arith.index_cast %scan3A_35 : i32 to index
        %get3A_77 = arith.constant 48 : index
        %get3A_78 = tpu.vector_load %arg9[%get3A_76, %get3A_77] {strides = array<i32>} : memref<128x128xf32, #tpu.memory_space<vmem>>, vector<1x16xf32>,
        %get3A_79 = vector.shape_cast %get3A_78 : vector<1x16xf32> to vector<16xf32>
        %get3A_80 = arith.index_cast %scan3A_35 : i32 to index
        %get3A_81 = arith.constant 48 : index
        %get3A_82 = tpu.vector_load %arg10[%get3A_80, %get3A_81] {strides = array<i32>} : memref<128x128xf32, #tpu.memory_space<vmem>>, vector<1x16xf32>,
        %get3A_83 = vector.shape_cast %get3A_82 : vector<1x16xf32> to vector<16xf32>
        %add3A_84 = arith.addf %get3A_79, %get3A_83 : vector<16xf32>
        %swap3A_85 = arith.index_cast %scan3A_35 : i32 to index
        %swap3A_86 = arith.constant 48 : index
        %swap3A_87 = tpu.vector_load %arg11[%swap3A_85, %swap3A_86] {strides = array<i32>} : memref<128x128xf32, #tpu.memory_space<vmem>>, vector<1x16xf32>,
        %swap3A_88 = vector.shape_cast %swap3A_87 : vector<1x16xf32> to vector<16xf32>
        %swap3A_89 = vector.shape_cast %add3A_84 : vector<16xf32> to vector<1x16xf32>
        tpu.vector_store %arg11[%swap3A_85, %swap3A_86], %swap3A_89 {strides = array<i32>} : memref<128x128xf32, #tpu.memory_space<vmem>>, vector<1x16xf32>,
        %get3A_90 = arith.index_cast %scan3A_35 : i32 to index
        %get3A_91 = arith.constant 64 : index
        %get3A_92 = tpu.vector_load %arg9[%get3A_90, %get3A_91] {strides = array<i32>} : memref<128x128xf32, #tpu.memory_space<vmem>>, vector<1x16xf32>,
        %get3A_93 = vector.shape_cast %get3A_92 : vector<1x16xf32> to vector<16xf32>
        %get3A_94 = arith.index_cast %scan3A_35 : i32 to index
        %get3A_95 = arith.constant 64 : index
        %get3A_96 = tpu.vector_load %arg10[%get3A_94, %get3A_95] {strides = array<i32>} : memref<128x128xf32, #tpu.memory_space<vmem>>, vector<1x16xf32>,
        %get3A_97 = vector.shape_cast %get3A_96 : vector<1x16xf32> to vector<16xf32>
        %add3A_98 = arith.addf %get3A_93, %get3A_97 : vector<16xf32>
        %swap3A_99 = arith.index_cast %scan3A_35 : i32 to index
        %swap3A_100 = arith.constant 64 : index
        %swap3A_101 = tpu.vector_load %arg11[%swap3A_99, %swap3A_100] {strides = array<i32>} : memref<128x128xf32, #tpu.memory_space<vmem>>, vector<1x16xf32>,
        %swap3A_102 = vector.shape_cast %swap3A_101 : vector<1x16xf32> to vector<16xf32>
        %swap3A_103 = vector.shape_cast %add3A_98 : vector<16xf32> to vector<1x16xf32>
        tpu.vector_store %arg11[%swap3A_99, %swap3A_100], %swap3A_103 {strides = array<i32>} : memref<128x128xf32, #tpu.memory_space<vmem>>, vector<1x16xf32>,
        %get3A_104 = arith.index_cast %scan3A_35 : i32 to index
        %get3A_105 = arith.constant 80 : index
        %get3A_106 = tpu.vector_load %arg9[%get3A_104, %get3A_105] {strides = array<i32>} : memref<128x128xf32, #tpu.memory_space<vmem>>, vector<1x16xf32>,
        %get3A_107 = vector.shape_cast %get3A_106 : vector<1x16xf32> to vector<16xf32>
        %get3A_108 = arith.index_cast %scan3A_35 : i32 to index
        %get3A_109 = arith.constant 80 : index
        %get3A_110 = tpu.vector_load %arg10[%get3A_108, %get3A_109] {strides = array<i32>} : memref<128x128xf32, #tpu.memory_space<vmem>>, vector<1x16xf32>,
        %get3A_111 = vector.shape_cast %get3A_110 : vector<1x16xf32> to vector<16xf32>
        %add3A_112 = arith.addf %get3A_107, %get3A_111 : vector<16xf32>
        %swap3A_113 = arith.index_cast %scan3A_35 : i32 to index
        %swap3A_114 = arith.constant 80 : index
        %swap3A_115 = tpu.vector_load %arg11[%swap3A_113, %swap3A_114] {strides = array<i32>} : memref<128x128xf32, #tpu.memory_space<vmem>>, vector<1x16xf32>,
        %swap3A_116 = vector.shape_cast %swap3A_115 : vector<1x16xf32> to vector<16xf32>
        %swap3A_117 = vector.shape_cast %add3A_112 : vector<16xf32> to vector<1x16xf32>
        tpu.vector_store %arg11[%swap3A_113, %swap3A_114], %swap3A_117 {strides = array<i32>} : memref<128x128xf32, #tpu.memory_space<vmem>>, vector<1x16xf32>,
        %get3A_118 = arith.index_cast %scan3A_35 : i32 to index
        %get3A_119 = arith.constant 96 : index
        %get3A_120 = tpu.vector_load %arg9[%get3A_118, %get3A_119] {strides = array<i32>} : memref<128x128xf32, #tpu.memory_space<vmem>>, vector<1x16xf32>,
        %get3A_121 = vector.shape_cast %get3A_120 : vector<1x16xf32> to vector<16xf32>
        %get3A_122 = arith.index_cast %scan3A_35 : i32 to index
        %get3A_123 = arith.constant 96 : index
        %get3A_124 = tpu.vector_load %arg10[%get3A_122, %get3A_123] {strides = array<i32>} : memref<128x128xf32, #tpu.memory_space<vmem>>, vector<1x16xf32>,
        %get3A_125 = vector.shape_cast %get3A_124 : vector<1x16xf32> to vector<16xf32>
        %add3A_126 = arith.addf %get3A_121, %get3A_125 : vector<16xf32>
        %swap3A_127 = arith.index_cast %scan3A_35 : i32 to index
        %swap3A_128 = arith.constant 96 : index
        %swap3A_129 = tpu.vector_load %arg11[%swap3A_127, %swap3A_128] {strides = array<i32>} : memref<128x128xf32, #tpu.memory_space<vmem>>, vector<1x16xf32>,
        %swap3A_130 = vector.shape_cast %swap3A_129 : vector<1x16xf32> to vector<16xf32>
        %swap3A_131 = vector.shape_cast %add3A_126 : vector<16xf32> to vector<1x16xf32>
        tpu.vector_store %arg11[%swap3A_127, %swap3A_128], %swap3A_131 {strides = array<i32>} : memref<128x128xf32, #tpu.memory_space<vmem>>, vector<1x16xf32>,
        %get3A_132 = arith.index_cast %scan3A_35 : i32 to index
        %get3A_133 = arith.constant 112 : index
        %get3A_134 = tpu.vector_load %arg9[%get3A_132, %get3A_133] {strides = array<i32>} : memref<128x128xf32, #tpu.memory_space<vmem>>, vector<1x16xf32>,
        %get3A_135 = vector.shape_cast %get3A_134 : vector<1x16xf32> to vector<16xf32>
        %get3A_136 = arith.index_cast %scan3A_35 : i32 to index
        %get3A_137 = arith.constant 112 : index
        %get3A_138 = tpu.vector_load %arg10[%get3A_136, %get3A_137] {strides = array<i32>} : memref<128x128xf32, #tpu.memory_space<vmem>>, vector<1x16xf32>,
        %get3A_139 = vector.shape_cast %get3A_138 : vector<1x16xf32> to vector<16xf32>
        %add3A_140 = arith.addf %get3A_135, %get3A_139 : vector<16xf32>
        %swap3A_141 = arith.index_cast %scan3A_35 : i32 to index
        %swap3A_142 = arith.constant 112 : index
        %swap3A_143 = tpu.vector_load %arg11[%swap3A_141, %swap3A_142] {strides = array<i32>} : memref<128x128xf32, #tpu.memory_space<vmem>>, vector<1x16xf32>,
        %swap3A_144 = vector.shape_cast %swap3A_143 : vector<1x16xf32> to vector<16xf32>
        %swap3A_145 = vector.shape_cast %add3A_140 : vector<16xf32> to vector<1x16xf32>
        tpu.vector_store %arg11[%swap3A_141, %swap3A_142], %swap3A_145 {strides = array<i32>} : memref<128x128xf32, #tpu.memory_space<vmem>>, vector<1x16xf32>,
      }
      %scan3A_34 = arith.constant 128 : i32
      "tpu.region"() ({
        %run_scoped3A = tpu.sem_alloc : memref<!tpu.dma_semaphore, #tpu.memory_space<semaphore_mem>>
        %dma_start3A_35 = arith.constant 0 : i32
        %dma_start3A_36 = tpu.memref_slice %arg6[%mul3A_19, %dma_start3A_35] : memref<320000x128xf32, #tpu.memory_space<hbm>> -> memref<128x128xf32, #tpu.memory_space<hbm>>
        %dma_start3A_37 = arith.constant 0 : i32
        %dma_start3A_38 = tpu.memref_slice %arg6[%mul3A_19, %dma_start3A_37] : memref<320000x128xf32, #tpu.memory_space<hbm>> -> memref<128x128xf32, #tpu.memory_space<hbm>>
        tpu.enqueue_dma source(%arg11 : memref<128x128xf32, #tpu.memory_space<vmem>>) target(%dma_start3A_38 : memref<128x128xf32, #tpu.memory_space<hbm>>) target_semaphore(%run_scoped3A : memref<!tpu.dma_semaphore, #tpu.memory_space<semaphore_mem>>)
        %dma_wait3A_39 = arith.constant 0 : i32
        %dma_wait3A_40 = tpu.memref_slice %arg6[%mul3A_19, %dma_wait3A_39] : memref<320000x128xf32, #tpu.memory_space<hbm>> -> memref<128x128xf32, #tpu.memory_space<hbm>>
        %dma_wait3A_41 = arith.constant 0 : i32
        %dma_wait3A_42 = tpu.memref_slice %arg6[%mul3A_19, %dma_wait3A_41] : memref<320000x128xf32, #tpu.memory_space<hbm>> -> memref<128x128xf32, #tpu.memory_space<hbm>>
        tpu.wait_dma2 semaphore(%run_scoped3A : memref<!tpu.dma_semaphore, #tpu.memory_space<semaphore_mem>>) src(%arg11 : memref<128x128xf32, #tpu.memory_space<vmem>>) dst(%dma_wait3A_42 : memref<128x128xf32, #tpu.memory_space<hbm>>)
        tpu.yield
      }) : () -> ()
    }
    %while3A_13 = arith.constant 1 : i32
    scf.for %while3A_14 = %while3A_11 to %while3A_7 step %while3A_13  : i32 {
      %mul3A_15 = arith.constant 32 : i32
      %mul3A_16 = arith.muli %while3A_14, %mul3A_15 : i32
      %add3A_17 = arith.addi %add3A, %mul3A_16 : i32
      %mul3A_18 = arith.constant 128 : i32
      %mul3A_19 = arith.muli %add3A_17, %mul3A_18 : i32
      "tpu.region"() ({
        %run_scoped3A = tpu.sem_alloc : memref<!tpu.dma_semaphore, #tpu.memory_space<semaphore_mem>>
        %dma_start3A_35 = tpu.memref_slice %arg4[%mul3A_19] : memref<320000xi32, #tpu.memory_space<hbm>> -> memref<128xi32, #tpu.memory_space<hbm>>
        %dma_start3A_36 = tpu.memref_slice %arg4[%mul3A_19] : memref<320000xi32, #tpu.memory_space<hbm>> -> memref<128xi32, #tpu.memory_space<hbm>>
        tpu.enqueue_dma source(%dma_start3A_36 : memref<128xi32, #tpu.memory_space<hbm>>) target(%arg7 : memref<128xi32, #tpu.memory_space<vmem>>) target_semaphore(%run_scoped3A : memref<!tpu.dma_semaphore, #tpu.memory_space<semaphore_mem>>)
        %dma_wait3A_37 = tpu.memref_slice %arg4[%mul3A_19] : memref<320000xi32, #tpu.memory_space<hbm>> -> memref<128xi32, #tpu.memory_space<hbm>>
        %dma_wait3A_38 = tpu.memref_slice %arg4[%mul3A_19] : memref<320000xi32, #tpu.memory_space<hbm>> -> memref<128xi32, #tpu.memory_space<hbm>>
        tpu.wait_dma2 semaphore(%run_scoped3A : memref<!tpu.dma_semaphore, #tpu.memory_space<semaphore_mem>>) src(%dma_wait3A_38 : memref<128xi32, #tpu.memory_space<hbm>>) dst(%arg7 : memref<128xi32, #tpu.memory_space<vmem>>)
        tpu.yield
      }) : () -> ()
      "tpu.region"() ({
        %run_scoped3A = tpu.sem_alloc : memref<!tpu.dma_semaphore, #tpu.memory_space<semaphore_mem>>
        %dma_start3A_35 = tpu.memref_slice %arg5[%mul3A_19] : memref<320000xi32, #tpu.memory_space<hbm>> -> memref<128xi32, #tpu.memory_space<hbm>>
        %dma_start3A_36 = tpu.memref_slice %arg5[%mul3A_19] : memref<320000xi32, #tpu.memory_space<hbm>> -> memref<128xi32, #tpu.memory_space<hbm>>
        tpu.enqueue_dma source(%dma_start3A_36 : memref<128xi32, #tpu.memory_space<hbm>>) target(%arg8 : memref<128xi32, #tpu.memory_space<vmem>>) target_semaphore(%run_scoped3A : memref<!tpu.dma_semaphore, #tpu.memory_space<semaphore_mem>>)
        %dma_wait3A_37 = tpu.memref_slice %arg5[%mul3A_19] : memref<320000xi32, #tpu.memory_space<hbm>> -> memref<128xi32, #tpu.memory_space<hbm>>
        %dma_wait3A_38 = tpu.memref_slice %arg5[%mul3A_19] : memref<320000xi32, #tpu.memory_space<hbm>> -> memref<128xi32, #tpu.memory_space<hbm>>
        tpu.wait_dma2 semaphore(%run_scoped3A : memref<!tpu.dma_semaphore, #tpu.memory_space<semaphore_mem>>) src(%dma_wait3A_38 : memref<128xi32, #tpu.memory_space<hbm>>) dst(%arg8 : memref<128xi32, #tpu.memory_space<vmem>>)
        tpu.yield
      }) : () -> ()
      %dma_start3A = arith.constant 0 : i32
      %dma_start3A_20 = arith.constant 0 : i32
      %dma_start3A_21 = tpu.memref_slice %arg2[%dma_start3A, %dma_start3A_20] : memref<10000x128xf32, #tpu.memory_space<hbm>> -> memref<10000x128xf32, #tpu.memory_space<hbm>>
      tpu.enqueue_indirect_dma source(%dma_start3A_21 : memref<10000x128xf32, #tpu.memory_space<hbm>>) target(%arg9 : memref<128x128xf32, #tpu.memory_space<vmem>>) offsets(%arg7 : memref<128xi32, #tpu.memory_space<vmem>>) semaphore(%arg12 : memref<!tpu.dma_semaphore, #tpu.memory_space<semaphore_mem>>)
      %dma_start3A_22 = arith.constant 0 : i32
      %dma_start3A_23 = arith.constant 0 : i32
      %dma_start3A_24 = tpu.memref_slice %arg3[%dma_start3A_22, %dma_start3A_23] : memref<10000x128xf32, #tpu.memory_space<hbm>> -> memref<10000x128xf32, #tpu.memory_space<hbm>>
      tpu.enqueue_indirect_dma source(%dma_start3A_24 : memref<10000x128xf32, #tpu.memory_space<hbm>>) target(%arg10 : memref<128x128xf32, #tpu.memory_space<vmem>>) offsets(%arg8 : memref<128xi32, #tpu.memory_space<vmem>>) semaphore(%arg12 : memref<!tpu.dma_semaphore, #tpu.memory_space<semaphore_mem>>)
      %dma_wait3A = arith.constant 0 : i32
      %dma_wait3A_25 = arith.constant 0 : i32
      %dma_wait3A_26 = tpu.memref_slice %arg2[%dma_wait3A, %dma_wait3A_25] : memref<10000x128xf32, #tpu.memory_space<hbm>> -> memref<10000x128xf32, #tpu.memory_space<hbm>>
      tpu.wait_indirect_dma semaphore(%arg12 : memref<!tpu.dma_semaphore, #tpu.memory_space<semaphore_mem>>) src(%dma_wait3A_26 : memref<10000x128xf32, #tpu.memory_space<hbm>>) dst(%arg9 : memref<128x128xf32, #tpu.memory_space<vmem>>)
      %dma_wait3A_27 = arith.constant 0 : i32
      %dma_wait3A_28 = arith.constant 0 : i32
      %dma_wait3A_29 = tpu.memref_slice %arg3[%dma_wait3A_27, %dma_wait3A_28] : memref<10000x128xf32, #tpu.memory_space<hbm>> -> memref<10000x128xf32, #tpu.memory_space<hbm>>
      tpu.wait_indirect_dma semaphore(%arg12 : memref<!tpu.dma_semaphore, #tpu.memory_space<semaphore_mem>>) src(%dma_wait3A_29 : memref<10000x128xf32, #tpu.memory_space<hbm>>) dst(%arg10 : memref<128x128xf32, #tpu.memory_space<vmem>>)
      %scan3A = arith.constant 0 : i32
      %scan3A_30 = arith.constant 0 : i32
      %scan3A_31 = arith.constant 128 : i32
      %scan3A_32 = arith.addi %scan3A_30, %scan3A_31 : i32
      %scan3A_33 = arith.constant 1 : i32
      scf.for %scan3A_35 = %scan3A_30 to %scan3A_32 step %scan3A_33  : i32 {
        %get3A = arith.index_cast %scan3A_35 : i32 to index
        %get3A_36 = arith.constant 0 : index
        %get3A_37 = tpu.vector_load %arg9[%get3A, %get3A_36] {strides = array<i32>} : memref<128x128xf32, #tpu.memory_space<vmem>>, vector<1x16xf32>,
        %get3A_38 = vector.shape_cast %get3A_37 : vector<1x16xf32> to vector<16xf32>
        %get3A_39 = arith.index_cast %scan3A_35 : i32 to index
        %get3A_40 = arith.constant 0 : index
        %get3A_41 = tpu.vector_load %arg10[%get3A_39, %get3A_40] {strides = array<i32>} : memref<128x128xf32, #tpu.memory_space<vmem>>, vector<1x16xf32>,
        %get3A_42 = vector.shape_cast %get3A_41 : vector<1x16xf32> to vector<16xf32>
        %add3A_43 = arith.addf %get3A_38, %get3A_42 : vector<16xf32>
        %swap3A = arith.index_cast %scan3A_35 : i32 to index
        %swap3A_44 = arith.constant 0 : index
        %swap3A_45 = tpu.vector_load %arg11[%swap3A, %swap3A_44] {strides = array<i32>} : memref<128x128xf32, #tpu.memory_space<vmem>>, vector<1x16xf32>,
        %swap3A_46 = vector.shape_cast %swap3A_45 : vector<1x16xf32> to vector<16xf32>
        %swap3A_47 = vector.shape_cast %add3A_43 : vector<16xf32> to vector<1x16xf32>
        tpu.vector_store %arg11[%swap3A, %swap3A_44], %swap3A_47 {strides = array<i32>} : memref<128x128xf32, #tpu.memory_space<vmem>>, vector<1x16xf32>,
        %get3A_48 = arith.index_cast %scan3A_35 : i32 to index
        %get3A_49 = arith.constant 16 : index
        %get3A_50 = tpu.vector_load %arg9[%get3A_48, %get3A_49] {strides = array<i32>} : memref<128x128xf32, #tpu.memory_space<vmem>>, vector<1x16xf32>,
        %get3A_51 = vector.shape_cast %get3A_50 : vector<1x16xf32> to vector<16xf32>
        %get3A_52 = arith.index_cast %scan3A_35 : i32 to index
        %get3A_53 = arith.constant 16 : index
        %get3A_54 = tpu.vector_load %arg10[%get3A_52, %get3A_53] {strides = array<i32>} : memref<128x128xf32, #tpu.memory_space<vmem>>, vector<1x16xf32>,
        %get3A_55 = vector.shape_cast %get3A_54 : vector<1x16xf32> to vector<16xf32>
        %add3A_56 = arith.addf %get3A_51, %get3A_55 : vector<16xf32>
        %swap3A_57 = arith.index_cast %scan3A_35 : i32 to index
        %swap3A_58 = arith.constant 16 : index
        %swap3A_59 = tpu.vector_load %arg11[%swap3A_57, %swap3A_58] {strides = array<i32>} : memref<128x128xf32, #tpu.memory_space<vmem>>, vector<1x16xf32>,
        %swap3A_60 = vector.shape_cast %swap3A_59 : vector<1x16xf32> to vector<16xf32>
        %swap3A_61 = vector.shape_cast %add3A_56 : vector<16xf32> to vector<1x16xf32>
        tpu.vector_store %arg11[%swap3A_57, %swap3A_58], %swap3A_61 {strides = array<i32>} : memref<128x128xf32, #tpu.memory_space<vmem>>, vector<1x16xf32>,
        %get3A_62 = arith.index_cast %scan3A_35 : i32 to index
        %get3A_63 = arith.constant 32 : index
        %get3A_64 = tpu.vector_load %arg9[%get3A_62, %get3A_63] {strides = array<i32>} : memref<128x128xf32, #tpu.memory_space<vmem>>, vector<1x16xf32>,
        %get3A_65 = vector.shape_cast %get3A_64 : vector<1x16xf32> to vector<16xf32>
        %get3A_66 = arith.index_cast %scan3A_35 : i32 to index
        %get3A_67 = arith.constant 32 : index
        %get3A_68 = tpu.vector_load %arg10[%get3A_66, %get3A_67] {strides = array<i32>} : memref<128x128xf32, #tpu.memory_space<vmem>>, vector<1x16xf32>,
        %get3A_69 = vector.shape_cast %get3A_68 : vector<1x16xf32> to vector<16xf32>
        %add3A_70 = arith.addf %get3A_65, %get3A_69 : vector<16xf32>
        %swap3A_71 = arith.index_cast %scan3A_35 : i32 to index
        %swap3A_72 = arith.constant 32 : index
        %swap3A_73 = tpu.vector_load %arg11[%swap3A_71, %swap3A_72] {strides = array<i32>} : memref<128x128xf32, #tpu.memory_space<vmem>>, vector<1x16xf32>,
        %swap3A_74 = vector.shape_cast %swap3A_73 : vector<1x16xf32> to vector<16xf32>
        %swap3A_75 = vector.shape_cast %add3A_70 : vector<16xf32> to vector<1x16xf32>
        tpu.vector_store %arg11[%swap3A_71, %swap3A_72], %swap3A_75 {strides = array<i32>} : memref<128x128xf32, #tpu.memory_space<vmem>>, vector<1x16xf32>,
        %get3A_76 = arith.index_cast %scan3A_35 : i32 to index
        %get3A_77 = arith.constant 48 : index
        %get3A_78 = tpu.vector_load %arg9[%get3A_76, %get3A_77] {strides = array<i32>} : memref<128x128xf32, #tpu.memory_space<vmem>>, vector<1x16xf32>,
        %get3A_79 = vector.shape_cast %get3A_78 : vector<1x16xf32> to vector<16xf32>
        %get3A_80 = arith.index_cast %scan3A_35 : i32 to index
        %get3A_81 = arith.constant 48 : index
        %get3A_82 = tpu.vector_load %arg10[%get3A_80, %get3A_81] {strides = array<i32>} : memref<128x128xf32, #tpu.memory_space<vmem>>, vector<1x16xf32>,
        %get3A_83 = vector.shape_cast %get3A_82 : vector<1x16xf32> to vector<16xf32>
        %add3A_84 = arith.addf %get3A_79, %get3A_83 : vector<16xf32>
        %swap3A_85 = arith.index_cast %scan3A_35 : i32 to index
        %swap3A_86 = arith.constant 48 : index
        %swap3A_87 = tpu.vector_load %arg11[%swap3A_85, %swap3A_86] {strides = array<i32>} : memref<128x128xf32, #tpu.memory_space<vmem>>, vector<1x16xf32>,
        %swap3A_88 = vector.shape_cast %swap3A_87 : vector<1x16xf32> to vector<16xf32>
        %swap3A_89 = vector.shape_cast %add3A_84 : vector<16xf32> to vector<1x16xf32>
        tpu.vector_store %arg11[%swap3A_85, %swap3A_86], %swap3A_89 {strides = array<i32>} : memref<128x128xf32, #tpu.memory_space<vmem>>, vector<1x16xf32>,
        %get3A_90 = arith.index_cast %scan3A_35 : i32 to index
        %get3A_91 = arith.constant 64 : index
        %get3A_92 = tpu.vector_load %arg9[%get3A_90, %get3A_91] {strides = array<i32>} : memref<128x128xf32, #tpu.memory_space<vmem>>, vector<1x16xf32>,
        %get3A_93 = vector.shape_cast %get3A_92 : vector<1x16xf32> to vector<16xf32>
        %get3A_94 = arith.index_cast %scan3A_35 : i32 to index
        %get3A_95 = arith.constant 64 : index
        %get3A_96 = tpu.vector_load %arg10[%get3A_94, %get3A_95] {strides = array<i32>} : memref<128x128xf32, #tpu.memory_space<vmem>>, vector<1x16xf32>,
        %get3A_97 = vector.shape_cast %get3A_96 : vector<1x16xf32> to vector<16xf32>
        %add3A_98 = arith.addf %get3A_93, %get3A_97 : vector<16xf32>
        %swap3A_99 = arith.index_cast %scan3A_35 : i32 to index
        %swap3A_100 = arith.constant 64 : index
        %swap3A_101 = tpu.vector_load %arg11[%swap3A_99, %swap3A_100] {strides = array<i32>} : memref<128x128xf32, #tpu.memory_space<vmem>>, vector<1x16xf32>,
        %swap3A_102 = vector.shape_cast %swap3A_101 : vector<1x16xf32> to vector<16xf32>
        %swap3A_103 = vector.shape_cast %add3A_98 : vector<16xf32> to vector<1x16xf32>
        tpu.vector_store %arg11[%swap3A_99, %swap3A_100], %swap3A_103 {strides = array<i32>} : memref<128x128xf32, #tpu.memory_space<vmem>>, vector<1x16xf32>,
        %get3A_104 = arith.index_cast %scan3A_35 : i32 to index
        %get3A_105 = arith.constant 80 : index
        %get3A_106 = tpu.vector_load %arg9[%get3A_104, %get3A_105] {strides = array<i32>} : memref<128x128xf32, #tpu.memory_space<vmem>>, vector<1x16xf32>,
        %get3A_107 = vector.shape_cast %get3A_106 : vector<1x16xf32> to vector<16xf32>
        %get3A_108 = arith.index_cast %scan3A_35 : i32 to index
        %get3A_109 = arith.constant 80 : index
        %get3A_110 = tpu.vector_load %arg10[%get3A_108, %get3A_109] {strides = array<i32>} : memref<128x128xf32, #tpu.memory_space<vmem>>, vector<1x16xf32>,
        %get3A_111 = vector.shape_cast %get3A_110 : vector<1x16xf32> to vector<16xf32>
        %add3A_112 = arith.addf %get3A_107, %get3A_111 : vector<16xf32>
        %swap3A_113 = arith.index_cast %scan3A_35 : i32 to index
        %swap3A_114 = arith.constant 80 : index
        %swap3A_115 = tpu.vector_load %arg11[%swap3A_113, %swap3A_114] {strides = array<i32>} : memref<128x128xf32, #tpu.memory_space<vmem>>, vector<1x16xf32>,
        %swap3A_116 = vector.shape_cast %swap3A_115 : vector<1x16xf32> to vector<16xf32>
        %swap3A_117 = vector.shape_cast %add3A_112 : vector<16xf32> to vector<1x16xf32>
        tpu.vector_store %arg11[%swap3A_113, %swap3A_114], %swap3A_117 {strides = array<i32>} : memref<128x128xf32, #tpu.memory_space<vmem>>, vector<1x16xf32>,
        %get3A_118 = arith.index_cast %scan3A_35 : i32 to index
        %get3A_119 = arith.constant 96 : index
        %get3A_120 = tpu.vector_load %arg9[%get3A_118, %get3A_119] {strides = array<i32>} : memref<128x128xf32, #tpu.memory_space<vmem>>, vector<1x16xf32>,
        %get3A_121 = vector.shape_cast %get3A_120 : vector<1x16xf32> to vector<16xf32>
        %get3A_122 = arith.index_cast %scan3A_35 : i32 to index
        %get3A_123 = arith.constant 96 : index
        %get3A_124 = tpu.vector_load %arg10[%get3A_122, %get3A_123] {strides = array<i32>} : memref<128x128xf32, #tpu.memory_space<vmem>>, vector<1x16xf32>,
        %get3A_125 = vector.shape_cast %get3A_124 : vector<1x16xf32> to vector<16xf32>
        %add3A_126 = arith.addf %get3A_121, %get3A_125 : vector<16xf32>
        %swap3A_127 = arith.index_cast %scan3A_35 : i32 to index
        %swap3A_128 = arith.constant 96 : index
        %swap3A_129 = tpu.vector_load %arg11[%swap3A_127, %swap3A_128] {strides = array<i32>} : memref<128x128xf32, #tpu.memory_space<vmem>>, vector<1x16xf32>,
        %swap3A_130 = vector.shape_cast %swap3A_129 : vector<1x16xf32> to vector<16xf32>
        %swap3A_131 = vector.shape_cast %add3A_126 : vector<16xf32> to vector<1x16xf32>
        tpu.vector_store %arg11[%swap3A_127, %swap3A_128], %swap3A_131 {strides = array<i32>} : memref<128x128xf32, #tpu.memory_space<vmem>>, vector<1x16xf32>,
        %get3A_132 = arith.index_cast %scan3A_35 : i32 to index
        %get3A_133 = arith.constant 112 : index
        %get3A_134 = tpu.vector_load %arg9[%get3A_132, %get3A_133] {strides = array<i32>} : memref<128x128xf32, #tpu.memory_space<vmem>>, vector<1x16xf32>,
        %get3A_135 = vector.shape_cast %get3A_134 : vector<1x16xf32> to vector<16xf32>
        %get3A_136 = arith.index_cast %scan3A_35 : i32 to index
        %get3A_137 = arith.constant 112 : index
        %get3A_138 = tpu.vector_load %arg10[%get3A_136, %get3A_137] {strides = array<i32>} : memref<128x128xf32, #tpu.memory_space<vmem>>, vector<1x16xf32>,
        %get3A_139 = vector.shape_cast %get3A_138 : vector<1x16xf32> to vector<16xf32>
        %add3A_140 = arith.addf %get3A_135, %get3A_139 : vector<16xf32>
        %swap3A_141 = arith.index_cast %scan3A_35 : i32 to index
        %swap3A_142 = arith.constant 112 : index
        %swap3A_143 = tpu.vector_load %arg11[%swap3A_141, %swap3A_142] {strides = array<i32>} : memref<128x128xf32, #tpu.memory_space<vmem>>, vector<1x16xf32>,
        %swap3A_144 = vector.shape_cast %swap3A_143 : vector<1x16xf32> to vector<16xf32>
        %swap3A_145 = vector.shape_cast %add3A_140 : vector<16xf32> to vector<1x16xf32>
        tpu.vector_store %arg11[%swap3A_141, %swap3A_142], %swap3A_145 {strides = array<i32>} : memref<128x128xf32, #tpu.memory_space<vmem>>, vector<1x16xf32>,
      }
      %scan3A_34 = arith.constant 128 : i32
      "tpu.region"() ({
        %run_scoped3A = tpu.sem_alloc : memref<!tpu.dma_semaphore, #tpu.memory_space<semaphore_mem>>
        %dma_start3A_35 = arith.constant 0 : i32
        %dma_start3A_36 = tpu.memref_slice %arg6[%mul3A_19, %dma_start3A_35] : memref<320000x128xf32, #tpu.memory_space<hbm>> -> memref<128x128xf32, #tpu.memory_space<hbm>>
        %dma_start3A_37 = arith.constant 0 : i32
        %dma_start3A_38 = tpu.memref_slice %arg6[%mul3A_19, %dma_start3A_37] : memref<320000x128xf32, #tpu.memory_space<hbm>> -> memref<128x128xf32, #tpu.memory_space<hbm>>
        tpu.enqueue_dma source(%arg11 : memref<128x128xf32, #tpu.memory_space<vmem>>) target(%dma_start3A_38 : memref<128x128xf32, #tpu.memory_space<hbm>>) target_semaphore(%run_scoped3A : memref<!tpu.dma_semaphore, #tpu.memory_space<semaphore_mem>>)
        %dma_wait3A_39 = arith.constant 0 : i32
        %dma_wait3A_40 = tpu.memref_slice %arg6[%mul3A_19, %dma_wait3A_39] : memref<320000x128xf32, #tpu.memory_space<hbm>> -> memref<128x128xf32, #tpu.memory_space<hbm>>
        %dma_wait3A_41 = arith.constant 0 : i32
        %dma_wait3A_42 = tpu.memref_slice %arg6[%mul3A_19, %dma_wait3A_41] : memref<320000x128xf32, #tpu.memory_space<hbm>> -> memref<128x128xf32, #tpu.memory_space<hbm>>
        tpu.wait_dma2 semaphore(%run_scoped3A : memref<!tpu.dma_semaphore, #tpu.memory_space<semaphore_mem>>) src(%arg11 : memref<128x128xf32, #tpu.memory_space<vmem>>) dst(%dma_wait3A_42 : memref<128x128xf32, #tpu.memory_space<hbm>>)
        tpu.yield
      }) : () -> ()
    }
    return
  }
}

#map = affine_map<(d0, d1) -> (0, 0)>
#map1 = affine_map<(d0, d1) -> (0)>
module attributes {stable_mosaic.version = 14 : i64} {
  func.func @_sc_agg(%arg0: i32, %arg1: i32, %arg2: memref<10000x128xf32, #tpu.memory_space<hbm>>, %arg3: memref<320000x128xf32, #tpu.memory_space<hbm>>, %arg4: memref<320000xi32, #tpu.memory_space<hbm>>, %arg5: memref<320000xi32, #tpu.memory_space<hbm>>, %arg6: memref<10240x128xf32, #tpu.memory_space<hbm>>, %arg7: memref<64xi32, #tpu.memory_space<vmem>>, %arg8: memref<64xi32, #tpu.memory_space<vmem>>, %arg9: memref<64x128xf32, #tpu.memory_space<vmem>>, %arg10: memref<64x128xf32, #tpu.memory_space<vmem>>, %arg11: memref<64x128xf32, #tpu.memory_space<vmem>>, %arg12: memref<16x128xf32, #tpu.memory_space<vmem>>, %arg13: memref<5120x128xf32, #tpu.memory_space<vmem_shared>>, %arg14: memref<!tpu.dma_semaphore, #tpu.memory_space<semaphore_mem>>) attributes {dimension_semantics = [#tpu.dimension_semantics<core_parallel>, #tpu.dimension_semantics<subcore_parallel>], iteration_bounds = array<i64: 2, 16>, scalar_prefetch = 0 : i64, scratch_operands = 8 : i64, tpu.core_type = #tpu.core_type<sc_vector_subcore>, window_params = [{transform_indices = #map}, {transform_indices = #map}, {transform_indices = #map1}, {transform_indices = #map1}, {transform_indices = #map}]} {
    %scan3A = arith.constant 0 : i32
    %scan3A_0 = arith.constant 0 : i32
    %scan3A_1 = arith.constant 16 : i32
    %scan3A_2 = arith.addi %scan3A_0, %scan3A_1 : i32
    %scan3A_3 = arith.constant 1 : i32
    scf.for %scan3A_67 = %scan3A_0 to %scan3A_2 step %scan3A_3  : i32 {
      %broadcast_in_dim3A = arith.constant 0.000000e+00 : f32
      %broadcast_in_dim3A_68 = vector.broadcast %broadcast_in_dim3A : f32 to vector<16xf32>
      %swap3A = arith.index_cast %scan3A_67 : i32 to index
      %swap3A_69 = arith.constant 0 : index
      %swap3A_70 = tpu.vector_load %arg12[%swap3A, %swap3A_69] {strides = array<i32>} : memref<16x128xf32, #tpu.memory_space<vmem>>, vector<1x16xf32>,
      %swap3A_71 = vector.shape_cast %swap3A_70 : vector<1x16xf32> to vector<16xf32>
      %swap3A_72 = vector.shape_cast %broadcast_in_dim3A_68 : vector<16xf32> to vector<1x16xf32>
      tpu.vector_store %arg12[%swap3A, %swap3A_69], %swap3A_72 {strides = array<i32>} : memref<16x128xf32, #tpu.memory_space<vmem>>, vector<1x16xf32>,
      %broadcast_in_dim3A_73 = arith.constant 0.000000e+00 : f32
      %broadcast_in_dim3A_74 = vector.broadcast %broadcast_in_dim3A_73 : f32 to vector<16xf32>
      %swap3A_75 = arith.index_cast %scan3A_67 : i32 to index
      %swap3A_76 = arith.constant 16 : index
      %swap3A_77 = tpu.vector_load %arg12[%swap3A_75, %swap3A_76] {strides = array<i32>} : memref<16x128xf32, #tpu.memory_space<vmem>>, vector<1x16xf32>,
      %swap3A_78 = vector.shape_cast %swap3A_77 : vector<1x16xf32> to vector<16xf32>
      %swap3A_79 = vector.shape_cast %broadcast_in_dim3A_74 : vector<16xf32> to vector<1x16xf32>
      tpu.vector_store %arg12[%swap3A_75, %swap3A_76], %swap3A_79 {strides = array<i32>} : memref<16x128xf32, #tpu.memory_space<vmem>>, vector<1x16xf32>,
      %broadcast_in_dim3A_80 = arith.constant 0.000000e+00 : f32
      %broadcast_in_dim3A_81 = vector.broadcast %broadcast_in_dim3A_80 : f32 to vector<16xf32>
      %swap3A_82 = arith.index_cast %scan3A_67 : i32 to index
      %swap3A_83 = arith.constant 32 : index
      %swap3A_84 = tpu.vector_load %arg12[%swap3A_82, %swap3A_83] {strides = array<i32>} : memref<16x128xf32, #tpu.memory_space<vmem>>, vector<1x16xf32>,
      %swap3A_85 = vector.shape_cast %swap3A_84 : vector<1x16xf32> to vector<16xf32>
      %swap3A_86 = vector.shape_cast %broadcast_in_dim3A_81 : vector<16xf32> to vector<1x16xf32>
      tpu.vector_store %arg12[%swap3A_82, %swap3A_83], %swap3A_86 {strides = array<i32>} : memref<16x128xf32, #tpu.memory_space<vmem>>, vector<1x16xf32>,
      %broadcast_in_dim3A_87 = arith.constant 0.000000e+00 : f32
      %broadcast_in_dim3A_88 = vector.broadcast %broadcast_in_dim3A_87 : f32 to vector<16xf32>
      %swap3A_89 = arith.index_cast %scan3A_67 : i32 to index
      %swap3A_90 = arith.constant 48 : index
      %swap3A_91 = tpu.vector_load %arg12[%swap3A_89, %swap3A_90] {strides = array<i32>} : memref<16x128xf32, #tpu.memory_space<vmem>>, vector<1x16xf32>,
      %swap3A_92 = vector.shape_cast %swap3A_91 : vector<1x16xf32> to vector<16xf32>
      %swap3A_93 = vector.shape_cast %broadcast_in_dim3A_88 : vector<16xf32> to vector<1x16xf32>
      tpu.vector_store %arg12[%swap3A_89, %swap3A_90], %swap3A_93 {strides = array<i32>} : memref<16x128xf32, #tpu.memory_space<vmem>>, vector<1x16xf32>,
      %broadcast_in_dim3A_94 = arith.constant 0.000000e+00 : f32
      %broadcast_in_dim3A_95 = vector.broadcast %broadcast_in_dim3A_94 : f32 to vector<16xf32>
      %swap3A_96 = arith.index_cast %scan3A_67 : i32 to index
      %swap3A_97 = arith.constant 64 : index
      %swap3A_98 = tpu.vector_load %arg12[%swap3A_96, %swap3A_97] {strides = array<i32>} : memref<16x128xf32, #tpu.memory_space<vmem>>, vector<1x16xf32>,
      %swap3A_99 = vector.shape_cast %swap3A_98 : vector<1x16xf32> to vector<16xf32>
      %swap3A_100 = vector.shape_cast %broadcast_in_dim3A_95 : vector<16xf32> to vector<1x16xf32>
      tpu.vector_store %arg12[%swap3A_96, %swap3A_97], %swap3A_100 {strides = array<i32>} : memref<16x128xf32, #tpu.memory_space<vmem>>, vector<1x16xf32>,
      %broadcast_in_dim3A_101 = arith.constant 0.000000e+00 : f32
      %broadcast_in_dim3A_102 = vector.broadcast %broadcast_in_dim3A_101 : f32 to vector<16xf32>
      %swap3A_103 = arith.index_cast %scan3A_67 : i32 to index
      %swap3A_104 = arith.constant 80 : index
      %swap3A_105 = tpu.vector_load %arg12[%swap3A_103, %swap3A_104] {strides = array<i32>} : memref<16x128xf32, #tpu.memory_space<vmem>>, vector<1x16xf32>,
      %swap3A_106 = vector.shape_cast %swap3A_105 : vector<1x16xf32> to vector<16xf32>
      %swap3A_107 = vector.shape_cast %broadcast_in_dim3A_102 : vector<16xf32> to vector<1x16xf32>
      tpu.vector_store %arg12[%swap3A_103, %swap3A_104], %swap3A_107 {strides = array<i32>} : memref<16x128xf32, #tpu.memory_space<vmem>>, vector<1x16xf32>,
      %broadcast_in_dim3A_108 = arith.constant 0.000000e+00 : f32
      %broadcast_in_dim3A_109 = vector.broadcast %broadcast_in_dim3A_108 : f32 to vector<16xf32>
      %swap3A_110 = arith.index_cast %scan3A_67 : i32 to index
      %swap3A_111 = arith.constant 96 : index
      %swap3A_112 = tpu.vector_load %arg12[%swap3A_110, %swap3A_111] {strides = array<i32>} : memref<16x128xf32, #tpu.memory_space<vmem>>, vector<1x16xf32>,
      %swap3A_113 = vector.shape_cast %swap3A_112 : vector<1x16xf32> to vector<16xf32>
      %swap3A_114 = vector.shape_cast %broadcast_in_dim3A_109 : vector<16xf32> to vector<1x16xf32>
      tpu.vector_store %arg12[%swap3A_110, %swap3A_111], %swap3A_114 {strides = array<i32>} : memref<16x128xf32, #tpu.memory_space<vmem>>, vector<1x16xf32>,
      %broadcast_in_dim3A_115 = arith.constant 0.000000e+00 : f32
      %broadcast_in_dim3A_116 = vector.broadcast %broadcast_in_dim3A_115 : f32 to vector<16xf32>
      %swap3A_117 = arith.index_cast %scan3A_67 : i32 to index
      %swap3A_118 = arith.constant 112 : index
      %swap3A_119 = tpu.vector_load %arg12[%swap3A_117, %swap3A_118] {strides = array<i32>} : memref<16x128xf32, #tpu.memory_space<vmem>>, vector<1x16xf32>,
      %swap3A_120 = vector.shape_cast %swap3A_119 : vector<1x16xf32> to vector<16xf32>
      %swap3A_121 = vector.shape_cast %broadcast_in_dim3A_116 : vector<16xf32> to vector<1x16xf32>
      tpu.vector_store %arg12[%swap3A_117, %swap3A_118], %swap3A_121 {strides = array<i32>} : memref<16x128xf32, #tpu.memory_space<vmem>>, vector<1x16xf32>,
    }
    %scan3A_4 = arith.constant 16 : i32
    %mul3A = arith.constant 320 : i32
    %mul3A_5 = arith.muli %arg1, %mul3A : i32
    %add3A = arith.constant 0 : i32
    %add3A_6 = arith.addi %mul3A_5, %add3A : i32
    "tpu.region"() ({
      %run_scoped3A = tpu.sem_alloc : memref<!tpu.dma_semaphore, #tpu.memory_space<semaphore_mem>>
      %dma_start3A = arith.constant 0 : i32
      %dma_start3A_67 = tpu.memref_slice %arg13[%add3A_6, %dma_start3A] : memref<5120x128xf32, #tpu.memory_space<vmem_shared>> -> memref<16x128xf32, #tpu.memory_space<vmem_shared>>
      %dma_start3A_68 = arith.constant 0 : i32
      %dma_start3A_69 = tpu.memref_slice %arg13[%add3A_6, %dma_start3A_68] : memref<5120x128xf32, #tpu.memory_space<vmem_shared>> -> memref<16x128xf32, #tpu.memory_space<vmem_shared>>
      tpu.enqueue_dma source(%arg12 : memref<16x128xf32, #tpu.memory_space<vmem>>) target(%dma_start3A_69 : memref<16x128xf32, #tpu.memory_space<vmem_shared>>) target_semaphore(%run_scoped3A : memref<!tpu.dma_semaphore, #tpu.memory_space<semaphore_mem>>)
      %dma_wait3A = arith.constant 0 : i32
      %dma_wait3A_70 = tpu.memref_slice %arg13[%add3A_6, %dma_wait3A] : memref<5120x128xf32, #tpu.memory_space<vmem_shared>> -> memref<16x128xf32, #tpu.memory_space<vmem_shared>>
      %dma_wait3A_71 = arith.constant 0 : i32
      %dma_wait3A_72 = tpu.memref_slice %arg13[%add3A_6, %dma_wait3A_71] : memref<5120x128xf32, #tpu.memory_space<vmem_shared>> -> memref<16x128xf32, #tpu.memory_space<vmem_shared>>
      tpu.wait_dma2 semaphore(%run_scoped3A : memref<!tpu.dma_semaphore, #tpu.memory_space<semaphore_mem>>) src(%arg12 : memref<16x128xf32, #tpu.memory_space<vmem>>) dst(%dma_wait3A_72 : memref<16x128xf32, #tpu.memory_space<vmem_shared>>)
      tpu.yield
    }) : () -> ()
    %add3A_7 = arith.constant 16 : i32
    %add3A_8 = arith.addi %mul3A_5, %add3A_7 : i32
    "tpu.region"() ({
      %run_scoped3A = tpu.sem_alloc : memref<!tpu.dma_semaphore, #tpu.memory_space<semaphore_mem>>
      %dma_start3A = arith.constant 0 : i32
      %dma_start3A_67 = tpu.memref_slice %arg13[%add3A_8, %dma_start3A] : memref<5120x128xf32, #tpu.memory_space<vmem_shared>> -> memref<16x128xf32, #tpu.memory_space<vmem_shared>>
      %dma_start3A_68 = arith.constant 0 : i32
      %dma_start3A_69 = tpu.memref_slice %arg13[%add3A_8, %dma_start3A_68] : memref<5120x128xf32, #tpu.memory_space<vmem_shared>> -> memref<16x128xf32, #tpu.memory_space<vmem_shared>>
      tpu.enqueue_dma source(%arg12 : memref<16x128xf32, #tpu.memory_space<vmem>>) target(%dma_start3A_69 : memref<16x128xf32, #tpu.memory_space<vmem_shared>>) target_semaphore(%run_scoped3A : memref<!tpu.dma_semaphore, #tpu.memory_space<semaphore_mem>>)
      %dma_wait3A = arith.constant 0 : i32
      %dma_wait3A_70 = tpu.memref_slice %arg13[%add3A_8, %dma_wait3A] : memref<5120x128xf32, #tpu.memory_space<vmem_shared>> -> memref<16x128xf32, #tpu.memory_space<vmem_shared>>
      %dma_wait3A_71 = arith.constant 0 : i32
      %dma_wait3A_72 = tpu.memref_slice %arg13[%add3A_8, %dma_wait3A_71] : memref<5120x128xf32, #tpu.memory_space<vmem_shared>> -> memref<16x128xf32, #tpu.memory_space<vmem_shared>>
      tpu.wait_dma2 semaphore(%run_scoped3A : memref<!tpu.dma_semaphore, #tpu.memory_space<semaphore_mem>>) src(%arg12 : memref<16x128xf32, #tpu.memory_space<vmem>>) dst(%dma_wait3A_72 : memref<16x128xf32, #tpu.memory_space<vmem_shared>>)
      tpu.yield
    }) : () -> ()
    %add3A_9 = arith.constant 32 : i32
    %add3A_10 = arith.addi %mul3A_5, %add3A_9 : i32
    "tpu.region"() ({
      %run_scoped3A = tpu.sem_alloc : memref<!tpu.dma_semaphore, #tpu.memory_space<semaphore_mem>>
      %dma_start3A = arith.constant 0 : i32
      %dma_start3A_67 = tpu.memref_slice %arg13[%add3A_10, %dma_start3A] : memref<5120x128xf32, #tpu.memory_space<vmem_shared>> -> memref<16x128xf32, #tpu.memory_space<vmem_shared>>
      %dma_start3A_68 = arith.constant 0 : i32
      %dma_start3A_69 = tpu.memref_slice %arg13[%add3A_10, %dma_start3A_68] : memref<5120x128xf32, #tpu.memory_space<vmem_shared>> -> memref<16x128xf32, #tpu.memory_space<vmem_shared>>
      tpu.enqueue_dma source(%arg12 : memref<16x128xf32, #tpu.memory_space<vmem>>) target(%dma_start3A_69 : memref<16x128xf32, #tpu.memory_space<vmem_shared>>) target_semaphore(%run_scoped3A : memref<!tpu.dma_semaphore, #tpu.memory_space<semaphore_mem>>)
      %dma_wait3A = arith.constant 0 : i32
      %dma_wait3A_70 = tpu.memref_slice %arg13[%add3A_10, %dma_wait3A] : memref<5120x128xf32, #tpu.memory_space<vmem_shared>> -> memref<16x128xf32, #tpu.memory_space<vmem_shared>>
      %dma_wait3A_71 = arith.constant 0 : i32
      %dma_wait3A_72 = tpu.memref_slice %arg13[%add3A_10, %dma_wait3A_71] : memref<5120x128xf32, #tpu.memory_space<vmem_shared>> -> memref<16x128xf32, #tpu.memory_space<vmem_shared>>
      tpu.wait_dma2 semaphore(%run_scoped3A : memref<!tpu.dma_semaphore, #tpu.memory_space<semaphore_mem>>) src(%arg12 : memref<16x128xf32, #tpu.memory_space<vmem>>) dst(%dma_wait3A_72 : memref<16x128xf32, #tpu.memory_space<vmem_shared>>)
      tpu.yield
    }) : () -> ()
    %add3A_11 = arith.constant 48 : i32
    %add3A_12 = arith.addi %mul3A_5, %add3A_11 : i32
    "tpu.region"() ({
      %run_scoped3A = tpu.sem_alloc : memref<!tpu.dma_semaphore, #tpu.memory_space<semaphore_mem>>
      %dma_start3A = arith.constant 0 : i32
      %dma_start3A_67 = tpu.memref_slice %arg13[%add3A_12, %dma_start3A] : memref<5120x128xf32, #tpu.memory_space<vmem_shared>> -> memref<16x128xf32, #tpu.memory_space<vmem_shared>>
      %dma_start3A_68 = arith.constant 0 : i32
      %dma_start3A_69 = tpu.memref_slice %arg13[%add3A_12, %dma_start3A_68] : memref<5120x128xf32, #tpu.memory_space<vmem_shared>> -> memref<16x128xf32, #tpu.memory_space<vmem_shared>>
      tpu.enqueue_dma source(%arg12 : memref<16x128xf32, #tpu.memory_space<vmem>>) target(%dma_start3A_69 : memref<16x128xf32, #tpu.memory_space<vmem_shared>>) target_semaphore(%run_scoped3A : memref<!tpu.dma_semaphore, #tpu.memory_space<semaphore_mem>>)
      %dma_wait3A = arith.constant 0 : i32
      %dma_wait3A_70 = tpu.memref_slice %arg13[%add3A_12, %dma_wait3A] : memref<5120x128xf32, #tpu.memory_space<vmem_shared>> -> memref<16x128xf32, #tpu.memory_space<vmem_shared>>
      %dma_wait3A_71 = arith.constant 0 : i32
      %dma_wait3A_72 = tpu.memref_slice %arg13[%add3A_12, %dma_wait3A_71] : memref<5120x128xf32, #tpu.memory_space<vmem_shared>> -> memref<16x128xf32, #tpu.memory_space<vmem_shared>>
      tpu.wait_dma2 semaphore(%run_scoped3A : memref<!tpu.dma_semaphore, #tpu.memory_space<semaphore_mem>>) src(%arg12 : memref<16x128xf32, #tpu.memory_space<vmem>>) dst(%dma_wait3A_72 : memref<16x128xf32, #tpu.memory_space<vmem_shared>>)
      tpu.yield
    }) : () -> ()
    %add3A_13 = arith.constant 64 : i32
    %add3A_14 = arith.addi %mul3A_5, %add3A_13 : i32
    "tpu.region"() ({
      %run_scoped3A = tpu.sem_alloc : memref<!tpu.dma_semaphore, #tpu.memory_space<semaphore_mem>>
      %dma_start3A = arith.constant 0 : i32
      %dma_start3A_67 = tpu.memref_slice %arg13[%add3A_14, %dma_start3A] : memref<5120x128xf32, #tpu.memory_space<vmem_shared>> -> memref<16x128xf32, #tpu.memory_space<vmem_shared>>
      %dma_start3A_68 = arith.constant 0 : i32
      %dma_start3A_69 = tpu.memref_slice %arg13[%add3A_14, %dma_start3A_68] : memref<5120x128xf32, #tpu.memory_space<vmem_shared>> -> memref<16x128xf32, #tpu.memory_space<vmem_shared>>
      tpu.enqueue_dma source(%arg12 : memref<16x128xf32, #tpu.memory_space<vmem>>) target(%dma_start3A_69 : memref<16x128xf32, #tpu.memory_space<vmem_shared>>) target_semaphore(%run_scoped3A : memref<!tpu.dma_semaphore, #tpu.memory_space<semaphore_mem>>)
      %dma_wait3A = arith.constant 0 : i32
      %dma_wait3A_70 = tpu.memref_slice %arg13[%add3A_14, %dma_wait3A] : memref<5120x128xf32, #tpu.memory_space<vmem_shared>> -> memref<16x128xf32, #tpu.memory_space<vmem_shared>>
      %dma_wait3A_71 = arith.constant 0 : i32
      %dma_wait3A_72 = tpu.memref_slice %arg13[%add3A_14, %dma_wait3A_71] : memref<5120x128xf32, #tpu.memory_space<vmem_shared>> -> memref<16x128xf32, #tpu.memory_space<vmem_shared>>
      tpu.wait_dma2 semaphore(%run_scoped3A : memref<!tpu.dma_semaphore, #tpu.memory_space<semaphore_mem>>) src(%arg12 : memref<16x128xf32, #tpu.memory_space<vmem>>) dst(%dma_wait3A_72 : memref<16x128xf32, #tpu.memory_space<vmem_shared>>)
      tpu.yield
    }) : () -> ()
    %add3A_15 = arith.constant 80 : i32
    %add3A_16 = arith.addi %mul3A_5, %add3A_15 : i32
    "tpu.region"() ({
      %run_scoped3A = tpu.sem_alloc : memref<!tpu.dma_semaphore, #tpu.memory_space<semaphore_mem>>
      %dma_start3A = arith.constant 0 : i32
      %dma_start3A_67 = tpu.memref_slice %arg13[%add3A_16, %dma_start3A] : memref<5120x128xf32, #tpu.memory_space<vmem_shared>> -> memref<16x128xf32, #tpu.memory_space<vmem_shared>>
      %dma_start3A_68 = arith.constant 0 : i32
      %dma_start3A_69 = tpu.memref_slice %arg13[%add3A_16, %dma_start3A_68] : memref<5120x128xf32, #tpu.memory_space<vmem_shared>> -> memref<16x128xf32, #tpu.memory_space<vmem_shared>>
      tpu.enqueue_dma source(%arg12 : memref<16x128xf32, #tpu.memory_space<vmem>>) target(%dma_start3A_69 : memref<16x128xf32, #tpu.memory_space<vmem_shared>>) target_semaphore(%run_scoped3A : memref<!tpu.dma_semaphore, #tpu.memory_space<semaphore_mem>>)
      %dma_wait3A = arith.constant 0 : i32
      %dma_wait3A_70 = tpu.memref_slice %arg13[%add3A_16, %dma_wait3A] : memref<5120x128xf32, #tpu.memory_space<vmem_shared>> -> memref<16x128xf32, #tpu.memory_space<vmem_shared>>
      %dma_wait3A_71 = arith.constant 0 : i32
      %dma_wait3A_72 = tpu.memref_slice %arg13[%add3A_16, %dma_wait3A_71] : memref<5120x128xf32, #tpu.memory_space<vmem_shared>> -> memref<16x128xf32, #tpu.memory_space<vmem_shared>>
      tpu.wait_dma2 semaphore(%run_scoped3A : memref<!tpu.dma_semaphore, #tpu.memory_space<semaphore_mem>>) src(%arg12 : memref<16x128xf32, #tpu.memory_space<vmem>>) dst(%dma_wait3A_72 : memref<16x128xf32, #tpu.memory_space<vmem_shared>>)
      tpu.yield
    }) : () -> ()
    %add3A_17 = arith.constant 96 : i32
    %add3A_18 = arith.addi %mul3A_5, %add3A_17 : i32
    "tpu.region"() ({
      %run_scoped3A = tpu.sem_alloc : memref<!tpu.dma_semaphore, #tpu.memory_space<semaphore_mem>>
      %dma_start3A = arith.constant 0 : i32
      %dma_start3A_67 = tpu.memref_slice %arg13[%add3A_18, %dma_start3A] : memref<5120x128xf32, #tpu.memory_space<vmem_shared>> -> memref<16x128xf32, #tpu.memory_space<vmem_shared>>
      %dma_start3A_68 = arith.constant 0 : i32
      %dma_start3A_69 = tpu.memref_slice %arg13[%add3A_18, %dma_start3A_68] : memref<5120x128xf32, #tpu.memory_space<vmem_shared>> -> memref<16x128xf32, #tpu.memory_space<vmem_shared>>
      tpu.enqueue_dma source(%arg12 : memref<16x128xf32, #tpu.memory_space<vmem>>) target(%dma_start3A_69 : memref<16x128xf32, #tpu.memory_space<vmem_shared>>) target_semaphore(%run_scoped3A : memref<!tpu.dma_semaphore, #tpu.memory_space<semaphore_mem>>)
      %dma_wait3A = arith.constant 0 : i32
      %dma_wait3A_70 = tpu.memref_slice %arg13[%add3A_18, %dma_wait3A] : memref<5120x128xf32, #tpu.memory_space<vmem_shared>> -> memref<16x128xf32, #tpu.memory_space<vmem_shared>>
      %dma_wait3A_71 = arith.constant 0 : i32
      %dma_wait3A_72 = tpu.memref_slice %arg13[%add3A_18, %dma_wait3A_71] : memref<5120x128xf32, #tpu.memory_space<vmem_shared>> -> memref<16x128xf32, #tpu.memory_space<vmem_shared>>
      tpu.wait_dma2 semaphore(%run_scoped3A : memref<!tpu.dma_semaphore, #tpu.memory_space<semaphore_mem>>) src(%arg12 : memref<16x128xf32, #tpu.memory_space<vmem>>) dst(%dma_wait3A_72 : memref<16x128xf32, #tpu.memory_space<vmem_shared>>)
      tpu.yield
    }) : () -> ()
    %add3A_19 = arith.constant 112 : i32
    %add3A_20 = arith.addi %mul3A_5, %add3A_19 : i32
    "tpu.region"() ({
      %run_scoped3A = tpu.sem_alloc : memref<!tpu.dma_semaphore, #tpu.memory_space<semaphore_mem>>
      %dma_start3A = arith.constant 0 : i32
      %dma_start3A_67 = tpu.memref_slice %arg13[%add3A_20, %dma_start3A] : memref<5120x128xf32, #tpu.memory_space<vmem_shared>> -> memref<16x128xf32, #tpu.memory_space<vmem_shared>>
      %dma_start3A_68 = arith.constant 0 : i32
      %dma_start3A_69 = tpu.memref_slice %arg13[%add3A_20, %dma_start3A_68] : memref<5120x128xf32, #tpu.memory_space<vmem_shared>> -> memref<16x128xf32, #tpu.memory_space<vmem_shared>>
      tpu.enqueue_dma source(%arg12 : memref<16x128xf32, #tpu.memory_space<vmem>>) target(%dma_start3A_69 : memref<16x128xf32, #tpu.memory_space<vmem_shared>>) target_semaphore(%run_scoped3A : memref<!tpu.dma_semaphore, #tpu.memory_space<semaphore_mem>>)
      %dma_wait3A = arith.constant 0 : i32
      %dma_wait3A_70 = tpu.memref_slice %arg13[%add3A_20, %dma_wait3A] : memref<5120x128xf32, #tpu.memory_space<vmem_shared>> -> memref<16x128xf32, #tpu.memory_space<vmem_shared>>
      %dma_wait3A_71 = arith.constant 0 : i32
      %dma_wait3A_72 = tpu.memref_slice %arg13[%add3A_20, %dma_wait3A_71] : memref<5120x128xf32, #tpu.memory_space<vmem_shared>> -> memref<16x128xf32, #tpu.memory_space<vmem_shared>>
      tpu.wait_dma2 semaphore(%run_scoped3A : memref<!tpu.dma_semaphore, #tpu.memory_space<semaphore_mem>>) src(%arg12 : memref<16x128xf32, #tpu.memory_space<vmem>>) dst(%dma_wait3A_72 : memref<16x128xf32, #tpu.memory_space<vmem_shared>>)
      tpu.yield
    }) : () -> ()
    %add3A_21 = arith.constant 128 : i32
    %add3A_22 = arith.addi %mul3A_5, %add3A_21 : i32
    "tpu.region"() ({
      %run_scoped3A = tpu.sem_alloc : memref<!tpu.dma_semaphore, #tpu.memory_space<semaphore_mem>>
      %dma_start3A = arith.constant 0 : i32
      %dma_start3A_67 = tpu.memref_slice %arg13[%add3A_22, %dma_start3A] : memref<5120x128xf32, #tpu.memory_space<vmem_shared>> -> memref<16x128xf32, #tpu.memory_space<vmem_shared>>
      %dma_start3A_68 = arith.constant 0 : i32
      %dma_start3A_69 = tpu.memref_slice %arg13[%add3A_22, %dma_start3A_68] : memref<5120x128xf32, #tpu.memory_space<vmem_shared>> -> memref<16x128xf32, #tpu.memory_space<vmem_shared>>
      tpu.enqueue_dma source(%arg12 : memref<16x128xf32, #tpu.memory_space<vmem>>) target(%dma_start3A_69 : memref<16x128xf32, #tpu.memory_space<vmem_shared>>) target_semaphore(%run_scoped3A : memref<!tpu.dma_semaphore, #tpu.memory_space<semaphore_mem>>)
      %dma_wait3A = arith.constant 0 : i32
      %dma_wait3A_70 = tpu.memref_slice %arg13[%add3A_22, %dma_wait3A] : memref<5120x128xf32, #tpu.memory_space<vmem_shared>> -> memref<16x128xf32, #tpu.memory_space<vmem_shared>>
      %dma_wait3A_71 = arith.constant 0 : i32
      %dma_wait3A_72 = tpu.memref_slice %arg13[%add3A_22, %dma_wait3A_71] : memref<5120x128xf32, #tpu.memory_space<vmem_shared>> -> memref<16x128xf32, #tpu.memory_space<vmem_shared>>
      tpu.wait_dma2 semaphore(%run_scoped3A : memref<!tpu.dma_semaphore, #tpu.memory_space<semaphore_mem>>) src(%arg12 : memref<16x128xf32, #tpu.memory_space<vmem>>) dst(%dma_wait3A_72 : memref<16x128xf32, #tpu.memory_space<vmem_shared>>)
      tpu.yield
    }) : () -> ()
    %add3A_23 = arith.constant 144 : i32
    %add3A_24 = arith.addi %mul3A_5, %add3A_23 : i32
    "tpu.region"() ({
      %run_scoped3A = tpu.sem_alloc : memref<!tpu.dma_semaphore, #tpu.memory_space<semaphore_mem>>
      %dma_start3A = arith.constant 0 : i32
      %dma_start3A_67 = tpu.memref_slice %arg13[%add3A_24, %dma_start3A] : memref<5120x128xf32, #tpu.memory_space<vmem_shared>> -> memref<16x128xf32, #tpu.memory_space<vmem_shared>>
      %dma_start3A_68 = arith.constant 0 : i32
      %dma_start3A_69 = tpu.memref_slice %arg13[%add3A_24, %dma_start3A_68] : memref<5120x128xf32, #tpu.memory_space<vmem_shared>> -> memref<16x128xf32, #tpu.memory_space<vmem_shared>>
      tpu.enqueue_dma source(%arg12 : memref<16x128xf32, #tpu.memory_space<vmem>>) target(%dma_start3A_69 : memref<16x128xf32, #tpu.memory_space<vmem_shared>>) target_semaphore(%run_scoped3A : memref<!tpu.dma_semaphore, #tpu.memory_space<semaphore_mem>>)
      %dma_wait3A = arith.constant 0 : i32
      %dma_wait3A_70 = tpu.memref_slice %arg13[%add3A_24, %dma_wait3A] : memref<5120x128xf32, #tpu.memory_space<vmem_shared>> -> memref<16x128xf32, #tpu.memory_space<vmem_shared>>
      %dma_wait3A_71 = arith.constant 0 : i32
      %dma_wait3A_72 = tpu.memref_slice %arg13[%add3A_24, %dma_wait3A_71] : memref<5120x128xf32, #tpu.memory_space<vmem_shared>> -> memref<16x128xf32, #tpu.memory_space<vmem_shared>>
      tpu.wait_dma2 semaphore(%run_scoped3A : memref<!tpu.dma_semaphore, #tpu.memory_space<semaphore_mem>>) src(%arg12 : memref<16x128xf32, #tpu.memory_space<vmem>>) dst(%dma_wait3A_72 : memref<16x128xf32, #tpu.memory_space<vmem_shared>>)
      tpu.yield
    }) : () -> ()
    %add3A_25 = arith.constant 160 : i32
    %add3A_26 = arith.addi %mul3A_5, %add3A_25 : i32
    "tpu.region"() ({
      %run_scoped3A = tpu.sem_alloc : memref<!tpu.dma_semaphore, #tpu.memory_space<semaphore_mem>>
      %dma_start3A = arith.constant 0 : i32
      %dma_start3A_67 = tpu.memref_slice %arg13[%add3A_26, %dma_start3A] : memref<5120x128xf32, #tpu.memory_space<vmem_shared>> -> memref<16x128xf32, #tpu.memory_space<vmem_shared>>
      %dma_start3A_68 = arith.constant 0 : i32
      %dma_start3A_69 = tpu.memref_slice %arg13[%add3A_26, %dma_start3A_68] : memref<5120x128xf32, #tpu.memory_space<vmem_shared>> -> memref<16x128xf32, #tpu.memory_space<vmem_shared>>
      tpu.enqueue_dma source(%arg12 : memref<16x128xf32, #tpu.memory_space<vmem>>) target(%dma_start3A_69 : memref<16x128xf32, #tpu.memory_space<vmem_shared>>) target_semaphore(%run_scoped3A : memref<!tpu.dma_semaphore, #tpu.memory_space<semaphore_mem>>)
      %dma_wait3A = arith.constant 0 : i32
      %dma_wait3A_70 = tpu.memref_slice %arg13[%add3A_26, %dma_wait3A] : memref<5120x128xf32, #tpu.memory_space<vmem_shared>> -> memref<16x128xf32, #tpu.memory_space<vmem_shared>>
      %dma_wait3A_71 = arith.constant 0 : i32
      %dma_wait3A_72 = tpu.memref_slice %arg13[%add3A_26, %dma_wait3A_71] : memref<5120x128xf32, #tpu.memory_space<vmem_shared>> -> memref<16x128xf32, #tpu.memory_space<vmem_shared>>
      tpu.wait_dma2 semaphore(%run_scoped3A : memref<!tpu.dma_semaphore, #tpu.memory_space<semaphore_mem>>) src(%arg12 : memref<16x128xf32, #tpu.memory_space<vmem>>) dst(%dma_wait3A_72 : memref<16x128xf32, #tpu.memory_space<vmem_shared>>)
      tpu.yield
    }) : () -> ()
    %add3A_27 = arith.constant 176 : i32
    %add3A_28 = arith.addi %mul3A_5, %add3A_27 : i32
    "tpu.region"() ({
      %run_scoped3A = tpu.sem_alloc : memref<!tpu.dma_semaphore, #tpu.memory_space<semaphore_mem>>
      %dma_start3A = arith.constant 0 : i32
      %dma_start3A_67 = tpu.memref_slice %arg13[%add3A_28, %dma_start3A] : memref<5120x128xf32, #tpu.memory_space<vmem_shared>> -> memref<16x128xf32, #tpu.memory_space<vmem_shared>>
      %dma_start3A_68 = arith.constant 0 : i32
      %dma_start3A_69 = tpu.memref_slice %arg13[%add3A_28, %dma_start3A_68] : memref<5120x128xf32, #tpu.memory_space<vmem_shared>> -> memref<16x128xf32, #tpu.memory_space<vmem_shared>>
      tpu.enqueue_dma source(%arg12 : memref<16x128xf32, #tpu.memory_space<vmem>>) target(%dma_start3A_69 : memref<16x128xf32, #tpu.memory_space<vmem_shared>>) target_semaphore(%run_scoped3A : memref<!tpu.dma_semaphore, #tpu.memory_space<semaphore_mem>>)
      %dma_wait3A = arith.constant 0 : i32
      %dma_wait3A_70 = tpu.memref_slice %arg13[%add3A_28, %dma_wait3A] : memref<5120x128xf32, #tpu.memory_space<vmem_shared>> -> memref<16x128xf32, #tpu.memory_space<vmem_shared>>
      %dma_wait3A_71 = arith.constant 0 : i32
      %dma_wait3A_72 = tpu.memref_slice %arg13[%add3A_28, %dma_wait3A_71] : memref<5120x128xf32, #tpu.memory_space<vmem_shared>> -> memref<16x128xf32, #tpu.memory_space<vmem_shared>>
      tpu.wait_dma2 semaphore(%run_scoped3A : memref<!tpu.dma_semaphore, #tpu.memory_space<semaphore_mem>>) src(%arg12 : memref<16x128xf32, #tpu.memory_space<vmem>>) dst(%dma_wait3A_72 : memref<16x128xf32, #tpu.memory_space<vmem_shared>>)
      tpu.yield
    }) : () -> ()
    %add3A_29 = arith.constant 192 : i32
    %add3A_30 = arith.addi %mul3A_5, %add3A_29 : i32
    "tpu.region"() ({
      %run_scoped3A = tpu.sem_alloc : memref<!tpu.dma_semaphore, #tpu.memory_space<semaphore_mem>>
      %dma_start3A = arith.constant 0 : i32
      %dma_start3A_67 = tpu.memref_slice %arg13[%add3A_30, %dma_start3A] : memref<5120x128xf32, #tpu.memory_space<vmem_shared>> -> memref<16x128xf32, #tpu.memory_space<vmem_shared>>
      %dma_start3A_68 = arith.constant 0 : i32
      %dma_start3A_69 = tpu.memref_slice %arg13[%add3A_30, %dma_start3A_68] : memref<5120x128xf32, #tpu.memory_space<vmem_shared>> -> memref<16x128xf32, #tpu.memory_space<vmem_shared>>
      tpu.enqueue_dma source(%arg12 : memref<16x128xf32, #tpu.memory_space<vmem>>) target(%dma_start3A_69 : memref<16x128xf32, #tpu.memory_space<vmem_shared>>) target_semaphore(%run_scoped3A : memref<!tpu.dma_semaphore, #tpu.memory_space<semaphore_mem>>)
      %dma_wait3A = arith.constant 0 : i32
      %dma_wait3A_70 = tpu.memref_slice %arg13[%add3A_30, %dma_wait3A] : memref<5120x128xf32, #tpu.memory_space<vmem_shared>> -> memref<16x128xf32, #tpu.memory_space<vmem_shared>>
      %dma_wait3A_71 = arith.constant 0 : i32
      %dma_wait3A_72 = tpu.memref_slice %arg13[%add3A_30, %dma_wait3A_71] : memref<5120x128xf32, #tpu.memory_space<vmem_shared>> -> memref<16x128xf32, #tpu.memory_space<vmem_shared>>
      tpu.wait_dma2 semaphore(%run_scoped3A : memref<!tpu.dma_semaphore, #tpu.memory_space<semaphore_mem>>) src(%arg12 : memref<16x128xf32, #tpu.memory_space<vmem>>) dst(%dma_wait3A_72 : memref<16x128xf32, #tpu.memory_space<vmem_shared>>)
      tpu.yield
    }) : () -> ()
    %add3A_31 = arith.constant 208 : i32
    %add3A_32 = arith.addi %mul3A_5, %add3A_31 : i32
    "tpu.region"() ({
      %run_scoped3A = tpu.sem_alloc : memref<!tpu.dma_semaphore, #tpu.memory_space<semaphore_mem>>
      %dma_start3A = arith.constant 0 : i32
      %dma_start3A_67 = tpu.memref_slice %arg13[%add3A_32, %dma_start3A] : memref<5120x128xf32, #tpu.memory_space<vmem_shared>> -> memref<16x128xf32, #tpu.memory_space<vmem_shared>>
      %dma_start3A_68 = arith.constant 0 : i32
      %dma_start3A_69 = tpu.memref_slice %arg13[%add3A_32, %dma_start3A_68] : memref<5120x128xf32, #tpu.memory_space<vmem_shared>> -> memref<16x128xf32, #tpu.memory_space<vmem_shared>>
      tpu.enqueue_dma source(%arg12 : memref<16x128xf32, #tpu.memory_space<vmem>>) target(%dma_start3A_69 : memref<16x128xf32, #tpu.memory_space<vmem_shared>>) target_semaphore(%run_scoped3A : memref<!tpu.dma_semaphore, #tpu.memory_space<semaphore_mem>>)
      %dma_wait3A = arith.constant 0 : i32
      %dma_wait3A_70 = tpu.memref_slice %arg13[%add3A_32, %dma_wait3A] : memref<5120x128xf32, #tpu.memory_space<vmem_shared>> -> memref<16x128xf32, #tpu.memory_space<vmem_shared>>
      %dma_wait3A_71 = arith.constant 0 : i32
      %dma_wait3A_72 = tpu.memref_slice %arg13[%add3A_32, %dma_wait3A_71] : memref<5120x128xf32, #tpu.memory_space<vmem_shared>> -> memref<16x128xf32, #tpu.memory_space<vmem_shared>>
      tpu.wait_dma2 semaphore(%run_scoped3A : memref<!tpu.dma_semaphore, #tpu.memory_space<semaphore_mem>>) src(%arg12 : memref<16x128xf32, #tpu.memory_space<vmem>>) dst(%dma_wait3A_72 : memref<16x128xf32, #tpu.memory_space<vmem_shared>>)
      tpu.yield
    }) : () -> ()
    %add3A_33 = arith.constant 224 : i32
    %add3A_34 = arith.addi %mul3A_5, %add3A_33 : i32
    "tpu.region"() ({
      %run_scoped3A = tpu.sem_alloc : memref<!tpu.dma_semaphore, #tpu.memory_space<semaphore_mem>>
      %dma_start3A = arith.constant 0 : i32
      %dma_start3A_67 = tpu.memref_slice %arg13[%add3A_34, %dma_start3A] : memref<5120x128xf32, #tpu.memory_space<vmem_shared>> -> memref<16x128xf32, #tpu.memory_space<vmem_shared>>
      %dma_start3A_68 = arith.constant 0 : i32
      %dma_start3A_69 = tpu.memref_slice %arg13[%add3A_34, %dma_start3A_68] : memref<5120x128xf32, #tpu.memory_space<vmem_shared>> -> memref<16x128xf32, #tpu.memory_space<vmem_shared>>
      tpu.enqueue_dma source(%arg12 : memref<16x128xf32, #tpu.memory_space<vmem>>) target(%dma_start3A_69 : memref<16x128xf32, #tpu.memory_space<vmem_shared>>) target_semaphore(%run_scoped3A : memref<!tpu.dma_semaphore, #tpu.memory_space<semaphore_mem>>)
      %dma_wait3A = arith.constant 0 : i32
      %dma_wait3A_70 = tpu.memref_slice %arg13[%add3A_34, %dma_wait3A] : memref<5120x128xf32, #tpu.memory_space<vmem_shared>> -> memref<16x128xf32, #tpu.memory_space<vmem_shared>>
      %dma_wait3A_71 = arith.constant 0 : i32
      %dma_wait3A_72 = tpu.memref_slice %arg13[%add3A_34, %dma_wait3A_71] : memref<5120x128xf32, #tpu.memory_space<vmem_shared>> -> memref<16x128xf32, #tpu.memory_space<vmem_shared>>
      tpu.wait_dma2 semaphore(%run_scoped3A : memref<!tpu.dma_semaphore, #tpu.memory_space<semaphore_mem>>) src(%arg12 : memref<16x128xf32, #tpu.memory_space<vmem>>) dst(%dma_wait3A_72 : memref<16x128xf32, #tpu.memory_space<vmem_shared>>)
      tpu.yield
    }) : () -> ()
    %add3A_35 = arith.constant 240 : i32
    %add3A_36 = arith.addi %mul3A_5, %add3A_35 : i32
    "tpu.region"() ({
      %run_scoped3A = tpu.sem_alloc : memref<!tpu.dma_semaphore, #tpu.memory_space<semaphore_mem>>
      %dma_start3A = arith.constant 0 : i32
      %dma_start3A_67 = tpu.memref_slice %arg13[%add3A_36, %dma_start3A] : memref<5120x128xf32, #tpu.memory_space<vmem_shared>> -> memref<16x128xf32, #tpu.memory_space<vmem_shared>>
      %dma_start3A_68 = arith.constant 0 : i32
      %dma_start3A_69 = tpu.memref_slice %arg13[%add3A_36, %dma_start3A_68] : memref<5120x128xf32, #tpu.memory_space<vmem_shared>> -> memref<16x128xf32, #tpu.memory_space<vmem_shared>>
      tpu.enqueue_dma source(%arg12 : memref<16x128xf32, #tpu.memory_space<vmem>>) target(%dma_start3A_69 : memref<16x128xf32, #tpu.memory_space<vmem_shared>>) target_semaphore(%run_scoped3A : memref<!tpu.dma_semaphore, #tpu.memory_space<semaphore_mem>>)
      %dma_wait3A = arith.constant 0 : i32
      %dma_wait3A_70 = tpu.memref_slice %arg13[%add3A_36, %dma_wait3A] : memref<5120x128xf32, #tpu.memory_space<vmem_shared>> -> memref<16x128xf32, #tpu.memory_space<vmem_shared>>
      %dma_wait3A_71 = arith.constant 0 : i32
      %dma_wait3A_72 = tpu.memref_slice %arg13[%add3A_36, %dma_wait3A_71] : memref<5120x128xf32, #tpu.memory_space<vmem_shared>> -> memref<16x128xf32, #tpu.memory_space<vmem_shared>>
      tpu.wait_dma2 semaphore(%run_scoped3A : memref<!tpu.dma_semaphore, #tpu.memory_space<semaphore_mem>>) src(%arg12 : memref<16x128xf32, #tpu.memory_space<vmem>>) dst(%dma_wait3A_72 : memref<16x128xf32, #tpu.memory_space<vmem_shared>>)
      tpu.yield
    }) : () -> ()
    %add3A_37 = arith.constant 256 : i32
    %add3A_38 = arith.addi %mul3A_5, %add3A_37 : i32
    "tpu.region"() ({
      %run_scoped3A = tpu.sem_alloc : memref<!tpu.dma_semaphore, #tpu.memory_space<semaphore_mem>>
      %dma_start3A = arith.constant 0 : i32
      %dma_start3A_67 = tpu.memref_slice %arg13[%add3A_38, %dma_start3A] : memref<5120x128xf32, #tpu.memory_space<vmem_shared>> -> memref<16x128xf32, #tpu.memory_space<vmem_shared>>
      %dma_start3A_68 = arith.constant 0 : i32
      %dma_start3A_69 = tpu.memref_slice %arg13[%add3A_38, %dma_start3A_68] : memref<5120x128xf32, #tpu.memory_space<vmem_shared>> -> memref<16x128xf32, #tpu.memory_space<vmem_shared>>
      tpu.enqueue_dma source(%arg12 : memref<16x128xf32, #tpu.memory_space<vmem>>) target(%dma_start3A_69 : memref<16x128xf32, #tpu.memory_space<vmem_shared>>) target_semaphore(%run_scoped3A : memref<!tpu.dma_semaphore, #tpu.memory_space<semaphore_mem>>)
      %dma_wait3A = arith.constant 0 : i32
      %dma_wait3A_70 = tpu.memref_slice %arg13[%add3A_38, %dma_wait3A] : memref<5120x128xf32, #tpu.memory_space<vmem_shared>> -> memref<16x128xf32, #tpu.memory_space<vmem_shared>>
      %dma_wait3A_71 = arith.constant 0 : i32
      %dma_wait3A_72 = tpu.memref_slice %arg13[%add3A_38, %dma_wait3A_71] : memref<5120x128xf32, #tpu.memory_space<vmem_shared>> -> memref<16x128xf32, #tpu.memory_space<vmem_shared>>
      tpu.wait_dma2 semaphore(%run_scoped3A : memref<!tpu.dma_semaphore, #tpu.memory_space<semaphore_mem>>) src(%arg12 : memref<16x128xf32, #tpu.memory_space<vmem>>) dst(%dma_wait3A_72 : memref<16x128xf32, #tpu.memory_space<vmem_shared>>)
      tpu.yield
    }) : () -> ()
    %add3A_39 = arith.constant 272 : i32
    %add3A_40 = arith.addi %mul3A_5, %add3A_39 : i32
    "tpu.region"() ({
      %run_scoped3A = tpu.sem_alloc : memref<!tpu.dma_semaphore, #tpu.memory_space<semaphore_mem>>
      %dma_start3A = arith.constant 0 : i32
      %dma_start3A_67 = tpu.memref_slice %arg13[%add3A_40, %dma_start3A] : memref<5120x128xf32, #tpu.memory_space<vmem_shared>> -> memref<16x128xf32, #tpu.memory_space<vmem_shared>>
      %dma_start3A_68 = arith.constant 0 : i32
      %dma_start3A_69 = tpu.memref_slice %arg13[%add3A_40, %dma_start3A_68] : memref<5120x128xf32, #tpu.memory_space<vmem_shared>> -> memref<16x128xf32, #tpu.memory_space<vmem_shared>>
      tpu.enqueue_dma source(%arg12 : memref<16x128xf32, #tpu.memory_space<vmem>>) target(%dma_start3A_69 : memref<16x128xf32, #tpu.memory_space<vmem_shared>>) target_semaphore(%run_scoped3A : memref<!tpu.dma_semaphore, #tpu.memory_space<semaphore_mem>>)
      %dma_wait3A = arith.constant 0 : i32
      %dma_wait3A_70 = tpu.memref_slice %arg13[%add3A_40, %dma_wait3A] : memref<5120x128xf32, #tpu.memory_space<vmem_shared>> -> memref<16x128xf32, #tpu.memory_space<vmem_shared>>
      %dma_wait3A_71 = arith.constant 0 : i32
      %dma_wait3A_72 = tpu.memref_slice %arg13[%add3A_40, %dma_wait3A_71] : memref<5120x128xf32, #tpu.memory_space<vmem_shared>> -> memref<16x128xf32, #tpu.memory_space<vmem_shared>>
      tpu.wait_dma2 semaphore(%run_scoped3A : memref<!tpu.dma_semaphore, #tpu.memory_space<semaphore_mem>>) src(%arg12 : memref<16x128xf32, #tpu.memory_space<vmem>>) dst(%dma_wait3A_72 : memref<16x128xf32, #tpu.memory_space<vmem_shared>>)
      tpu.yield
    }) : () -> ()
    %add3A_41 = arith.constant 288 : i32
    %add3A_42 = arith.addi %mul3A_5, %add3A_41 : i32
    "tpu.region"() ({
      %run_scoped3A = tpu.sem_alloc : memref<!tpu.dma_semaphore, #tpu.memory_space<semaphore_mem>>
      %dma_start3A = arith.constant 0 : i32
      %dma_start3A_67 = tpu.memref_slice %arg13[%add3A_42, %dma_start3A] : memref<5120x128xf32, #tpu.memory_space<vmem_shared>> -> memref<16x128xf32, #tpu.memory_space<vmem_shared>>
      %dma_start3A_68 = arith.constant 0 : i32
      %dma_start3A_69 = tpu.memref_slice %arg13[%add3A_42, %dma_start3A_68] : memref<5120x128xf32, #tpu.memory_space<vmem_shared>> -> memref<16x128xf32, #tpu.memory_space<vmem_shared>>
      tpu.enqueue_dma source(%arg12 : memref<16x128xf32, #tpu.memory_space<vmem>>) target(%dma_start3A_69 : memref<16x128xf32, #tpu.memory_space<vmem_shared>>) target_semaphore(%run_scoped3A : memref<!tpu.dma_semaphore, #tpu.memory_space<semaphore_mem>>)
      %dma_wait3A = arith.constant 0 : i32
      %dma_wait3A_70 = tpu.memref_slice %arg13[%add3A_42, %dma_wait3A] : memref<5120x128xf32, #tpu.memory_space<vmem_shared>> -> memref<16x128xf32, #tpu.memory_space<vmem_shared>>
      %dma_wait3A_71 = arith.constant 0 : i32
      %dma_wait3A_72 = tpu.memref_slice %arg13[%add3A_42, %dma_wait3A_71] : memref<5120x128xf32, #tpu.memory_space<vmem_shared>> -> memref<16x128xf32, #tpu.memory_space<vmem_shared>>
      tpu.wait_dma2 semaphore(%run_scoped3A : memref<!tpu.dma_semaphore, #tpu.memory_space<semaphore_mem>>) src(%arg12 : memref<16x128xf32, #tpu.memory_space<vmem>>) dst(%dma_wait3A_72 : memref<16x128xf32, #tpu.memory_space<vmem_shared>>)
      tpu.yield
    }) : () -> ()
    %add3A_43 = arith.constant 304 : i32
    %add3A_44 = arith.addi %mul3A_5, %add3A_43 : i32
    "tpu.region"() ({
      %run_scoped3A = tpu.sem_alloc : memref<!tpu.dma_semaphore, #tpu.memory_space<semaphore_mem>>
      %dma_start3A = arith.constant 0 : i32
      %dma_start3A_67 = tpu.memref_slice %arg13[%add3A_44, %dma_start3A] : memref<5120x128xf32, #tpu.memory_space<vmem_shared>> -> memref<16x128xf32, #tpu.memory_space<vmem_shared>>
      %dma_start3A_68 = arith.constant 0 : i32
      %dma_start3A_69 = tpu.memref_slice %arg13[%add3A_44, %dma_start3A_68] : memref<5120x128xf32, #tpu.memory_space<vmem_shared>> -> memref<16x128xf32, #tpu.memory_space<vmem_shared>>
      tpu.enqueue_dma source(%arg12 : memref<16x128xf32, #tpu.memory_space<vmem>>) target(%dma_start3A_69 : memref<16x128xf32, #tpu.memory_space<vmem_shared>>) target_semaphore(%run_scoped3A : memref<!tpu.dma_semaphore, #tpu.memory_space<semaphore_mem>>)
      %dma_wait3A = arith.constant 0 : i32
      %dma_wait3A_70 = tpu.memref_slice %arg13[%add3A_44, %dma_wait3A] : memref<5120x128xf32, #tpu.memory_space<vmem_shared>> -> memref<16x128xf32, #tpu.memory_space<vmem_shared>>
      %dma_wait3A_71 = arith.constant 0 : i32
      %dma_wait3A_72 = tpu.memref_slice %arg13[%add3A_44, %dma_wait3A_71] : memref<5120x128xf32, #tpu.memory_space<vmem_shared>> -> memref<16x128xf32, #tpu.memory_space<vmem_shared>>
      tpu.wait_dma2 semaphore(%run_scoped3A : memref<!tpu.dma_semaphore, #tpu.memory_space<semaphore_mem>>) src(%arg12 : memref<16x128xf32, #tpu.memory_space<vmem>>) dst(%dma_wait3A_72 : memref<16x128xf32, #tpu.memory_space<vmem_shared>>)
      tpu.yield
    }) : () -> ()
    %barrier3A = arith.constant 0 : index
    tpu.barrier barrier_id(%barrier3A)
    %lt3A = arith.constant 8 : i32
    %lt3A_45 = arith.cmpi slt, %arg1, %lt3A : i32
    %jit3A = arith.constant 1 : i32
    %jit3A_46 = arith.constant 0 : i32
    %select_n3A = arith.select %lt3A_45, %jit3A, %jit3A_46 : i32
    %add3A_47 = arith.constant 312 : i32
    %add3A_48 = arith.addi %add3A_47, %select_n3A : i32
    %mul3A_49 = arith.constant 5000 : i32
    %mul3A_50 = arith.muli %arg0, %mul3A_49 : i32
    %while3A = arith.constant 0 : i32
    %while3A_51 = arith.constant 0 : i32
    %while3A_52 = arith.subi %add3A_48, %while3A_51 : i32
    %while3A_53 = arith.addi %while3A_51, %while3A_52 : i32
    %while3A_54 = arith.constant 1 : i32
    %while3A_55 = arith.divsi %while3A_52, %while3A_54 : i32
    %while3A_56 = arith.muli %while3A_55, %while3A_54 : i32
    %while3A_57 = arith.addi %while3A_51, %while3A_56 : i32
    %while3A_58 = arith.constant 1 : i32
    scf.for %while3A_67 = %while3A_51 to %while3A_57 step %while3A_58  : i32 {
      %mul3A_68 = arith.constant 16 : i32
      %mul3A_69 = arith.muli %while3A_67, %mul3A_68 : i32
      %add3A_70 = arith.addi %arg1, %mul3A_69 : i32
      %mul3A_71 = arith.constant 64 : i32
      %mul3A_72 = arith.muli %add3A_70, %mul3A_71 : i32
      "tpu.region"() ({
        %run_scoped3A = tpu.sem_alloc : memref<!tpu.dma_semaphore, #tpu.memory_space<semaphore_mem>>
        %dma_start3A_89 = tpu.memref_slice %arg4[%mul3A_72] : memref<320000xi32, #tpu.memory_space<hbm>> -> memref<64xi32, #tpu.memory_space<hbm>>
        %dma_start3A_90 = tpu.memref_slice %arg4[%mul3A_72] : memref<320000xi32, #tpu.memory_space<hbm>> -> memref<64xi32, #tpu.memory_space<hbm>>
        tpu.enqueue_dma source(%dma_start3A_90 : memref<64xi32, #tpu.memory_space<hbm>>) target(%arg7 : memref<64xi32, #tpu.memory_space<vmem>>) target_semaphore(%run_scoped3A : memref<!tpu.dma_semaphore, #tpu.memory_space<semaphore_mem>>)
        %dma_wait3A_91 = tpu.memref_slice %arg4[%mul3A_72] : memref<320000xi32, #tpu.memory_space<hbm>> -> memref<64xi32, #tpu.memory_space<hbm>>
        %dma_wait3A_92 = tpu.memref_slice %arg4[%mul3A_72] : memref<320000xi32, #tpu.memory_space<hbm>> -> memref<64xi32, #tpu.memory_space<hbm>>
        tpu.wait_dma2 semaphore(%run_scoped3A : memref<!tpu.dma_semaphore, #tpu.memory_space<semaphore_mem>>) src(%dma_wait3A_92 : memref<64xi32, #tpu.memory_space<hbm>>) dst(%arg7 : memref<64xi32, #tpu.memory_space<vmem>>)
        tpu.yield
      }) : () -> ()
      "tpu.region"() ({
        %run_scoped3A = tpu.sem_alloc : memref<!tpu.dma_semaphore, #tpu.memory_space<semaphore_mem>>
        %dma_start3A_89 = tpu.memref_slice %arg5[%mul3A_72] : memref<320000xi32, #tpu.memory_space<hbm>> -> memref<64xi32, #tpu.memory_space<hbm>>
        %dma_start3A_90 = tpu.memref_slice %arg5[%mul3A_72] : memref<320000xi32, #tpu.memory_space<hbm>> -> memref<64xi32, #tpu.memory_space<hbm>>
        tpu.enqueue_dma source(%dma_start3A_90 : memref<64xi32, #tpu.memory_space<hbm>>) target(%arg8 : memref<64xi32, #tpu.memory_space<vmem>>) target_semaphore(%run_scoped3A : memref<!tpu.dma_semaphore, #tpu.memory_space<semaphore_mem>>)
        %dma_wait3A_91 = tpu.memref_slice %arg5[%mul3A_72] : memref<320000xi32, #tpu.memory_space<hbm>> -> memref<64xi32, #tpu.memory_space<hbm>>
        %dma_wait3A_92 = tpu.memref_slice %arg5[%mul3A_72] : memref<320000xi32, #tpu.memory_space<hbm>> -> memref<64xi32, #tpu.memory_space<hbm>>
        tpu.wait_dma2 semaphore(%run_scoped3A : memref<!tpu.dma_semaphore, #tpu.memory_space<semaphore_mem>>) src(%dma_wait3A_92 : memref<64xi32, #tpu.memory_space<hbm>>) dst(%arg8 : memref<64xi32, #tpu.memory_space<vmem>>)
        tpu.yield
      }) : () -> ()
      %dma_start3A = arith.constant 0 : i32
      %dma_start3A_73 = arith.constant 0 : i32
      %dma_start3A_74 = tpu.memref_slice %arg2[%dma_start3A, %dma_start3A_73] : memref<10000x128xf32, #tpu.memory_space<hbm>> -> memref<10000x128xf32, #tpu.memory_space<hbm>>
      tpu.enqueue_indirect_dma source(%dma_start3A_74 : memref<10000x128xf32, #tpu.memory_space<hbm>>) target(%arg9 : memref<64x128xf32, #tpu.memory_space<vmem>>) offsets(%arg7 : memref<64xi32, #tpu.memory_space<vmem>>) semaphore(%arg14 : memref<!tpu.dma_semaphore, #tpu.memory_space<semaphore_mem>>)
      "tpu.region"() ({
        %run_scoped3A = tpu.sem_alloc : memref<!tpu.dma_semaphore, #tpu.memory_space<semaphore_mem>>
        %dma_start3A_89 = arith.constant 0 : i32
        %dma_start3A_90 = tpu.memref_slice %arg3[%mul3A_72, %dma_start3A_89] : memref<320000x128xf32, #tpu.memory_space<hbm>> -> memref<64x128xf32, #tpu.memory_space<hbm>>
        %dma_start3A_91 = arith.constant 0 : i32
        %dma_start3A_92 = tpu.memref_slice %arg3[%mul3A_72, %dma_start3A_91] : memref<320000x128xf32, #tpu.memory_space<hbm>> -> memref<64x128xf32, #tpu.memory_space<hbm>>
        tpu.enqueue_dma source(%dma_start3A_92 : memref<64x128xf32, #tpu.memory_space<hbm>>) target(%arg10 : memref<64x128xf32, #tpu.memory_space<vmem>>) target_semaphore(%run_scoped3A : memref<!tpu.dma_semaphore, #tpu.memory_space<semaphore_mem>>)
        %dma_wait3A_93 = arith.constant 0 : i32
        %dma_wait3A_94 = tpu.memref_slice %arg3[%mul3A_72, %dma_wait3A_93] : memref<320000x128xf32, #tpu.memory_space<hbm>> -> memref<64x128xf32, #tpu.memory_space<hbm>>
        %dma_wait3A_95 = arith.constant 0 : i32
        %dma_wait3A_96 = tpu.memref_slice %arg3[%mul3A_72, %dma_wait3A_95] : memref<320000x128xf32, #tpu.memory_space<hbm>> -> memref<64x128xf32, #tpu.memory_space<hbm>>
        tpu.wait_dma2 semaphore(%run_scoped3A : memref<!tpu.dma_semaphore, #tpu.memory_space<semaphore_mem>>) src(%dma_wait3A_96 : memref<64x128xf32, #tpu.memory_space<hbm>>) dst(%arg10 : memref<64x128xf32, #tpu.memory_space<vmem>>)
        tpu.yield
      }) : () -> ()
      %dma_wait3A = arith.constant 0 : i32
      %dma_wait3A_75 = arith.constant 0 : i32
      %dma_wait3A_76 = tpu.memref_slice %arg2[%dma_wait3A, %dma_wait3A_75] : memref<10000x128xf32, #tpu.memory_space<hbm>> -> memref<10000x128xf32, #tpu.memory_space<hbm>>
      tpu.wait_indirect_dma semaphore(%arg14 : memref<!tpu.dma_semaphore, #tpu.memory_space<semaphore_mem>>) src(%dma_wait3A_76 : memref<10000x128xf32, #tpu.memory_space<hbm>>) dst(%arg9 : memref<64x128xf32, #tpu.memory_space<vmem>>)
      %scan3A_77 = arith.constant 0 : i32
      %scan3A_78 = arith.constant 0 : i32
      %scan3A_79 = arith.constant 64 : i32
      %scan3A_80 = arith.addi %scan3A_78, %scan3A_79 : i32
      %scan3A_81 = arith.constant 1 : i32
      scf.for %scan3A_89 = %scan3A_78 to %scan3A_80 step %scan3A_81  : i32 {
        %get3A = arith.index_cast %scan3A_89 : i32 to index
        %get3A_90 = arith.constant 0 : index
        %get3A_91 = tpu.vector_load %arg9[%get3A, %get3A_90] {strides = array<i32>} : memref<64x128xf32, #tpu.memory_space<vmem>>, vector<1x16xf32>,
        %get3A_92 = vector.shape_cast %get3A_91 : vector<1x16xf32> to vector<16xf32>
        %get3A_93 = arith.index_cast %scan3A_89 : i32 to index
        %get3A_94 = arith.constant 0 : index
        %get3A_95 = tpu.vector_load %arg10[%get3A_93, %get3A_94] {strides = array<i32>} : memref<64x128xf32, #tpu.memory_space<vmem>>, vector<1x16xf32>,
        %get3A_96 = vector.shape_cast %get3A_95 : vector<1x16xf32> to vector<16xf32>
        %add3A_97 = arith.addf %get3A_92, %get3A_96 : vector<16xf32>
        %max3A = arith.constant 0.000000e+00 : f32
        %max3A_98 = vector.broadcast %max3A : f32 to vector<16xf32>
        %max3A_99 = arith.maximumf %add3A_97, %max3A_98 : vector<16xf32>
        %swap3A = arith.index_cast %scan3A_89 : i32 to index
        %swap3A_100 = arith.constant 0 : index
        %swap3A_101 = tpu.vector_load %arg11[%swap3A, %swap3A_100] {strides = array<i32>} : memref<64x128xf32, #tpu.memory_space<vmem>>, vector<1x16xf32>,
        %swap3A_102 = vector.shape_cast %swap3A_101 : vector<1x16xf32> to vector<16xf32>
        %swap3A_103 = vector.shape_cast %max3A_99 : vector<16xf32> to vector<1x16xf32>
        tpu.vector_store %arg11[%swap3A, %swap3A_100], %swap3A_103 {strides = array<i32>} : memref<64x128xf32, #tpu.memory_space<vmem>>, vector<1x16xf32>,
        %get3A_104 = arith.index_cast %scan3A_89 : i32 to index
        %get3A_105 = arith.constant 16 : index
        %get3A_106 = tpu.vector_load %arg9[%get3A_104, %get3A_105] {strides = array<i32>} : memref<64x128xf32, #tpu.memory_space<vmem>>, vector<1x16xf32>,
        %get3A_107 = vector.shape_cast %get3A_106 : vector<1x16xf32> to vector<16xf32>
        %get3A_108 = arith.index_cast %scan3A_89 : i32 to index
        %get3A_109 = arith.constant 16 : index
        %get3A_110 = tpu.vector_load %arg10[%get3A_108, %get3A_109] {strides = array<i32>} : memref<64x128xf32, #tpu.memory_space<vmem>>, vector<1x16xf32>,
        %get3A_111 = vector.shape_cast %get3A_110 : vector<1x16xf32> to vector<16xf32>
        %add3A_112 = arith.addf %get3A_107, %get3A_111 : vector<16xf32>
        %max3A_113 = arith.constant 0.000000e+00 : f32
        %max3A_114 = vector.broadcast %max3A_113 : f32 to vector<16xf32>
        %max3A_115 = arith.maximumf %add3A_112, %max3A_114 : vector<16xf32>
        %swap3A_116 = arith.index_cast %scan3A_89 : i32 to index
        %swap3A_117 = arith.constant 16 : index
        %swap3A_118 = tpu.vector_load %arg11[%swap3A_116, %swap3A_117] {strides = array<i32>} : memref<64x128xf32, #tpu.memory_space<vmem>>, vector<1x16xf32>,
        %swap3A_119 = vector.shape_cast %swap3A_118 : vector<1x16xf32> to vector<16xf32>
        %swap3A_120 = vector.shape_cast %max3A_115 : vector<16xf32> to vector<1x16xf32>
        tpu.vector_store %arg11[%swap3A_116, %swap3A_117], %swap3A_120 {strides = array<i32>} : memref<64x128xf32, #tpu.memory_space<vmem>>, vector<1x16xf32>,
        %get3A_121 = arith.index_cast %scan3A_89 : i32 to index
        %get3A_122 = arith.constant 32 : index
        %get3A_123 = tpu.vector_load %arg9[%get3A_121, %get3A_122] {strides = array<i32>} : memref<64x128xf32, #tpu.memory_space<vmem>>, vector<1x16xf32>,
        %get3A_124 = vector.shape_cast %get3A_123 : vector<1x16xf32> to vector<16xf32>
        %get3A_125 = arith.index_cast %scan3A_89 : i32 to index
        %get3A_126 = arith.constant 32 : index
        %get3A_127 = tpu.vector_load %arg10[%get3A_125, %get3A_126] {strides = array<i32>} : memref<64x128xf32, #tpu.memory_space<vmem>>, vector<1x16xf32>,
        %get3A_128 = vector.shape_cast %get3A_127 : vector<1x16xf32> to vector<16xf32>
        %add3A_129 = arith.addf %get3A_124, %get3A_128 : vector<16xf32>
        %max3A_130 = arith.constant 0.000000e+00 : f32
        %max3A_131 = vector.broadcast %max3A_130 : f32 to vector<16xf32>
        %max3A_132 = arith.maximumf %add3A_129, %max3A_131 : vector<16xf32>
        %swap3A_133 = arith.index_cast %scan3A_89 : i32 to index
        %swap3A_134 = arith.constant 32 : index
        %swap3A_135 = tpu.vector_load %arg11[%swap3A_133, %swap3A_134] {strides = array<i32>} : memref<64x128xf32, #tpu.memory_space<vmem>>, vector<1x16xf32>,
        %swap3A_136 = vector.shape_cast %swap3A_135 : vector<1x16xf32> to vector<16xf32>
        %swap3A_137 = vector.shape_cast %max3A_132 : vector<16xf32> to vector<1x16xf32>
        tpu.vector_store %arg11[%swap3A_133, %swap3A_134], %swap3A_137 {strides = array<i32>} : memref<64x128xf32, #tpu.memory_space<vmem>>, vector<1x16xf32>,
        %get3A_138 = arith.index_cast %scan3A_89 : i32 to index
        %get3A_139 = arith.constant 48 : index
        %get3A_140 = tpu.vector_load %arg9[%get3A_138, %get3A_139] {strides = array<i32>} : memref<64x128xf32, #tpu.memory_space<vmem>>, vector<1x16xf32>,
        %get3A_141 = vector.shape_cast %get3A_140 : vector<1x16xf32> to vector<16xf32>
        %get3A_142 = arith.index_cast %scan3A_89 : i32 to index
        %get3A_143 = arith.constant 48 : index
        %get3A_144 = tpu.vector_load %arg10[%get3A_142, %get3A_143] {strides = array<i32>} : memref<64x128xf32, #tpu.memory_space<vmem>>, vector<1x16xf32>,
        %get3A_145 = vector.shape_cast %get3A_144 : vector<1x16xf32> to vector<16xf32>
        %add3A_146 = arith.addf %get3A_141, %get3A_145 : vector<16xf32>
        %max3A_147 = arith.constant 0.000000e+00 : f32
        %max3A_148 = vector.broadcast %max3A_147 : f32 to vector<16xf32>
        %max3A_149 = arith.maximumf %add3A_146, %max3A_148 : vector<16xf32>
        %swap3A_150 = arith.index_cast %scan3A_89 : i32 to index
        %swap3A_151 = arith.constant 48 : index
        %swap3A_152 = tpu.vector_load %arg11[%swap3A_150, %swap3A_151] {strides = array<i32>} : memref<64x128xf32, #tpu.memory_space<vmem>>, vector<1x16xf32>,
        %swap3A_153 = vector.shape_cast %swap3A_152 : vector<1x16xf32> to vector<16xf32>
        %swap3A_154 = vector.shape_cast %max3A_149 : vector<16xf32> to vector<1x16xf32>
        tpu.vector_store %arg11[%swap3A_150, %swap3A_151], %swap3A_154 {strides = array<i32>} : memref<64x128xf32, #tpu.memory_space<vmem>>, vector<1x16xf32>,
        %get3A_155 = arith.index_cast %scan3A_89 : i32 to index
        %get3A_156 = arith.constant 64 : index
        %get3A_157 = tpu.vector_load %arg9[%get3A_155, %get3A_156] {strides = array<i32>} : memref<64x128xf32, #tpu.memory_space<vmem>>, vector<1x16xf32>,
        %get3A_158 = vector.shape_cast %get3A_157 : vector<1x16xf32> to vector<16xf32>
        %get3A_159 = arith.index_cast %scan3A_89 : i32 to index
        %get3A_160 = arith.constant 64 : index
        %get3A_161 = tpu.vector_load %arg10[%get3A_159, %get3A_160] {strides = array<i32>} : memref<64x128xf32, #tpu.memory_space<vmem>>, vector<1x16xf32>,
        %get3A_162 = vector.shape_cast %get3A_161 : vector<1x16xf32> to vector<16xf32>
        %add3A_163 = arith.addf %get3A_158, %get3A_162 : vector<16xf32>
        %max3A_164 = arith.constant 0.000000e+00 : f32
        %max3A_165 = vector.broadcast %max3A_164 : f32 to vector<16xf32>
        %max3A_166 = arith.maximumf %add3A_163, %max3A_165 : vector<16xf32>
        %swap3A_167 = arith.index_cast %scan3A_89 : i32 to index
        %swap3A_168 = arith.constant 64 : index
        %swap3A_169 = tpu.vector_load %arg11[%swap3A_167, %swap3A_168] {strides = array<i32>} : memref<64x128xf32, #tpu.memory_space<vmem>>, vector<1x16xf32>,
        %swap3A_170 = vector.shape_cast %swap3A_169 : vector<1x16xf32> to vector<16xf32>
        %swap3A_171 = vector.shape_cast %max3A_166 : vector<16xf32> to vector<1x16xf32>
        tpu.vector_store %arg11[%swap3A_167, %swap3A_168], %swap3A_171 {strides = array<i32>} : memref<64x128xf32, #tpu.memory_space<vmem>>, vector<1x16xf32>,
        %get3A_172 = arith.index_cast %scan3A_89 : i32 to index
        %get3A_173 = arith.constant 80 : index
        %get3A_174 = tpu.vector_load %arg9[%get3A_172, %get3A_173] {strides = array<i32>} : memref<64x128xf32, #tpu.memory_space<vmem>>, vector<1x16xf32>,
        %get3A_175 = vector.shape_cast %get3A_174 : vector<1x16xf32> to vector<16xf32>
        %get3A_176 = arith.index_cast %scan3A_89 : i32 to index
        %get3A_177 = arith.constant 80 : index
        %get3A_178 = tpu.vector_load %arg10[%get3A_176, %get3A_177] {strides = array<i32>} : memref<64x128xf32, #tpu.memory_space<vmem>>, vector<1x16xf32>,
        %get3A_179 = vector.shape_cast %get3A_178 : vector<1x16xf32> to vector<16xf32>
        %add3A_180 = arith.addf %get3A_175, %get3A_179 : vector<16xf32>
        %max3A_181 = arith.constant 0.000000e+00 : f32
        %max3A_182 = vector.broadcast %max3A_181 : f32 to vector<16xf32>
        %max3A_183 = arith.maximumf %add3A_180, %max3A_182 : vector<16xf32>
        %swap3A_184 = arith.index_cast %scan3A_89 : i32 to index
        %swap3A_185 = arith.constant 80 : index
        %swap3A_186 = tpu.vector_load %arg11[%swap3A_184, %swap3A_185] {strides = array<i32>} : memref<64x128xf32, #tpu.memory_space<vmem>>, vector<1x16xf32>,
        %swap3A_187 = vector.shape_cast %swap3A_186 : vector<1x16xf32> to vector<16xf32>
        %swap3A_188 = vector.shape_cast %max3A_183 : vector<16xf32> to vector<1x16xf32>
        tpu.vector_store %arg11[%swap3A_184, %swap3A_185], %swap3A_188 {strides = array<i32>} : memref<64x128xf32, #tpu.memory_space<vmem>>, vector<1x16xf32>,
        %get3A_189 = arith.index_cast %scan3A_89 : i32 to index
        %get3A_190 = arith.constant 96 : index
        %get3A_191 = tpu.vector_load %arg9[%get3A_189, %get3A_190] {strides = array<i32>} : memref<64x128xf32, #tpu.memory_space<vmem>>, vector<1x16xf32>,
        %get3A_192 = vector.shape_cast %get3A_191 : vector<1x16xf32> to vector<16xf32>
        %get3A_193 = arith.index_cast %scan3A_89 : i32 to index
        %get3A_194 = arith.constant 96 : index
        %get3A_195 = tpu.vector_load %arg10[%get3A_193, %get3A_194] {strides = array<i32>} : memref<64x128xf32, #tpu.memory_space<vmem>>, vector<1x16xf32>,
        %get3A_196 = vector.shape_cast %get3A_195 : vector<1x16xf32> to vector<16xf32>
        %add3A_197 = arith.addf %get3A_192, %get3A_196 : vector<16xf32>
        %max3A_198 = arith.constant 0.000000e+00 : f32
        %max3A_199 = vector.broadcast %max3A_198 : f32 to vector<16xf32>
        %max3A_200 = arith.maximumf %add3A_197, %max3A_199 : vector<16xf32>
        %swap3A_201 = arith.index_cast %scan3A_89 : i32 to index
        %swap3A_202 = arith.constant 96 : index
        %swap3A_203 = tpu.vector_load %arg11[%swap3A_201, %swap3A_202] {strides = array<i32>} : memref<64x128xf32, #tpu.memory_space<vmem>>, vector<1x16xf32>,
        %swap3A_204 = vector.shape_cast %swap3A_203 : vector<1x16xf32> to vector<16xf32>
        %swap3A_205 = vector.shape_cast %max3A_200 : vector<16xf32> to vector<1x16xf32>
        tpu.vector_store %arg11[%swap3A_201, %swap3A_202], %swap3A_205 {strides = array<i32>} : memref<64x128xf32, #tpu.memory_space<vmem>>, vector<1x16xf32>,
        %get3A_206 = arith.index_cast %scan3A_89 : i32 to index
        %get3A_207 = arith.constant 112 : index
        %get3A_208 = tpu.vector_load %arg9[%get3A_206, %get3A_207] {strides = array<i32>} : memref<64x128xf32, #tpu.memory_space<vmem>>, vector<1x16xf32>,
        %get3A_209 = vector.shape_cast %get3A_208 : vector<1x16xf32> to vector<16xf32>
        %get3A_210 = arith.index_cast %scan3A_89 : i32 to index
        %get3A_211 = arith.constant 112 : index
        %get3A_212 = tpu.vector_load %arg10[%get3A_210, %get3A_211] {strides = array<i32>} : memref<64x128xf32, #tpu.memory_space<vmem>>, vector<1x16xf32>,
        %get3A_213 = vector.shape_cast %get3A_212 : vector<1x16xf32> to vector<16xf32>
        %add3A_214 = arith.addf %get3A_209, %get3A_213 : vector<16xf32>
        %max3A_215 = arith.constant 0.000000e+00 : f32
        %max3A_216 = vector.broadcast %max3A_215 : f32 to vector<16xf32>
        %max3A_217 = arith.maximumf %add3A_214, %max3A_216 : vector<16xf32>
        %swap3A_218 = arith.index_cast %scan3A_89 : i32 to index
        %swap3A_219 = arith.constant 112 : index
        %swap3A_220 = tpu.vector_load %arg11[%swap3A_218, %swap3A_219] {strides = array<i32>} : memref<64x128xf32, #tpu.memory_space<vmem>>, vector<1x16xf32>,
        %swap3A_221 = vector.shape_cast %swap3A_220 : vector<1x16xf32> to vector<16xf32>
        %swap3A_222 = vector.shape_cast %max3A_217 : vector<16xf32> to vector<1x16xf32>
        tpu.vector_store %arg11[%swap3A_218, %swap3A_219], %swap3A_222 {strides = array<i32>} : memref<64x128xf32, #tpu.memory_space<vmem>>, vector<1x16xf32>,
      }
      %scan3A_82 = arith.constant 64 : i32
      %scan3A_83 = arith.constant 0 : i32
      %scan3A_84 = arith.constant 0 : i32
      %scan3A_85 = arith.constant 4 : i32
      %scan3A_86 = arith.addi %scan3A_84, %scan3A_85 : i32
      %scan3A_87 = arith.constant 1 : i32
      scf.for %scan3A_89 = %scan3A_84 to %scan3A_86 step %scan3A_87  : i32 {
        %mul3A_90 = arith.constant 16 : i32
        %mul3A_91 = arith.muli %scan3A_89, %mul3A_90 : i32
        %get3A = arith.index_cast %mul3A_91 : i32 to index
        %get3A_92 = tpu.vector_load %arg8[%get3A] {strides = array<i32>} : memref<64xi32, #tpu.memory_space<vmem>>, vector<16xi32>,
        %get3A_93 = vector.shape_cast %get3A_92 : vector<16xi32> to vector<16xi32>
        %sub3A = vector.broadcast %mul3A_50 : i32 to vector<16xi32>
        %sub3A_94 = arith.subi %get3A_93, %sub3A : vector<16xi32>
        %ge3A = arith.constant 0 : i32
        %ge3A_95 = vector.broadcast %ge3A : i32 to vector<16xi32>
        %ge3A_96 = arith.cmpi sge, %sub3A_94, %ge3A_95 : vector<16xi32>
        %lt3A_97 = arith.constant 5000 : i32
        %lt3A_98 = vector.broadcast %lt3A_97 : i32 to vector<16xi32>
        %lt3A_99 = arith.cmpi slt, %sub3A_94, %lt3A_98 : vector<16xi32>
        %and3A = arith.andi %ge3A_96, %lt3A_99 : vector<16xi1>
        %jit3A_100 = arith.constant 5119 : i32
        %broadcast_in_dim3A = vector.broadcast %jit3A_100 : i32 to vector<16xi32>
        %select_n3A_101 = arith.select %and3A, %sub3A_94, %broadcast_in_dim3A : vector<16xi1>, vector<16xi32>
        %mul3A_102 = arith.constant 16 : i32
        %mul3A_103 = arith.muli %scan3A_89, %mul3A_102 : i32
        %swap3A = arith.index_cast %mul3A_103 : i32 to index
        %swap3A_104 = tpu.vector_load %arg8[%swap3A] {strides = array<i32>} : memref<64xi32, #tpu.memory_space<vmem>>, vector<16xi32>,
        %swap3A_105 = vector.shape_cast %swap3A_104 : vector<16xi32> to vector<16xi32>
        %swap3A_106 = vector.shape_cast %select_n3A_101 : vector<16xi32> to vector<16xi32>
        tpu.vector_store %arg8[%swap3A], %swap3A_106 {strides = array<i32>} : memref<64xi32, #tpu.memory_space<vmem>>, vector<16xi32>,
      }
      %scan3A_88 = arith.constant 4 : i32
      "tpu.region"() ({
        %run_scoped3A = tpu.sem_alloc : memref<!tpu.dma_semaphore, #tpu.memory_space<semaphore_mem>>
        %dma_start3A_89 = arith.constant 0 : i32
        %dma_start3A_90 = arith.constant 0 : i32
        %dma_start3A_91 = tpu.memref_slice %arg13[%dma_start3A_89, %dma_start3A_90] : memref<5120x128xf32, #tpu.memory_space<vmem_shared>> -> memref<5120x128xf32, #tpu.memory_space<vmem_shared>>
        tpu.enqueue_indirect_dma source(%arg11 : memref<64x128xf32, #tpu.memory_space<vmem>>) target(%dma_start3A_91 : memref<5120x128xf32, #tpu.memory_space<vmem_shared>>) offsets(%arg8 : memref<64xi32, #tpu.memory_space<vmem>>) semaphore(%run_scoped3A : memref<!tpu.dma_semaphore, #tpu.memory_space<semaphore_mem>>) {add = true}
        %dma_wait3A_92 = arith.constant 0 : i32
        %dma_wait3A_93 = arith.constant 0 : i32
        %dma_wait3A_94 = tpu.memref_slice %arg13[%dma_wait3A_92, %dma_wait3A_93] : memref<5120x128xf32, #tpu.memory_space<vmem_shared>> -> memref<5120x128xf32, #tpu.memory_space<vmem_shared>>
        tpu.wait_indirect_dma semaphore(%run_scoped3A : memref<!tpu.dma_semaphore, #tpu.memory_space<semaphore_mem>>) src(%arg11 : memref<64x128xf32, #tpu.memory_space<vmem>>) dst(%dma_wait3A_94 : memref<5120x128xf32, #tpu.memory_space<vmem_shared>>)
        tpu.yield
      }) : () -> ()
    }
    %while3A_59 = arith.constant 1 : i32
    scf.for %while3A_67 = %while3A_57 to %while3A_53 step %while3A_59  : i32 {
      %mul3A_68 = arith.constant 16 : i32
      %mul3A_69 = arith.muli %while3A_67, %mul3A_68 : i32
      %add3A_70 = arith.addi %arg1, %mul3A_69 : i32
      %mul3A_71 = arith.constant 64 : i32
      %mul3A_72 = arith.muli %add3A_70, %mul3A_71 : i32
      "tpu.region"() ({
        %run_scoped3A = tpu.sem_alloc : memref<!tpu.dma_semaphore, #tpu.memory_space<semaphore_mem>>
        %dma_start3A_89 = tpu.memref_slice %arg4[%mul3A_72] : memref<320000xi32, #tpu.memory_space<hbm>> -> memref<64xi32, #tpu.memory_space<hbm>>
        %dma_start3A_90 = tpu.memref_slice %arg4[%mul3A_72] : memref<320000xi32, #tpu.memory_space<hbm>> -> memref<64xi32, #tpu.memory_space<hbm>>
        tpu.enqueue_dma source(%dma_start3A_90 : memref<64xi32, #tpu.memory_space<hbm>>) target(%arg7 : memref<64xi32, #tpu.memory_space<vmem>>) target_semaphore(%run_scoped3A : memref<!tpu.dma_semaphore, #tpu.memory_space<semaphore_mem>>)
        %dma_wait3A_91 = tpu.memref_slice %arg4[%mul3A_72] : memref<320000xi32, #tpu.memory_space<hbm>> -> memref<64xi32, #tpu.memory_space<hbm>>
        %dma_wait3A_92 = tpu.memref_slice %arg4[%mul3A_72] : memref<320000xi32, #tpu.memory_space<hbm>> -> memref<64xi32, #tpu.memory_space<hbm>>
        tpu.wait_dma2 semaphore(%run_scoped3A : memref<!tpu.dma_semaphore, #tpu.memory_space<semaphore_mem>>) src(%dma_wait3A_92 : memref<64xi32, #tpu.memory_space<hbm>>) dst(%arg7 : memref<64xi32, #tpu.memory_space<vmem>>)
        tpu.yield
      }) : () -> ()
      "tpu.region"() ({
        %run_scoped3A = tpu.sem_alloc : memref<!tpu.dma_semaphore, #tpu.memory_space<semaphore_mem>>
        %dma_start3A_89 = tpu.memref_slice %arg5[%mul3A_72] : memref<320000xi32, #tpu.memory_space<hbm>> -> memref<64xi32, #tpu.memory_space<hbm>>
        %dma_start3A_90 = tpu.memref_slice %arg5[%mul3A_72] : memref<320000xi32, #tpu.memory_space<hbm>> -> memref<64xi32, #tpu.memory_space<hbm>>
        tpu.enqueue_dma source(%dma_start3A_90 : memref<64xi32, #tpu.memory_space<hbm>>) target(%arg8 : memref<64xi32, #tpu.memory_space<vmem>>) target_semaphore(%run_scoped3A : memref<!tpu.dma_semaphore, #tpu.memory_space<semaphore_mem>>)
        %dma_wait3A_91 = tpu.memref_slice %arg5[%mul3A_72] : memref<320000xi32, #tpu.memory_space<hbm>> -> memref<64xi32, #tpu.memory_space<hbm>>
        %dma_wait3A_92 = tpu.memref_slice %arg5[%mul3A_72] : memref<320000xi32, #tpu.memory_space<hbm>> -> memref<64xi32, #tpu.memory_space<hbm>>
        tpu.wait_dma2 semaphore(%run_scoped3A : memref<!tpu.dma_semaphore, #tpu.memory_space<semaphore_mem>>) src(%dma_wait3A_92 : memref<64xi32, #tpu.memory_space<hbm>>) dst(%arg8 : memref<64xi32, #tpu.memory_space<vmem>>)
        tpu.yield
      }) : () -> ()
      %dma_start3A = arith.constant 0 : i32
      %dma_start3A_73 = arith.constant 0 : i32
      %dma_start3A_74 = tpu.memref_slice %arg2[%dma_start3A, %dma_start3A_73] : memref<10000x128xf32, #tpu.memory_space<hbm>> -> memref<10000x128xf32, #tpu.memory_space<hbm>>
      tpu.enqueue_indirect_dma source(%dma_start3A_74 : memref<10000x128xf32, #tpu.memory_space<hbm>>) target(%arg9 : memref<64x128xf32, #tpu.memory_space<vmem>>) offsets(%arg7 : memref<64xi32, #tpu.memory_space<vmem>>) semaphore(%arg14 : memref<!tpu.dma_semaphore, #tpu.memory_space<semaphore_mem>>)
      "tpu.region"() ({
        %run_scoped3A = tpu.sem_alloc : memref<!tpu.dma_semaphore, #tpu.memory_space<semaphore_mem>>
        %dma_start3A_89 = arith.constant 0 : i32
        %dma_start3A_90 = tpu.memref_slice %arg3[%mul3A_72, %dma_start3A_89] : memref<320000x128xf32, #tpu.memory_space<hbm>> -> memref<64x128xf32, #tpu.memory_space<hbm>>
        %dma_start3A_91 = arith.constant 0 : i32
        %dma_start3A_92 = tpu.memref_slice %arg3[%mul3A_72, %dma_start3A_91] : memref<320000x128xf32, #tpu.memory_space<hbm>> -> memref<64x128xf32, #tpu.memory_space<hbm>>
        tpu.enqueue_dma source(%dma_start3A_92 : memref<64x128xf32, #tpu.memory_space<hbm>>) target(%arg10 : memref<64x128xf32, #tpu.memory_space<vmem>>) target_semaphore(%run_scoped3A : memref<!tpu.dma_semaphore, #tpu.memory_space<semaphore_mem>>)
        %dma_wait3A_93 = arith.constant 0 : i32
        %dma_wait3A_94 = tpu.memref_slice %arg3[%mul3A_72, %dma_wait3A_93] : memref<320000x128xf32, #tpu.memory_space<hbm>> -> memref<64x128xf32, #tpu.memory_space<hbm>>
        %dma_wait3A_95 = arith.constant 0 : i32
        %dma_wait3A_96 = tpu.memref_slice %arg3[%mul3A_72, %dma_wait3A_95] : memref<320000x128xf32, #tpu.memory_space<hbm>> -> memref<64x128xf32, #tpu.memory_space<hbm>>
        tpu.wait_dma2 semaphore(%run_scoped3A : memref<!tpu.dma_semaphore, #tpu.memory_space<semaphore_mem>>) src(%dma_wait3A_96 : memref<64x128xf32, #tpu.memory_space<hbm>>) dst(%arg10 : memref<64x128xf32, #tpu.memory_space<vmem>>)
        tpu.yield
      }) : () -> ()
      %dma_wait3A = arith.constant 0 : i32
      %dma_wait3A_75 = arith.constant 0 : i32
      %dma_wait3A_76 = tpu.memref_slice %arg2[%dma_wait3A, %dma_wait3A_75] : memref<10000x128xf32, #tpu.memory_space<hbm>> -> memref<10000x128xf32, #tpu.memory_space<hbm>>
      tpu.wait_indirect_dma semaphore(%arg14 : memref<!tpu.dma_semaphore, #tpu.memory_space<semaphore_mem>>) src(%dma_wait3A_76 : memref<10000x128xf32, #tpu.memory_space<hbm>>) dst(%arg9 : memref<64x128xf32, #tpu.memory_space<vmem>>)
      %scan3A_77 = arith.constant 0 : i32
      %scan3A_78 = arith.constant 0 : i32
      %scan3A_79 = arith.constant 64 : i32
      %scan3A_80 = arith.addi %scan3A_78, %scan3A_79 : i32
      %scan3A_81 = arith.constant 1 : i32
      scf.for %scan3A_89 = %scan3A_78 to %scan3A_80 step %scan3A_81  : i32 {
        %get3A = arith.index_cast %scan3A_89 : i32 to index
        %get3A_90 = arith.constant 0 : index
        %get3A_91 = tpu.vector_load %arg9[%get3A, %get3A_90] {strides = array<i32>} : memref<64x128xf32, #tpu.memory_space<vmem>>, vector<1x16xf32>,
        %get3A_92 = vector.shape_cast %get3A_91 : vector<1x16xf32> to vector<16xf32>
        %get3A_93 = arith.index_cast %scan3A_89 : i32 to index
        %get3A_94 = arith.constant 0 : index
        %get3A_95 = tpu.vector_load %arg10[%get3A_93, %get3A_94] {strides = array<i32>} : memref<64x128xf32, #tpu.memory_space<vmem>>, vector<1x16xf32>,
        %get3A_96 = vector.shape_cast %get3A_95 : vector<1x16xf32> to vector<16xf32>
        %add3A_97 = arith.addf %get3A_92, %get3A_96 : vector<16xf32>
        %max3A = arith.constant 0.000000e+00 : f32
        %max3A_98 = vector.broadcast %max3A : f32 to vector<16xf32>
        %max3A_99 = arith.maximumf %add3A_97, %max3A_98 : vector<16xf32>
        %swap3A = arith.index_cast %scan3A_89 : i32 to index
        %swap3A_100 = arith.constant 0 : index
        %swap3A_101 = tpu.vector_load %arg11[%swap3A, %swap3A_100] {strides = array<i32>} : memref<64x128xf32, #tpu.memory_space<vmem>>, vector<1x16xf32>,
        %swap3A_102 = vector.shape_cast %swap3A_101 : vector<1x16xf32> to vector<16xf32>
        %swap3A_103 = vector.shape_cast %max3A_99 : vector<16xf32> to vector<1x16xf32>
        tpu.vector_store %arg11[%swap3A, %swap3A_100], %swap3A_103 {strides = array<i32>} : memref<64x128xf32, #tpu.memory_space<vmem>>, vector<1x16xf32>,
        %get3A_104 = arith.index_cast %scan3A_89 : i32 to index
        %get3A_105 = arith.constant 16 : index
        %get3A_106 = tpu.vector_load %arg9[%get3A_104, %get3A_105] {strides = array<i32>} : memref<64x128xf32, #tpu.memory_space<vmem>>, vector<1x16xf32>,
        %get3A_107 = vector.shape_cast %get3A_106 : vector<1x16xf32> to vector<16xf32>
        %get3A_108 = arith.index_cast %scan3A_89 : i32 to index
        %get3A_109 = arith.constant 16 : index
        %get3A_110 = tpu.vector_load %arg10[%get3A_108, %get3A_109] {strides = array<i32>} : memref<64x128xf32, #tpu.memory_space<vmem>>, vector<1x16xf32>,
        %get3A_111 = vector.shape_cast %get3A_110 : vector<1x16xf32> to vector<16xf32>
        %add3A_112 = arith.addf %get3A_107, %get3A_111 : vector<16xf32>
        %max3A_113 = arith.constant 0.000000e+00 : f32
        %max3A_114 = vector.broadcast %max3A_113 : f32 to vector<16xf32>
        %max3A_115 = arith.maximumf %add3A_112, %max3A_114 : vector<16xf32>
        %swap3A_116 = arith.index_cast %scan3A_89 : i32 to index
        %swap3A_117 = arith.constant 16 : index
        %swap3A_118 = tpu.vector_load %arg11[%swap3A_116, %swap3A_117] {strides = array<i32>} : memref<64x128xf32, #tpu.memory_space<vmem>>, vector<1x16xf32>,
        %swap3A_119 = vector.shape_cast %swap3A_118 : vector<1x16xf32> to vector<16xf32>
        %swap3A_120 = vector.shape_cast %max3A_115 : vector<16xf32> to vector<1x16xf32>
        tpu.vector_store %arg11[%swap3A_116, %swap3A_117], %swap3A_120 {strides = array<i32>} : memref<64x128xf32, #tpu.memory_space<vmem>>, vector<1x16xf32>,
        %get3A_121 = arith.index_cast %scan3A_89 : i32 to index
        %get3A_122 = arith.constant 32 : index
        %get3A_123 = tpu.vector_load %arg9[%get3A_121, %get3A_122] {strides = array<i32>} : memref<64x128xf32, #tpu.memory_space<vmem>>, vector<1x16xf32>,
        %get3A_124 = vector.shape_cast %get3A_123 : vector<1x16xf32> to vector<16xf32>
        %get3A_125 = arith.index_cast %scan3A_89 : i32 to index
        %get3A_126 = arith.constant 32 : index
        %get3A_127 = tpu.vector_load %arg10[%get3A_125, %get3A_126] {strides = array<i32>} : memref<64x128xf32, #tpu.memory_space<vmem>>, vector<1x16xf32>,
        %get3A_128 = vector.shape_cast %get3A_127 : vector<1x16xf32> to vector<16xf32>
        %add3A_129 = arith.addf %get3A_124, %get3A_128 : vector<16xf32>
        %max3A_130 = arith.constant 0.000000e+00 : f32
        %max3A_131 = vector.broadcast %max3A_130 : f32 to vector<16xf32>
        %max3A_132 = arith.maximumf %add3A_129, %max3A_131 : vector<16xf32>
        %swap3A_133 = arith.index_cast %scan3A_89 : i32 to index
        %swap3A_134 = arith.constant 32 : index
        %swap3A_135 = tpu.vector_load %arg11[%swap3A_133, %swap3A_134] {strides = array<i32>} : memref<64x128xf32, #tpu.memory_space<vmem>>, vector<1x16xf32>,
        %swap3A_136 = vector.shape_cast %swap3A_135 : vector<1x16xf32> to vector<16xf32>
        %swap3A_137 = vector.shape_cast %max3A_132 : vector<16xf32> to vector<1x16xf32>
        tpu.vector_store %arg11[%swap3A_133, %swap3A_134], %swap3A_137 {strides = array<i32>} : memref<64x128xf32, #tpu.memory_space<vmem>>, vector<1x16xf32>,
        %get3A_138 = arith.index_cast %scan3A_89 : i32 to index
        %get3A_139 = arith.constant 48 : index
        %get3A_140 = tpu.vector_load %arg9[%get3A_138, %get3A_139] {strides = array<i32>} : memref<64x128xf32, #tpu.memory_space<vmem>>, vector<1x16xf32>,
        %get3A_141 = vector.shape_cast %get3A_140 : vector<1x16xf32> to vector<16xf32>
        %get3A_142 = arith.index_cast %scan3A_89 : i32 to index
        %get3A_143 = arith.constant 48 : index
        %get3A_144 = tpu.vector_load %arg10[%get3A_142, %get3A_143] {strides = array<i32>} : memref<64x128xf32, #tpu.memory_space<vmem>>, vector<1x16xf32>,
        %get3A_145 = vector.shape_cast %get3A_144 : vector<1x16xf32> to vector<16xf32>
        %add3A_146 = arith.addf %get3A_141, %get3A_145 : vector<16xf32>
        %max3A_147 = arith.constant 0.000000e+00 : f32
        %max3A_148 = vector.broadcast %max3A_147 : f32 to vector<16xf32>
        %max3A_149 = arith.maximumf %add3A_146, %max3A_148 : vector<16xf32>
        %swap3A_150 = arith.index_cast %scan3A_89 : i32 to index
        %swap3A_151 = arith.constant 48 : index
        %swap3A_152 = tpu.vector_load %arg11[%swap3A_150, %swap3A_151] {strides = array<i32>} : memref<64x128xf32, #tpu.memory_space<vmem>>, vector<1x16xf32>,
        %swap3A_153 = vector.shape_cast %swap3A_152 : vector<1x16xf32> to vector<16xf32>
        %swap3A_154 = vector.shape_cast %max3A_149 : vector<16xf32> to vector<1x16xf32>
        tpu.vector_store %arg11[%swap3A_150, %swap3A_151], %swap3A_154 {strides = array<i32>} : memref<64x128xf32, #tpu.memory_space<vmem>>, vector<1x16xf32>,
        %get3A_155 = arith.index_cast %scan3A_89 : i32 to index
        %get3A_156 = arith.constant 64 : index
        %get3A_157 = tpu.vector_load %arg9[%get3A_155, %get3A_156] {strides = array<i32>} : memref<64x128xf32, #tpu.memory_space<vmem>>, vector<1x16xf32>,
        %get3A_158 = vector.shape_cast %get3A_157 : vector<1x16xf32> to vector<16xf32>
        %get3A_159 = arith.index_cast %scan3A_89 : i32 to index
        %get3A_160 = arith.constant 64 : index
        %get3A_161 = tpu.vector_load %arg10[%get3A_159, %get3A_160] {strides = array<i32>} : memref<64x128xf32, #tpu.memory_space<vmem>>, vector<1x16xf32>,
        %get3A_162 = vector.shape_cast %get3A_161 : vector<1x16xf32> to vector<16xf32>
        %add3A_163 = arith.addf %get3A_158, %get3A_162 : vector<16xf32>
        %max3A_164 = arith.constant 0.000000e+00 : f32
        %max3A_165 = vector.broadcast %max3A_164 : f32 to vector<16xf32>
        %max3A_166 = arith.maximumf %add3A_163, %max3A_165 : vector<16xf32>
        %swap3A_167 = arith.index_cast %scan3A_89 : i32 to index
        %swap3A_168 = arith.constant 64 : index
        %swap3A_169 = tpu.vector_load %arg11[%swap3A_167, %swap3A_168] {strides = array<i32>} : memref<64x128xf32, #tpu.memory_space<vmem>>, vector<1x16xf32>,
        %swap3A_170 = vector.shape_cast %swap3A_169 : vector<1x16xf32> to vector<16xf32>
        %swap3A_171 = vector.shape_cast %max3A_166 : vector<16xf32> to vector<1x16xf32>
        tpu.vector_store %arg11[%swap3A_167, %swap3A_168], %swap3A_171 {strides = array<i32>} : memref<64x128xf32, #tpu.memory_space<vmem>>, vector<1x16xf32>,
        %get3A_172 = arith.index_cast %scan3A_89 : i32 to index
        %get3A_173 = arith.constant 80 : index
        %get3A_174 = tpu.vector_load %arg9[%get3A_172, %get3A_173] {strides = array<i32>} : memref<64x128xf32, #tpu.memory_space<vmem>>, vector<1x16xf32>,
        %get3A_175 = vector.shape_cast %get3A_174 : vector<1x16xf32> to vector<16xf32>
        %get3A_176 = arith.index_cast %scan3A_89 : i32 to index
        %get3A_177 = arith.constant 80 : index
        %get3A_178 = tpu.vector_load %arg10[%get3A_176, %get3A_177] {strides = array<i32>} : memref<64x128xf32, #tpu.memory_space<vmem>>, vector<1x16xf32>,
        %get3A_179 = vector.shape_cast %get3A_178 : vector<1x16xf32> to vector<16xf32>
        %add3A_180 = arith.addf %get3A_175, %get3A_179 : vector<16xf32>
        %max3A_181 = arith.constant 0.000000e+00 : f32
        %max3A_182 = vector.broadcast %max3A_181 : f32 to vector<16xf32>
        %max3A_183 = arith.maximumf %add3A_180, %max3A_182 : vector<16xf32>
        %swap3A_184 = arith.index_cast %scan3A_89 : i32 to index
        %swap3A_185 = arith.constant 80 : index
        %swap3A_186 = tpu.vector_load %arg11[%swap3A_184, %swap3A_185] {strides = array<i32>} : memref<64x128xf32, #tpu.memory_space<vmem>>, vector<1x16xf32>,
        %swap3A_187 = vector.shape_cast %swap3A_186 : vector<1x16xf32> to vector<16xf32>
        %swap3A_188 = vector.shape_cast %max3A_183 : vector<16xf32> to vector<1x16xf32>
        tpu.vector_store %arg11[%swap3A_184, %swap3A_185], %swap3A_188 {strides = array<i32>} : memref<64x128xf32, #tpu.memory_space<vmem>>, vector<1x16xf32>,
        %get3A_189 = arith.index_cast %scan3A_89 : i32 to index
        %get3A_190 = arith.constant 96 : index
        %get3A_191 = tpu.vector_load %arg9[%get3A_189, %get3A_190] {strides = array<i32>} : memref<64x128xf32, #tpu.memory_space<vmem>>, vector<1x16xf32>,
        %get3A_192 = vector.shape_cast %get3A_191 : vector<1x16xf32> to vector<16xf32>
        %get3A_193 = arith.index_cast %scan3A_89 : i32 to index
        %get3A_194 = arith.constant 96 : index
        %get3A_195 = tpu.vector_load %arg10[%get3A_193, %get3A_194] {strides = array<i32>} : memref<64x128xf32, #tpu.memory_space<vmem>>, vector<1x16xf32>,
        %get3A_196 = vector.shape_cast %get3A_195 : vector<1x16xf32> to vector<16xf32>
        %add3A_197 = arith.addf %get3A_192, %get3A_196 : vector<16xf32>
        %max3A_198 = arith.constant 0.000000e+00 : f32
        %max3A_199 = vector.broadcast %max3A_198 : f32 to vector<16xf32>
        %max3A_200 = arith.maximumf %add3A_197, %max3A_199 : vector<16xf32>
        %swap3A_201 = arith.index_cast %scan3A_89 : i32 to index
        %swap3A_202 = arith.constant 96 : index
        %swap3A_203 = tpu.vector_load %arg11[%swap3A_201, %swap3A_202] {strides = array<i32>} : memref<64x128xf32, #tpu.memory_space<vmem>>, vector<1x16xf32>,
        %swap3A_204 = vector.shape_cast %swap3A_203 : vector<1x16xf32> to vector<16xf32>
        %swap3A_205 = vector.shape_cast %max3A_200 : vector<16xf32> to vector<1x16xf32>
        tpu.vector_store %arg11[%swap3A_201, %swap3A_202], %swap3A_205 {strides = array<i32>} : memref<64x128xf32, #tpu.memory_space<vmem>>, vector<1x16xf32>,
        %get3A_206 = arith.index_cast %scan3A_89 : i32 to index
        %get3A_207 = arith.constant 112 : index
        %get3A_208 = tpu.vector_load %arg9[%get3A_206, %get3A_207] {strides = array<i32>} : memref<64x128xf32, #tpu.memory_space<vmem>>, vector<1x16xf32>,
        %get3A_209 = vector.shape_cast %get3A_208 : vector<1x16xf32> to vector<16xf32>
        %get3A_210 = arith.index_cast %scan3A_89 : i32 to index
        %get3A_211 = arith.constant 112 : index
        %get3A_212 = tpu.vector_load %arg10[%get3A_210, %get3A_211] {strides = array<i32>} : memref<64x128xf32, #tpu.memory_space<vmem>>, vector<1x16xf32>,
        %get3A_213 = vector.shape_cast %get3A_212 : vector<1x16xf32> to vector<16xf32>
        %add3A_214 = arith.addf %get3A_209, %get3A_213 : vector<16xf32>
        %max3A_215 = arith.constant 0.000000e+00 : f32
        %max3A_216 = vector.broadcast %max3A_215 : f32 to vector<16xf32>
        %max3A_217 = arith.maximumf %add3A_214, %max3A_216 : vector<16xf32>
        %swap3A_218 = arith.index_cast %scan3A_89 : i32 to index
        %swap3A_219 = arith.constant 112 : index
        %swap3A_220 = tpu.vector_load %arg11[%swap3A_218, %swap3A_219] {strides = array<i32>} : memref<64x128xf32, #tpu.memory_space<vmem>>, vector<1x16xf32>,
        %swap3A_221 = vector.shape_cast %swap3A_220 : vector<1x16xf32> to vector<16xf32>
        %swap3A_222 = vector.shape_cast %max3A_217 : vector<16xf32> to vector<1x16xf32>
        tpu.vector_store %arg11[%swap3A_218, %swap3A_219], %swap3A_222 {strides = array<i32>} : memref<64x128xf32, #tpu.memory_space<vmem>>, vector<1x16xf32>,
      }
      %scan3A_82 = arith.constant 64 : i32
      %scan3A_83 = arith.constant 0 : i32
      %scan3A_84 = arith.constant 0 : i32
      %scan3A_85 = arith.constant 4 : i32
      %scan3A_86 = arith.addi %scan3A_84, %scan3A_85 : i32
      %scan3A_87 = arith.constant 1 : i32
      scf.for %scan3A_89 = %scan3A_84 to %scan3A_86 step %scan3A_87  : i32 {
        %mul3A_90 = arith.constant 16 : i32
        %mul3A_91 = arith.muli %scan3A_89, %mul3A_90 : i32
        %get3A = arith.index_cast %mul3A_91 : i32 to index
        %get3A_92 = tpu.vector_load %arg8[%get3A] {strides = array<i32>} : memref<64xi32, #tpu.memory_space<vmem>>, vector<16xi32>,
        %get3A_93 = vector.shape_cast %get3A_92 : vector<16xi32> to vector<16xi32>
        %sub3A = vector.broadcast %mul3A_50 : i32 to vector<16xi32>
        %sub3A_94 = arith.subi %get3A_93, %sub3A : vector<16xi32>
        %ge3A = arith.constant 0 : i32
        %ge3A_95 = vector.broadcast %ge3A : i32 to vector<16xi32>
        %ge3A_96 = arith.cmpi sge, %sub3A_94, %ge3A_95 : vector<16xi32>
        %lt3A_97 = arith.constant 5000 : i32
        %lt3A_98 = vector.broadcast %lt3A_97 : i32 to vector<16xi32>
        %lt3A_99 = arith.cmpi slt, %sub3A_94, %lt3A_98 : vector<16xi32>
        %and3A = arith.andi %ge3A_96, %lt3A_99 : vector<16xi1>
        %jit3A_100 = arith.constant 5119 : i32
        %broadcast_in_dim3A = vector.broadcast %jit3A_100 : i32 to vector<16xi32>
        %select_n3A_101 = arith.select %and3A, %sub3A_94, %broadcast_in_dim3A : vector<16xi1>, vector<16xi32>
        %mul3A_102 = arith.constant 16 : i32
        %mul3A_103 = arith.muli %scan3A_89, %mul3A_102 : i32
        %swap3A = arith.index_cast %mul3A_103 : i32 to index
        %swap3A_104 = tpu.vector_load %arg8[%swap3A] {strides = array<i32>} : memref<64xi32, #tpu.memory_space<vmem>>, vector<16xi32>,
        %swap3A_105 = vector.shape_cast %swap3A_104 : vector<16xi32> to vector<16xi32>
        %swap3A_106 = vector.shape_cast %select_n3A_101 : vector<16xi32> to vector<16xi32>
        tpu.vector_store %arg8[%swap3A], %swap3A_106 {strides = array<i32>} : memref<64xi32, #tpu.memory_space<vmem>>, vector<16xi32>,
      }
      %scan3A_88 = arith.constant 4 : i32
      "tpu.region"() ({
        %run_scoped3A = tpu.sem_alloc : memref<!tpu.dma_semaphore, #tpu.memory_space<semaphore_mem>>
        %dma_start3A_89 = arith.constant 0 : i32
        %dma_start3A_90 = arith.constant 0 : i32
        %dma_start3A_91 = tpu.memref_slice %arg13[%dma_start3A_89, %dma_start3A_90] : memref<5120x128xf32, #tpu.memory_space<vmem_shared>> -> memref<5120x128xf32, #tpu.memory_space<vmem_shared>>
        tpu.enqueue_indirect_dma source(%arg11 : memref<64x128xf32, #tpu.memory_space<vmem>>) target(%dma_start3A_91 : memref<5120x128xf32, #tpu.memory_space<vmem_shared>>) offsets(%arg8 : memref<64xi32, #tpu.memory_space<vmem>>) semaphore(%run_scoped3A : memref<!tpu.dma_semaphore, #tpu.memory_space<semaphore_mem>>) {add = true}
        %dma_wait3A_92 = arith.constant 0 : i32
        %dma_wait3A_93 = arith.constant 0 : i32
        %dma_wait3A_94 = tpu.memref_slice %arg13[%dma_wait3A_92, %dma_wait3A_93] : memref<5120x128xf32, #tpu.memory_space<vmem_shared>> -> memref<5120x128xf32, #tpu.memory_space<vmem_shared>>
        tpu.wait_indirect_dma semaphore(%run_scoped3A : memref<!tpu.dma_semaphore, #tpu.memory_space<semaphore_mem>>) src(%arg11 : memref<64x128xf32, #tpu.memory_space<vmem>>) dst(%dma_wait3A_94 : memref<5120x128xf32, #tpu.memory_space<vmem_shared>>)
        tpu.yield
      }) : () -> ()
    }
    %barrier3A_60 = arith.constant 0 : index
    tpu.barrier barrier_id(%barrier3A_60)
    %scan3A_61 = arith.constant 0 : i32
    %scan3A_62 = arith.constant 0 : i32
    %scan3A_63 = arith.constant 20 : i32
    %scan3A_64 = arith.addi %scan3A_62, %scan3A_63 : i32
    %scan3A_65 = arith.constant 1 : i32
    scf.for %scan3A_67 = %scan3A_62 to %scan3A_64 step %scan3A_65  : i32 {
      %mul3A_68 = arith.constant 16 : i32
      %mul3A_69 = arith.muli %scan3A_67, %mul3A_68 : i32
      %add3A_70 = arith.addi %mul3A_5, %mul3A_69 : i32
      "tpu.region"() ({
        %run_scoped3A = tpu.sem_alloc : memref<!tpu.dma_semaphore, #tpu.memory_space<semaphore_mem>>
        %dma_start3A = arith.constant 0 : i32
        %dma_start3A_74 = tpu.memref_slice %arg13[%add3A_70, %dma_start3A] : memref<5120x128xf32, #tpu.memory_space<vmem_shared>> -> memref<16x128xf32, #tpu.memory_space<vmem_shared>>
        %dma_start3A_75 = arith.constant 0 : i32
        %dma_start3A_76 = tpu.memref_slice %arg13[%add3A_70, %dma_start3A_75] : memref<5120x128xf32, #tpu.memory_space<vmem_shared>> -> memref<16x128xf32, #tpu.memory_space<vmem_shared>>
        tpu.enqueue_dma source(%dma_start3A_76 : memref<16x128xf32, #tpu.memory_space<vmem_shared>>) target(%arg12 : memref<16x128xf32, #tpu.memory_space<vmem>>) target_semaphore(%run_scoped3A : memref<!tpu.dma_semaphore, #tpu.memory_space<semaphore_mem>>)
        %dma_wait3A = arith.constant 0 : i32
        %dma_wait3A_77 = tpu.memref_slice %arg13[%add3A_70, %dma_wait3A] : memref<5120x128xf32, #tpu.memory_space<vmem_shared>> -> memref<16x128xf32, #tpu.memory_space<vmem_shared>>
        %dma_wait3A_78 = arith.constant 0 : i32
        %dma_wait3A_79 = tpu.memref_slice %arg13[%add3A_70, %dma_wait3A_78] : memref<5120x128xf32, #tpu.memory_space<vmem_shared>> -> memref<16x128xf32, #tpu.memory_space<vmem_shared>>
        tpu.wait_dma2 semaphore(%run_scoped3A : memref<!tpu.dma_semaphore, #tpu.memory_space<semaphore_mem>>) src(%dma_wait3A_79 : memref<16x128xf32, #tpu.memory_space<vmem_shared>>) dst(%arg12 : memref<16x128xf32, #tpu.memory_space<vmem>>)
        tpu.yield
      }) : () -> ()
      %mul3A_71 = arith.constant 5120 : i32
      %mul3A_72 = arith.muli %arg0, %mul3A_71 : i32
      %add3A_73 = arith.addi %mul3A_72, %add3A_70 : i32
      "tpu.region"() ({
        %run_scoped3A = tpu.sem_alloc : memref<!tpu.dma_semaphore, #tpu.memory_space<semaphore_mem>>
        %dma_start3A = arith.constant 0 : i32
        %dma_start3A_74 = tpu.memref_slice %arg6[%add3A_73, %dma_start3A] : memref<10240x128xf32, #tpu.memory_space<hbm>> -> memref<16x128xf32, #tpu.memory_space<hbm>>
        %dma_start3A_75 = arith.constant 0 : i32
        %dma_start3A_76 = tpu.memref_slice %arg6[%add3A_73, %dma_start3A_75] : memref<10240x128xf32, #tpu.memory_space<hbm>> -> memref<16x128xf32, #tpu.memory_space<hbm>>
        tpu.enqueue_dma source(%arg12 : memref<16x128xf32, #tpu.memory_space<vmem>>) target(%dma_start3A_76 : memref<16x128xf32, #tpu.memory_space<hbm>>) target_semaphore(%run_scoped3A : memref<!tpu.dma_semaphore, #tpu.memory_space<semaphore_mem>>)
        %dma_wait3A = arith.constant 0 : i32
        %dma_wait3A_77 = tpu.memref_slice %arg6[%add3A_73, %dma_wait3A] : memref<10240x128xf32, #tpu.memory_space<hbm>> -> memref<16x128xf32, #tpu.memory_space<hbm>>
        %dma_wait3A_78 = arith.constant 0 : i32
        %dma_wait3A_79 = tpu.memref_slice %arg6[%add3A_73, %dma_wait3A_78] : memref<10240x128xf32, #tpu.memory_space<hbm>> -> memref<16x128xf32, #tpu.memory_space<hbm>>
        tpu.wait_dma2 semaphore(%run_scoped3A : memref<!tpu.dma_semaphore, #tpu.memory_space<semaphore_mem>>) src(%arg12 : memref<16x128xf32, #tpu.memory_space<vmem>>) dst(%dma_wait3A_79 : memref<16x128xf32, #tpu.memory_space<hbm>>)
        tpu.yield
      }) : () -> ()
    }
    %scan3A_66 = arith.constant 20 : i32
    return
  }
}

#map = affine_map<(d0, d1) -> (0, 0)>
#map1 = affine_map<(d0, d1) -> (0)>
module attributes {stable_mosaic.version = 14 : i64} {
  func.func @_sc_agg(%arg0: i32, %arg1: i32, %arg2: memref<10000x128xf32, #tpu.memory_space<hbm>>, %arg3: memref<320000x128xf32, #tpu.memory_space<hbm>>, %arg4: memref<320000xi32, #tpu.memory_space<hbm>>, %arg5: memref<320000xi32, #tpu.memory_space<hbm>>, %arg6: memref<10240x128xf32, #tpu.memory_space<hbm>>, %arg7: memref<64xi32, #tpu.memory_space<vmem>>, %arg8: memref<64xi32, #tpu.memory_space<vmem>>, %arg9: memref<64x128xf32, #tpu.memory_space<vmem>>, %arg10: memref<64x128xf32, #tpu.memory_space<vmem>>, %arg11: memref<64x128xf32, #tpu.memory_space<vmem>>, %arg12: memref<16x128xf32, #tpu.memory_space<vmem>>, %arg13: memref<5120x128xf32, #tpu.memory_space<vmem_shared>>, %arg14: memref<!tpu.dma_semaphore, #tpu.memory_space<semaphore_mem>>) attributes {dimension_semantics = [#tpu.dimension_semantics<core_parallel>, #tpu.dimension_semantics<subcore_parallel>], iteration_bounds = array<i64: 2, 16>, scalar_prefetch = 0 : i64, scratch_operands = 8 : i64, tpu.core_type = #tpu.core_type<sc_vector_subcore>, window_params = [{transform_indices = #map}, {transform_indices = #map}, {transform_indices = #map1}, {transform_indices = #map1}, {transform_indices = #map}]} {
    %scan3A = arith.constant 0 : i32
    %scan3A_0 = arith.constant 0 : i32
    %scan3A_1 = arith.constant 16 : i32
    %scan3A_2 = arith.addi %scan3A_0, %scan3A_1 : i32
    %scan3A_3 = arith.constant 1 : i32
    scf.for %scan3A_67 = %scan3A_0 to %scan3A_2 step %scan3A_3  : i32 {
      %broadcast_in_dim3A = arith.constant 0.000000e+00 : f32
      %broadcast_in_dim3A_68 = vector.broadcast %broadcast_in_dim3A : f32 to vector<16xf32>
      %swap3A = arith.index_cast %scan3A_67 : i32 to index
      %swap3A_69 = arith.constant 0 : index
      %swap3A_70 = tpu.vector_load %arg12[%swap3A, %swap3A_69] {strides = array<i32>} : memref<16x128xf32, #tpu.memory_space<vmem>>, vector<1x16xf32>,
      %swap3A_71 = vector.shape_cast %swap3A_70 : vector<1x16xf32> to vector<16xf32>
      %swap3A_72 = vector.shape_cast %broadcast_in_dim3A_68 : vector<16xf32> to vector<1x16xf32>
      tpu.vector_store %arg12[%swap3A, %swap3A_69], %swap3A_72 {strides = array<i32>} : memref<16x128xf32, #tpu.memory_space<vmem>>, vector<1x16xf32>,
      %broadcast_in_dim3A_73 = arith.constant 0.000000e+00 : f32
      %broadcast_in_dim3A_74 = vector.broadcast %broadcast_in_dim3A_73 : f32 to vector<16xf32>
      %swap3A_75 = arith.index_cast %scan3A_67 : i32 to index
      %swap3A_76 = arith.constant 16 : index
      %swap3A_77 = tpu.vector_load %arg12[%swap3A_75, %swap3A_76] {strides = array<i32>} : memref<16x128xf32, #tpu.memory_space<vmem>>, vector<1x16xf32>,
      %swap3A_78 = vector.shape_cast %swap3A_77 : vector<1x16xf32> to vector<16xf32>
      %swap3A_79 = vector.shape_cast %broadcast_in_dim3A_74 : vector<16xf32> to vector<1x16xf32>
      tpu.vector_store %arg12[%swap3A_75, %swap3A_76], %swap3A_79 {strides = array<i32>} : memref<16x128xf32, #tpu.memory_space<vmem>>, vector<1x16xf32>,
      %broadcast_in_dim3A_80 = arith.constant 0.000000e+00 : f32
      %broadcast_in_dim3A_81 = vector.broadcast %broadcast_in_dim3A_80 : f32 to vector<16xf32>
      %swap3A_82 = arith.index_cast %scan3A_67 : i32 to index
      %swap3A_83 = arith.constant 32 : index
      %swap3A_84 = tpu.vector_load %arg12[%swap3A_82, %swap3A_83] {strides = array<i32>} : memref<16x128xf32, #tpu.memory_space<vmem>>, vector<1x16xf32>,
      %swap3A_85 = vector.shape_cast %swap3A_84 : vector<1x16xf32> to vector<16xf32>
      %swap3A_86 = vector.shape_cast %broadcast_in_dim3A_81 : vector<16xf32> to vector<1x16xf32>
      tpu.vector_store %arg12[%swap3A_82, %swap3A_83], %swap3A_86 {strides = array<i32>} : memref<16x128xf32, #tpu.memory_space<vmem>>, vector<1x16xf32>,
      %broadcast_in_dim3A_87 = arith.constant 0.000000e+00 : f32
      %broadcast_in_dim3A_88 = vector.broadcast %broadcast_in_dim3A_87 : f32 to vector<16xf32>
      %swap3A_89 = arith.index_cast %scan3A_67 : i32 to index
      %swap3A_90 = arith.constant 48 : index
      %swap3A_91 = tpu.vector_load %arg12[%swap3A_89, %swap3A_90] {strides = array<i32>} : memref<16x128xf32, #tpu.memory_space<vmem>>, vector<1x16xf32>,
      %swap3A_92 = vector.shape_cast %swap3A_91 : vector<1x16xf32> to vector<16xf32>
      %swap3A_93 = vector.shape_cast %broadcast_in_dim3A_88 : vector<16xf32> to vector<1x16xf32>
      tpu.vector_store %arg12[%swap3A_89, %swap3A_90], %swap3A_93 {strides = array<i32>} : memref<16x128xf32, #tpu.memory_space<vmem>>, vector<1x16xf32>,
      %broadcast_in_dim3A_94 = arith.constant 0.000000e+00 : f32
      %broadcast_in_dim3A_95 = vector.broadcast %broadcast_in_dim3A_94 : f32 to vector<16xf32>
      %swap3A_96 = arith.index_cast %scan3A_67 : i32 to index
      %swap3A_97 = arith.constant 64 : index
      %swap3A_98 = tpu.vector_load %arg12[%swap3A_96, %swap3A_97] {strides = array<i32>} : memref<16x128xf32, #tpu.memory_space<vmem>>, vector<1x16xf32>,
      %swap3A_99 = vector.shape_cast %swap3A_98 : vector<1x16xf32> to vector<16xf32>
      %swap3A_100 = vector.shape_cast %broadcast_in_dim3A_95 : vector<16xf32> to vector<1x16xf32>
      tpu.vector_store %arg12[%swap3A_96, %swap3A_97], %swap3A_100 {strides = array<i32>} : memref<16x128xf32, #tpu.memory_space<vmem>>, vector<1x16xf32>,
      %broadcast_in_dim3A_101 = arith.constant 0.000000e+00 : f32
      %broadcast_in_dim3A_102 = vector.broadcast %broadcast_in_dim3A_101 : f32 to vector<16xf32>
      %swap3A_103 = arith.index_cast %scan3A_67 : i32 to index
      %swap3A_104 = arith.constant 80 : index
      %swap3A_105 = tpu.vector_load %arg12[%swap3A_103, %swap3A_104] {strides = array<i32>} : memref<16x128xf32, #tpu.memory_space<vmem>>, vector<1x16xf32>,
      %swap3A_106 = vector.shape_cast %swap3A_105 : vector<1x16xf32> to vector<16xf32>
      %swap3A_107 = vector.shape_cast %broadcast_in_dim3A_102 : vector<16xf32> to vector<1x16xf32>
      tpu.vector_store %arg12[%swap3A_103, %swap3A_104], %swap3A_107 {strides = array<i32>} : memref<16x128xf32, #tpu.memory_space<vmem>>, vector<1x16xf32>,
      %broadcast_in_dim3A_108 = arith.constant 0.000000e+00 : f32
      %broadcast_in_dim3A_109 = vector.broadcast %broadcast_in_dim3A_108 : f32 to vector<16xf32>
      %swap3A_110 = arith.index_cast %scan3A_67 : i32 to index
      %swap3A_111 = arith.constant 96 : index
      %swap3A_112 = tpu.vector_load %arg12[%swap3A_110, %swap3A_111] {strides = array<i32>} : memref<16x128xf32, #tpu.memory_space<vmem>>, vector<1x16xf32>,
      %swap3A_113 = vector.shape_cast %swap3A_112 : vector<1x16xf32> to vector<16xf32>
      %swap3A_114 = vector.shape_cast %broadcast_in_dim3A_109 : vector<16xf32> to vector<1x16xf32>
      tpu.vector_store %arg12[%swap3A_110, %swap3A_111], %swap3A_114 {strides = array<i32>} : memref<16x128xf32, #tpu.memory_space<vmem>>, vector<1x16xf32>,
      %broadcast_in_dim3A_115 = arith.constant 0.000000e+00 : f32
      %broadcast_in_dim3A_116 = vector.broadcast %broadcast_in_dim3A_115 : f32 to vector<16xf32>
      %swap3A_117 = arith.index_cast %scan3A_67 : i32 to index
      %swap3A_118 = arith.constant 112 : index
      %swap3A_119 = tpu.vector_load %arg12[%swap3A_117, %swap3A_118] {strides = array<i32>} : memref<16x128xf32, #tpu.memory_space<vmem>>, vector<1x16xf32>,
      %swap3A_120 = vector.shape_cast %swap3A_119 : vector<1x16xf32> to vector<16xf32>
      %swap3A_121 = vector.shape_cast %broadcast_in_dim3A_116 : vector<16xf32> to vector<1x16xf32>
      tpu.vector_store %arg12[%swap3A_117, %swap3A_118], %swap3A_121 {strides = array<i32>} : memref<16x128xf32, #tpu.memory_space<vmem>>, vector<1x16xf32>,
    }
    %scan3A_4 = arith.constant 16 : i32
    %mul3A = arith.constant 320 : i32
    %mul3A_5 = arith.muli %arg1, %mul3A : i32
    %add3A = arith.constant 0 : i32
    %add3A_6 = arith.addi %mul3A_5, %add3A : i32
    "tpu.region"() ({
      %run_scoped3A = tpu.sem_alloc : memref<!tpu.dma_semaphore, #tpu.memory_space<semaphore_mem>>
      %dma_start3A = arith.constant 0 : i32
      %dma_start3A_67 = tpu.memref_slice %arg13[%add3A_6, %dma_start3A] : memref<5120x128xf32, #tpu.memory_space<vmem_shared>> -> memref<16x128xf32, #tpu.memory_space<vmem_shared>>
      %dma_start3A_68 = arith.constant 0 : i32
      %dma_start3A_69 = tpu.memref_slice %arg13[%add3A_6, %dma_start3A_68] : memref<5120x128xf32, #tpu.memory_space<vmem_shared>> -> memref<16x128xf32, #tpu.memory_space<vmem_shared>>
      tpu.enqueue_dma source(%arg12 : memref<16x128xf32, #tpu.memory_space<vmem>>) target(%dma_start3A_69 : memref<16x128xf32, #tpu.memory_space<vmem_shared>>) target_semaphore(%run_scoped3A : memref<!tpu.dma_semaphore, #tpu.memory_space<semaphore_mem>>)
      %dma_wait3A = arith.constant 0 : i32
      %dma_wait3A_70 = tpu.memref_slice %arg13[%add3A_6, %dma_wait3A] : memref<5120x128xf32, #tpu.memory_space<vmem_shared>> -> memref<16x128xf32, #tpu.memory_space<vmem_shared>>
      %dma_wait3A_71 = arith.constant 0 : i32
      %dma_wait3A_72 = tpu.memref_slice %arg13[%add3A_6, %dma_wait3A_71] : memref<5120x128xf32, #tpu.memory_space<vmem_shared>> -> memref<16x128xf32, #tpu.memory_space<vmem_shared>>
      tpu.wait_dma2 semaphore(%run_scoped3A : memref<!tpu.dma_semaphore, #tpu.memory_space<semaphore_mem>>) src(%arg12 : memref<16x128xf32, #tpu.memory_space<vmem>>) dst(%dma_wait3A_72 : memref<16x128xf32, #tpu.memory_space<vmem_shared>>)
      tpu.yield
    }) : () -> ()
    %add3A_7 = arith.constant 16 : i32
    %add3A_8 = arith.addi %mul3A_5, %add3A_7 : i32
    "tpu.region"() ({
      %run_scoped3A = tpu.sem_alloc : memref<!tpu.dma_semaphore, #tpu.memory_space<semaphore_mem>>
      %dma_start3A = arith.constant 0 : i32
      %dma_start3A_67 = tpu.memref_slice %arg13[%add3A_8, %dma_start3A] : memref<5120x128xf32, #tpu.memory_space<vmem_shared>> -> memref<16x128xf32, #tpu.memory_space<vmem_shared>>
      %dma_start3A_68 = arith.constant 0 : i32
      %dma_start3A_69 = tpu.memref_slice %arg13[%add3A_8, %dma_start3A_68] : memref<5120x128xf32, #tpu.memory_space<vmem_shared>> -> memref<16x128xf32, #tpu.memory_space<vmem_shared>>
      tpu.enqueue_dma source(%arg12 : memref<16x128xf32, #tpu.memory_space<vmem>>) target(%dma_start3A_69 : memref<16x128xf32, #tpu.memory_space<vmem_shared>>) target_semaphore(%run_scoped3A : memref<!tpu.dma_semaphore, #tpu.memory_space<semaphore_mem>>)
      %dma_wait3A = arith.constant 0 : i32
      %dma_wait3A_70 = tpu.memref_slice %arg13[%add3A_8, %dma_wait3A] : memref<5120x128xf32, #tpu.memory_space<vmem_shared>> -> memref<16x128xf32, #tpu.memory_space<vmem_shared>>
      %dma_wait3A_71 = arith.constant 0 : i32
      %dma_wait3A_72 = tpu.memref_slice %arg13[%add3A_8, %dma_wait3A_71] : memref<5120x128xf32, #tpu.memory_space<vmem_shared>> -> memref<16x128xf32, #tpu.memory_space<vmem_shared>>
      tpu.wait_dma2 semaphore(%run_scoped3A : memref<!tpu.dma_semaphore, #tpu.memory_space<semaphore_mem>>) src(%arg12 : memref<16x128xf32, #tpu.memory_space<vmem>>) dst(%dma_wait3A_72 : memref<16x128xf32, #tpu.memory_space<vmem_shared>>)
      tpu.yield
    }) : () -> ()
    %add3A_9 = arith.constant 32 : i32
    %add3A_10 = arith.addi %mul3A_5, %add3A_9 : i32
    "tpu.region"() ({
      %run_scoped3A = tpu.sem_alloc : memref<!tpu.dma_semaphore, #tpu.memory_space<semaphore_mem>>
      %dma_start3A = arith.constant 0 : i32
      %dma_start3A_67 = tpu.memref_slice %arg13[%add3A_10, %dma_start3A] : memref<5120x128xf32, #tpu.memory_space<vmem_shared>> -> memref<16x128xf32, #tpu.memory_space<vmem_shared>>
      %dma_start3A_68 = arith.constant 0 : i32
      %dma_start3A_69 = tpu.memref_slice %arg13[%add3A_10, %dma_start3A_68] : memref<5120x128xf32, #tpu.memory_space<vmem_shared>> -> memref<16x128xf32, #tpu.memory_space<vmem_shared>>
      tpu.enqueue_dma source(%arg12 : memref<16x128xf32, #tpu.memory_space<vmem>>) target(%dma_start3A_69 : memref<16x128xf32, #tpu.memory_space<vmem_shared>>) target_semaphore(%run_scoped3A : memref<!tpu.dma_semaphore, #tpu.memory_space<semaphore_mem>>)
      %dma_wait3A = arith.constant 0 : i32
      %dma_wait3A_70 = tpu.memref_slice %arg13[%add3A_10, %dma_wait3A] : memref<5120x128xf32, #tpu.memory_space<vmem_shared>> -> memref<16x128xf32, #tpu.memory_space<vmem_shared>>
      %dma_wait3A_71 = arith.constant 0 : i32
      %dma_wait3A_72 = tpu.memref_slice %arg13[%add3A_10, %dma_wait3A_71] : memref<5120x128xf32, #tpu.memory_space<vmem_shared>> -> memref<16x128xf32, #tpu.memory_space<vmem_shared>>
      tpu.wait_dma2 semaphore(%run_scoped3A : memref<!tpu.dma_semaphore, #tpu.memory_space<semaphore_mem>>) src(%arg12 : memref<16x128xf32, #tpu.memory_space<vmem>>) dst(%dma_wait3A_72 : memref<16x128xf32, #tpu.memory_space<vmem_shared>>)
      tpu.yield
    }) : () -> ()
    %add3A_11 = arith.constant 48 : i32
    %add3A_12 = arith.addi %mul3A_5, %add3A_11 : i32
    "tpu.region"() ({
      %run_scoped3A = tpu.sem_alloc : memref<!tpu.dma_semaphore, #tpu.memory_space<semaphore_mem>>
      %dma_start3A = arith.constant 0 : i32
      %dma_start3A_67 = tpu.memref_slice %arg13[%add3A_12, %dma_start3A] : memref<5120x128xf32, #tpu.memory_space<vmem_shared>> -> memref<16x128xf32, #tpu.memory_space<vmem_shared>>
      %dma_start3A_68 = arith.constant 0 : i32
      %dma_start3A_69 = tpu.memref_slice %arg13[%add3A_12, %dma_start3A_68] : memref<5120x128xf32, #tpu.memory_space<vmem_shared>> -> memref<16x128xf32, #tpu.memory_space<vmem_shared>>
      tpu.enqueue_dma source(%arg12 : memref<16x128xf32, #tpu.memory_space<vmem>>) target(%dma_start3A_69 : memref<16x128xf32, #tpu.memory_space<vmem_shared>>) target_semaphore(%run_scoped3A : memref<!tpu.dma_semaphore, #tpu.memory_space<semaphore_mem>>)
      %dma_wait3A = arith.constant 0 : i32
      %dma_wait3A_70 = tpu.memref_slice %arg13[%add3A_12, %dma_wait3A] : memref<5120x128xf32, #tpu.memory_space<vmem_shared>> -> memref<16x128xf32, #tpu.memory_space<vmem_shared>>
      %dma_wait3A_71 = arith.constant 0 : i32
      %dma_wait3A_72 = tpu.memref_slice %arg13[%add3A_12, %dma_wait3A_71] : memref<5120x128xf32, #tpu.memory_space<vmem_shared>> -> memref<16x128xf32, #tpu.memory_space<vmem_shared>>
      tpu.wait_dma2 semaphore(%run_scoped3A : memref<!tpu.dma_semaphore, #tpu.memory_space<semaphore_mem>>) src(%arg12 : memref<16x128xf32, #tpu.memory_space<vmem>>) dst(%dma_wait3A_72 : memref<16x128xf32, #tpu.memory_space<vmem_shared>>)
      tpu.yield
    }) : () -> ()
    %add3A_13 = arith.constant 64 : i32
    %add3A_14 = arith.addi %mul3A_5, %add3A_13 : i32
    "tpu.region"() ({
      %run_scoped3A = tpu.sem_alloc : memref<!tpu.dma_semaphore, #tpu.memory_space<semaphore_mem>>
      %dma_start3A = arith.constant 0 : i32
      %dma_start3A_67 = tpu.memref_slice %arg13[%add3A_14, %dma_start3A] : memref<5120x128xf32, #tpu.memory_space<vmem_shared>> -> memref<16x128xf32, #tpu.memory_space<vmem_shared>>
      %dma_start3A_68 = arith.constant 0 : i32
      %dma_start3A_69 = tpu.memref_slice %arg13[%add3A_14, %dma_start3A_68] : memref<5120x128xf32, #tpu.memory_space<vmem_shared>> -> memref<16x128xf32, #tpu.memory_space<vmem_shared>>
      tpu.enqueue_dma source(%arg12 : memref<16x128xf32, #tpu.memory_space<vmem>>) target(%dma_start3A_69 : memref<16x128xf32, #tpu.memory_space<vmem_shared>>) target_semaphore(%run_scoped3A : memref<!tpu.dma_semaphore, #tpu.memory_space<semaphore_mem>>)
      %dma_wait3A = arith.constant 0 : i32
      %dma_wait3A_70 = tpu.memref_slice %arg13[%add3A_14, %dma_wait3A] : memref<5120x128xf32, #tpu.memory_space<vmem_shared>> -> memref<16x128xf32, #tpu.memory_space<vmem_shared>>
      %dma_wait3A_71 = arith.constant 0 : i32
      %dma_wait3A_72 = tpu.memref_slice %arg13[%add3A_14, %dma_wait3A_71] : memref<5120x128xf32, #tpu.memory_space<vmem_shared>> -> memref<16x128xf32, #tpu.memory_space<vmem_shared>>
      tpu.wait_dma2 semaphore(%run_scoped3A : memref<!tpu.dma_semaphore, #tpu.memory_space<semaphore_mem>>) src(%arg12 : memref<16x128xf32, #tpu.memory_space<vmem>>) dst(%dma_wait3A_72 : memref<16x128xf32, #tpu.memory_space<vmem_shared>>)
      tpu.yield
    }) : () -> ()
    %add3A_15 = arith.constant 80 : i32
    %add3A_16 = arith.addi %mul3A_5, %add3A_15 : i32
    "tpu.region"() ({
      %run_scoped3A = tpu.sem_alloc : memref<!tpu.dma_semaphore, #tpu.memory_space<semaphore_mem>>
      %dma_start3A = arith.constant 0 : i32
      %dma_start3A_67 = tpu.memref_slice %arg13[%add3A_16, %dma_start3A] : memref<5120x128xf32, #tpu.memory_space<vmem_shared>> -> memref<16x128xf32, #tpu.memory_space<vmem_shared>>
      %dma_start3A_68 = arith.constant 0 : i32
      %dma_start3A_69 = tpu.memref_slice %arg13[%add3A_16, %dma_start3A_68] : memref<5120x128xf32, #tpu.memory_space<vmem_shared>> -> memref<16x128xf32, #tpu.memory_space<vmem_shared>>
      tpu.enqueue_dma source(%arg12 : memref<16x128xf32, #tpu.memory_space<vmem>>) target(%dma_start3A_69 : memref<16x128xf32, #tpu.memory_space<vmem_shared>>) target_semaphore(%run_scoped3A : memref<!tpu.dma_semaphore, #tpu.memory_space<semaphore_mem>>)
      %dma_wait3A = arith.constant 0 : i32
      %dma_wait3A_70 = tpu.memref_slice %arg13[%add3A_16, %dma_wait3A] : memref<5120x128xf32, #tpu.memory_space<vmem_shared>> -> memref<16x128xf32, #tpu.memory_space<vmem_shared>>
      %dma_wait3A_71 = arith.constant 0 : i32
      %dma_wait3A_72 = tpu.memref_slice %arg13[%add3A_16, %dma_wait3A_71] : memref<5120x128xf32, #tpu.memory_space<vmem_shared>> -> memref<16x128xf32, #tpu.memory_space<vmem_shared>>
      tpu.wait_dma2 semaphore(%run_scoped3A : memref<!tpu.dma_semaphore, #tpu.memory_space<semaphore_mem>>) src(%arg12 : memref<16x128xf32, #tpu.memory_space<vmem>>) dst(%dma_wait3A_72 : memref<16x128xf32, #tpu.memory_space<vmem_shared>>)
      tpu.yield
    }) : () -> ()
    %add3A_17 = arith.constant 96 : i32
    %add3A_18 = arith.addi %mul3A_5, %add3A_17 : i32
    "tpu.region"() ({
      %run_scoped3A = tpu.sem_alloc : memref<!tpu.dma_semaphore, #tpu.memory_space<semaphore_mem>>
      %dma_start3A = arith.constant 0 : i32
      %dma_start3A_67 = tpu.memref_slice %arg13[%add3A_18, %dma_start3A] : memref<5120x128xf32, #tpu.memory_space<vmem_shared>> -> memref<16x128xf32, #tpu.memory_space<vmem_shared>>
      %dma_start3A_68 = arith.constant 0 : i32
      %dma_start3A_69 = tpu.memref_slice %arg13[%add3A_18, %dma_start3A_68] : memref<5120x128xf32, #tpu.memory_space<vmem_shared>> -> memref<16x128xf32, #tpu.memory_space<vmem_shared>>
      tpu.enqueue_dma source(%arg12 : memref<16x128xf32, #tpu.memory_space<vmem>>) target(%dma_start3A_69 : memref<16x128xf32, #tpu.memory_space<vmem_shared>>) target_semaphore(%run_scoped3A : memref<!tpu.dma_semaphore, #tpu.memory_space<semaphore_mem>>)
      %dma_wait3A = arith.constant 0 : i32
      %dma_wait3A_70 = tpu.memref_slice %arg13[%add3A_18, %dma_wait3A] : memref<5120x128xf32, #tpu.memory_space<vmem_shared>> -> memref<16x128xf32, #tpu.memory_space<vmem_shared>>
      %dma_wait3A_71 = arith.constant 0 : i32
      %dma_wait3A_72 = tpu.memref_slice %arg13[%add3A_18, %dma_wait3A_71] : memref<5120x128xf32, #tpu.memory_space<vmem_shared>> -> memref<16x128xf32, #tpu.memory_space<vmem_shared>>
      tpu.wait_dma2 semaphore(%run_scoped3A : memref<!tpu.dma_semaphore, #tpu.memory_space<semaphore_mem>>) src(%arg12 : memref<16x128xf32, #tpu.memory_space<vmem>>) dst(%dma_wait3A_72 : memref<16x128xf32, #tpu.memory_space<vmem_shared>>)
      tpu.yield
    }) : () -> ()
    %add3A_19 = arith.constant 112 : i32
    %add3A_20 = arith.addi %mul3A_5, %add3A_19 : i32
    "tpu.region"() ({
      %run_scoped3A = tpu.sem_alloc : memref<!tpu.dma_semaphore, #tpu.memory_space<semaphore_mem>>
      %dma_start3A = arith.constant 0 : i32
      %dma_start3A_67 = tpu.memref_slice %arg13[%add3A_20, %dma_start3A] : memref<5120x128xf32, #tpu.memory_space<vmem_shared>> -> memref<16x128xf32, #tpu.memory_space<vmem_shared>>
      %dma_start3A_68 = arith.constant 0 : i32
      %dma_start3A_69 = tpu.memref_slice %arg13[%add3A_20, %dma_start3A_68] : memref<5120x128xf32, #tpu.memory_space<vmem_shared>> -> memref<16x128xf32, #tpu.memory_space<vmem_shared>>
      tpu.enqueue_dma source(%arg12 : memref<16x128xf32, #tpu.memory_space<vmem>>) target(%dma_start3A_69 : memref<16x128xf32, #tpu.memory_space<vmem_shared>>) target_semaphore(%run_scoped3A : memref<!tpu.dma_semaphore, #tpu.memory_space<semaphore_mem>>)
      %dma_wait3A = arith.constant 0 : i32
      %dma_wait3A_70 = tpu.memref_slice %arg13[%add3A_20, %dma_wait3A] : memref<5120x128xf32, #tpu.memory_space<vmem_shared>> -> memref<16x128xf32, #tpu.memory_space<vmem_shared>>
      %dma_wait3A_71 = arith.constant 0 : i32
      %dma_wait3A_72 = tpu.memref_slice %arg13[%add3A_20, %dma_wait3A_71] : memref<5120x128xf32, #tpu.memory_space<vmem_shared>> -> memref<16x128xf32, #tpu.memory_space<vmem_shared>>
      tpu.wait_dma2 semaphore(%run_scoped3A : memref<!tpu.dma_semaphore, #tpu.memory_space<semaphore_mem>>) src(%arg12 : memref<16x128xf32, #tpu.memory_space<vmem>>) dst(%dma_wait3A_72 : memref<16x128xf32, #tpu.memory_space<vmem_shared>>)
      tpu.yield
    }) : () -> ()
    %add3A_21 = arith.constant 128 : i32
    %add3A_22 = arith.addi %mul3A_5, %add3A_21 : i32
    "tpu.region"() ({
      %run_scoped3A = tpu.sem_alloc : memref<!tpu.dma_semaphore, #tpu.memory_space<semaphore_mem>>
      %dma_start3A = arith.constant 0 : i32
      %dma_start3A_67 = tpu.memref_slice %arg13[%add3A_22, %dma_start3A] : memref<5120x128xf32, #tpu.memory_space<vmem_shared>> -> memref<16x128xf32, #tpu.memory_space<vmem_shared>>
      %dma_start3A_68 = arith.constant 0 : i32
      %dma_start3A_69 = tpu.memref_slice %arg13[%add3A_22, %dma_start3A_68] : memref<5120x128xf32, #tpu.memory_space<vmem_shared>> -> memref<16x128xf32, #tpu.memory_space<vmem_shared>>
      tpu.enqueue_dma source(%arg12 : memref<16x128xf32, #tpu.memory_space<vmem>>) target(%dma_start3A_69 : memref<16x128xf32, #tpu.memory_space<vmem_shared>>) target_semaphore(%run_scoped3A : memref<!tpu.dma_semaphore, #tpu.memory_space<semaphore_mem>>)
      %dma_wait3A = arith.constant 0 : i32
      %dma_wait3A_70 = tpu.memref_slice %arg13[%add3A_22, %dma_wait3A] : memref<5120x128xf32, #tpu.memory_space<vmem_shared>> -> memref<16x128xf32, #tpu.memory_space<vmem_shared>>
      %dma_wait3A_71 = arith.constant 0 : i32
      %dma_wait3A_72 = tpu.memref_slice %arg13[%add3A_22, %dma_wait3A_71] : memref<5120x128xf32, #tpu.memory_space<vmem_shared>> -> memref<16x128xf32, #tpu.memory_space<vmem_shared>>
      tpu.wait_dma2 semaphore(%run_scoped3A : memref<!tpu.dma_semaphore, #tpu.memory_space<semaphore_mem>>) src(%arg12 : memref<16x128xf32, #tpu.memory_space<vmem>>) dst(%dma_wait3A_72 : memref<16x128xf32, #tpu.memory_space<vmem_shared>>)
      tpu.yield
    }) : () -> ()
    %add3A_23 = arith.constant 144 : i32
    %add3A_24 = arith.addi %mul3A_5, %add3A_23 : i32
    "tpu.region"() ({
      %run_scoped3A = tpu.sem_alloc : memref<!tpu.dma_semaphore, #tpu.memory_space<semaphore_mem>>
      %dma_start3A = arith.constant 0 : i32
      %dma_start3A_67 = tpu.memref_slice %arg13[%add3A_24, %dma_start3A] : memref<5120x128xf32, #tpu.memory_space<vmem_shared>> -> memref<16x128xf32, #tpu.memory_space<vmem_shared>>
      %dma_start3A_68 = arith.constant 0 : i32
      %dma_start3A_69 = tpu.memref_slice %arg13[%add3A_24, %dma_start3A_68] : memref<5120x128xf32, #tpu.memory_space<vmem_shared>> -> memref<16x128xf32, #tpu.memory_space<vmem_shared>>
      tpu.enqueue_dma source(%arg12 : memref<16x128xf32, #tpu.memory_space<vmem>>) target(%dma_start3A_69 : memref<16x128xf32, #tpu.memory_space<vmem_shared>>) target_semaphore(%run_scoped3A : memref<!tpu.dma_semaphore, #tpu.memory_space<semaphore_mem>>)
      %dma_wait3A = arith.constant 0 : i32
      %dma_wait3A_70 = tpu.memref_slice %arg13[%add3A_24, %dma_wait3A] : memref<5120x128xf32, #tpu.memory_space<vmem_shared>> -> memref<16x128xf32, #tpu.memory_space<vmem_shared>>
      %dma_wait3A_71 = arith.constant 0 : i32
      %dma_wait3A_72 = tpu.memref_slice %arg13[%add3A_24, %dma_wait3A_71] : memref<5120x128xf32, #tpu.memory_space<vmem_shared>> -> memref<16x128xf32, #tpu.memory_space<vmem_shared>>
      tpu.wait_dma2 semaphore(%run_scoped3A : memref<!tpu.dma_semaphore, #tpu.memory_space<semaphore_mem>>) src(%arg12 : memref<16x128xf32, #tpu.memory_space<vmem>>) dst(%dma_wait3A_72 : memref<16x128xf32, #tpu.memory_space<vmem_shared>>)
      tpu.yield
    }) : () -> ()
    %add3A_25 = arith.constant 160 : i32
    %add3A_26 = arith.addi %mul3A_5, %add3A_25 : i32
    "tpu.region"() ({
      %run_scoped3A = tpu.sem_alloc : memref<!tpu.dma_semaphore, #tpu.memory_space<semaphore_mem>>
      %dma_start3A = arith.constant 0 : i32
      %dma_start3A_67 = tpu.memref_slice %arg13[%add3A_26, %dma_start3A] : memref<5120x128xf32, #tpu.memory_space<vmem_shared>> -> memref<16x128xf32, #tpu.memory_space<vmem_shared>>
      %dma_start3A_68 = arith.constant 0 : i32
      %dma_start3A_69 = tpu.memref_slice %arg13[%add3A_26, %dma_start3A_68] : memref<5120x128xf32, #tpu.memory_space<vmem_shared>> -> memref<16x128xf32, #tpu.memory_space<vmem_shared>>
      tpu.enqueue_dma source(%arg12 : memref<16x128xf32, #tpu.memory_space<vmem>>) target(%dma_start3A_69 : memref<16x128xf32, #tpu.memory_space<vmem_shared>>) target_semaphore(%run_scoped3A : memref<!tpu.dma_semaphore, #tpu.memory_space<semaphore_mem>>)
      %dma_wait3A = arith.constant 0 : i32
      %dma_wait3A_70 = tpu.memref_slice %arg13[%add3A_26, %dma_wait3A] : memref<5120x128xf32, #tpu.memory_space<vmem_shared>> -> memref<16x128xf32, #tpu.memory_space<vmem_shared>>
      %dma_wait3A_71 = arith.constant 0 : i32
      %dma_wait3A_72 = tpu.memref_slice %arg13[%add3A_26, %dma_wait3A_71] : memref<5120x128xf32, #tpu.memory_space<vmem_shared>> -> memref<16x128xf32, #tpu.memory_space<vmem_shared>>
      tpu.wait_dma2 semaphore(%run_scoped3A : memref<!tpu.dma_semaphore, #tpu.memory_space<semaphore_mem>>) src(%arg12 : memref<16x128xf32, #tpu.memory_space<vmem>>) dst(%dma_wait3A_72 : memref<16x128xf32, #tpu.memory_space<vmem_shared>>)
      tpu.yield
    }) : () -> ()
    %add3A_27 = arith.constant 176 : i32
    %add3A_28 = arith.addi %mul3A_5, %add3A_27 : i32
    "tpu.region"() ({
      %run_scoped3A = tpu.sem_alloc : memref<!tpu.dma_semaphore, #tpu.memory_space<semaphore_mem>>
      %dma_start3A = arith.constant 0 : i32
      %dma_start3A_67 = tpu.memref_slice %arg13[%add3A_28, %dma_start3A] : memref<5120x128xf32, #tpu.memory_space<vmem_shared>> -> memref<16x128xf32, #tpu.memory_space<vmem_shared>>
      %dma_start3A_68 = arith.constant 0 : i32
      %dma_start3A_69 = tpu.memref_slice %arg13[%add3A_28, %dma_start3A_68] : memref<5120x128xf32, #tpu.memory_space<vmem_shared>> -> memref<16x128xf32, #tpu.memory_space<vmem_shared>>
      tpu.enqueue_dma source(%arg12 : memref<16x128xf32, #tpu.memory_space<vmem>>) target(%dma_start3A_69 : memref<16x128xf32, #tpu.memory_space<vmem_shared>>) target_semaphore(%run_scoped3A : memref<!tpu.dma_semaphore, #tpu.memory_space<semaphore_mem>>)
      %dma_wait3A = arith.constant 0 : i32
      %dma_wait3A_70 = tpu.memref_slice %arg13[%add3A_28, %dma_wait3A] : memref<5120x128xf32, #tpu.memory_space<vmem_shared>> -> memref<16x128xf32, #tpu.memory_space<vmem_shared>>
      %dma_wait3A_71 = arith.constant 0 : i32
      %dma_wait3A_72 = tpu.memref_slice %arg13[%add3A_28, %dma_wait3A_71] : memref<5120x128xf32, #tpu.memory_space<vmem_shared>> -> memref<16x128xf32, #tpu.memory_space<vmem_shared>>
      tpu.wait_dma2 semaphore(%run_scoped3A : memref<!tpu.dma_semaphore, #tpu.memory_space<semaphore_mem>>) src(%arg12 : memref<16x128xf32, #tpu.memory_space<vmem>>) dst(%dma_wait3A_72 : memref<16x128xf32, #tpu.memory_space<vmem_shared>>)
      tpu.yield
    }) : () -> ()
    %add3A_29 = arith.constant 192 : i32
    %add3A_30 = arith.addi %mul3A_5, %add3A_29 : i32
    "tpu.region"() ({
      %run_scoped3A = tpu.sem_alloc : memref<!tpu.dma_semaphore, #tpu.memory_space<semaphore_mem>>
      %dma_start3A = arith.constant 0 : i32
      %dma_start3A_67 = tpu.memref_slice %arg13[%add3A_30, %dma_start3A] : memref<5120x128xf32, #tpu.memory_space<vmem_shared>> -> memref<16x128xf32, #tpu.memory_space<vmem_shared>>
      %dma_start3A_68 = arith.constant 0 : i32
      %dma_start3A_69 = tpu.memref_slice %arg13[%add3A_30, %dma_start3A_68] : memref<5120x128xf32, #tpu.memory_space<vmem_shared>> -> memref<16x128xf32, #tpu.memory_space<vmem_shared>>
      tpu.enqueue_dma source(%arg12 : memref<16x128xf32, #tpu.memory_space<vmem>>) target(%dma_start3A_69 : memref<16x128xf32, #tpu.memory_space<vmem_shared>>) target_semaphore(%run_scoped3A : memref<!tpu.dma_semaphore, #tpu.memory_space<semaphore_mem>>)
      %dma_wait3A = arith.constant 0 : i32
      %dma_wait3A_70 = tpu.memref_slice %arg13[%add3A_30, %dma_wait3A] : memref<5120x128xf32, #tpu.memory_space<vmem_shared>> -> memref<16x128xf32, #tpu.memory_space<vmem_shared>>
      %dma_wait3A_71 = arith.constant 0 : i32
      %dma_wait3A_72 = tpu.memref_slice %arg13[%add3A_30, %dma_wait3A_71] : memref<5120x128xf32, #tpu.memory_space<vmem_shared>> -> memref<16x128xf32, #tpu.memory_space<vmem_shared>>
      tpu.wait_dma2 semaphore(%run_scoped3A : memref<!tpu.dma_semaphore, #tpu.memory_space<semaphore_mem>>) src(%arg12 : memref<16x128xf32, #tpu.memory_space<vmem>>) dst(%dma_wait3A_72 : memref<16x128xf32, #tpu.memory_space<vmem_shared>>)
      tpu.yield
    }) : () -> ()
    %add3A_31 = arith.constant 208 : i32
    %add3A_32 = arith.addi %mul3A_5, %add3A_31 : i32
    "tpu.region"() ({
      %run_scoped3A = tpu.sem_alloc : memref<!tpu.dma_semaphore, #tpu.memory_space<semaphore_mem>>
      %dma_start3A = arith.constant 0 : i32
      %dma_start3A_67 = tpu.memref_slice %arg13[%add3A_32, %dma_start3A] : memref<5120x128xf32, #tpu.memory_space<vmem_shared>> -> memref<16x128xf32, #tpu.memory_space<vmem_shared>>
      %dma_start3A_68 = arith.constant 0 : i32
      %dma_start3A_69 = tpu.memref_slice %arg13[%add3A_32, %dma_start3A_68] : memref<5120x128xf32, #tpu.memory_space<vmem_shared>> -> memref<16x128xf32, #tpu.memory_space<vmem_shared>>
      tpu.enqueue_dma source(%arg12 : memref<16x128xf32, #tpu.memory_space<vmem>>) target(%dma_start3A_69 : memref<16x128xf32, #tpu.memory_space<vmem_shared>>) target_semaphore(%run_scoped3A : memref<!tpu.dma_semaphore, #tpu.memory_space<semaphore_mem>>)
      %dma_wait3A = arith.constant 0 : i32
      %dma_wait3A_70 = tpu.memref_slice %arg13[%add3A_32, %dma_wait3A] : memref<5120x128xf32, #tpu.memory_space<vmem_shared>> -> memref<16x128xf32, #tpu.memory_space<vmem_shared>>
      %dma_wait3A_71 = arith.constant 0 : i32
      %dma_wait3A_72 = tpu.memref_slice %arg13[%add3A_32, %dma_wait3A_71] : memref<5120x128xf32, #tpu.memory_space<vmem_shared>> -> memref<16x128xf32, #tpu.memory_space<vmem_shared>>
      tpu.wait_dma2 semaphore(%run_scoped3A : memref<!tpu.dma_semaphore, #tpu.memory_space<semaphore_mem>>) src(%arg12 : memref<16x128xf32, #tpu.memory_space<vmem>>) dst(%dma_wait3A_72 : memref<16x128xf32, #tpu.memory_space<vmem_shared>>)
      tpu.yield
    }) : () -> ()
    %add3A_33 = arith.constant 224 : i32
    %add3A_34 = arith.addi %mul3A_5, %add3A_33 : i32
    "tpu.region"() ({
      %run_scoped3A = tpu.sem_alloc : memref<!tpu.dma_semaphore, #tpu.memory_space<semaphore_mem>>
      %dma_start3A = arith.constant 0 : i32
      %dma_start3A_67 = tpu.memref_slice %arg13[%add3A_34, %dma_start3A] : memref<5120x128xf32, #tpu.memory_space<vmem_shared>> -> memref<16x128xf32, #tpu.memory_space<vmem_shared>>
      %dma_start3A_68 = arith.constant 0 : i32
      %dma_start3A_69 = tpu.memref_slice %arg13[%add3A_34, %dma_start3A_68] : memref<5120x128xf32, #tpu.memory_space<vmem_shared>> -> memref<16x128xf32, #tpu.memory_space<vmem_shared>>
      tpu.enqueue_dma source(%arg12 : memref<16x128xf32, #tpu.memory_space<vmem>>) target(%dma_start3A_69 : memref<16x128xf32, #tpu.memory_space<vmem_shared>>) target_semaphore(%run_scoped3A : memref<!tpu.dma_semaphore, #tpu.memory_space<semaphore_mem>>)
      %dma_wait3A = arith.constant 0 : i32
      %dma_wait3A_70 = tpu.memref_slice %arg13[%add3A_34, %dma_wait3A] : memref<5120x128xf32, #tpu.memory_space<vmem_shared>> -> memref<16x128xf32, #tpu.memory_space<vmem_shared>>
      %dma_wait3A_71 = arith.constant 0 : i32
      %dma_wait3A_72 = tpu.memref_slice %arg13[%add3A_34, %dma_wait3A_71] : memref<5120x128xf32, #tpu.memory_space<vmem_shared>> -> memref<16x128xf32, #tpu.memory_space<vmem_shared>>
      tpu.wait_dma2 semaphore(%run_scoped3A : memref<!tpu.dma_semaphore, #tpu.memory_space<semaphore_mem>>) src(%arg12 : memref<16x128xf32, #tpu.memory_space<vmem>>) dst(%dma_wait3A_72 : memref<16x128xf32, #tpu.memory_space<vmem_shared>>)
      tpu.yield
    }) : () -> ()
    %add3A_35 = arith.constant 240 : i32
    %add3A_36 = arith.addi %mul3A_5, %add3A_35 : i32
    "tpu.region"() ({
      %run_scoped3A = tpu.sem_alloc : memref<!tpu.dma_semaphore, #tpu.memory_space<semaphore_mem>>
      %dma_start3A = arith.constant 0 : i32
      %dma_start3A_67 = tpu.memref_slice %arg13[%add3A_36, %dma_start3A] : memref<5120x128xf32, #tpu.memory_space<vmem_shared>> -> memref<16x128xf32, #tpu.memory_space<vmem_shared>>
      %dma_start3A_68 = arith.constant 0 : i32
      %dma_start3A_69 = tpu.memref_slice %arg13[%add3A_36, %dma_start3A_68] : memref<5120x128xf32, #tpu.memory_space<vmem_shared>> -> memref<16x128xf32, #tpu.memory_space<vmem_shared>>
      tpu.enqueue_dma source(%arg12 : memref<16x128xf32, #tpu.memory_space<vmem>>) target(%dma_start3A_69 : memref<16x128xf32, #tpu.memory_space<vmem_shared>>) target_semaphore(%run_scoped3A : memref<!tpu.dma_semaphore, #tpu.memory_space<semaphore_mem>>)
      %dma_wait3A = arith.constant 0 : i32
      %dma_wait3A_70 = tpu.memref_slice %arg13[%add3A_36, %dma_wait3A] : memref<5120x128xf32, #tpu.memory_space<vmem_shared>> -> memref<16x128xf32, #tpu.memory_space<vmem_shared>>
      %dma_wait3A_71 = arith.constant 0 : i32
      %dma_wait3A_72 = tpu.memref_slice %arg13[%add3A_36, %dma_wait3A_71] : memref<5120x128xf32, #tpu.memory_space<vmem_shared>> -> memref<16x128xf32, #tpu.memory_space<vmem_shared>>
      tpu.wait_dma2 semaphore(%run_scoped3A : memref<!tpu.dma_semaphore, #tpu.memory_space<semaphore_mem>>) src(%arg12 : memref<16x128xf32, #tpu.memory_space<vmem>>) dst(%dma_wait3A_72 : memref<16x128xf32, #tpu.memory_space<vmem_shared>>)
      tpu.yield
    }) : () -> ()
    %add3A_37 = arith.constant 256 : i32
    %add3A_38 = arith.addi %mul3A_5, %add3A_37 : i32
    "tpu.region"() ({
      %run_scoped3A = tpu.sem_alloc : memref<!tpu.dma_semaphore, #tpu.memory_space<semaphore_mem>>
      %dma_start3A = arith.constant 0 : i32
      %dma_start3A_67 = tpu.memref_slice %arg13[%add3A_38, %dma_start3A] : memref<5120x128xf32, #tpu.memory_space<vmem_shared>> -> memref<16x128xf32, #tpu.memory_space<vmem_shared>>
      %dma_start3A_68 = arith.constant 0 : i32
      %dma_start3A_69 = tpu.memref_slice %arg13[%add3A_38, %dma_start3A_68] : memref<5120x128xf32, #tpu.memory_space<vmem_shared>> -> memref<16x128xf32, #tpu.memory_space<vmem_shared>>
      tpu.enqueue_dma source(%arg12 : memref<16x128xf32, #tpu.memory_space<vmem>>) target(%dma_start3A_69 : memref<16x128xf32, #tpu.memory_space<vmem_shared>>) target_semaphore(%run_scoped3A : memref<!tpu.dma_semaphore, #tpu.memory_space<semaphore_mem>>)
      %dma_wait3A = arith.constant 0 : i32
      %dma_wait3A_70 = tpu.memref_slice %arg13[%add3A_38, %dma_wait3A] : memref<5120x128xf32, #tpu.memory_space<vmem_shared>> -> memref<16x128xf32, #tpu.memory_space<vmem_shared>>
      %dma_wait3A_71 = arith.constant 0 : i32
      %dma_wait3A_72 = tpu.memref_slice %arg13[%add3A_38, %dma_wait3A_71] : memref<5120x128xf32, #tpu.memory_space<vmem_shared>> -> memref<16x128xf32, #tpu.memory_space<vmem_shared>>
      tpu.wait_dma2 semaphore(%run_scoped3A : memref<!tpu.dma_semaphore, #tpu.memory_space<semaphore_mem>>) src(%arg12 : memref<16x128xf32, #tpu.memory_space<vmem>>) dst(%dma_wait3A_72 : memref<16x128xf32, #tpu.memory_space<vmem_shared>>)
      tpu.yield
    }) : () -> ()
    %add3A_39 = arith.constant 272 : i32
    %add3A_40 = arith.addi %mul3A_5, %add3A_39 : i32
    "tpu.region"() ({
      %run_scoped3A = tpu.sem_alloc : memref<!tpu.dma_semaphore, #tpu.memory_space<semaphore_mem>>
      %dma_start3A = arith.constant 0 : i32
      %dma_start3A_67 = tpu.memref_slice %arg13[%add3A_40, %dma_start3A] : memref<5120x128xf32, #tpu.memory_space<vmem_shared>> -> memref<16x128xf32, #tpu.memory_space<vmem_shared>>
      %dma_start3A_68 = arith.constant 0 : i32
      %dma_start3A_69 = tpu.memref_slice %arg13[%add3A_40, %dma_start3A_68] : memref<5120x128xf32, #tpu.memory_space<vmem_shared>> -> memref<16x128xf32, #tpu.memory_space<vmem_shared>>
      tpu.enqueue_dma source(%arg12 : memref<16x128xf32, #tpu.memory_space<vmem>>) target(%dma_start3A_69 : memref<16x128xf32, #tpu.memory_space<vmem_shared>>) target_semaphore(%run_scoped3A : memref<!tpu.dma_semaphore, #tpu.memory_space<semaphore_mem>>)
      %dma_wait3A = arith.constant 0 : i32
      %dma_wait3A_70 = tpu.memref_slice %arg13[%add3A_40, %dma_wait3A] : memref<5120x128xf32, #tpu.memory_space<vmem_shared>> -> memref<16x128xf32, #tpu.memory_space<vmem_shared>>
      %dma_wait3A_71 = arith.constant 0 : i32
      %dma_wait3A_72 = tpu.memref_slice %arg13[%add3A_40, %dma_wait3A_71] : memref<5120x128xf32, #tpu.memory_space<vmem_shared>> -> memref<16x128xf32, #tpu.memory_space<vmem_shared>>
      tpu.wait_dma2 semaphore(%run_scoped3A : memref<!tpu.dma_semaphore, #tpu.memory_space<semaphore_mem>>) src(%arg12 : memref<16x128xf32, #tpu.memory_space<vmem>>) dst(%dma_wait3A_72 : memref<16x128xf32, #tpu.memory_space<vmem_shared>>)
      tpu.yield
    }) : () -> ()
    %add3A_41 = arith.constant 288 : i32
    %add3A_42 = arith.addi %mul3A_5, %add3A_41 : i32
    "tpu.region"() ({
      %run_scoped3A = tpu.sem_alloc : memref<!tpu.dma_semaphore, #tpu.memory_space<semaphore_mem>>
      %dma_start3A = arith.constant 0 : i32
      %dma_start3A_67 = tpu.memref_slice %arg13[%add3A_42, %dma_start3A] : memref<5120x128xf32, #tpu.memory_space<vmem_shared>> -> memref<16x128xf32, #tpu.memory_space<vmem_shared>>
      %dma_start3A_68 = arith.constant 0 : i32
      %dma_start3A_69 = tpu.memref_slice %arg13[%add3A_42, %dma_start3A_68] : memref<5120x128xf32, #tpu.memory_space<vmem_shared>> -> memref<16x128xf32, #tpu.memory_space<vmem_shared>>
      tpu.enqueue_dma source(%arg12 : memref<16x128xf32, #tpu.memory_space<vmem>>) target(%dma_start3A_69 : memref<16x128xf32, #tpu.memory_space<vmem_shared>>) target_semaphore(%run_scoped3A : memref<!tpu.dma_semaphore, #tpu.memory_space<semaphore_mem>>)
      %dma_wait3A = arith.constant 0 : i32
      %dma_wait3A_70 = tpu.memref_slice %arg13[%add3A_42, %dma_wait3A] : memref<5120x128xf32, #tpu.memory_space<vmem_shared>> -> memref<16x128xf32, #tpu.memory_space<vmem_shared>>
      %dma_wait3A_71 = arith.constant 0 : i32
      %dma_wait3A_72 = tpu.memref_slice %arg13[%add3A_42, %dma_wait3A_71] : memref<5120x128xf32, #tpu.memory_space<vmem_shared>> -> memref<16x128xf32, #tpu.memory_space<vmem_shared>>
      tpu.wait_dma2 semaphore(%run_scoped3A : memref<!tpu.dma_semaphore, #tpu.memory_space<semaphore_mem>>) src(%arg12 : memref<16x128xf32, #tpu.memory_space<vmem>>) dst(%dma_wait3A_72 : memref<16x128xf32, #tpu.memory_space<vmem_shared>>)
      tpu.yield
    }) : () -> ()
    %add3A_43 = arith.constant 304 : i32
    %add3A_44 = arith.addi %mul3A_5, %add3A_43 : i32
    "tpu.region"() ({
      %run_scoped3A = tpu.sem_alloc : memref<!tpu.dma_semaphore, #tpu.memory_space<semaphore_mem>>
      %dma_start3A = arith.constant 0 : i32
      %dma_start3A_67 = tpu.memref_slice %arg13[%add3A_44, %dma_start3A] : memref<5120x128xf32, #tpu.memory_space<vmem_shared>> -> memref<16x128xf32, #tpu.memory_space<vmem_shared>>
      %dma_start3A_68 = arith.constant 0 : i32
      %dma_start3A_69 = tpu.memref_slice %arg13[%add3A_44, %dma_start3A_68] : memref<5120x128xf32, #tpu.memory_space<vmem_shared>> -> memref<16x128xf32, #tpu.memory_space<vmem_shared>>
      tpu.enqueue_dma source(%arg12 : memref<16x128xf32, #tpu.memory_space<vmem>>) target(%dma_start3A_69 : memref<16x128xf32, #tpu.memory_space<vmem_shared>>) target_semaphore(%run_scoped3A : memref<!tpu.dma_semaphore, #tpu.memory_space<semaphore_mem>>)
      %dma_wait3A = arith.constant 0 : i32
      %dma_wait3A_70 = tpu.memref_slice %arg13[%add3A_44, %dma_wait3A] : memref<5120x128xf32, #tpu.memory_space<vmem_shared>> -> memref<16x128xf32, #tpu.memory_space<vmem_shared>>
      %dma_wait3A_71 = arith.constant 0 : i32
      %dma_wait3A_72 = tpu.memref_slice %arg13[%add3A_44, %dma_wait3A_71] : memref<5120x128xf32, #tpu.memory_space<vmem_shared>> -> memref<16x128xf32, #tpu.memory_space<vmem_shared>>
      tpu.wait_dma2 semaphore(%run_scoped3A : memref<!tpu.dma_semaphore, #tpu.memory_space<semaphore_mem>>) src(%arg12 : memref<16x128xf32, #tpu.memory_space<vmem>>) dst(%dma_wait3A_72 : memref<16x128xf32, #tpu.memory_space<vmem_shared>>)
      tpu.yield
    }) : () -> ()
    %barrier3A = arith.constant 0 : index
    tpu.barrier barrier_id(%barrier3A)
    %lt3A = arith.constant 8 : i32
    %lt3A_45 = arith.cmpi slt, %arg1, %lt3A : i32
    %jit3A = arith.constant 1 : i32
    %jit3A_46 = arith.constant 0 : i32
    %select_n3A = arith.select %lt3A_45, %jit3A, %jit3A_46 : i32
    %add3A_47 = arith.constant 312 : i32
    %add3A_48 = arith.addi %add3A_47, %select_n3A : i32
    %mul3A_49 = arith.constant 5000 : i32
    %mul3A_50 = arith.muli %arg0, %mul3A_49 : i32
    %while3A = arith.constant 0 : i32
    %while3A_51 = arith.constant 0 : i32
    %while3A_52 = arith.subi %add3A_48, %while3A_51 : i32
    %while3A_53 = arith.addi %while3A_51, %while3A_52 : i32
    %while3A_54 = arith.constant 1 : i32
    %while3A_55 = arith.divsi %while3A_52, %while3A_54 : i32
    %while3A_56 = arith.muli %while3A_55, %while3A_54 : i32
    %while3A_57 = arith.addi %while3A_51, %while3A_56 : i32
    %while3A_58 = arith.constant 1 : i32
    scf.for %while3A_67 = %while3A_51 to %while3A_57 step %while3A_58  : i32 {
      %mul3A_68 = arith.constant 16 : i32
      %mul3A_69 = arith.muli %while3A_67, %mul3A_68 : i32
      %add3A_70 = arith.addi %arg1, %mul3A_69 : i32
      %mul3A_71 = arith.constant 64 : i32
      %mul3A_72 = arith.muli %add3A_70, %mul3A_71 : i32
      "tpu.region"() ({
        %run_scoped3A = tpu.sem_alloc : memref<!tpu.dma_semaphore, #tpu.memory_space<semaphore_mem>>
        %dma_start3A_89 = tpu.memref_slice %arg4[%mul3A_72] : memref<320000xi32, #tpu.memory_space<hbm>> -> memref<64xi32, #tpu.memory_space<hbm>>
        %dma_start3A_90 = tpu.memref_slice %arg4[%mul3A_72] : memref<320000xi32, #tpu.memory_space<hbm>> -> memref<64xi32, #tpu.memory_space<hbm>>
        tpu.enqueue_dma source(%dma_start3A_90 : memref<64xi32, #tpu.memory_space<hbm>>) target(%arg7 : memref<64xi32, #tpu.memory_space<vmem>>) target_semaphore(%run_scoped3A : memref<!tpu.dma_semaphore, #tpu.memory_space<semaphore_mem>>)
        %dma_wait3A_91 = tpu.memref_slice %arg4[%mul3A_72] : memref<320000xi32, #tpu.memory_space<hbm>> -> memref<64xi32, #tpu.memory_space<hbm>>
        %dma_wait3A_92 = tpu.memref_slice %arg4[%mul3A_72] : memref<320000xi32, #tpu.memory_space<hbm>> -> memref<64xi32, #tpu.memory_space<hbm>>
        tpu.wait_dma2 semaphore(%run_scoped3A : memref<!tpu.dma_semaphore, #tpu.memory_space<semaphore_mem>>) src(%dma_wait3A_92 : memref<64xi32, #tpu.memory_space<hbm>>) dst(%arg7 : memref<64xi32, #tpu.memory_space<vmem>>)
        tpu.yield
      }) : () -> ()
      "tpu.region"() ({
        %run_scoped3A = tpu.sem_alloc : memref<!tpu.dma_semaphore, #tpu.memory_space<semaphore_mem>>
        %dma_start3A_89 = tpu.memref_slice %arg5[%mul3A_72] : memref<320000xi32, #tpu.memory_space<hbm>> -> memref<64xi32, #tpu.memory_space<hbm>>
        %dma_start3A_90 = tpu.memref_slice %arg5[%mul3A_72] : memref<320000xi32, #tpu.memory_space<hbm>> -> memref<64xi32, #tpu.memory_space<hbm>>
        tpu.enqueue_dma source(%dma_start3A_90 : memref<64xi32, #tpu.memory_space<hbm>>) target(%arg8 : memref<64xi32, #tpu.memory_space<vmem>>) target_semaphore(%run_scoped3A : memref<!tpu.dma_semaphore, #tpu.memory_space<semaphore_mem>>)
        %dma_wait3A_91 = tpu.memref_slice %arg5[%mul3A_72] : memref<320000xi32, #tpu.memory_space<hbm>> -> memref<64xi32, #tpu.memory_space<hbm>>
        %dma_wait3A_92 = tpu.memref_slice %arg5[%mul3A_72] : memref<320000xi32, #tpu.memory_space<hbm>> -> memref<64xi32, #tpu.memory_space<hbm>>
        tpu.wait_dma2 semaphore(%run_scoped3A : memref<!tpu.dma_semaphore, #tpu.memory_space<semaphore_mem>>) src(%dma_wait3A_92 : memref<64xi32, #tpu.memory_space<hbm>>) dst(%arg8 : memref<64xi32, #tpu.memory_space<vmem>>)
        tpu.yield
      }) : () -> ()
      %dma_start3A = arith.constant 0 : i32
      %dma_start3A_73 = arith.constant 0 : i32
      %dma_start3A_74 = tpu.memref_slice %arg2[%dma_start3A, %dma_start3A_73] : memref<10000x128xf32, #tpu.memory_space<hbm>> -> memref<10000x128xf32, #tpu.memory_space<hbm>>
      tpu.enqueue_indirect_dma source(%dma_start3A_74 : memref<10000x128xf32, #tpu.memory_space<hbm>>) target(%arg9 : memref<64x128xf32, #tpu.memory_space<vmem>>) offsets(%arg7 : memref<64xi32, #tpu.memory_space<vmem>>) semaphore(%arg14 : memref<!tpu.dma_semaphore, #tpu.memory_space<semaphore_mem>>)
      "tpu.region"() ({
        %run_scoped3A = tpu.sem_alloc : memref<!tpu.dma_semaphore, #tpu.memory_space<semaphore_mem>>
        %dma_start3A_89 = arith.constant 0 : i32
        %dma_start3A_90 = tpu.memref_slice %arg3[%mul3A_72, %dma_start3A_89] : memref<320000x128xf32, #tpu.memory_space<hbm>> -> memref<64x128xf32, #tpu.memory_space<hbm>>
        %dma_start3A_91 = arith.constant 0 : i32
        %dma_start3A_92 = tpu.memref_slice %arg3[%mul3A_72, %dma_start3A_91] : memref<320000x128xf32, #tpu.memory_space<hbm>> -> memref<64x128xf32, #tpu.memory_space<hbm>>
        tpu.enqueue_dma source(%dma_start3A_92 : memref<64x128xf32, #tpu.memory_space<hbm>>) target(%arg10 : memref<64x128xf32, #tpu.memory_space<vmem>>) target_semaphore(%run_scoped3A : memref<!tpu.dma_semaphore, #tpu.memory_space<semaphore_mem>>)
        %dma_wait3A_93 = arith.constant 0 : i32
        %dma_wait3A_94 = tpu.memref_slice %arg3[%mul3A_72, %dma_wait3A_93] : memref<320000x128xf32, #tpu.memory_space<hbm>> -> memref<64x128xf32, #tpu.memory_space<hbm>>
        %dma_wait3A_95 = arith.constant 0 : i32
        %dma_wait3A_96 = tpu.memref_slice %arg3[%mul3A_72, %dma_wait3A_95] : memref<320000x128xf32, #tpu.memory_space<hbm>> -> memref<64x128xf32, #tpu.memory_space<hbm>>
        tpu.wait_dma2 semaphore(%run_scoped3A : memref<!tpu.dma_semaphore, #tpu.memory_space<semaphore_mem>>) src(%dma_wait3A_96 : memref<64x128xf32, #tpu.memory_space<hbm>>) dst(%arg10 : memref<64x128xf32, #tpu.memory_space<vmem>>)
        tpu.yield
      }) : () -> ()
      %dma_wait3A = arith.constant 0 : i32
      %dma_wait3A_75 = arith.constant 0 : i32
      %dma_wait3A_76 = tpu.memref_slice %arg2[%dma_wait3A, %dma_wait3A_75] : memref<10000x128xf32, #tpu.memory_space<hbm>> -> memref<10000x128xf32, #tpu.memory_space<hbm>>
      tpu.wait_indirect_dma semaphore(%arg14 : memref<!tpu.dma_semaphore, #tpu.memory_space<semaphore_mem>>) src(%dma_wait3A_76 : memref<10000x128xf32, #tpu.memory_space<hbm>>) dst(%arg9 : memref<64x128xf32, #tpu.memory_space<vmem>>)
      %scan3A_77 = arith.constant 0 : i32
      %scan3A_78 = arith.constant 0 : i32
      %scan3A_79 = arith.constant 64 : i32
      %scan3A_80 = arith.addi %scan3A_78, %scan3A_79 : i32
      %scan3A_81 = arith.constant 1 : i32
      scf.for %scan3A_89 = %scan3A_78 to %scan3A_80 step %scan3A_81  : i32 {
        %get3A = arith.index_cast %scan3A_89 : i32 to index
        %get3A_90 = arith.constant 0 : index
        %get3A_91 = tpu.vector_load %arg9[%get3A, %get3A_90] {strides = array<i32>} : memref<64x128xf32, #tpu.memory_space<vmem>>, vector<1x16xf32>,
        %get3A_92 = vector.shape_cast %get3A_91 : vector<1x16xf32> to vector<16xf32>
        %get3A_93 = arith.index_cast %scan3A_89 : i32 to index
        %get3A_94 = arith.constant 0 : index
        %get3A_95 = tpu.vector_load %arg10[%get3A_93, %get3A_94] {strides = array<i32>} : memref<64x128xf32, #tpu.memory_space<vmem>>, vector<1x16xf32>,
        %get3A_96 = vector.shape_cast %get3A_95 : vector<1x16xf32> to vector<16xf32>
        %add3A_97 = arith.addf %get3A_92, %get3A_96 : vector<16xf32>
        %max3A = arith.constant 0.000000e+00 : f32
        %max3A_98 = vector.broadcast %max3A : f32 to vector<16xf32>
        %max3A_99 = arith.maximumf %add3A_97, %max3A_98 : vector<16xf32>
        %swap3A = arith.index_cast %scan3A_89 : i32 to index
        %swap3A_100 = arith.constant 0 : index
        %swap3A_101 = tpu.vector_load %arg11[%swap3A, %swap3A_100] {strides = array<i32>} : memref<64x128xf32, #tpu.memory_space<vmem>>, vector<1x16xf32>,
        %swap3A_102 = vector.shape_cast %swap3A_101 : vector<1x16xf32> to vector<16xf32>
        %swap3A_103 = vector.shape_cast %max3A_99 : vector<16xf32> to vector<1x16xf32>
        tpu.vector_store %arg11[%swap3A, %swap3A_100], %swap3A_103 {strides = array<i32>} : memref<64x128xf32, #tpu.memory_space<vmem>>, vector<1x16xf32>,
        %get3A_104 = arith.index_cast %scan3A_89 : i32 to index
        %get3A_105 = arith.constant 16 : index
        %get3A_106 = tpu.vector_load %arg9[%get3A_104, %get3A_105] {strides = array<i32>} : memref<64x128xf32, #tpu.memory_space<vmem>>, vector<1x16xf32>,
        %get3A_107 = vector.shape_cast %get3A_106 : vector<1x16xf32> to vector<16xf32>
        %get3A_108 = arith.index_cast %scan3A_89 : i32 to index
        %get3A_109 = arith.constant 16 : index
        %get3A_110 = tpu.vector_load %arg10[%get3A_108, %get3A_109] {strides = array<i32>} : memref<64x128xf32, #tpu.memory_space<vmem>>, vector<1x16xf32>,
        %get3A_111 = vector.shape_cast %get3A_110 : vector<1x16xf32> to vector<16xf32>
        %add3A_112 = arith.addf %get3A_107, %get3A_111 : vector<16xf32>
        %max3A_113 = arith.constant 0.000000e+00 : f32
        %max3A_114 = vector.broadcast %max3A_113 : f32 to vector<16xf32>
        %max3A_115 = arith.maximumf %add3A_112, %max3A_114 : vector<16xf32>
        %swap3A_116 = arith.index_cast %scan3A_89 : i32 to index
        %swap3A_117 = arith.constant 16 : index
        %swap3A_118 = tpu.vector_load %arg11[%swap3A_116, %swap3A_117] {strides = array<i32>} : memref<64x128xf32, #tpu.memory_space<vmem>>, vector<1x16xf32>,
        %swap3A_119 = vector.shape_cast %swap3A_118 : vector<1x16xf32> to vector<16xf32>
        %swap3A_120 = vector.shape_cast %max3A_115 : vector<16xf32> to vector<1x16xf32>
        tpu.vector_store %arg11[%swap3A_116, %swap3A_117], %swap3A_120 {strides = array<i32>} : memref<64x128xf32, #tpu.memory_space<vmem>>, vector<1x16xf32>,
        %get3A_121 = arith.index_cast %scan3A_89 : i32 to index
        %get3A_122 = arith.constant 32 : index
        %get3A_123 = tpu.vector_load %arg9[%get3A_121, %get3A_122] {strides = array<i32>} : memref<64x128xf32, #tpu.memory_space<vmem>>, vector<1x16xf32>,
        %get3A_124 = vector.shape_cast %get3A_123 : vector<1x16xf32> to vector<16xf32>
        %get3A_125 = arith.index_cast %scan3A_89 : i32 to index
        %get3A_126 = arith.constant 32 : index
        %get3A_127 = tpu.vector_load %arg10[%get3A_125, %get3A_126] {strides = array<i32>} : memref<64x128xf32, #tpu.memory_space<vmem>>, vector<1x16xf32>,
        %get3A_128 = vector.shape_cast %get3A_127 : vector<1x16xf32> to vector<16xf32>
        %add3A_129 = arith.addf %get3A_124, %get3A_128 : vector<16xf32>
        %max3A_130 = arith.constant 0.000000e+00 : f32
        %max3A_131 = vector.broadcast %max3A_130 : f32 to vector<16xf32>
        %max3A_132 = arith.maximumf %add3A_129, %max3A_131 : vector<16xf32>
        %swap3A_133 = arith.index_cast %scan3A_89 : i32 to index
        %swap3A_134 = arith.constant 32 : index
        %swap3A_135 = tpu.vector_load %arg11[%swap3A_133, %swap3A_134] {strides = array<i32>} : memref<64x128xf32, #tpu.memory_space<vmem>>, vector<1x16xf32>,
        %swap3A_136 = vector.shape_cast %swap3A_135 : vector<1x16xf32> to vector<16xf32>
        %swap3A_137 = vector.shape_cast %max3A_132 : vector<16xf32> to vector<1x16xf32>
        tpu.vector_store %arg11[%swap3A_133, %swap3A_134], %swap3A_137 {strides = array<i32>} : memref<64x128xf32, #tpu.memory_space<vmem>>, vector<1x16xf32>,
        %get3A_138 = arith.index_cast %scan3A_89 : i32 to index
        %get3A_139 = arith.constant 48 : index
        %get3A_140 = tpu.vector_load %arg9[%get3A_138, %get3A_139] {strides = array<i32>} : memref<64x128xf32, #tpu.memory_space<vmem>>, vector<1x16xf32>,
        %get3A_141 = vector.shape_cast %get3A_140 : vector<1x16xf32> to vector<16xf32>
        %get3A_142 = arith.index_cast %scan3A_89 : i32 to index
        %get3A_143 = arith.constant 48 : index
        %get3A_144 = tpu.vector_load %arg10[%get3A_142, %get3A_143] {strides = array<i32>} : memref<64x128xf32, #tpu.memory_space<vmem>>, vector<1x16xf32>,
        %get3A_145 = vector.shape_cast %get3A_144 : vector<1x16xf32> to vector<16xf32>
        %add3A_146 = arith.addf %get3A_141, %get3A_145 : vector<16xf32>
        %max3A_147 = arith.constant 0.000000e+00 : f32
        %max3A_148 = vector.broadcast %max3A_147 : f32 to vector<16xf32>
        %max3A_149 = arith.maximumf %add3A_146, %max3A_148 : vector<16xf32>
        %swap3A_150 = arith.index_cast %scan3A_89 : i32 to index
        %swap3A_151 = arith.constant 48 : index
        %swap3A_152 = tpu.vector_load %arg11[%swap3A_150, %swap3A_151] {strides = array<i32>} : memref<64x128xf32, #tpu.memory_space<vmem>>, vector<1x16xf32>,
        %swap3A_153 = vector.shape_cast %swap3A_152 : vector<1x16xf32> to vector<16xf32>
        %swap3A_154 = vector.shape_cast %max3A_149 : vector<16xf32> to vector<1x16xf32>
        tpu.vector_store %arg11[%swap3A_150, %swap3A_151], %swap3A_154 {strides = array<i32>} : memref<64x128xf32, #tpu.memory_space<vmem>>, vector<1x16xf32>,
        %get3A_155 = arith.index_cast %scan3A_89 : i32 to index
        %get3A_156 = arith.constant 64 : index
        %get3A_157 = tpu.vector_load %arg9[%get3A_155, %get3A_156] {strides = array<i32>} : memref<64x128xf32, #tpu.memory_space<vmem>>, vector<1x16xf32>,
        %get3A_158 = vector.shape_cast %get3A_157 : vector<1x16xf32> to vector<16xf32>
        %get3A_159 = arith.index_cast %scan3A_89 : i32 to index
        %get3A_160 = arith.constant 64 : index
        %get3A_161 = tpu.vector_load %arg10[%get3A_159, %get3A_160] {strides = array<i32>} : memref<64x128xf32, #tpu.memory_space<vmem>>, vector<1x16xf32>,
        %get3A_162 = vector.shape_cast %get3A_161 : vector<1x16xf32> to vector<16xf32>
        %add3A_163 = arith.addf %get3A_158, %get3A_162 : vector<16xf32>
        %max3A_164 = arith.constant 0.000000e+00 : f32
        %max3A_165 = vector.broadcast %max3A_164 : f32 to vector<16xf32>
        %max3A_166 = arith.maximumf %add3A_163, %max3A_165 : vector<16xf32>
        %swap3A_167 = arith.index_cast %scan3A_89 : i32 to index
        %swap3A_168 = arith.constant 64 : index
        %swap3A_169 = tpu.vector_load %arg11[%swap3A_167, %swap3A_168] {strides = array<i32>} : memref<64x128xf32, #tpu.memory_space<vmem>>, vector<1x16xf32>,
        %swap3A_170 = vector.shape_cast %swap3A_169 : vector<1x16xf32> to vector<16xf32>
        %swap3A_171 = vector.shape_cast %max3A_166 : vector<16xf32> to vector<1x16xf32>
        tpu.vector_store %arg11[%swap3A_167, %swap3A_168], %swap3A_171 {strides = array<i32>} : memref<64x128xf32, #tpu.memory_space<vmem>>, vector<1x16xf32>,
        %get3A_172 = arith.index_cast %scan3A_89 : i32 to index
        %get3A_173 = arith.constant 80 : index
        %get3A_174 = tpu.vector_load %arg9[%get3A_172, %get3A_173] {strides = array<i32>} : memref<64x128xf32, #tpu.memory_space<vmem>>, vector<1x16xf32>,
        %get3A_175 = vector.shape_cast %get3A_174 : vector<1x16xf32> to vector<16xf32>
        %get3A_176 = arith.index_cast %scan3A_89 : i32 to index
        %get3A_177 = arith.constant 80 : index
        %get3A_178 = tpu.vector_load %arg10[%get3A_176, %get3A_177] {strides = array<i32>} : memref<64x128xf32, #tpu.memory_space<vmem>>, vector<1x16xf32>,
        %get3A_179 = vector.shape_cast %get3A_178 : vector<1x16xf32> to vector<16xf32>
        %add3A_180 = arith.addf %get3A_175, %get3A_179 : vector<16xf32>
        %max3A_181 = arith.constant 0.000000e+00 : f32
        %max3A_182 = vector.broadcast %max3A_181 : f32 to vector<16xf32>
        %max3A_183 = arith.maximumf %add3A_180, %max3A_182 : vector<16xf32>
        %swap3A_184 = arith.index_cast %scan3A_89 : i32 to index
        %swap3A_185 = arith.constant 80 : index
        %swap3A_186 = tpu.vector_load %arg11[%swap3A_184, %swap3A_185] {strides = array<i32>} : memref<64x128xf32, #tpu.memory_space<vmem>>, vector<1x16xf32>,
        %swap3A_187 = vector.shape_cast %swap3A_186 : vector<1x16xf32> to vector<16xf32>
        %swap3A_188 = vector.shape_cast %max3A_183 : vector<16xf32> to vector<1x16xf32>
        tpu.vector_store %arg11[%swap3A_184, %swap3A_185], %swap3A_188 {strides = array<i32>} : memref<64x128xf32, #tpu.memory_space<vmem>>, vector<1x16xf32>,
        %get3A_189 = arith.index_cast %scan3A_89 : i32 to index
        %get3A_190 = arith.constant 96 : index
        %get3A_191 = tpu.vector_load %arg9[%get3A_189, %get3A_190] {strides = array<i32>} : memref<64x128xf32, #tpu.memory_space<vmem>>, vector<1x16xf32>,
        %get3A_192 = vector.shape_cast %get3A_191 : vector<1x16xf32> to vector<16xf32>
        %get3A_193 = arith.index_cast %scan3A_89 : i32 to index
        %get3A_194 = arith.constant 96 : index
        %get3A_195 = tpu.vector_load %arg10[%get3A_193, %get3A_194] {strides = array<i32>} : memref<64x128xf32, #tpu.memory_space<vmem>>, vector<1x16xf32>,
        %get3A_196 = vector.shape_cast %get3A_195 : vector<1x16xf32> to vector<16xf32>
        %add3A_197 = arith.addf %get3A_192, %get3A_196 : vector<16xf32>
        %max3A_198 = arith.constant 0.000000e+00 : f32
        %max3A_199 = vector.broadcast %max3A_198 : f32 to vector<16xf32>
        %max3A_200 = arith.maximumf %add3A_197, %max3A_199 : vector<16xf32>
        %swap3A_201 = arith.index_cast %scan3A_89 : i32 to index
        %swap3A_202 = arith.constant 96 : index
        %swap3A_203 = tpu.vector_load %arg11[%swap3A_201, %swap3A_202] {strides = array<i32>} : memref<64x128xf32, #tpu.memory_space<vmem>>, vector<1x16xf32>,
        %swap3A_204 = vector.shape_cast %swap3A_203 : vector<1x16xf32> to vector<16xf32>
        %swap3A_205 = vector.shape_cast %max3A_200 : vector<16xf32> to vector<1x16xf32>
        tpu.vector_store %arg11[%swap3A_201, %swap3A_202], %swap3A_205 {strides = array<i32>} : memref<64x128xf32, #tpu.memory_space<vmem>>, vector<1x16xf32>,
        %get3A_206 = arith.index_cast %scan3A_89 : i32 to index
        %get3A_207 = arith.constant 112 : index
        %get3A_208 = tpu.vector_load %arg9[%get3A_206, %get3A_207] {strides = array<i32>} : memref<64x128xf32, #tpu.memory_space<vmem>>, vector<1x16xf32>,
        %get3A_209 = vector.shape_cast %get3A_208 : vector<1x16xf32> to vector<16xf32>
        %get3A_210 = arith.index_cast %scan3A_89 : i32 to index
        %get3A_211 = arith.constant 112 : index
        %get3A_212 = tpu.vector_load %arg10[%get3A_210, %get3A_211] {strides = array<i32>} : memref<64x128xf32, #tpu.memory_space<vmem>>, vector<1x16xf32>,
        %get3A_213 = vector.shape_cast %get3A_212 : vector<1x16xf32> to vector<16xf32>
        %add3A_214 = arith.addf %get3A_209, %get3A_213 : vector<16xf32>
        %max3A_215 = arith.constant 0.000000e+00 : f32
        %max3A_216 = vector.broadcast %max3A_215 : f32 to vector<16xf32>
        %max3A_217 = arith.maximumf %add3A_214, %max3A_216 : vector<16xf32>
        %swap3A_218 = arith.index_cast %scan3A_89 : i32 to index
        %swap3A_219 = arith.constant 112 : index
        %swap3A_220 = tpu.vector_load %arg11[%swap3A_218, %swap3A_219] {strides = array<i32>} : memref<64x128xf32, #tpu.memory_space<vmem>>, vector<1x16xf32>,
        %swap3A_221 = vector.shape_cast %swap3A_220 : vector<1x16xf32> to vector<16xf32>
        %swap3A_222 = vector.shape_cast %max3A_217 : vector<16xf32> to vector<1x16xf32>
        tpu.vector_store %arg11[%swap3A_218, %swap3A_219], %swap3A_222 {strides = array<i32>} : memref<64x128xf32, #tpu.memory_space<vmem>>, vector<1x16xf32>,
      }
      %scan3A_82 = arith.constant 64 : i32
      %scan3A_83 = arith.constant 0 : i32
      %scan3A_84 = arith.constant 0 : i32
      %scan3A_85 = arith.constant 4 : i32
      %scan3A_86 = arith.addi %scan3A_84, %scan3A_85 : i32
      %scan3A_87 = arith.constant 1 : i32
      scf.for %scan3A_89 = %scan3A_84 to %scan3A_86 step %scan3A_87  : i32 {
        %mul3A_90 = arith.constant 16 : i32
        %mul3A_91 = arith.muli %scan3A_89, %mul3A_90 : i32
        %get3A = arith.index_cast %mul3A_91 : i32 to index
        %get3A_92 = tpu.vector_load %arg8[%get3A] {strides = array<i32>} : memref<64xi32, #tpu.memory_space<vmem>>, vector<16xi32>,
        %get3A_93 = vector.shape_cast %get3A_92 : vector<16xi32> to vector<16xi32>
        %sub3A = vector.broadcast %mul3A_50 : i32 to vector<16xi32>
        %sub3A_94 = arith.subi %get3A_93, %sub3A : vector<16xi32>
        %ge3A = arith.constant 0 : i32
        %ge3A_95 = vector.broadcast %ge3A : i32 to vector<16xi32>
        %ge3A_96 = arith.cmpi sge, %sub3A_94, %ge3A_95 : vector<16xi32>
        %lt3A_97 = arith.constant 5000 : i32
        %lt3A_98 = vector.broadcast %lt3A_97 : i32 to vector<16xi32>
        %lt3A_99 = arith.cmpi slt, %sub3A_94, %lt3A_98 : vector<16xi32>
        %and3A = arith.andi %ge3A_96, %lt3A_99 : vector<16xi1>
        %jit3A_100 = arith.constant 5119 : i32
        %broadcast_in_dim3A = vector.broadcast %jit3A_100 : i32 to vector<16xi32>
        %select_n3A_101 = arith.select %and3A, %sub3A_94, %broadcast_in_dim3A : vector<16xi1>, vector<16xi32>
        %mul3A_102 = arith.constant 16 : i32
        %mul3A_103 = arith.muli %scan3A_89, %mul3A_102 : i32
        %swap3A = arith.index_cast %mul3A_103 : i32 to index
        %swap3A_104 = tpu.vector_load %arg8[%swap3A] {strides = array<i32>} : memref<64xi32, #tpu.memory_space<vmem>>, vector<16xi32>,
        %swap3A_105 = vector.shape_cast %swap3A_104 : vector<16xi32> to vector<16xi32>
        %swap3A_106 = vector.shape_cast %select_n3A_101 : vector<16xi32> to vector<16xi32>
        tpu.vector_store %arg8[%swap3A], %swap3A_106 {strides = array<i32>} : memref<64xi32, #tpu.memory_space<vmem>>, vector<16xi32>,
      }
      %scan3A_88 = arith.constant 4 : i32
      "tpu.region"() ({
        %run_scoped3A = tpu.sem_alloc : memref<!tpu.dma_semaphore, #tpu.memory_space<semaphore_mem>>
        %dma_start3A_89 = arith.constant 0 : i32
        %dma_start3A_90 = arith.constant 0 : i32
        %dma_start3A_91 = tpu.memref_slice %arg13[%dma_start3A_89, %dma_start3A_90] : memref<5120x128xf32, #tpu.memory_space<vmem_shared>> -> memref<5120x128xf32, #tpu.memory_space<vmem_shared>>
        tpu.enqueue_indirect_dma source(%arg11 : memref<64x128xf32, #tpu.memory_space<vmem>>) target(%dma_start3A_91 : memref<5120x128xf32, #tpu.memory_space<vmem_shared>>) offsets(%arg8 : memref<64xi32, #tpu.memory_space<vmem>>) semaphore(%run_scoped3A : memref<!tpu.dma_semaphore, #tpu.memory_space<semaphore_mem>>) {add = true}
        %dma_wait3A_92 = arith.constant 0 : i32
        %dma_wait3A_93 = arith.constant 0 : i32
        %dma_wait3A_94 = tpu.memref_slice %arg13[%dma_wait3A_92, %dma_wait3A_93] : memref<5120x128xf32, #tpu.memory_space<vmem_shared>> -> memref<5120x128xf32, #tpu.memory_space<vmem_shared>>
        tpu.wait_indirect_dma semaphore(%run_scoped3A : memref<!tpu.dma_semaphore, #tpu.memory_space<semaphore_mem>>) src(%arg11 : memref<64x128xf32, #tpu.memory_space<vmem>>) dst(%dma_wait3A_94 : memref<5120x128xf32, #tpu.memory_space<vmem_shared>>)
        tpu.yield
      }) : () -> ()
    }
    %while3A_59 = arith.constant 1 : i32
    scf.for %while3A_67 = %while3A_57 to %while3A_53 step %while3A_59  : i32 {
      %mul3A_68 = arith.constant 16 : i32
      %mul3A_69 = arith.muli %while3A_67, %mul3A_68 : i32
      %add3A_70 = arith.addi %arg1, %mul3A_69 : i32
      %mul3A_71 = arith.constant 64 : i32
      %mul3A_72 = arith.muli %add3A_70, %mul3A_71 : i32
      "tpu.region"() ({
        %run_scoped3A = tpu.sem_alloc : memref<!tpu.dma_semaphore, #tpu.memory_space<semaphore_mem>>
        %dma_start3A_89 = tpu.memref_slice %arg4[%mul3A_72] : memref<320000xi32, #tpu.memory_space<hbm>> -> memref<64xi32, #tpu.memory_space<hbm>>
        %dma_start3A_90 = tpu.memref_slice %arg4[%mul3A_72] : memref<320000xi32, #tpu.memory_space<hbm>> -> memref<64xi32, #tpu.memory_space<hbm>>
        tpu.enqueue_dma source(%dma_start3A_90 : memref<64xi32, #tpu.memory_space<hbm>>) target(%arg7 : memref<64xi32, #tpu.memory_space<vmem>>) target_semaphore(%run_scoped3A : memref<!tpu.dma_semaphore, #tpu.memory_space<semaphore_mem>>)
        %dma_wait3A_91 = tpu.memref_slice %arg4[%mul3A_72] : memref<320000xi32, #tpu.memory_space<hbm>> -> memref<64xi32, #tpu.memory_space<hbm>>
        %dma_wait3A_92 = tpu.memref_slice %arg4[%mul3A_72] : memref<320000xi32, #tpu.memory_space<hbm>> -> memref<64xi32, #tpu.memory_space<hbm>>
        tpu.wait_dma2 semaphore(%run_scoped3A : memref<!tpu.dma_semaphore, #tpu.memory_space<semaphore_mem>>) src(%dma_wait3A_92 : memref<64xi32, #tpu.memory_space<hbm>>) dst(%arg7 : memref<64xi32, #tpu.memory_space<vmem>>)
        tpu.yield
      }) : () -> ()
      "tpu.region"() ({
        %run_scoped3A = tpu.sem_alloc : memref<!tpu.dma_semaphore, #tpu.memory_space<semaphore_mem>>
        %dma_start3A_89 = tpu.memref_slice %arg5[%mul3A_72] : memref<320000xi32, #tpu.memory_space<hbm>> -> memref<64xi32, #tpu.memory_space<hbm>>
        %dma_start3A_90 = tpu.memref_slice %arg5[%mul3A_72] : memref<320000xi32, #tpu.memory_space<hbm>> -> memref<64xi32, #tpu.memory_space<hbm>>
        tpu.enqueue_dma source(%dma_start3A_90 : memref<64xi32, #tpu.memory_space<hbm>>) target(%arg8 : memref<64xi32, #tpu.memory_space<vmem>>) target_semaphore(%run_scoped3A : memref<!tpu.dma_semaphore, #tpu.memory_space<semaphore_mem>>)
        %dma_wait3A_91 = tpu.memref_slice %arg5[%mul3A_72] : memref<320000xi32, #tpu.memory_space<hbm>> -> memref<64xi32, #tpu.memory_space<hbm>>
        %dma_wait3A_92 = tpu.memref_slice %arg5[%mul3A_72] : memref<320000xi32, #tpu.memory_space<hbm>> -> memref<64xi32, #tpu.memory_space<hbm>>
        tpu.wait_dma2 semaphore(%run_scoped3A : memref<!tpu.dma_semaphore, #tpu.memory_space<semaphore_mem>>) src(%dma_wait3A_92 : memref<64xi32, #tpu.memory_space<hbm>>) dst(%arg8 : memref<64xi32, #tpu.memory_space<vmem>>)
        tpu.yield
      }) : () -> ()
      %dma_start3A = arith.constant 0 : i32
      %dma_start3A_73 = arith.constant 0 : i32
      %dma_start3A_74 = tpu.memref_slice %arg2[%dma_start3A, %dma_start3A_73] : memref<10000x128xf32, #tpu.memory_space<hbm>> -> memref<10000x128xf32, #tpu.memory_space<hbm>>
      tpu.enqueue_indirect_dma source(%dma_start3A_74 : memref<10000x128xf32, #tpu.memory_space<hbm>>) target(%arg9 : memref<64x128xf32, #tpu.memory_space<vmem>>) offsets(%arg7 : memref<64xi32, #tpu.memory_space<vmem>>) semaphore(%arg14 : memref<!tpu.dma_semaphore, #tpu.memory_space<semaphore_mem>>)
      "tpu.region"() ({
        %run_scoped3A = tpu.sem_alloc : memref<!tpu.dma_semaphore, #tpu.memory_space<semaphore_mem>>
        %dma_start3A_89 = arith.constant 0 : i32
        %dma_start3A_90 = tpu.memref_slice %arg3[%mul3A_72, %dma_start3A_89] : memref<320000x128xf32, #tpu.memory_space<hbm>> -> memref<64x128xf32, #tpu.memory_space<hbm>>
        %dma_start3A_91 = arith.constant 0 : i32
        %dma_start3A_92 = tpu.memref_slice %arg3[%mul3A_72, %dma_start3A_91] : memref<320000x128xf32, #tpu.memory_space<hbm>> -> memref<64x128xf32, #tpu.memory_space<hbm>>
        tpu.enqueue_dma source(%dma_start3A_92 : memref<64x128xf32, #tpu.memory_space<hbm>>) target(%arg10 : memref<64x128xf32, #tpu.memory_space<vmem>>) target_semaphore(%run_scoped3A : memref<!tpu.dma_semaphore, #tpu.memory_space<semaphore_mem>>)
        %dma_wait3A_93 = arith.constant 0 : i32
        %dma_wait3A_94 = tpu.memref_slice %arg3[%mul3A_72, %dma_wait3A_93] : memref<320000x128xf32, #tpu.memory_space<hbm>> -> memref<64x128xf32, #tpu.memory_space<hbm>>
        %dma_wait3A_95 = arith.constant 0 : i32
        %dma_wait3A_96 = tpu.memref_slice %arg3[%mul3A_72, %dma_wait3A_95] : memref<320000x128xf32, #tpu.memory_space<hbm>> -> memref<64x128xf32, #tpu.memory_space<hbm>>
        tpu.wait_dma2 semaphore(%run_scoped3A : memref<!tpu.dma_semaphore, #tpu.memory_space<semaphore_mem>>) src(%dma_wait3A_96 : memref<64x128xf32, #tpu.memory_space<hbm>>) dst(%arg10 : memref<64x128xf32, #tpu.memory_space<vmem>>)
        tpu.yield
      }) : () -> ()
      %dma_wait3A = arith.constant 0 : i32
      %dma_wait3A_75 = arith.constant 0 : i32
      %dma_wait3A_76 = tpu.memref_slice %arg2[%dma_wait3A, %dma_wait3A_75] : memref<10000x128xf32, #tpu.memory_space<hbm>> -> memref<10000x128xf32, #tpu.memory_space<hbm>>
      tpu.wait_indirect_dma semaphore(%arg14 : memref<!tpu.dma_semaphore, #tpu.memory_space<semaphore_mem>>) src(%dma_wait3A_76 : memref<10000x128xf32, #tpu.memory_space<hbm>>) dst(%arg9 : memref<64x128xf32, #tpu.memory_space<vmem>>)
      %scan3A_77 = arith.constant 0 : i32
      %scan3A_78 = arith.constant 0 : i32
      %scan3A_79 = arith.constant 64 : i32
      %scan3A_80 = arith.addi %scan3A_78, %scan3A_79 : i32
      %scan3A_81 = arith.constant 1 : i32
      scf.for %scan3A_89 = %scan3A_78 to %scan3A_80 step %scan3A_81  : i32 {
        %get3A = arith.index_cast %scan3A_89 : i32 to index
        %get3A_90 = arith.constant 0 : index
        %get3A_91 = tpu.vector_load %arg9[%get3A, %get3A_90] {strides = array<i32>} : memref<64x128xf32, #tpu.memory_space<vmem>>, vector<1x16xf32>,
        %get3A_92 = vector.shape_cast %get3A_91 : vector<1x16xf32> to vector<16xf32>
        %get3A_93 = arith.index_cast %scan3A_89 : i32 to index
        %get3A_94 = arith.constant 0 : index
        %get3A_95 = tpu.vector_load %arg10[%get3A_93, %get3A_94] {strides = array<i32>} : memref<64x128xf32, #tpu.memory_space<vmem>>, vector<1x16xf32>,
        %get3A_96 = vector.shape_cast %get3A_95 : vector<1x16xf32> to vector<16xf32>
        %add3A_97 = arith.addf %get3A_92, %get3A_96 : vector<16xf32>
        %max3A = arith.constant 0.000000e+00 : f32
        %max3A_98 = vector.broadcast %max3A : f32 to vector<16xf32>
        %max3A_99 = arith.maximumf %add3A_97, %max3A_98 : vector<16xf32>
        %swap3A = arith.index_cast %scan3A_89 : i32 to index
        %swap3A_100 = arith.constant 0 : index
        %swap3A_101 = tpu.vector_load %arg11[%swap3A, %swap3A_100] {strides = array<i32>} : memref<64x128xf32, #tpu.memory_space<vmem>>, vector<1x16xf32>,
        %swap3A_102 = vector.shape_cast %swap3A_101 : vector<1x16xf32> to vector<16xf32>
        %swap3A_103 = vector.shape_cast %max3A_99 : vector<16xf32> to vector<1x16xf32>
        tpu.vector_store %arg11[%swap3A, %swap3A_100], %swap3A_103 {strides = array<i32>} : memref<64x128xf32, #tpu.memory_space<vmem>>, vector<1x16xf32>,
        %get3A_104 = arith.index_cast %scan3A_89 : i32 to index
        %get3A_105 = arith.constant 16 : index
        %get3A_106 = tpu.vector_load %arg9[%get3A_104, %get3A_105] {strides = array<i32>} : memref<64x128xf32, #tpu.memory_space<vmem>>, vector<1x16xf32>,
        %get3A_107 = vector.shape_cast %get3A_106 : vector<1x16xf32> to vector<16xf32>
        %get3A_108 = arith.index_cast %scan3A_89 : i32 to index
        %get3A_109 = arith.constant 16 : index
        %get3A_110 = tpu.vector_load %arg10[%get3A_108, %get3A_109] {strides = array<i32>} : memref<64x128xf32, #tpu.memory_space<vmem>>, vector<1x16xf32>,
        %get3A_111 = vector.shape_cast %get3A_110 : vector<1x16xf32> to vector<16xf32>
        %add3A_112 = arith.addf %get3A_107, %get3A_111 : vector<16xf32>
        %max3A_113 = arith.constant 0.000000e+00 : f32
        %max3A_114 = vector.broadcast %max3A_113 : f32 to vector<16xf32>
        %max3A_115 = arith.maximumf %add3A_112, %max3A_114 : vector<16xf32>
        %swap3A_116 = arith.index_cast %scan3A_89 : i32 to index
        %swap3A_117 = arith.constant 16 : index
        %swap3A_118 = tpu.vector_load %arg11[%swap3A_116, %swap3A_117] {strides = array<i32>} : memref<64x128xf32, #tpu.memory_space<vmem>>, vector<1x16xf32>,
        %swap3A_119 = vector.shape_cast %swap3A_118 : vector<1x16xf32> to vector<16xf32>
        %swap3A_120 = vector.shape_cast %max3A_115 : vector<16xf32> to vector<1x16xf32>
        tpu.vector_store %arg11[%swap3A_116, %swap3A_117], %swap3A_120 {strides = array<i32>} : memref<64x128xf32, #tpu.memory_space<vmem>>, vector<1x16xf32>,
        %get3A_121 = arith.index_cast %scan3A_89 : i32 to index
        %get3A_122 = arith.constant 32 : index
        %get3A_123 = tpu.vector_load %arg9[%get3A_121, %get3A_122] {strides = array<i32>} : memref<64x128xf32, #tpu.memory_space<vmem>>, vector<1x16xf32>,
        %get3A_124 = vector.shape_cast %get3A_123 : vector<1x16xf32> to vector<16xf32>
        %get3A_125 = arith.index_cast %scan3A_89 : i32 to index
        %get3A_126 = arith.constant 32 : index
        %get3A_127 = tpu.vector_load %arg10[%get3A_125, %get3A_126] {strides = array<i32>} : memref<64x128xf32, #tpu.memory_space<vmem>>, vector<1x16xf32>,
        %get3A_128 = vector.shape_cast %get3A_127 : vector<1x16xf32> to vector<16xf32>
        %add3A_129 = arith.addf %get3A_124, %get3A_128 : vector<16xf32>
        %max3A_130 = arith.constant 0.000000e+00 : f32
        %max3A_131 = vector.broadcast %max3A_130 : f32 to vector<16xf32>
        %max3A_132 = arith.maximumf %add3A_129, %max3A_131 : vector<16xf32>
        %swap3A_133 = arith.index_cast %scan3A_89 : i32 to index
        %swap3A_134 = arith.constant 32 : index
        %swap3A_135 = tpu.vector_load %arg11[%swap3A_133, %swap3A_134] {strides = array<i32>} : memref<64x128xf32, #tpu.memory_space<vmem>>, vector<1x16xf32>,
        %swap3A_136 = vector.shape_cast %swap3A_135 : vector<1x16xf32> to vector<16xf32>
        %swap3A_137 = vector.shape_cast %max3A_132 : vector<16xf32> to vector<1x16xf32>
        tpu.vector_store %arg11[%swap3A_133, %swap3A_134], %swap3A_137 {strides = array<i32>} : memref<64x128xf32, #tpu.memory_space<vmem>>, vector<1x16xf32>,
        %get3A_138 = arith.index_cast %scan3A_89 : i32 to index
        %get3A_139 = arith.constant 48 : index
        %get3A_140 = tpu.vector_load %arg9[%get3A_138, %get3A_139] {strides = array<i32>} : memref<64x128xf32, #tpu.memory_space<vmem>>, vector<1x16xf32>,
        %get3A_141 = vector.shape_cast %get3A_140 : vector<1x16xf32> to vector<16xf32>
        %get3A_142 = arith.index_cast %scan3A_89 : i32 to index
        %get3A_143 = arith.constant 48 : index
        %get3A_144 = tpu.vector_load %arg10[%get3A_142, %get3A_143] {strides = array<i32>} : memref<64x128xf32, #tpu.memory_space<vmem>>, vector<1x16xf32>,
        %get3A_145 = vector.shape_cast %get3A_144 : vector<1x16xf32> to vector<16xf32>
        %add3A_146 = arith.addf %get3A_141, %get3A_145 : vector<16xf32>
        %max3A_147 = arith.constant 0.000000e+00 : f32
        %max3A_148 = vector.broadcast %max3A_147 : f32 to vector<16xf32>
        %max3A_149 = arith.maximumf %add3A_146, %max3A_148 : vector<16xf32>
        %swap3A_150 = arith.index_cast %scan3A_89 : i32 to index
        %swap3A_151 = arith.constant 48 : index
        %swap3A_152 = tpu.vector_load %arg11[%swap3A_150, %swap3A_151] {strides = array<i32>} : memref<64x128xf32, #tpu.memory_space<vmem>>, vector<1x16xf32>,
        %swap3A_153 = vector.shape_cast %swap3A_152 : vector<1x16xf32> to vector<16xf32>
        %swap3A_154 = vector.shape_cast %max3A_149 : vector<16xf32> to vector<1x16xf32>
        tpu.vector_store %arg11[%swap3A_150, %swap3A_151], %swap3A_154 {strides = array<i32>} : memref<64x128xf32, #tpu.memory_space<vmem>>, vector<1x16xf32>,
        %get3A_155 = arith.index_cast %scan3A_89 : i32 to index
        %get3A_156 = arith.constant 64 : index
        %get3A_157 = tpu.vector_load %arg9[%get3A_155, %get3A_156] {strides = array<i32>} : memref<64x128xf32, #tpu.memory_space<vmem>>, vector<1x16xf32>,
        %get3A_158 = vector.shape_cast %get3A_157 : vector<1x16xf32> to vector<16xf32>
        %get3A_159 = arith.index_cast %scan3A_89 : i32 to index
        %get3A_160 = arith.constant 64 : index
        %get3A_161 = tpu.vector_load %arg10[%get3A_159, %get3A_160] {strides = array<i32>} : memref<64x128xf32, #tpu.memory_space<vmem>>, vector<1x16xf32>,
        %get3A_162 = vector.shape_cast %get3A_161 : vector<1x16xf32> to vector<16xf32>
        %add3A_163 = arith.addf %get3A_158, %get3A_162 : vector<16xf32>
        %max3A_164 = arith.constant 0.000000e+00 : f32
        %max3A_165 = vector.broadcast %max3A_164 : f32 to vector<16xf32>
        %max3A_166 = arith.maximumf %add3A_163, %max3A_165 : vector<16xf32>
        %swap3A_167 = arith.index_cast %scan3A_89 : i32 to index
        %swap3A_168 = arith.constant 64 : index
        %swap3A_169 = tpu.vector_load %arg11[%swap3A_167, %swap3A_168] {strides = array<i32>} : memref<64x128xf32, #tpu.memory_space<vmem>>, vector<1x16xf32>,
        %swap3A_170 = vector.shape_cast %swap3A_169 : vector<1x16xf32> to vector<16xf32>
        %swap3A_171 = vector.shape_cast %max3A_166 : vector<16xf32> to vector<1x16xf32>
        tpu.vector_store %arg11[%swap3A_167, %swap3A_168], %swap3A_171 {strides = array<i32>} : memref<64x128xf32, #tpu.memory_space<vmem>>, vector<1x16xf32>,
        %get3A_172 = arith.index_cast %scan3A_89 : i32 to index
        %get3A_173 = arith.constant 80 : index
        %get3A_174 = tpu.vector_load %arg9[%get3A_172, %get3A_173] {strides = array<i32>} : memref<64x128xf32, #tpu.memory_space<vmem>>, vector<1x16xf32>,
        %get3A_175 = vector.shape_cast %get3A_174 : vector<1x16xf32> to vector<16xf32>
        %get3A_176 = arith.index_cast %scan3A_89 : i32 to index
        %get3A_177 = arith.constant 80 : index
        %get3A_178 = tpu.vector_load %arg10[%get3A_176, %get3A_177] {strides = array<i32>} : memref<64x128xf32, #tpu.memory_space<vmem>>, vector<1x16xf32>,
        %get3A_179 = vector.shape_cast %get3A_178 : vector<1x16xf32> to vector<16xf32>
        %add3A_180 = arith.addf %get3A_175, %get3A_179 : vector<16xf32>
        %max3A_181 = arith.constant 0.000000e+00 : f32
        %max3A_182 = vector.broadcast %max3A_181 : f32 to vector<16xf32>
        %max3A_183 = arith.maximumf %add3A_180, %max3A_182 : vector<16xf32>
        %swap3A_184 = arith.index_cast %scan3A_89 : i32 to index
        %swap3A_185 = arith.constant 80 : index
        %swap3A_186 = tpu.vector_load %arg11[%swap3A_184, %swap3A_185] {strides = array<i32>} : memref<64x128xf32, #tpu.memory_space<vmem>>, vector<1x16xf32>,
        %swap3A_187 = vector.shape_cast %swap3A_186 : vector<1x16xf32> to vector<16xf32>
        %swap3A_188 = vector.shape_cast %max3A_183 : vector<16xf32> to vector<1x16xf32>
        tpu.vector_store %arg11[%swap3A_184, %swap3A_185], %swap3A_188 {strides = array<i32>} : memref<64x128xf32, #tpu.memory_space<vmem>>, vector<1x16xf32>,
        %get3A_189 = arith.index_cast %scan3A_89 : i32 to index
        %get3A_190 = arith.constant 96 : index
        %get3A_191 = tpu.vector_load %arg9[%get3A_189, %get3A_190] {strides = array<i32>} : memref<64x128xf32, #tpu.memory_space<vmem>>, vector<1x16xf32>,
        %get3A_192 = vector.shape_cast %get3A_191 : vector<1x16xf32> to vector<16xf32>
        %get3A_193 = arith.index_cast %scan3A_89 : i32 to index
        %get3A_194 = arith.constant 96 : index
        %get3A_195 = tpu.vector_load %arg10[%get3A_193, %get3A_194] {strides = array<i32>} : memref<64x128xf32, #tpu.memory_space<vmem>>, vector<1x16xf32>,
        %get3A_196 = vector.shape_cast %get3A_195 : vector<1x16xf32> to vector<16xf32>
        %add3A_197 = arith.addf %get3A_192, %get3A_196 : vector<16xf32>
        %max3A_198 = arith.constant 0.000000e+00 : f32
        %max3A_199 = vector.broadcast %max3A_198 : f32 to vector<16xf32>
        %max3A_200 = arith.maximumf %add3A_197, %max3A_199 : vector<16xf32>
        %swap3A_201 = arith.index_cast %scan3A_89 : i32 to index
        %swap3A_202 = arith.constant 96 : index
        %swap3A_203 = tpu.vector_load %arg11[%swap3A_201, %swap3A_202] {strides = array<i32>} : memref<64x128xf32, #tpu.memory_space<vmem>>, vector<1x16xf32>,
        %swap3A_204 = vector.shape_cast %swap3A_203 : vector<1x16xf32> to vector<16xf32>
        %swap3A_205 = vector.shape_cast %max3A_200 : vector<16xf32> to vector<1x16xf32>
        tpu.vector_store %arg11[%swap3A_201, %swap3A_202], %swap3A_205 {strides = array<i32>} : memref<64x128xf32, #tpu.memory_space<vmem>>, vector<1x16xf32>,
        %get3A_206 = arith.index_cast %scan3A_89 : i32 to index
        %get3A_207 = arith.constant 112 : index
        %get3A_208 = tpu.vector_load %arg9[%get3A_206, %get3A_207] {strides = array<i32>} : memref<64x128xf32, #tpu.memory_space<vmem>>, vector<1x16xf32>,
        %get3A_209 = vector.shape_cast %get3A_208 : vector<1x16xf32> to vector<16xf32>
        %get3A_210 = arith.index_cast %scan3A_89 : i32 to index
        %get3A_211 = arith.constant 112 : index
        %get3A_212 = tpu.vector_load %arg10[%get3A_210, %get3A_211] {strides = array<i32>} : memref<64x128xf32, #tpu.memory_space<vmem>>, vector<1x16xf32>,
        %get3A_213 = vector.shape_cast %get3A_212 : vector<1x16xf32> to vector<16xf32>
        %add3A_214 = arith.addf %get3A_209, %get3A_213 : vector<16xf32>
        %max3A_215 = arith.constant 0.000000e+00 : f32
        %max3A_216 = vector.broadcast %max3A_215 : f32 to vector<16xf32>
        %max3A_217 = arith.maximumf %add3A_214, %max3A_216 : vector<16xf32>
        %swap3A_218 = arith.index_cast %scan3A_89 : i32 to index
        %swap3A_219 = arith.constant 112 : index
        %swap3A_220 = tpu.vector_load %arg11[%swap3A_218, %swap3A_219] {strides = array<i32>} : memref<64x128xf32, #tpu.memory_space<vmem>>, vector<1x16xf32>,
        %swap3A_221 = vector.shape_cast %swap3A_220 : vector<1x16xf32> to vector<16xf32>
        %swap3A_222 = vector.shape_cast %max3A_217 : vector<16xf32> to vector<1x16xf32>
        tpu.vector_store %arg11[%swap3A_218, %swap3A_219], %swap3A_222 {strides = array<i32>} : memref<64x128xf32, #tpu.memory_space<vmem>>, vector<1x16xf32>,
      }
      %scan3A_82 = arith.constant 64 : i32
      %scan3A_83 = arith.constant 0 : i32
      %scan3A_84 = arith.constant 0 : i32
      %scan3A_85 = arith.constant 4 : i32
      %scan3A_86 = arith.addi %scan3A_84, %scan3A_85 : i32
      %scan3A_87 = arith.constant 1 : i32
      scf.for %scan3A_89 = %scan3A_84 to %scan3A_86 step %scan3A_87  : i32 {
        %mul3A_90 = arith.constant 16 : i32
        %mul3A_91 = arith.muli %scan3A_89, %mul3A_90 : i32
        %get3A = arith.index_cast %mul3A_91 : i32 to index
        %get3A_92 = tpu.vector_load %arg8[%get3A] {strides = array<i32>} : memref<64xi32, #tpu.memory_space<vmem>>, vector<16xi32>,
        %get3A_93 = vector.shape_cast %get3A_92 : vector<16xi32> to vector<16xi32>
        %sub3A = vector.broadcast %mul3A_50 : i32 to vector<16xi32>
        %sub3A_94 = arith.subi %get3A_93, %sub3A : vector<16xi32>
        %ge3A = arith.constant 0 : i32
        %ge3A_95 = vector.broadcast %ge3A : i32 to vector<16xi32>
        %ge3A_96 = arith.cmpi sge, %sub3A_94, %ge3A_95 : vector<16xi32>
        %lt3A_97 = arith.constant 5000 : i32
        %lt3A_98 = vector.broadcast %lt3A_97 : i32 to vector<16xi32>
        %lt3A_99 = arith.cmpi slt, %sub3A_94, %lt3A_98 : vector<16xi32>
        %and3A = arith.andi %ge3A_96, %lt3A_99 : vector<16xi1>
        %jit3A_100 = arith.constant 5119 : i32
        %broadcast_in_dim3A = vector.broadcast %jit3A_100 : i32 to vector<16xi32>
        %select_n3A_101 = arith.select %and3A, %sub3A_94, %broadcast_in_dim3A : vector<16xi1>, vector<16xi32>
        %mul3A_102 = arith.constant 16 : i32
        %mul3A_103 = arith.muli %scan3A_89, %mul3A_102 : i32
        %swap3A = arith.index_cast %mul3A_103 : i32 to index
        %swap3A_104 = tpu.vector_load %arg8[%swap3A] {strides = array<i32>} : memref<64xi32, #tpu.memory_space<vmem>>, vector<16xi32>,
        %swap3A_105 = vector.shape_cast %swap3A_104 : vector<16xi32> to vector<16xi32>
        %swap3A_106 = vector.shape_cast %select_n3A_101 : vector<16xi32> to vector<16xi32>
        tpu.vector_store %arg8[%swap3A], %swap3A_106 {strides = array<i32>} : memref<64xi32, #tpu.memory_space<vmem>>, vector<16xi32>,
      }
      %scan3A_88 = arith.constant 4 : i32
      "tpu.region"() ({
        %run_scoped3A = tpu.sem_alloc : memref<!tpu.dma_semaphore, #tpu.memory_space<semaphore_mem>>
        %dma_start3A_89 = arith.constant 0 : i32
        %dma_start3A_90 = arith.constant 0 : i32
        %dma_start3A_91 = tpu.memref_slice %arg13[%dma_start3A_89, %dma_start3A_90] : memref<5120x128xf32, #tpu.memory_space<vmem_shared>> -> memref<5120x128xf32, #tpu.memory_space<vmem_shared>>
        tpu.enqueue_indirect_dma source(%arg11 : memref<64x128xf32, #tpu.memory_space<vmem>>) target(%dma_start3A_91 : memref<5120x128xf32, #tpu.memory_space<vmem_shared>>) offsets(%arg8 : memref<64xi32, #tpu.memory_space<vmem>>) semaphore(%run_scoped3A : memref<!tpu.dma_semaphore, #tpu.memory_space<semaphore_mem>>) {add = true}
        %dma_wait3A_92 = arith.constant 0 : i32
        %dma_wait3A_93 = arith.constant 0 : i32
        %dma_wait3A_94 = tpu.memref_slice %arg13[%dma_wait3A_92, %dma_wait3A_93] : memref<5120x128xf32, #tpu.memory_space<vmem_shared>> -> memref<5120x128xf32, #tpu.memory_space<vmem_shared>>
        tpu.wait_indirect_dma semaphore(%run_scoped3A : memref<!tpu.dma_semaphore, #tpu.memory_space<semaphore_mem>>) src(%arg11 : memref<64x128xf32, #tpu.memory_space<vmem>>) dst(%dma_wait3A_94 : memref<5120x128xf32, #tpu.memory_space<vmem_shared>>)
        tpu.yield
      }) : () -> ()
    }
    %barrier3A_60 = arith.constant 0 : index
    tpu.barrier barrier_id(%barrier3A_60)
    %scan3A_61 = arith.constant 0 : i32
    %scan3A_62 = arith.constant 0 : i32
    %scan3A_63 = arith.constant 20 : i32
    %scan3A_64 = arith.addi %scan3A_62, %scan3A_63 : i32
    %scan3A_65 = arith.constant 1 : i32
    scf.for %scan3A_67 = %scan3A_62 to %scan3A_64 step %scan3A_65  : i32 {
      %mul3A_68 = arith.constant 16 : i32
      %mul3A_69 = arith.muli %scan3A_67, %mul3A_68 : i32
      %add3A_70 = arith.addi %mul3A_5, %mul3A_69 : i32
      "tpu.region"() ({
        %run_scoped3A = tpu.sem_alloc : memref<!tpu.dma_semaphore, #tpu.memory_space<semaphore_mem>>
        %dma_start3A = arith.constant 0 : i32
        %dma_start3A_74 = tpu.memref_slice %arg13[%add3A_70, %dma_start3A] : memref<5120x128xf32, #tpu.memory_space<vmem_shared>> -> memref<16x128xf32, #tpu.memory_space<vmem_shared>>
        %dma_start3A_75 = arith.constant 0 : i32
        %dma_start3A_76 = tpu.memref_slice %arg13[%add3A_70, %dma_start3A_75] : memref<5120x128xf32, #tpu.memory_space<vmem_shared>> -> memref<16x128xf32, #tpu.memory_space<vmem_shared>>
        tpu.enqueue_dma source(%dma_start3A_76 : memref<16x128xf32, #tpu.memory_space<vmem_shared>>) target(%arg12 : memref<16x128xf32, #tpu.memory_space<vmem>>) target_semaphore(%run_scoped3A : memref<!tpu.dma_semaphore, #tpu.memory_space<semaphore_mem>>)
        %dma_wait3A = arith.constant 0 : i32
        %dma_wait3A_77 = tpu.memref_slice %arg13[%add3A_70, %dma_wait3A] : memref<5120x128xf32, #tpu.memory_space<vmem_shared>> -> memref<16x128xf32, #tpu.memory_space<vmem_shared>>
        %dma_wait3A_78 = arith.constant 0 : i32
        %dma_wait3A_79 = tpu.memref_slice %arg13[%add3A_70, %dma_wait3A_78] : memref<5120x128xf32, #tpu.memory_space<vmem_shared>> -> memref<16x128xf32, #tpu.memory_space<vmem_shared>>
        tpu.wait_dma2 semaphore(%run_scoped3A : memref<!tpu.dma_semaphore, #tpu.memory_space<semaphore_mem>>) src(%dma_wait3A_79 : memref<16x128xf32, #tpu.memory_space<vmem_shared>>) dst(%arg12 : memref<16x128xf32, #tpu.memory_space<vmem>>)
        tpu.yield
      }) : () -> ()
      %mul3A_71 = arith.constant 5120 : i32
      %mul3A_72 = arith.muli %arg0, %mul3A_71 : i32
      %add3A_73 = arith.addi %mul3A_72, %add3A_70 : i32
      "tpu.region"() ({
        %run_scoped3A = tpu.sem_alloc : memref<!tpu.dma_semaphore, #tpu.memory_space<semaphore_mem>>
        %dma_start3A = arith.constant 0 : i32
        %dma_start3A_74 = tpu.memref_slice %arg6[%add3A_73, %dma_start3A] : memref<10240x128xf32, #tpu.memory_space<hbm>> -> memref<16x128xf32, #tpu.memory_space<hbm>>
        %dma_start3A_75 = arith.constant 0 : i32
        %dma_start3A_76 = tpu.memref_slice %arg6[%add3A_73, %dma_start3A_75] : memref<10240x128xf32, #tpu.memory_space<hbm>> -> memref<16x128xf32, #tpu.memory_space<hbm>>
        tpu.enqueue_dma source(%arg12 : memref<16x128xf32, #tpu.memory_space<vmem>>) target(%dma_start3A_76 : memref<16x128xf32, #tpu.memory_space<hbm>>) target_semaphore(%run_scoped3A : memref<!tpu.dma_semaphore, #tpu.memory_space<semaphore_mem>>)
        %dma_wait3A = arith.constant 0 : i32
        %dma_wait3A_77 = tpu.memref_slice %arg6[%add3A_73, %dma_wait3A] : memref<10240x128xf32, #tpu.memory_space<hbm>> -> memref<16x128xf32, #tpu.memory_space<hbm>>
        %dma_wait3A_78 = arith.constant 0 : i32
        %dma_wait3A_79 = tpu.memref_slice %arg6[%add3A_73, %dma_wait3A_78] : memref<10240x128xf32, #tpu.memory_space<hbm>> -> memref<16x128xf32, #tpu.memory_space<hbm>>
        tpu.wait_dma2 semaphore(%run_scoped3A : memref<!tpu.dma_semaphore, #tpu.memory_space<semaphore_mem>>) src(%arg12 : memref<16x128xf32, #tpu.memory_space<vmem>>) dst(%dma_wait3A_79 : memref<16x128xf32, #tpu.memory_space<hbm>>)
        tpu.yield
      }) : () -> ()
    }
    %scan3A_66 = arith.constant 20 : i32
    return
  }
}

#map = affine_map<(d0, d1) -> (0, 0)>
#map1 = affine_map<(d0, d1) -> (0)>
module attributes {stable_mosaic.version = 14 : i64} {
  func.func @_gsum(%arg0: i32, %arg1: i32, %arg2: memref<10000x128xf32, #tpu.memory_space<hbm>>, %arg3: memref<10000x128xf32, #tpu.memory_space<hbm>>, %arg4: memref<10000x128xf32, #tpu.memory_space<hbm>>, %arg5: memref<10000x128xf32, #tpu.memory_space<hbm>>, %arg6: memref<320000xi32, #tpu.memory_space<hbm>>, %arg7: memref<320000xi32, #tpu.memory_space<hbm>>, %arg8: memref<320000x128xf32, #tpu.memory_space<hbm>>, %arg9: memref<320000x64xf32, #tpu.memory_space<hbm>>, %arg10: memref<128xi32, #tpu.memory_space<vmem>>, %arg11: memref<128xi32, #tpu.memory_space<vmem>>, %arg12: memref<128x128xf32, #tpu.memory_space<vmem>>, %arg13: memref<128x128xf32, #tpu.memory_space<vmem>>, %arg14: memref<128x128xf32, #tpu.memory_space<vmem>>, %arg15: memref<128x128xf32, #tpu.memory_space<vmem>>, %arg16: memref<128x128xf32, #tpu.memory_space<vmem>>, %arg17: memref<128x64xf32, #tpu.memory_space<vmem>>, %arg18: memref<!tpu.dma_semaphore, #tpu.memory_space<semaphore_mem>>) attributes {dimension_semantics = [#tpu.dimension_semantics<core_parallel>, #tpu.dimension_semantics<subcore_parallel>], iteration_bounds = array<i64: 2, 16>, scalar_prefetch = 0 : i64, scratch_operands = 9 : i64, tpu.core_type = #tpu.core_type<sc_vector_subcore>, window_params = [{transform_indices = #map}, {transform_indices = #map}, {transform_indices = #map}, {transform_indices = #map}, {transform_indices = #map1}, {transform_indices = #map1}, {transform_indices = #map}, {transform_indices = #map}]} {
    %mul3A = arith.constant 2 : i32
    %mul3A_0 = arith.muli %arg1, %mul3A : i32
    %add3A = arith.addi %mul3A_0, %arg0 : i32
    %lt3A = arith.constant 4 : i32
    %lt3A_1 = arith.cmpi slt, %add3A, %lt3A : i32
    %jit3A = arith.constant 1 : i32
    %jit3A_2 = arith.constant 0 : i32
    %select_n3A = arith.select %lt3A_1, %jit3A, %jit3A_2 : i32
    %add3A_3 = arith.constant 78 : i32
    %add3A_4 = arith.addi %add3A_3, %select_n3A : i32
    %while3A = arith.constant 0 : i32
    %while3A_5 = arith.constant 0 : i32
    %while3A_6 = arith.subi %add3A_4, %while3A_5 : i32
    %while3A_7 = arith.addi %while3A_5, %while3A_6 : i32
    %while3A_8 = arith.constant 1 : i32
    %while3A_9 = arith.divsi %while3A_6, %while3A_8 : i32
    %while3A_10 = arith.muli %while3A_9, %while3A_8 : i32
    %while3A_11 = arith.addi %while3A_5, %while3A_10 : i32
    %while3A_12 = arith.constant 1 : i32
    scf.for %while3A_14 = %while3A_5 to %while3A_11 step %while3A_12  : i32 {
      %mul3A_15 = arith.constant 32 : i32
      %mul3A_16 = arith.muli %while3A_14, %mul3A_15 : i32
      %add3A_17 = arith.addi %add3A, %mul3A_16 : i32
      %mul3A_18 = arith.constant 128 : i32
      %mul3A_19 = arith.muli %add3A_17, %mul3A_18 : i32
      "tpu.region"() ({
        %run_scoped3A = tpu.sem_alloc : memref<!tpu.dma_semaphore, #tpu.memory_space<semaphore_mem>>
        %dma_start3A_47 = tpu.memref_slice %arg6[%mul3A_19] : memref<320000xi32, #tpu.memory_space<hbm>> -> memref<128xi32, #tpu.memory_space<hbm>>
        %dma_start3A_48 = tpu.memref_slice %arg6[%mul3A_19] : memref<320000xi32, #tpu.memory_space<hbm>> -> memref<128xi32, #tpu.memory_space<hbm>>
        tpu.enqueue_dma source(%dma_start3A_48 : memref<128xi32, #tpu.memory_space<hbm>>) target(%arg10 : memref<128xi32, #tpu.memory_space<vmem>>) target_semaphore(%run_scoped3A : memref<!tpu.dma_semaphore, #tpu.memory_space<semaphore_mem>>)
        %dma_wait3A_49 = tpu.memref_slice %arg6[%mul3A_19] : memref<320000xi32, #tpu.memory_space<hbm>> -> memref<128xi32, #tpu.memory_space<hbm>>
        %dma_wait3A_50 = tpu.memref_slice %arg6[%mul3A_19] : memref<320000xi32, #tpu.memory_space<hbm>> -> memref<128xi32, #tpu.memory_space<hbm>>
        tpu.wait_dma2 semaphore(%run_scoped3A : memref<!tpu.dma_semaphore, #tpu.memory_space<semaphore_mem>>) src(%dma_wait3A_50 : memref<128xi32, #tpu.memory_space<hbm>>) dst(%arg10 : memref<128xi32, #tpu.memory_space<vmem>>)
        tpu.yield
      }) : () -> ()
      "tpu.region"() ({
        %run_scoped3A = tpu.sem_alloc : memref<!tpu.dma_semaphore, #tpu.memory_space<semaphore_mem>>
        %dma_start3A_47 = tpu.memref_slice %arg7[%mul3A_19] : memref<320000xi32, #tpu.memory_space<hbm>> -> memref<128xi32, #tpu.memory_space<hbm>>
        %dma_start3A_48 = tpu.memref_slice %arg7[%mul3A_19] : memref<320000xi32, #tpu.memory_space<hbm>> -> memref<128xi32, #tpu.memory_space<hbm>>
        tpu.enqueue_dma source(%dma_start3A_48 : memref<128xi32, #tpu.memory_space<hbm>>) target(%arg11 : memref<128xi32, #tpu.memory_space<vmem>>) target_semaphore(%run_scoped3A : memref<!tpu.dma_semaphore, #tpu.memory_space<semaphore_mem>>)
        %dma_wait3A_49 = tpu.memref_slice %arg7[%mul3A_19] : memref<320000xi32, #tpu.memory_space<hbm>> -> memref<128xi32, #tpu.memory_space<hbm>>
        %dma_wait3A_50 = tpu.memref_slice %arg7[%mul3A_19] : memref<320000xi32, #tpu.memory_space<hbm>> -> memref<128xi32, #tpu.memory_space<hbm>>
        tpu.wait_dma2 semaphore(%run_scoped3A : memref<!tpu.dma_semaphore, #tpu.memory_space<semaphore_mem>>) src(%dma_wait3A_50 : memref<128xi32, #tpu.memory_space<hbm>>) dst(%arg11 : memref<128xi32, #tpu.memory_space<vmem>>)
        tpu.yield
      }) : () -> ()
      %dma_start3A = arith.constant 0 : i32
      %dma_start3A_20 = arith.constant 0 : i32
      %dma_start3A_21 = tpu.memref_slice %arg2[%dma_start3A, %dma_start3A_20] : memref<10000x128xf32, #tpu.memory_space<hbm>> -> memref<10000x128xf32, #tpu.memory_space<hbm>>
      tpu.enqueue_indirect_dma source(%dma_start3A_21 : memref<10000x128xf32, #tpu.memory_space<hbm>>) target(%arg12 : memref<128x128xf32, #tpu.memory_space<vmem>>) offsets(%arg10 : memref<128xi32, #tpu.memory_space<vmem>>) semaphore(%arg18 : memref<!tpu.dma_semaphore, #tpu.memory_space<semaphore_mem>>)
      %dma_start3A_22 = arith.constant 0 : i32
      %dma_start3A_23 = arith.constant 0 : i32
      %dma_start3A_24 = tpu.memref_slice %arg3[%dma_start3A_22, %dma_start3A_23] : memref<10000x128xf32, #tpu.memory_space<hbm>> -> memref<10000x128xf32, #tpu.memory_space<hbm>>
      tpu.enqueue_indirect_dma source(%dma_start3A_24 : memref<10000x128xf32, #tpu.memory_space<hbm>>) target(%arg13 : memref<128x128xf32, #tpu.memory_space<vmem>>) offsets(%arg11 : memref<128xi32, #tpu.memory_space<vmem>>) semaphore(%arg18 : memref<!tpu.dma_semaphore, #tpu.memory_space<semaphore_mem>>)
      %dma_start3A_25 = arith.constant 0 : i32
      %dma_start3A_26 = arith.constant 0 : i32
      %dma_start3A_27 = tpu.memref_slice %arg4[%dma_start3A_25, %dma_start3A_26] : memref<10000x128xf32, #tpu.memory_space<hbm>> -> memref<10000x128xf32, #tpu.memory_space<hbm>>
      tpu.enqueue_indirect_dma source(%dma_start3A_27 : memref<10000x128xf32, #tpu.memory_space<hbm>>) target(%arg15 : memref<128x128xf32, #tpu.memory_space<vmem>>) offsets(%arg10 : memref<128xi32, #tpu.memory_space<vmem>>) semaphore(%arg18 : memref<!tpu.dma_semaphore, #tpu.memory_space<semaphore_mem>>)
      %dma_start3A_28 = arith.constant 0 : i32
      %dma_start3A_29 = arith.constant 0 : i32
      %dma_start3A_30 = tpu.memref_slice %arg5[%dma_start3A_28, %dma_start3A_29] : memref<10000x128xf32, #tpu.memory_space<hbm>> -> memref<10000x128xf32, #tpu.memory_space<hbm>>
      tpu.enqueue_indirect_dma source(%dma_start3A_30 : memref<10000x128xf32, #tpu.memory_space<hbm>>) target(%arg16 : memref<128x128xf32, #tpu.memory_space<vmem>>) offsets(%arg11 : memref<128xi32, #tpu.memory_space<vmem>>) semaphore(%arg18 : memref<!tpu.dma_semaphore, #tpu.memory_space<semaphore_mem>>)
      %dma_wait3A = arith.constant 0 : i32
      %dma_wait3A_31 = arith.constant 0 : i32
      %dma_wait3A_32 = tpu.memref_slice %arg2[%dma_wait3A, %dma_wait3A_31] : memref<10000x128xf32, #tpu.memory_space<hbm>> -> memref<10000x128xf32, #tpu.memory_space<hbm>>
      tpu.wait_indirect_dma semaphore(%arg18 : memref<!tpu.dma_semaphore, #tpu.memory_space<semaphore_mem>>) src(%dma_wait3A_32 : memref<10000x128xf32, #tpu.memory_space<hbm>>) dst(%arg12 : memref<128x128xf32, #tpu.memory_space<vmem>>)
      %dma_wait3A_33 = arith.constant 0 : i32
      %dma_wait3A_34 = arith.constant 0 : i32
      %dma_wait3A_35 = tpu.memref_slice %arg3[%dma_wait3A_33, %dma_wait3A_34] : memref<10000x128xf32, #tpu.memory_space<hbm>> -> memref<10000x128xf32, #tpu.memory_space<hbm>>
      tpu.wait_indirect_dma semaphore(%arg18 : memref<!tpu.dma_semaphore, #tpu.memory_space<semaphore_mem>>) src(%dma_wait3A_35 : memref<10000x128xf32, #tpu.memory_space<hbm>>) dst(%arg13 : memref<128x128xf32, #tpu.memory_space<vmem>>)
      %dma_wait3A_36 = arith.constant 0 : i32
      %dma_wait3A_37 = arith.constant 0 : i32
      %dma_wait3A_38 = tpu.memref_slice %arg4[%dma_wait3A_36, %dma_wait3A_37] : memref<10000x128xf32, #tpu.memory_space<hbm>> -> memref<10000x128xf32, #tpu.memory_space<hbm>>
      tpu.wait_indirect_dma semaphore(%arg18 : memref<!tpu.dma_semaphore, #tpu.memory_space<semaphore_mem>>) src(%dma_wait3A_38 : memref<10000x128xf32, #tpu.memory_space<hbm>>) dst(%arg15 : memref<128x128xf32, #tpu.memory_space<vmem>>)
      %dma_wait3A_39 = arith.constant 0 : i32
      %dma_wait3A_40 = arith.constant 0 : i32
      %dma_wait3A_41 = tpu.memref_slice %arg5[%dma_wait3A_39, %dma_wait3A_40] : memref<10000x128xf32, #tpu.memory_space<hbm>> -> memref<10000x128xf32, #tpu.memory_space<hbm>>
      tpu.wait_indirect_dma semaphore(%arg18 : memref<!tpu.dma_semaphore, #tpu.memory_space<semaphore_mem>>) src(%dma_wait3A_41 : memref<10000x128xf32, #tpu.memory_space<hbm>>) dst(%arg16 : memref<128x128xf32, #tpu.memory_space<vmem>>)
      %scan3A = arith.constant 0 : i32
      %scan3A_42 = arith.constant 0 : i32
      %scan3A_43 = arith.constant 128 : i32
      %scan3A_44 = arith.addi %scan3A_42, %scan3A_43 : i32
      %scan3A_45 = arith.constant 1 : i32
      scf.for %scan3A_47 = %scan3A_42 to %scan3A_44 step %scan3A_45  : i32 {
        %get3A = arith.index_cast %scan3A_47 : i32 to index
        %get3A_48 = arith.constant 0 : index
        %get3A_49 = tpu.vector_load %arg12[%get3A, %get3A_48] {strides = array<i32>} : memref<128x128xf32, #tpu.memory_space<vmem>>, vector<1x16xf32>,
        %get3A_50 = vector.shape_cast %get3A_49 : vector<1x16xf32> to vector<16xf32>
        %get3A_51 = arith.index_cast %scan3A_47 : i32 to index
        %get3A_52 = arith.constant 0 : index
        %get3A_53 = tpu.vector_load %arg13[%get3A_51, %get3A_52] {strides = array<i32>} : memref<128x128xf32, #tpu.memory_space<vmem>>, vector<1x16xf32>,
        %get3A_54 = vector.shape_cast %get3A_53 : vector<1x16xf32> to vector<16xf32>
        %add3A_55 = arith.addf %get3A_50, %get3A_54 : vector<16xf32>
        %swap3A = arith.index_cast %scan3A_47 : i32 to index
        %swap3A_56 = arith.constant 0 : index
        %swap3A_57 = tpu.vector_load %arg14[%swap3A, %swap3A_56] {strides = array<i32>} : memref<128x128xf32, #tpu.memory_space<vmem>>, vector<1x16xf32>,
        %swap3A_58 = vector.shape_cast %swap3A_57 : vector<1x16xf32> to vector<16xf32>
        %swap3A_59 = vector.shape_cast %add3A_55 : vector<16xf32> to vector<1x16xf32>
        tpu.vector_store %arg14[%swap3A, %swap3A_56], %swap3A_59 {strides = array<i32>} : memref<128x128xf32, #tpu.memory_space<vmem>>, vector<1x16xf32>,
        %get3A_60 = arith.index_cast %scan3A_47 : i32 to index
        %get3A_61 = arith.constant 16 : index
        %get3A_62 = tpu.vector_load %arg12[%get3A_60, %get3A_61] {strides = array<i32>} : memref<128x128xf32, #tpu.memory_space<vmem>>, vector<1x16xf32>,
        %get3A_63 = vector.shape_cast %get3A_62 : vector<1x16xf32> to vector<16xf32>
        %get3A_64 = arith.index_cast %scan3A_47 : i32 to index
        %get3A_65 = arith.constant 16 : index
        %get3A_66 = tpu.vector_load %arg13[%get3A_64, %get3A_65] {strides = array<i32>} : memref<128x128xf32, #tpu.memory_space<vmem>>, vector<1x16xf32>,
        %get3A_67 = vector.shape_cast %get3A_66 : vector<1x16xf32> to vector<16xf32>
        %add3A_68 = arith.addf %get3A_63, %get3A_67 : vector<16xf32>
        %swap3A_69 = arith.index_cast %scan3A_47 : i32 to index
        %swap3A_70 = arith.constant 16 : index
        %swap3A_71 = tpu.vector_load %arg14[%swap3A_69, %swap3A_70] {strides = array<i32>} : memref<128x128xf32, #tpu.memory_space<vmem>>, vector<1x16xf32>,
        %swap3A_72 = vector.shape_cast %swap3A_71 : vector<1x16xf32> to vector<16xf32>
        %swap3A_73 = vector.shape_cast %add3A_68 : vector<16xf32> to vector<1x16xf32>
        tpu.vector_store %arg14[%swap3A_69, %swap3A_70], %swap3A_73 {strides = array<i32>} : memref<128x128xf32, #tpu.memory_space<vmem>>, vector<1x16xf32>,
        %get3A_74 = arith.index_cast %scan3A_47 : i32 to index
        %get3A_75 = arith.constant 32 : index
        %get3A_76 = tpu.vector_load %arg12[%get3A_74, %get3A_75] {strides = array<i32>} : memref<128x128xf32, #tpu.memory_space<vmem>>, vector<1x16xf32>,
        %get3A_77 = vector.shape_cast %get3A_76 : vector<1x16xf32> to vector<16xf32>
        %get3A_78 = arith.index_cast %scan3A_47 : i32 to index
        %get3A_79 = arith.constant 32 : index
        %get3A_80 = tpu.vector_load %arg13[%get3A_78, %get3A_79] {strides = array<i32>} : memref<128x128xf32, #tpu.memory_space<vmem>>, vector<1x16xf32>,
        %get3A_81 = vector.shape_cast %get3A_80 : vector<1x16xf32> to vector<16xf32>
        %add3A_82 = arith.addf %get3A_77, %get3A_81 : vector<16xf32>
        %swap3A_83 = arith.index_cast %scan3A_47 : i32 to index
        %swap3A_84 = arith.constant 32 : index
        %swap3A_85 = tpu.vector_load %arg14[%swap3A_83, %swap3A_84] {strides = array<i32>} : memref<128x128xf32, #tpu.memory_space<vmem>>, vector<1x16xf32>,
        %swap3A_86 = vector.shape_cast %swap3A_85 : vector<1x16xf32> to vector<16xf32>
        %swap3A_87 = vector.shape_cast %add3A_82 : vector<16xf32> to vector<1x16xf32>
        tpu.vector_store %arg14[%swap3A_83, %swap3A_84], %swap3A_87 {strides = array<i32>} : memref<128x128xf32, #tpu.memory_space<vmem>>, vector<1x16xf32>,
        %get3A_88 = arith.index_cast %scan3A_47 : i32 to index
        %get3A_89 = arith.constant 48 : index
        %get3A_90 = tpu.vector_load %arg12[%get3A_88, %get3A_89] {strides = array<i32>} : memref<128x128xf32, #tpu.memory_space<vmem>>, vector<1x16xf32>,
        %get3A_91 = vector.shape_cast %get3A_90 : vector<1x16xf32> to vector<16xf32>
        %get3A_92 = arith.index_cast %scan3A_47 : i32 to index
        %get3A_93 = arith.constant 48 : index
        %get3A_94 = tpu.vector_load %arg13[%get3A_92, %get3A_93] {strides = array<i32>} : memref<128x128xf32, #tpu.memory_space<vmem>>, vector<1x16xf32>,
        %get3A_95 = vector.shape_cast %get3A_94 : vector<1x16xf32> to vector<16xf32>
        %add3A_96 = arith.addf %get3A_91, %get3A_95 : vector<16xf32>
        %swap3A_97 = arith.index_cast %scan3A_47 : i32 to index
        %swap3A_98 = arith.constant 48 : index
        %swap3A_99 = tpu.vector_load %arg14[%swap3A_97, %swap3A_98] {strides = array<i32>} : memref<128x128xf32, #tpu.memory_space<vmem>>, vector<1x16xf32>,
        %swap3A_100 = vector.shape_cast %swap3A_99 : vector<1x16xf32> to vector<16xf32>
        %swap3A_101 = vector.shape_cast %add3A_96 : vector<16xf32> to vector<1x16xf32>
        tpu.vector_store %arg14[%swap3A_97, %swap3A_98], %swap3A_101 {strides = array<i32>} : memref<128x128xf32, #tpu.memory_space<vmem>>, vector<1x16xf32>,
        %get3A_102 = arith.index_cast %scan3A_47 : i32 to index
        %get3A_103 = arith.constant 64 : index
        %get3A_104 = tpu.vector_load %arg12[%get3A_102, %get3A_103] {strides = array<i32>} : memref<128x128xf32, #tpu.memory_space<vmem>>, vector<1x16xf32>,
        %get3A_105 = vector.shape_cast %get3A_104 : vector<1x16xf32> to vector<16xf32>
        %get3A_106 = arith.index_cast %scan3A_47 : i32 to index
        %get3A_107 = arith.constant 64 : index
        %get3A_108 = tpu.vector_load %arg13[%get3A_106, %get3A_107] {strides = array<i32>} : memref<128x128xf32, #tpu.memory_space<vmem>>, vector<1x16xf32>,
        %get3A_109 = vector.shape_cast %get3A_108 : vector<1x16xf32> to vector<16xf32>
        %add3A_110 = arith.addf %get3A_105, %get3A_109 : vector<16xf32>
        %swap3A_111 = arith.index_cast %scan3A_47 : i32 to index
        %swap3A_112 = arith.constant 64 : index
        %swap3A_113 = tpu.vector_load %arg14[%swap3A_111, %swap3A_112] {strides = array<i32>} : memref<128x128xf32, #tpu.memory_space<vmem>>, vector<1x16xf32>,
        %swap3A_114 = vector.shape_cast %swap3A_113 : vector<1x16xf32> to vector<16xf32>
        %swap3A_115 = vector.shape_cast %add3A_110 : vector<16xf32> to vector<1x16xf32>
        tpu.vector_store %arg14[%swap3A_111, %swap3A_112], %swap3A_115 {strides = array<i32>} : memref<128x128xf32, #tpu.memory_space<vmem>>, vector<1x16xf32>,
        %get3A_116 = arith.index_cast %scan3A_47 : i32 to index
        %get3A_117 = arith.constant 80 : index
        %get3A_118 = tpu.vector_load %arg12[%get3A_116, %get3A_117] {strides = array<i32>} : memref<128x128xf32, #tpu.memory_space<vmem>>, vector<1x16xf32>,
        %get3A_119 = vector.shape_cast %get3A_118 : vector<1x16xf32> to vector<16xf32>
        %get3A_120 = arith.index_cast %scan3A_47 : i32 to index
        %get3A_121 = arith.constant 80 : index
        %get3A_122 = tpu.vector_load %arg13[%get3A_120, %get3A_121] {strides = array<i32>} : memref<128x128xf32, #tpu.memory_space<vmem>>, vector<1x16xf32>,
        %get3A_123 = vector.shape_cast %get3A_122 : vector<1x16xf32> to vector<16xf32>
        %add3A_124 = arith.addf %get3A_119, %get3A_123 : vector<16xf32>
        %swap3A_125 = arith.index_cast %scan3A_47 : i32 to index
        %swap3A_126 = arith.constant 80 : index
        %swap3A_127 = tpu.vector_load %arg14[%swap3A_125, %swap3A_126] {strides = array<i32>} : memref<128x128xf32, #tpu.memory_space<vmem>>, vector<1x16xf32>,
        %swap3A_128 = vector.shape_cast %swap3A_127 : vector<1x16xf32> to vector<16xf32>
        %swap3A_129 = vector.shape_cast %add3A_124 : vector<16xf32> to vector<1x16xf32>
        tpu.vector_store %arg14[%swap3A_125, %swap3A_126], %swap3A_129 {strides = array<i32>} : memref<128x128xf32, #tpu.memory_space<vmem>>, vector<1x16xf32>,
        %get3A_130 = arith.index_cast %scan3A_47 : i32 to index
        %get3A_131 = arith.constant 96 : index
        %get3A_132 = tpu.vector_load %arg12[%get3A_130, %get3A_131] {strides = array<i32>} : memref<128x128xf32, #tpu.memory_space<vmem>>, vector<1x16xf32>,
        %get3A_133 = vector.shape_cast %get3A_132 : vector<1x16xf32> to vector<16xf32>
        %get3A_134 = arith.index_cast %scan3A_47 : i32 to index
        %get3A_135 = arith.constant 96 : index
        %get3A_136 = tpu.vector_load %arg13[%get3A_134, %get3A_135] {strides = array<i32>} : memref<128x128xf32, #tpu.memory_space<vmem>>, vector<1x16xf32>,
        %get3A_137 = vector.shape_cast %get3A_136 : vector<1x16xf32> to vector<16xf32>
        %add3A_138 = arith.addf %get3A_133, %get3A_137 : vector<16xf32>
        %swap3A_139 = arith.index_cast %scan3A_47 : i32 to index
        %swap3A_140 = arith.constant 96 : index
        %swap3A_141 = tpu.vector_load %arg14[%swap3A_139, %swap3A_140] {strides = array<i32>} : memref<128x128xf32, #tpu.memory_space<vmem>>, vector<1x16xf32>,
        %swap3A_142 = vector.shape_cast %swap3A_141 : vector<1x16xf32> to vector<16xf32>
        %swap3A_143 = vector.shape_cast %add3A_138 : vector<16xf32> to vector<1x16xf32>
        tpu.vector_store %arg14[%swap3A_139, %swap3A_140], %swap3A_143 {strides = array<i32>} : memref<128x128xf32, #tpu.memory_space<vmem>>, vector<1x16xf32>,
        %get3A_144 = arith.index_cast %scan3A_47 : i32 to index
        %get3A_145 = arith.constant 112 : index
        %get3A_146 = tpu.vector_load %arg12[%get3A_144, %get3A_145] {strides = array<i32>} : memref<128x128xf32, #tpu.memory_space<vmem>>, vector<1x16xf32>,
        %get3A_147 = vector.shape_cast %get3A_146 : vector<1x16xf32> to vector<16xf32>
        %get3A_148 = arith.index_cast %scan3A_47 : i32 to index
        %get3A_149 = arith.constant 112 : index
        %get3A_150 = tpu.vector_load %arg13[%get3A_148, %get3A_149] {strides = array<i32>} : memref<128x128xf32, #tpu.memory_space<vmem>>, vector<1x16xf32>,
        %get3A_151 = vector.shape_cast %get3A_150 : vector<1x16xf32> to vector<16xf32>
        %add3A_152 = arith.addf %get3A_147, %get3A_151 : vector<16xf32>
        %swap3A_153 = arith.index_cast %scan3A_47 : i32 to index
        %swap3A_154 = arith.constant 112 : index
        %swap3A_155 = tpu.vector_load %arg14[%swap3A_153, %swap3A_154] {strides = array<i32>} : memref<128x128xf32, #tpu.memory_space<vmem>>, vector<1x16xf32>,
        %swap3A_156 = vector.shape_cast %swap3A_155 : vector<1x16xf32> to vector<16xf32>
        %swap3A_157 = vector.shape_cast %add3A_152 : vector<16xf32> to vector<1x16xf32>
        tpu.vector_store %arg14[%swap3A_153, %swap3A_154], %swap3A_157 {strides = array<i32>} : memref<128x128xf32, #tpu.memory_space<vmem>>, vector<1x16xf32>,
        %get3A_158 = arith.index_cast %scan3A_47 : i32 to index
        %get3A_159 = arith.constant 0 : index
        %get3A_160 = tpu.vector_load %arg15[%get3A_158, %get3A_159] {strides = array<i32>} : memref<128x128xf32, #tpu.memory_space<vmem>>, vector<1x16xf32>,
        %get3A_161 = vector.shape_cast %get3A_160 : vector<1x16xf32> to vector<16xf32>
        %get3A_162 = arith.index_cast %scan3A_47 : i32 to index
        %get3A_163 = arith.constant 0 : index
        %get3A_164 = tpu.vector_load %arg16[%get3A_162, %get3A_163] {strides = array<i32>} : memref<128x128xf32, #tpu.memory_space<vmem>>, vector<1x16xf32>,
        %get3A_165 = vector.shape_cast %get3A_164 : vector<1x16xf32> to vector<16xf32>
        %add3A_166 = arith.addf %get3A_161, %get3A_165 : vector<16xf32>
        %swap3A_167 = arith.index_cast %scan3A_47 : i32 to index
        %swap3A_168 = arith.constant 0 : index
        %swap3A_169 = tpu.vector_load %arg17[%swap3A_167, %swap3A_168] {strides = array<i32>} : memref<128x64xf32, #tpu.memory_space<vmem>>, vector<1x16xf32>,
        %swap3A_170 = vector.shape_cast %swap3A_169 : vector<1x16xf32> to vector<16xf32>
        %swap3A_171 = vector.shape_cast %add3A_166 : vector<16xf32> to vector<1x16xf32>
        tpu.vector_store %arg17[%swap3A_167, %swap3A_168], %swap3A_171 {strides = array<i32>} : memref<128x64xf32, #tpu.memory_space<vmem>>, vector<1x16xf32>,
        %get3A_172 = arith.index_cast %scan3A_47 : i32 to index
        %get3A_173 = arith.constant 16 : index
        %get3A_174 = tpu.vector_load %arg15[%get3A_172, %get3A_173] {strides = array<i32>} : memref<128x128xf32, #tpu.memory_space<vmem>>, vector<1x16xf32>,
        %get3A_175 = vector.shape_cast %get3A_174 : vector<1x16xf32> to vector<16xf32>
        %get3A_176 = arith.index_cast %scan3A_47 : i32 to index
        %get3A_177 = arith.constant 16 : index
        %get3A_178 = tpu.vector_load %arg16[%get3A_176, %get3A_177] {strides = array<i32>} : memref<128x128xf32, #tpu.memory_space<vmem>>, vector<1x16xf32>,
        %get3A_179 = vector.shape_cast %get3A_178 : vector<1x16xf32> to vector<16xf32>
        %add3A_180 = arith.addf %get3A_175, %get3A_179 : vector<16xf32>
        %swap3A_181 = arith.index_cast %scan3A_47 : i32 to index
        %swap3A_182 = arith.constant 16 : index
        %swap3A_183 = tpu.vector_load %arg17[%swap3A_181, %swap3A_182] {strides = array<i32>} : memref<128x64xf32, #tpu.memory_space<vmem>>, vector<1x16xf32>,
        %swap3A_184 = vector.shape_cast %swap3A_183 : vector<1x16xf32> to vector<16xf32>
        %swap3A_185 = vector.shape_cast %add3A_180 : vector<16xf32> to vector<1x16xf32>
        tpu.vector_store %arg17[%swap3A_181, %swap3A_182], %swap3A_185 {strides = array<i32>} : memref<128x64xf32, #tpu.memory_space<vmem>>, vector<1x16xf32>,
        %get3A_186 = arith.index_cast %scan3A_47 : i32 to index
        %get3A_187 = arith.constant 32 : index
        %get3A_188 = tpu.vector_load %arg15[%get3A_186, %get3A_187] {strides = array<i32>} : memref<128x128xf32, #tpu.memory_space<vmem>>, vector<1x16xf32>,
        %get3A_189 = vector.shape_cast %get3A_188 : vector<1x16xf32> to vector<16xf32>
        %get3A_190 = arith.index_cast %scan3A_47 : i32 to index
        %get3A_191 = arith.constant 32 : index
        %get3A_192 = tpu.vector_load %arg16[%get3A_190, %get3A_191] {strides = array<i32>} : memref<128x128xf32, #tpu.memory_space<vmem>>, vector<1x16xf32>,
        %get3A_193 = vector.shape_cast %get3A_192 : vector<1x16xf32> to vector<16xf32>
        %add3A_194 = arith.addf %get3A_189, %get3A_193 : vector<16xf32>
        %swap3A_195 = arith.index_cast %scan3A_47 : i32 to index
        %swap3A_196 = arith.constant 32 : index
        %swap3A_197 = tpu.vector_load %arg17[%swap3A_195, %swap3A_196] {strides = array<i32>} : memref<128x64xf32, #tpu.memory_space<vmem>>, vector<1x16xf32>,
        %swap3A_198 = vector.shape_cast %swap3A_197 : vector<1x16xf32> to vector<16xf32>
        %swap3A_199 = vector.shape_cast %add3A_194 : vector<16xf32> to vector<1x16xf32>
        tpu.vector_store %arg17[%swap3A_195, %swap3A_196], %swap3A_199 {strides = array<i32>} : memref<128x64xf32, #tpu.memory_space<vmem>>, vector<1x16xf32>,
        %get3A_200 = arith.index_cast %scan3A_47 : i32 to index
        %get3A_201 = arith.constant 48 : index
        %get3A_202 = tpu.vector_load %arg15[%get3A_200, %get3A_201] {strides = array<i32>} : memref<128x128xf32, #tpu.memory_space<vmem>>, vector<1x16xf32>,
        %get3A_203 = vector.shape_cast %get3A_202 : vector<1x16xf32> to vector<16xf32>
        %get3A_204 = arith.index_cast %scan3A_47 : i32 to index
        %get3A_205 = arith.constant 48 : index
        %get3A_206 = tpu.vector_load %arg16[%get3A_204, %get3A_205] {strides = array<i32>} : memref<128x128xf32, #tpu.memory_space<vmem>>, vector<1x16xf32>,
        %get3A_207 = vector.shape_cast %get3A_206 : vector<1x16xf32> to vector<16xf32>
        %add3A_208 = arith.addf %get3A_203, %get3A_207 : vector<16xf32>
        %swap3A_209 = arith.index_cast %scan3A_47 : i32 to index
        %swap3A_210 = arith.constant 48 : index
        %swap3A_211 = tpu.vector_load %arg17[%swap3A_209, %swap3A_210] {strides = array<i32>} : memref<128x64xf32, #tpu.memory_space<vmem>>, vector<1x16xf32>,
        %swap3A_212 = vector.shape_cast %swap3A_211 : vector<1x16xf32> to vector<16xf32>
        %swap3A_213 = vector.shape_cast %add3A_208 : vector<16xf32> to vector<1x16xf32>
        tpu.vector_store %arg17[%swap3A_209, %swap3A_210], %swap3A_213 {strides = array<i32>} : memref<128x64xf32, #tpu.memory_space<vmem>>, vector<1x16xf32>,
      }
      %scan3A_46 = arith.constant 128 : i32
      "tpu.region"() ({
        %run_scoped3A = tpu.sem_alloc : memref<!tpu.dma_semaphore, #tpu.memory_space<semaphore_mem>>
        %dma_start3A_47 = arith.constant 0 : i32
        %dma_start3A_48 = tpu.memref_slice %arg8[%mul3A_19, %dma_start3A_47] : memref<320000x128xf32, #tpu.memory_space<hbm>> -> memref<128x128xf32, #tpu.memory_space<hbm>>
        %dma_start3A_49 = arith.constant 0 : i32
        %dma_start3A_50 = tpu.memref_slice %arg8[%mul3A_19, %dma_start3A_49] : memref<320000x128xf32, #tpu.memory_space<hbm>> -> memref<128x128xf32, #tpu.memory_space<hbm>>
        tpu.enqueue_dma source(%arg14 : memref<128x128xf32, #tpu.memory_space<vmem>>) target(%dma_start3A_50 : memref<128x128xf32, #tpu.memory_space<hbm>>) target_semaphore(%run_scoped3A : memref<!tpu.dma_semaphore, #tpu.memory_space<semaphore_mem>>)
        %dma_wait3A_51 = arith.constant 0 : i32
        %dma_wait3A_52 = tpu.memref_slice %arg8[%mul3A_19, %dma_wait3A_51] : memref<320000x128xf32, #tpu.memory_space<hbm>> -> memref<128x128xf32, #tpu.memory_space<hbm>>
        %dma_wait3A_53 = arith.constant 0 : i32
        %dma_wait3A_54 = tpu.memref_slice %arg8[%mul3A_19, %dma_wait3A_53] : memref<320000x128xf32, #tpu.memory_space<hbm>> -> memref<128x128xf32, #tpu.memory_space<hbm>>
        tpu.wait_dma2 semaphore(%run_scoped3A : memref<!tpu.dma_semaphore, #tpu.memory_space<semaphore_mem>>) src(%arg14 : memref<128x128xf32, #tpu.memory_space<vmem>>) dst(%dma_wait3A_54 : memref<128x128xf32, #tpu.memory_space<hbm>>)
        tpu.yield
      }) : () -> ()
      "tpu.region"() ({
        %run_scoped3A = tpu.sem_alloc : memref<!tpu.dma_semaphore, #tpu.memory_space<semaphore_mem>>
        %dma_start3A_47 = arith.constant 0 : i32
        %dma_start3A_48 = tpu.memref_slice %arg9[%mul3A_19, %dma_start3A_47] : memref<320000x64xf32, #tpu.memory_space<hbm>> -> memref<128x64xf32, #tpu.memory_space<hbm>>
        %dma_start3A_49 = arith.constant 0 : i32
        %dma_start3A_50 = tpu.memref_slice %arg9[%mul3A_19, %dma_start3A_49] : memref<320000x64xf32, #tpu.memory_space<hbm>> -> memref<128x64xf32, #tpu.memory_space<hbm>>
        tpu.enqueue_dma source(%arg17 : memref<128x64xf32, #tpu.memory_space<vmem>>) target(%dma_start3A_50 : memref<128x64xf32, #tpu.memory_space<hbm>>) target_semaphore(%run_scoped3A : memref<!tpu.dma_semaphore, #tpu.memory_space<semaphore_mem>>)
        %dma_wait3A_51 = arith.constant 0 : i32
        %dma_wait3A_52 = tpu.memref_slice %arg9[%mul3A_19, %dma_wait3A_51] : memref<320000x64xf32, #tpu.memory_space<hbm>> -> memref<128x64xf32, #tpu.memory_space<hbm>>
        %dma_wait3A_53 = arith.constant 0 : i32
        %dma_wait3A_54 = tpu.memref_slice %arg9[%mul3A_19, %dma_wait3A_53] : memref<320000x64xf32, #tpu.memory_space<hbm>> -> memref<128x64xf32, #tpu.memory_space<hbm>>
        tpu.wait_dma2 semaphore(%run_scoped3A : memref<!tpu.dma_semaphore, #tpu.memory_space<semaphore_mem>>) src(%arg17 : memref<128x64xf32, #tpu.memory_space<vmem>>) dst(%dma_wait3A_54 : memref<128x64xf32, #tpu.memory_space<hbm>>)
        tpu.yield
      }) : () -> ()
    }
    %while3A_13 = arith.constant 1 : i32
    scf.for %while3A_14 = %while3A_11 to %while3A_7 step %while3A_13  : i32 {
      %mul3A_15 = arith.constant 32 : i32
      %mul3A_16 = arith.muli %while3A_14, %mul3A_15 : i32
      %add3A_17 = arith.addi %add3A, %mul3A_16 : i32
      %mul3A_18 = arith.constant 128 : i32
      %mul3A_19 = arith.muli %add3A_17, %mul3A_18 : i32
      "tpu.region"() ({
        %run_scoped3A = tpu.sem_alloc : memref<!tpu.dma_semaphore, #tpu.memory_space<semaphore_mem>>
        %dma_start3A_47 = tpu.memref_slice %arg6[%mul3A_19] : memref<320000xi32, #tpu.memory_space<hbm>> -> memref<128xi32, #tpu.memory_space<hbm>>
        %dma_start3A_48 = tpu.memref_slice %arg6[%mul3A_19] : memref<320000xi32, #tpu.memory_space<hbm>> -> memref<128xi32, #tpu.memory_space<hbm>>
        tpu.enqueue_dma source(%dma_start3A_48 : memref<128xi32, #tpu.memory_space<hbm>>) target(%arg10 : memref<128xi32, #tpu.memory_space<vmem>>) target_semaphore(%run_scoped3A : memref<!tpu.dma_semaphore, #tpu.memory_space<semaphore_mem>>)
        %dma_wait3A_49 = tpu.memref_slice %arg6[%mul3A_19] : memref<320000xi32, #tpu.memory_space<hbm>> -> memref<128xi32, #tpu.memory_space<hbm>>
        %dma_wait3A_50 = tpu.memref_slice %arg6[%mul3A_19] : memref<320000xi32, #tpu.memory_space<hbm>> -> memref<128xi32, #tpu.memory_space<hbm>>
        tpu.wait_dma2 semaphore(%run_scoped3A : memref<!tpu.dma_semaphore, #tpu.memory_space<semaphore_mem>>) src(%dma_wait3A_50 : memref<128xi32, #tpu.memory_space<hbm>>) dst(%arg10 : memref<128xi32, #tpu.memory_space<vmem>>)
        tpu.yield
      }) : () -> ()
      "tpu.region"() ({
        %run_scoped3A = tpu.sem_alloc : memref<!tpu.dma_semaphore, #tpu.memory_space<semaphore_mem>>
        %dma_start3A_47 = tpu.memref_slice %arg7[%mul3A_19] : memref<320000xi32, #tpu.memory_space<hbm>> -> memref<128xi32, #tpu.memory_space<hbm>>
        %dma_start3A_48 = tpu.memref_slice %arg7[%mul3A_19] : memref<320000xi32, #tpu.memory_space<hbm>> -> memref<128xi32, #tpu.memory_space<hbm>>
        tpu.enqueue_dma source(%dma_start3A_48 : memref<128xi32, #tpu.memory_space<hbm>>) target(%arg11 : memref<128xi32, #tpu.memory_space<vmem>>) target_semaphore(%run_scoped3A : memref<!tpu.dma_semaphore, #tpu.memory_space<semaphore_mem>>)
        %dma_wait3A_49 = tpu.memref_slice %arg7[%mul3A_19] : memref<320000xi32, #tpu.memory_space<hbm>> -> memref<128xi32, #tpu.memory_space<hbm>>
        %dma_wait3A_50 = tpu.memref_slice %arg7[%mul3A_19] : memref<320000xi32, #tpu.memory_space<hbm>> -> memref<128xi32, #tpu.memory_space<hbm>>
        tpu.wait_dma2 semaphore(%run_scoped3A : memref<!tpu.dma_semaphore, #tpu.memory_space<semaphore_mem>>) src(%dma_wait3A_50 : memref<128xi32, #tpu.memory_space<hbm>>) dst(%arg11 : memref<128xi32, #tpu.memory_space<vmem>>)
        tpu.yield
      }) : () -> ()
      %dma_start3A = arith.constant 0 : i32
      %dma_start3A_20 = arith.constant 0 : i32
      %dma_start3A_21 = tpu.memref_slice %arg2[%dma_start3A, %dma_start3A_20] : memref<10000x128xf32, #tpu.memory_space<hbm>> -> memref<10000x128xf32, #tpu.memory_space<hbm>>
      tpu.enqueue_indirect_dma source(%dma_start3A_21 : memref<10000x128xf32, #tpu.memory_space<hbm>>) target(%arg12 : memref<128x128xf32, #tpu.memory_space<vmem>>) offsets(%arg10 : memref<128xi32, #tpu.memory_space<vmem>>) semaphore(%arg18 : memref<!tpu.dma_semaphore, #tpu.memory_space<semaphore_mem>>)
      %dma_start3A_22 = arith.constant 0 : i32
      %dma_start3A_23 = arith.constant 0 : i32
      %dma_start3A_24 = tpu.memref_slice %arg3[%dma_start3A_22, %dma_start3A_23] : memref<10000x128xf32, #tpu.memory_space<hbm>> -> memref<10000x128xf32, #tpu.memory_space<hbm>>
      tpu.enqueue_indirect_dma source(%dma_start3A_24 : memref<10000x128xf32, #tpu.memory_space<hbm>>) target(%arg13 : memref<128x128xf32, #tpu.memory_space<vmem>>) offsets(%arg11 : memref<128xi32, #tpu.memory_space<vmem>>) semaphore(%arg18 : memref<!tpu.dma_semaphore, #tpu.memory_space<semaphore_mem>>)
      %dma_start3A_25 = arith.constant 0 : i32
      %dma_start3A_26 = arith.constant 0 : i32
      %dma_start3A_27 = tpu.memref_slice %arg4[%dma_start3A_25, %dma_start3A_26] : memref<10000x128xf32, #tpu.memory_space<hbm>> -> memref<10000x128xf32, #tpu.memory_space<hbm>>
      tpu.enqueue_indirect_dma source(%dma_start3A_27 : memref<10000x128xf32, #tpu.memory_space<hbm>>) target(%arg15 : memref<128x128xf32, #tpu.memory_space<vmem>>) offsets(%arg10 : memref<128xi32, #tpu.memory_space<vmem>>) semaphore(%arg18 : memref<!tpu.dma_semaphore, #tpu.memory_space<semaphore_mem>>)
      %dma_start3A_28 = arith.constant 0 : i32
      %dma_start3A_29 = arith.constant 0 : i32
      %dma_start3A_30 = tpu.memref_slice %arg5[%dma_start3A_28, %dma_start3A_29] : memref<10000x128xf32, #tpu.memory_space<hbm>> -> memref<10000x128xf32, #tpu.memory_space<hbm>>
      tpu.enqueue_indirect_dma source(%dma_start3A_30 : memref<10000x128xf32, #tpu.memory_space<hbm>>) target(%arg16 : memref<128x128xf32, #tpu.memory_space<vmem>>) offsets(%arg11 : memref<128xi32, #tpu.memory_space<vmem>>) semaphore(%arg18 : memref<!tpu.dma_semaphore, #tpu.memory_space<semaphore_mem>>)
      %dma_wait3A = arith.constant 0 : i32
      %dma_wait3A_31 = arith.constant 0 : i32
      %dma_wait3A_32 = tpu.memref_slice %arg2[%dma_wait3A, %dma_wait3A_31] : memref<10000x128xf32, #tpu.memory_space<hbm>> -> memref<10000x128xf32, #tpu.memory_space<hbm>>
      tpu.wait_indirect_dma semaphore(%arg18 : memref<!tpu.dma_semaphore, #tpu.memory_space<semaphore_mem>>) src(%dma_wait3A_32 : memref<10000x128xf32, #tpu.memory_space<hbm>>) dst(%arg12 : memref<128x128xf32, #tpu.memory_space<vmem>>)
      %dma_wait3A_33 = arith.constant 0 : i32
      %dma_wait3A_34 = arith.constant 0 : i32
      %dma_wait3A_35 = tpu.memref_slice %arg3[%dma_wait3A_33, %dma_wait3A_34] : memref<10000x128xf32, #tpu.memory_space<hbm>> -> memref<10000x128xf32, #tpu.memory_space<hbm>>
      tpu.wait_indirect_dma semaphore(%arg18 : memref<!tpu.dma_semaphore, #tpu.memory_space<semaphore_mem>>) src(%dma_wait3A_35 : memref<10000x128xf32, #tpu.memory_space<hbm>>) dst(%arg13 : memref<128x128xf32, #tpu.memory_space<vmem>>)
      %dma_wait3A_36 = arith.constant 0 : i32
      %dma_wait3A_37 = arith.constant 0 : i32
      %dma_wait3A_38 = tpu.memref_slice %arg4[%dma_wait3A_36, %dma_wait3A_37] : memref<10000x128xf32, #tpu.memory_space<hbm>> -> memref<10000x128xf32, #tpu.memory_space<hbm>>
      tpu.wait_indirect_dma semaphore(%arg18 : memref<!tpu.dma_semaphore, #tpu.memory_space<semaphore_mem>>) src(%dma_wait3A_38 : memref<10000x128xf32, #tpu.memory_space<hbm>>) dst(%arg15 : memref<128x128xf32, #tpu.memory_space<vmem>>)
      %dma_wait3A_39 = arith.constant 0 : i32
      %dma_wait3A_40 = arith.constant 0 : i32
      %dma_wait3A_41 = tpu.memref_slice %arg5[%dma_wait3A_39, %dma_wait3A_40] : memref<10000x128xf32, #tpu.memory_space<hbm>> -> memref<10000x128xf32, #tpu.memory_space<hbm>>
      tpu.wait_indirect_dma semaphore(%arg18 : memref<!tpu.dma_semaphore, #tpu.memory_space<semaphore_mem>>) src(%dma_wait3A_41 : memref<10000x128xf32, #tpu.memory_space<hbm>>) dst(%arg16 : memref<128x128xf32, #tpu.memory_space<vmem>>)
      %scan3A = arith.constant 0 : i32
      %scan3A_42 = arith.constant 0 : i32
      %scan3A_43 = arith.constant 128 : i32
      %scan3A_44 = arith.addi %scan3A_42, %scan3A_43 : i32
      %scan3A_45 = arith.constant 1 : i32
      scf.for %scan3A_47 = %scan3A_42 to %scan3A_44 step %scan3A_45  : i32 {
        %get3A = arith.index_cast %scan3A_47 : i32 to index
        %get3A_48 = arith.constant 0 : index
        %get3A_49 = tpu.vector_load %arg12[%get3A, %get3A_48] {strides = array<i32>} : memref<128x128xf32, #tpu.memory_space<vmem>>, vector<1x16xf32>,
        %get3A_50 = vector.shape_cast %get3A_49 : vector<1x16xf32> to vector<16xf32>
        %get3A_51 = arith.index_cast %scan3A_47 : i32 to index
        %get3A_52 = arith.constant 0 : index
        %get3A_53 = tpu.vector_load %arg13[%get3A_51, %get3A_52] {strides = array<i32>} : memref<128x128xf32, #tpu.memory_space<vmem>>, vector<1x16xf32>,
        %get3A_54 = vector.shape_cast %get3A_53 : vector<1x16xf32> to vector<16xf32>
        %add3A_55 = arith.addf %get3A_50, %get3A_54 : vector<16xf32>
        %swap3A = arith.index_cast %scan3A_47 : i32 to index
        %swap3A_56 = arith.constant 0 : index
        %swap3A_57 = tpu.vector_load %arg14[%swap3A, %swap3A_56] {strides = array<i32>} : memref<128x128xf32, #tpu.memory_space<vmem>>, vector<1x16xf32>,
        %swap3A_58 = vector.shape_cast %swap3A_57 : vector<1x16xf32> to vector<16xf32>
        %swap3A_59 = vector.shape_cast %add3A_55 : vector<16xf32> to vector<1x16xf32>
        tpu.vector_store %arg14[%swap3A, %swap3A_56], %swap3A_59 {strides = array<i32>} : memref<128x128xf32, #tpu.memory_space<vmem>>, vector<1x16xf32>,
        %get3A_60 = arith.index_cast %scan3A_47 : i32 to index
        %get3A_61 = arith.constant 16 : index
        %get3A_62 = tpu.vector_load %arg12[%get3A_60, %get3A_61] {strides = array<i32>} : memref<128x128xf32, #tpu.memory_space<vmem>>, vector<1x16xf32>,
        %get3A_63 = vector.shape_cast %get3A_62 : vector<1x16xf32> to vector<16xf32>
        %get3A_64 = arith.index_cast %scan3A_47 : i32 to index
        %get3A_65 = arith.constant 16 : index
        %get3A_66 = tpu.vector_load %arg13[%get3A_64, %get3A_65] {strides = array<i32>} : memref<128x128xf32, #tpu.memory_space<vmem>>, vector<1x16xf32>,
        %get3A_67 = vector.shape_cast %get3A_66 : vector<1x16xf32> to vector<16xf32>
        %add3A_68 = arith.addf %get3A_63, %get3A_67 : vector<16xf32>
        %swap3A_69 = arith.index_cast %scan3A_47 : i32 to index
        %swap3A_70 = arith.constant 16 : index
        %swap3A_71 = tpu.vector_load %arg14[%swap3A_69, %swap3A_70] {strides = array<i32>} : memref<128x128xf32, #tpu.memory_space<vmem>>, vector<1x16xf32>,
        %swap3A_72 = vector.shape_cast %swap3A_71 : vector<1x16xf32> to vector<16xf32>
        %swap3A_73 = vector.shape_cast %add3A_68 : vector<16xf32> to vector<1x16xf32>
        tpu.vector_store %arg14[%swap3A_69, %swap3A_70], %swap3A_73 {strides = array<i32>} : memref<128x128xf32, #tpu.memory_space<vmem>>, vector<1x16xf32>,
        %get3A_74 = arith.index_cast %scan3A_47 : i32 to index
        %get3A_75 = arith.constant 32 : index
        %get3A_76 = tpu.vector_load %arg12[%get3A_74, %get3A_75] {strides = array<i32>} : memref<128x128xf32, #tpu.memory_space<vmem>>, vector<1x16xf32>,
        %get3A_77 = vector.shape_cast %get3A_76 : vector<1x16xf32> to vector<16xf32>
        %get3A_78 = arith.index_cast %scan3A_47 : i32 to index
        %get3A_79 = arith.constant 32 : index
        %get3A_80 = tpu.vector_load %arg13[%get3A_78, %get3A_79] {strides = array<i32>} : memref<128x128xf32, #tpu.memory_space<vmem>>, vector<1x16xf32>,
        %get3A_81 = vector.shape_cast %get3A_80 : vector<1x16xf32> to vector<16xf32>
        %add3A_82 = arith.addf %get3A_77, %get3A_81 : vector<16xf32>
        %swap3A_83 = arith.index_cast %scan3A_47 : i32 to index
        %swap3A_84 = arith.constant 32 : index
        %swap3A_85 = tpu.vector_load %arg14[%swap3A_83, %swap3A_84] {strides = array<i32>} : memref<128x128xf32, #tpu.memory_space<vmem>>, vector<1x16xf32>,
        %swap3A_86 = vector.shape_cast %swap3A_85 : vector<1x16xf32> to vector<16xf32>
        %swap3A_87 = vector.shape_cast %add3A_82 : vector<16xf32> to vector<1x16xf32>
        tpu.vector_store %arg14[%swap3A_83, %swap3A_84], %swap3A_87 {strides = array<i32>} : memref<128x128xf32, #tpu.memory_space<vmem>>, vector<1x16xf32>,
        %get3A_88 = arith.index_cast %scan3A_47 : i32 to index
        %get3A_89 = arith.constant 48 : index
        %get3A_90 = tpu.vector_load %arg12[%get3A_88, %get3A_89] {strides = array<i32>} : memref<128x128xf32, #tpu.memory_space<vmem>>, vector<1x16xf32>,
        %get3A_91 = vector.shape_cast %get3A_90 : vector<1x16xf32> to vector<16xf32>
        %get3A_92 = arith.index_cast %scan3A_47 : i32 to index
        %get3A_93 = arith.constant 48 : index
        %get3A_94 = tpu.vector_load %arg13[%get3A_92, %get3A_93] {strides = array<i32>} : memref<128x128xf32, #tpu.memory_space<vmem>>, vector<1x16xf32>,
        %get3A_95 = vector.shape_cast %get3A_94 : vector<1x16xf32> to vector<16xf32>
        %add3A_96 = arith.addf %get3A_91, %get3A_95 : vector<16xf32>
        %swap3A_97 = arith.index_cast %scan3A_47 : i32 to index
        %swap3A_98 = arith.constant 48 : index
        %swap3A_99 = tpu.vector_load %arg14[%swap3A_97, %swap3A_98] {strides = array<i32>} : memref<128x128xf32, #tpu.memory_space<vmem>>, vector<1x16xf32>,
        %swap3A_100 = vector.shape_cast %swap3A_99 : vector<1x16xf32> to vector<16xf32>
        %swap3A_101 = vector.shape_cast %add3A_96 : vector<16xf32> to vector<1x16xf32>
        tpu.vector_store %arg14[%swap3A_97, %swap3A_98], %swap3A_101 {strides = array<i32>} : memref<128x128xf32, #tpu.memory_space<vmem>>, vector<1x16xf32>,
        %get3A_102 = arith.index_cast %scan3A_47 : i32 to index
        %get3A_103 = arith.constant 64 : index
        %get3A_104 = tpu.vector_load %arg12[%get3A_102, %get3A_103] {strides = array<i32>} : memref<128x128xf32, #tpu.memory_space<vmem>>, vector<1x16xf32>,
        %get3A_105 = vector.shape_cast %get3A_104 : vector<1x16xf32> to vector<16xf32>
        %get3A_106 = arith.index_cast %scan3A_47 : i32 to index
        %get3A_107 = arith.constant 64 : index
        %get3A_108 = tpu.vector_load %arg13[%get3A_106, %get3A_107] {strides = array<i32>} : memref<128x128xf32, #tpu.memory_space<vmem>>, vector<1x16xf32>,
        %get3A_109 = vector.shape_cast %get3A_108 : vector<1x16xf32> to vector<16xf32>
        %add3A_110 = arith.addf %get3A_105, %get3A_109 : vector<16xf32>
        %swap3A_111 = arith.index_cast %scan3A_47 : i32 to index
        %swap3A_112 = arith.constant 64 : index
        %swap3A_113 = tpu.vector_load %arg14[%swap3A_111, %swap3A_112] {strides = array<i32>} : memref<128x128xf32, #tpu.memory_space<vmem>>, vector<1x16xf32>,
        %swap3A_114 = vector.shape_cast %swap3A_113 : vector<1x16xf32> to vector<16xf32>
        %swap3A_115 = vector.shape_cast %add3A_110 : vector<16xf32> to vector<1x16xf32>
        tpu.vector_store %arg14[%swap3A_111, %swap3A_112], %swap3A_115 {strides = array<i32>} : memref<128x128xf32, #tpu.memory_space<vmem>>, vector<1x16xf32>,
        %get3A_116 = arith.index_cast %scan3A_47 : i32 to index
        %get3A_117 = arith.constant 80 : index
        %get3A_118 = tpu.vector_load %arg12[%get3A_116, %get3A_117] {strides = array<i32>} : memref<128x128xf32, #tpu.memory_space<vmem>>, vector<1x16xf32>,
        %get3A_119 = vector.shape_cast %get3A_118 : vector<1x16xf32> to vector<16xf32>
        %get3A_120 = arith.index_cast %scan3A_47 : i32 to index
        %get3A_121 = arith.constant 80 : index
        %get3A_122 = tpu.vector_load %arg13[%get3A_120, %get3A_121] {strides = array<i32>} : memref<128x128xf32, #tpu.memory_space<vmem>>, vector<1x16xf32>,
        %get3A_123 = vector.shape_cast %get3A_122 : vector<1x16xf32> to vector<16xf32>
        %add3A_124 = arith.addf %get3A_119, %get3A_123 : vector<16xf32>
        %swap3A_125 = arith.index_cast %scan3A_47 : i32 to index
        %swap3A_126 = arith.constant 80 : index
        %swap3A_127 = tpu.vector_load %arg14[%swap3A_125, %swap3A_126] {strides = array<i32>} : memref<128x128xf32, #tpu.memory_space<vmem>>, vector<1x16xf32>,
        %swap3A_128 = vector.shape_cast %swap3A_127 : vector<1x16xf32> to vector<16xf32>
        %swap3A_129 = vector.shape_cast %add3A_124 : vector<16xf32> to vector<1x16xf32>
        tpu.vector_store %arg14[%swap3A_125, %swap3A_126], %swap3A_129 {strides = array<i32>} : memref<128x128xf32, #tpu.memory_space<vmem>>, vector<1x16xf32>,
        %get3A_130 = arith.index_cast %scan3A_47 : i32 to index
        %get3A_131 = arith.constant 96 : index
        %get3A_132 = tpu.vector_load %arg12[%get3A_130, %get3A_131] {strides = array<i32>} : memref<128x128xf32, #tpu.memory_space<vmem>>, vector<1x16xf32>,
        %get3A_133 = vector.shape_cast %get3A_132 : vector<1x16xf32> to vector<16xf32>
        %get3A_134 = arith.index_cast %scan3A_47 : i32 to index
        %get3A_135 = arith.constant 96 : index
        %get3A_136 = tpu.vector_load %arg13[%get3A_134, %get3A_135] {strides = array<i32>} : memref<128x128xf32, #tpu.memory_space<vmem>>, vector<1x16xf32>,
        %get3A_137 = vector.shape_cast %get3A_136 : vector<1x16xf32> to vector<16xf32>
        %add3A_138 = arith.addf %get3A_133, %get3A_137 : vector<16xf32>
        %swap3A_139 = arith.index_cast %scan3A_47 : i32 to index
        %swap3A_140 = arith.constant 96 : index
        %swap3A_141 = tpu.vector_load %arg14[%swap3A_139, %swap3A_140] {strides = array<i32>} : memref<128x128xf32, #tpu.memory_space<vmem>>, vector<1x16xf32>,
        %swap3A_142 = vector.shape_cast %swap3A_141 : vector<1x16xf32> to vector<16xf32>
        %swap3A_143 = vector.shape_cast %add3A_138 : vector<16xf32> to vector<1x16xf32>
        tpu.vector_store %arg14[%swap3A_139, %swap3A_140], %swap3A_143 {strides = array<i32>} : memref<128x128xf32, #tpu.memory_space<vmem>>, vector<1x16xf32>,
        %get3A_144 = arith.index_cast %scan3A_47 : i32 to index
        %get3A_145 = arith.constant 112 : index
        %get3A_146 = tpu.vector_load %arg12[%get3A_144, %get3A_145] {strides = array<i32>} : memref<128x128xf32, #tpu.memory_space<vmem>>, vector<1x16xf32>,
        %get3A_147 = vector.shape_cast %get3A_146 : vector<1x16xf32> to vector<16xf32>
        %get3A_148 = arith.index_cast %scan3A_47 : i32 to index
        %get3A_149 = arith.constant 112 : index
        %get3A_150 = tpu.vector_load %arg13[%get3A_148, %get3A_149] {strides = array<i32>} : memref<128x128xf32, #tpu.memory_space<vmem>>, vector<1x16xf32>,
        %get3A_151 = vector.shape_cast %get3A_150 : vector<1x16xf32> to vector<16xf32>
        %add3A_152 = arith.addf %get3A_147, %get3A_151 : vector<16xf32>
        %swap3A_153 = arith.index_cast %scan3A_47 : i32 to index
        %swap3A_154 = arith.constant 112 : index
        %swap3A_155 = tpu.vector_load %arg14[%swap3A_153, %swap3A_154] {strides = array<i32>} : memref<128x128xf32, #tpu.memory_space<vmem>>, vector<1x16xf32>,
        %swap3A_156 = vector.shape_cast %swap3A_155 : vector<1x16xf32> to vector<16xf32>
        %swap3A_157 = vector.shape_cast %add3A_152 : vector<16xf32> to vector<1x16xf32>
        tpu.vector_store %arg14[%swap3A_153, %swap3A_154], %swap3A_157 {strides = array<i32>} : memref<128x128xf32, #tpu.memory_space<vmem>>, vector<1x16xf32>,
        %get3A_158 = arith.index_cast %scan3A_47 : i32 to index
        %get3A_159 = arith.constant 0 : index
        %get3A_160 = tpu.vector_load %arg15[%get3A_158, %get3A_159] {strides = array<i32>} : memref<128x128xf32, #tpu.memory_space<vmem>>, vector<1x16xf32>,
        %get3A_161 = vector.shape_cast %get3A_160 : vector<1x16xf32> to vector<16xf32>
        %get3A_162 = arith.index_cast %scan3A_47 : i32 to index
        %get3A_163 = arith.constant 0 : index
        %get3A_164 = tpu.vector_load %arg16[%get3A_162, %get3A_163] {strides = array<i32>} : memref<128x128xf32, #tpu.memory_space<vmem>>, vector<1x16xf32>,
        %get3A_165 = vector.shape_cast %get3A_164 : vector<1x16xf32> to vector<16xf32>
        %add3A_166 = arith.addf %get3A_161, %get3A_165 : vector<16xf32>
        %swap3A_167 = arith.index_cast %scan3A_47 : i32 to index
        %swap3A_168 = arith.constant 0 : index
        %swap3A_169 = tpu.vector_load %arg17[%swap3A_167, %swap3A_168] {strides = array<i32>} : memref<128x64xf32, #tpu.memory_space<vmem>>, vector<1x16xf32>,
        %swap3A_170 = vector.shape_cast %swap3A_169 : vector<1x16xf32> to vector<16xf32>
        %swap3A_171 = vector.shape_cast %add3A_166 : vector<16xf32> to vector<1x16xf32>
        tpu.vector_store %arg17[%swap3A_167, %swap3A_168], %swap3A_171 {strides = array<i32>} : memref<128x64xf32, #tpu.memory_space<vmem>>, vector<1x16xf32>,
        %get3A_172 = arith.index_cast %scan3A_47 : i32 to index
        %get3A_173 = arith.constant 16 : index
        %get3A_174 = tpu.vector_load %arg15[%get3A_172, %get3A_173] {strides = array<i32>} : memref<128x128xf32, #tpu.memory_space<vmem>>, vector<1x16xf32>,
        %get3A_175 = vector.shape_cast %get3A_174 : vector<1x16xf32> to vector<16xf32>
        %get3A_176 = arith.index_cast %scan3A_47 : i32 to index
        %get3A_177 = arith.constant 16 : index
        %get3A_178 = tpu.vector_load %arg16[%get3A_176, %get3A_177] {strides = array<i32>} : memref<128x128xf32, #tpu.memory_space<vmem>>, vector<1x16xf32>,
        %get3A_179 = vector.shape_cast %get3A_178 : vector<1x16xf32> to vector<16xf32>
        %add3A_180 = arith.addf %get3A_175, %get3A_179 : vector<16xf32>
        %swap3A_181 = arith.index_cast %scan3A_47 : i32 to index
        %swap3A_182 = arith.constant 16 : index
        %swap3A_183 = tpu.vector_load %arg17[%swap3A_181, %swap3A_182] {strides = array<i32>} : memref<128x64xf32, #tpu.memory_space<vmem>>, vector<1x16xf32>,
        %swap3A_184 = vector.shape_cast %swap3A_183 : vector<1x16xf32> to vector<16xf32>
        %swap3A_185 = vector.shape_cast %add3A_180 : vector<16xf32> to vector<1x16xf32>
        tpu.vector_store %arg17[%swap3A_181, %swap3A_182], %swap3A_185 {strides = array<i32>} : memref<128x64xf32, #tpu.memory_space<vmem>>, vector<1x16xf32>,
        %get3A_186 = arith.index_cast %scan3A_47 : i32 to index
        %get3A_187 = arith.constant 32 : index
        %get3A_188 = tpu.vector_load %arg15[%get3A_186, %get3A_187] {strides = array<i32>} : memref<128x128xf32, #tpu.memory_space<vmem>>, vector<1x16xf32>,
        %get3A_189 = vector.shape_cast %get3A_188 : vector<1x16xf32> to vector<16xf32>
        %get3A_190 = arith.index_cast %scan3A_47 : i32 to index
        %get3A_191 = arith.constant 32 : index
        %get3A_192 = tpu.vector_load %arg16[%get3A_190, %get3A_191] {strides = array<i32>} : memref<128x128xf32, #tpu.memory_space<vmem>>, vector<1x16xf32>,
        %get3A_193 = vector.shape_cast %get3A_192 : vector<1x16xf32> to vector<16xf32>
        %add3A_194 = arith.addf %get3A_189, %get3A_193 : vector<16xf32>
        %swap3A_195 = arith.index_cast %scan3A_47 : i32 to index
        %swap3A_196 = arith.constant 32 : index
        %swap3A_197 = tpu.vector_load %arg17[%swap3A_195, %swap3A_196] {strides = array<i32>} : memref<128x64xf32, #tpu.memory_space<vmem>>, vector<1x16xf32>,
        %swap3A_198 = vector.shape_cast %swap3A_197 : vector<1x16xf32> to vector<16xf32>
        %swap3A_199 = vector.shape_cast %add3A_194 : vector<16xf32> to vector<1x16xf32>
        tpu.vector_store %arg17[%swap3A_195, %swap3A_196], %swap3A_199 {strides = array<i32>} : memref<128x64xf32, #tpu.memory_space<vmem>>, vector<1x16xf32>,
        %get3A_200 = arith.index_cast %scan3A_47 : i32 to index
        %get3A_201 = arith.constant 48 : index
        %get3A_202 = tpu.vector_load %arg15[%get3A_200, %get3A_201] {strides = array<i32>} : memref<128x128xf32, #tpu.memory_space<vmem>>, vector<1x16xf32>,
        %get3A_203 = vector.shape_cast %get3A_202 : vector<1x16xf32> to vector<16xf32>
        %get3A_204 = arith.index_cast %scan3A_47 : i32 to index
        %get3A_205 = arith.constant 48 : index
        %get3A_206 = tpu.vector_load %arg16[%get3A_204, %get3A_205] {strides = array<i32>} : memref<128x128xf32, #tpu.memory_space<vmem>>, vector<1x16xf32>,
        %get3A_207 = vector.shape_cast %get3A_206 : vector<1x16xf32> to vector<16xf32>
        %add3A_208 = arith.addf %get3A_203, %get3A_207 : vector<16xf32>
        %swap3A_209 = arith.index_cast %scan3A_47 : i32 to index
        %swap3A_210 = arith.constant 48 : index
        %swap3A_211 = tpu.vector_load %arg17[%swap3A_209, %swap3A_210] {strides = array<i32>} : memref<128x64xf32, #tpu.memory_space<vmem>>, vector<1x16xf32>,
        %swap3A_212 = vector.shape_cast %swap3A_211 : vector<1x16xf32> to vector<16xf32>
        %swap3A_213 = vector.shape_cast %add3A_208 : vector<16xf32> to vector<1x16xf32>
        tpu.vector_store %arg17[%swap3A_209, %swap3A_210], %swap3A_213 {strides = array<i32>} : memref<128x64xf32, #tpu.memory_space<vmem>>, vector<1x16xf32>,
      }
      %scan3A_46 = arith.constant 128 : i32
      "tpu.region"() ({
        %run_scoped3A = tpu.sem_alloc : memref<!tpu.dma_semaphore, #tpu.memory_space<semaphore_mem>>
        %dma_start3A_47 = arith.constant 0 : i32
        %dma_start3A_48 = tpu.memref_slice %arg8[%mul3A_19, %dma_start3A_47] : memref<320000x128xf32, #tpu.memory_space<hbm>> -> memref<128x128xf32, #tpu.memory_space<hbm>>
        %dma_start3A_49 = arith.constant 0 : i32
        %dma_start3A_50 = tpu.memref_slice %arg8[%mul3A_19, %dma_start3A_49] : memref<320000x128xf32, #tpu.memory_space<hbm>> -> memref<128x128xf32, #tpu.memory_space<hbm>>
        tpu.enqueue_dma source(%arg14 : memref<128x128xf32, #tpu.memory_space<vmem>>) target(%dma_start3A_50 : memref<128x128xf32, #tpu.memory_space<hbm>>) target_semaphore(%run_scoped3A : memref<!tpu.dma_semaphore, #tpu.memory_space<semaphore_mem>>)
        %dma_wait3A_51 = arith.constant 0 : i32
        %dma_wait3A_52 = tpu.memref_slice %arg8[%mul3A_19, %dma_wait3A_51] : memref<320000x128xf32, #tpu.memory_space<hbm>> -> memref<128x128xf32, #tpu.memory_space<hbm>>
        %dma_wait3A_53 = arith.constant 0 : i32
        %dma_wait3A_54 = tpu.memref_slice %arg8[%mul3A_19, %dma_wait3A_53] : memref<320000x128xf32, #tpu.memory_space<hbm>> -> memref<128x128xf32, #tpu.memory_space<hbm>>
        tpu.wait_dma2 semaphore(%run_scoped3A : memref<!tpu.dma_semaphore, #tpu.memory_space<semaphore_mem>>) src(%arg14 : memref<128x128xf32, #tpu.memory_space<vmem>>) dst(%dma_wait3A_54 : memref<128x128xf32, #tpu.memory_space<hbm>>)
        tpu.yield
      }) : () -> ()
      "tpu.region"() ({
        %run_scoped3A = tpu.sem_alloc : memref<!tpu.dma_semaphore, #tpu.memory_space<semaphore_mem>>
        %dma_start3A_47 = arith.constant 0 : i32
        %dma_start3A_48 = tpu.memref_slice %arg9[%mul3A_19, %dma_start3A_47] : memref<320000x64xf32, #tpu.memory_space<hbm>> -> memref<128x64xf32, #tpu.memory_space<hbm>>
        %dma_start3A_49 = arith.constant 0 : i32
        %dma_start3A_50 = tpu.memref_slice %arg9[%mul3A_19, %dma_start3A_49] : memref<320000x64xf32, #tpu.memory_space<hbm>> -> memref<128x64xf32, #tpu.memory_space<hbm>>
        tpu.enqueue_dma source(%arg17 : memref<128x64xf32, #tpu.memory_space<vmem>>) target(%dma_start3A_50 : memref<128x64xf32, #tpu.memory_space<hbm>>) target_semaphore(%run_scoped3A : memref<!tpu.dma_semaphore, #tpu.memory_space<semaphore_mem>>)
        %dma_wait3A_51 = arith.constant 0 : i32
        %dma_wait3A_52 = tpu.memref_slice %arg9[%mul3A_19, %dma_wait3A_51] : memref<320000x64xf32, #tpu.memory_space<hbm>> -> memref<128x64xf32, #tpu.memory_space<hbm>>
        %dma_wait3A_53 = arith.constant 0 : i32
        %dma_wait3A_54 = tpu.memref_slice %arg9[%mul3A_19, %dma_wait3A_53] : memref<320000x64xf32, #tpu.memory_space<hbm>> -> memref<128x64xf32, #tpu.memory_space<hbm>>
        tpu.wait_dma2 semaphore(%run_scoped3A : memref<!tpu.dma_semaphore, #tpu.memory_space<semaphore_mem>>) src(%arg17 : memref<128x64xf32, #tpu.memory_space<vmem>>) dst(%dma_wait3A_54 : memref<128x64xf32, #tpu.memory_space<hbm>>)
        tpu.yield
      }) : () -> ()
    }
    return
  }
}

module attributes {stable_mosaic.version = 14 : i64} {
  func.func @_mm_body(%arg0: i32, %arg1: memref<1000x128xf32, #tpu.memory_space<vmem>>, %arg2: memref<128x128xf32, #tpu.memory_space<vmem>>, %arg3: memref<1x128xf32, #tpu.memory_space<vmem>>, %arg4: memref<1000x128xf32, #tpu.memory_space<vmem>>) attributes {dimension_semantics = [#tpu.dimension_semantics<arbitrary>], iteration_bounds = array<i64: 10>, scalar_prefetch = 0 : i64, scratch_operands = 0 : i64, tpu.core_type = #tpu.core_type<tc>, window_params = [{transform_indices = @transform_0, window_bounds = array<i64: 1000, 128>}, {pipeline_mode = #tpu.pipeline_mode<synchronous>, transform_indices = @transform_1, window_bounds = array<i64: 128, 128>}, {pipeline_mode = #tpu.pipeline_mode<synchronous>, transform_indices = @transform_2, window_bounds = array<i64: 1, 128>}, {transform_indices = @transform_3, window_bounds = array<i64: 1000, 128>}]} {
    %get3A = arith.constant 0 : index
    %get3A_0 = arith.constant 0 : index
    %get3A_1 = vector.load %arg1[%get3A, %get3A_0] : memref<1000x128xf32, #tpu.memory_space<vmem>>, vector<1000x128xf32>
    %get3A_2 = arith.constant 0 : index
    %get3A_3 = arith.constant 0 : index
    %get3A_4 = vector.load %arg2[%get3A_2, %get3A_3] : memref<128x128xf32, #tpu.memory_space<vmem>>, vector<128x128xf32>
    %dot_general3A = arith.constant dense<0.000000e+00> : vector<1000x128xf32>
    %dot_general3A_5 = tpu.matmul %get3A_1, %get3A_4, %dot_general3A {dimension_numbers = #tpu.dot_dimension_numbers<[1], [0], [0], [1], [0, 0, 1, 1], [], []>, transpose_lhs_hint = false} : vector<1000x128xf32>, vector<128x128xf32>, vector<1000x128xf32> -> vector<1000x128xf32>
    %get3A_6 = arith.constant 0 : index
    %get3A_7 = arith.constant 0 : index
    %get3A_8 = vector.load %arg3[%get3A_6, %get3A_7] : memref<1x128xf32, #tpu.memory_space<vmem>>, vector<1x128xf32>
    %add3A = vector.broadcast %get3A_8 : vector<1x128xf32> to vector<1000x128xf32>
    %add3A_9 = arith.addf %dot_general3A_5, %add3A : vector<1000x128xf32>
    %swap3A = arith.constant 0 : index
    %swap3A_10 = arith.constant 0 : index
    %swap3A_11 = vector.load %arg4[%swap3A, %swap3A_10] : memref<1000x128xf32, #tpu.memory_space<vmem>>, vector<1000x128xf32>
    tpu.vector_store %arg4[%swap3A, %swap3A_10], %add3A_9 {strides = array<i32>} : memref<1000x128xf32, #tpu.memory_space<vmem>>, vector<1000x128xf32>,
    return
  }
  func.func @transform_0(%arg0: i32) -> (i32, i32) {
    %c0_i32 = arith.constant 0 : i32
    %c0_i32_0 = arith.constant 0 : i32
    return %arg0, %c0_i32 : i32, i32
  }
  func.func @transform_1(%arg0: i32) -> (i32, i32) {
    %c0_i32 = arith.constant 0 : i32
    %c0_i32_0 = arith.constant 0 : i32
    %c0_i32_1 = arith.constant 0 : i32
    return %c0_i32, %c0_i32_0 : i32, i32
  }
  func.func @transform_2(%arg0: i32) -> (i32, i32) {
    %c0_i32 = arith.constant 0 : i32
    %c0_i32_0 = arith.constant 0 : i32
    %c0_i32_1 = arith.constant 0 : i32
    return %c0_i32, %c0_i32_0 : i32, i32
  }
  func.func @transform_3(%arg0: i32) -> (i32, i32) {
    %c0_i32 = arith.constant 0 : i32
    %c0_i32_0 = arith.constant 0 : i32
    return %arg0, %c0_i32 : i32, i32
  }
}

module attributes {stable_mosaic.version = 14 : i64} {
  func.func @_mm_body(%arg0: i32, %arg1: memref<2000x16xf32, #tpu.memory_space<vmem>>, %arg2: memref<16x128xf32, #tpu.memory_space<vmem>>, %arg3: memref<1x128xf32, #tpu.memory_space<vmem>>, %arg4: memref<2000x128xf32, #tpu.memory_space<vmem>>) attributes {dimension_semantics = [#tpu.dimension_semantics<arbitrary>], iteration_bounds = array<i64: 160>, scalar_prefetch = 0 : i64, scratch_operands = 0 : i64, tpu.core_type = #tpu.core_type<tc>, window_params = [{transform_indices = @transform_0, window_bounds = array<i64: 2000, 16>}, {pipeline_mode = #tpu.pipeline_mode<synchronous>, transform_indices = @transform_1, window_bounds = array<i64: 16, 128>}, {pipeline_mode = #tpu.pipeline_mode<synchronous>, transform_indices = @transform_2, window_bounds = array<i64: 1, 128>}, {transform_indices = @transform_3, window_bounds = array<i64: 2000, 128>}]} {
    %get3A = arith.constant 0 : index
    %get3A_0 = arith.constant 0 : index
    %get3A_1 = vector.load %arg1[%get3A, %get3A_0] : memref<2000x16xf32, #tpu.memory_space<vmem>>, vector<2000x16xf32>
    %get3A_2 = arith.constant 0 : index
    %get3A_3 = arith.constant 0 : index
    %get3A_4 = vector.load %arg2[%get3A_2, %get3A_3] : memref<16x128xf32, #tpu.memory_space<vmem>>, vector<16x128xf32>
    %dot_general3A = arith.constant dense<0.000000e+00> : vector<2000x128xf32>
    %dot_general3A_5 = tpu.matmul %get3A_1, %get3A_4, %dot_general3A {dimension_numbers = #tpu.dot_dimension_numbers<[1], [0], [0], [1], [0, 0, 1, 1], [], []>, transpose_lhs_hint = false} : vector<2000x16xf32>, vector<16x128xf32>, vector<2000x128xf32> -> vector<2000x128xf32>
    %get3A_6 = arith.constant 0 : index
    %get3A_7 = arith.constant 0 : index
    %get3A_8 = vector.load %arg3[%get3A_6, %get3A_7] : memref<1x128xf32, #tpu.memory_space<vmem>>, vector<1x128xf32>
    %add3A = vector.broadcast %get3A_8 : vector<1x128xf32> to vector<2000x128xf32>
    %add3A_9 = arith.addf %dot_general3A_5, %add3A : vector<2000x128xf32>
    %swap3A = arith.constant 0 : index
    %swap3A_10 = arith.constant 0 : index
    %swap3A_11 = vector.load %arg4[%swap3A, %swap3A_10] : memref<2000x128xf32, #tpu.memory_space<vmem>>, vector<2000x128xf32>
    tpu.vector_store %arg4[%swap3A, %swap3A_10], %add3A_9 {strides = array<i32>} : memref<2000x128xf32, #tpu.memory_space<vmem>>, vector<2000x128xf32>,
    return
  }
  func.func @transform_0(%arg0: i32) -> (i32, i32) {
    %c0_i32 = arith.constant 0 : i32
    %c0_i32_0 = arith.constant 0 : i32
    return %arg0, %c0_i32 : i32, i32
  }
  func.func @transform_1(%arg0: i32) -> (i32, i32) {
    %c0_i32 = arith.constant 0 : i32
    %c0_i32_0 = arith.constant 0 : i32
    %c0_i32_1 = arith.constant 0 : i32
    return %c0_i32, %c0_i32_0 : i32, i32
  }
  func.func @transform_2(%arg0: i32) -> (i32, i32) {
    %c0_i32 = arith.constant 0 : i32
    %c0_i32_0 = arith.constant 0 : i32
    %c0_i32_1 = arith.constant 0 : i32
    return %c0_i32, %c0_i32_0 : i32, i32
  }
  func.func @transform_3(%arg0: i32) -> (i32, i32) {
    %c0_i32 = arith.constant 0 : i32
    %c0_i32_0 = arith.constant 0 : i32
    return %arg0, %c0_i32 : i32, i32
  }
}

module attributes {stable_mosaic.version = 14 : i64} {
  func.func @_node0_body(%arg0: memref<10000x128xf32, #tpu.memory_space<vmem>>, %arg1: memref<10240x128xf32, #tpu.memory_space<vmem>>, %arg2: memref<128x128xf32, #tpu.memory_space<vmem>>, %arg3: memref<1x128xf32, #tpu.memory_space<vmem>>, %arg4: memref<128x128xf32, #tpu.memory_space<vmem>>, %arg5: memref<1x128xf32, #tpu.memory_space<vmem>>, %arg6: memref<1x128xf32, #tpu.memory_space<vmem>>, %arg7: memref<1x128xf32, #tpu.memory_space<vmem>>, %arg8: memref<128x128xf32, #tpu.memory_space<vmem>>, %arg9: memref<1x128xf32, #tpu.memory_space<vmem>>, %arg10: memref<128x128xf32, #tpu.memory_space<vmem>>, %arg11: memref<10000x128xf32, #tpu.memory_space<vmem>>, %arg12: memref<10000x128xf32, #tpu.memory_space<vmem>>, %arg13: memref<10000x128xf32, #tpu.memory_space<vmem>>) attributes {dimension_semantics = [], scalar_prefetch = 0 : i64, scratch_operands = 0 : i64, tpu.core_type = #tpu.core_type<tc>} {
    %get3A = arith.constant 0 : index
    %get3A_0 = arith.constant 0 : index
    %get3A_1 = vector.load %arg0[%get3A, %get3A_0] : memref<10000x128xf32, #tpu.memory_space<vmem>>, vector<10000x128xf32>
    %get3A_2 = arith.constant 0 : index
    %get3A_3 = arith.constant 0 : index
    %get3A_4 = vector.load %arg1[%get3A_2, %get3A_3] : memref<10240x128xf32, #tpu.memory_space<vmem>>, vector<10240x128xf32>
    %slice3A = vector.extract_strided_slice %get3A_4 {offsets = [0, 0], sizes = [5000, 128], strides = [1, 1]} : vector<10240x128xf32> to vector<5000x128xf32>
    %slice3A_5 = vector.extract_strided_slice %get3A_4 {offsets = [5120, 0], sizes = [5000, 128], strides = [1, 1]} : vector<10240x128xf32> to vector<5000x128xf32>
    %concatenate3A = tpu.concatenate %slice3A, %slice3A_5 in 0 : vector<5000x128xf32>, vector<5000x128xf32> -> vector<10000x128xf32>
    %add3A = arith.addf %get3A_1, %concatenate3A : vector<10000x128xf32>
    %get3A_6 = arith.constant 0 : index
    %get3A_7 = arith.constant 0 : index
    %get3A_8 = vector.load %arg2[%get3A_6, %get3A_7] : memref<128x128xf32, #tpu.memory_space<vmem>>, vector<128x128xf32>
    %dot_general3A = arith.constant dense<0.000000e+00> : vector<10000x128xf32>
    %dot_general3A_9 = tpu.matmul %add3A, %get3A_8, %dot_general3A {dimension_numbers = #tpu.dot_dimension_numbers<[1], [0], [0], [1], [0, 0, 1, 1], [], []>, transpose_lhs_hint = false} : vector<10000x128xf32>, vector<128x128xf32>, vector<10000x128xf32> -> vector<10000x128xf32>
    %get3A_10 = arith.constant 0 : index
    %get3A_11 = arith.constant 0 : index
    %get3A_12 = vector.load %arg3[%get3A_10, %get3A_11] : memref<1x128xf32, #tpu.memory_space<vmem>>, vector<1x128xf32>
    %add3A_13 = vector.broadcast %get3A_12 : vector<1x128xf32> to vector<10000x128xf32>
    %add3A_14 = arith.addf %dot_general3A_9, %add3A_13 : vector<10000x128xf32>
    %max3A = arith.constant 0.000000e+00 : f32
    %max3A_15 = vector.broadcast %max3A : f32 to vector<10000x128xf32>
    %max3A_16 = arith.maximumf %add3A_14, %max3A_15 : vector<10000x128xf32>
    %get3A_17 = arith.constant 0 : index
    %get3A_18 = arith.constant 0 : index
    %get3A_19 = vector.load %arg4[%get3A_17, %get3A_18] : memref<128x128xf32, #tpu.memory_space<vmem>>, vector<128x128xf32>
    %dot_general3A_20 = arith.constant dense<0.000000e+00> : vector<10000x128xf32>
    %dot_general3A_21 = tpu.matmul %max3A_16, %get3A_19, %dot_general3A_20 {dimension_numbers = #tpu.dot_dimension_numbers<[1], [0], [0], [1], [0, 0, 1, 1], [], []>, transpose_lhs_hint = false} : vector<10000x128xf32>, vector<128x128xf32>, vector<10000x128xf32> -> vector<10000x128xf32>
    %get3A_22 = arith.constant 0 : index
    %get3A_23 = arith.constant 0 : index
    %get3A_24 = vector.load %arg5[%get3A_22, %get3A_23] : memref<1x128xf32, #tpu.memory_space<vmem>>, vector<1x128xf32>
    %add3A_25 = vector.broadcast %get3A_24 : vector<1x128xf32> to vector<10000x128xf32>
    %add3A_26 = arith.addf %dot_general3A_21, %add3A_25 : vector<10000x128xf32>
    %reduce_sum3A = arith.constant dense<0.000000e+00> : vector<128xf32>
    %reduce_sum3A_27 = vector.multi_reduction <add>, %add3A_26, %reduce_sum3A [0] : vector<10000x128xf32> to vector<128xf32>
    %broadcast_in_dim3A = vector.shape_cast %reduce_sum3A_27 : vector<128xf32> to vector<1x128xf32>
    %div3A = arith.constant 1.000000e+04 : f32
    %div3A_28 = vector.broadcast %div3A : f32 to vector<1x128xf32>
    %div3A_29 = arith.divf %broadcast_in_dim3A, %div3A_28 : vector<1x128xf32>
    %sub3A = vector.broadcast %div3A_29 : vector<1x128xf32> to vector<10000x128xf32>
    %sub3A_30 = arith.subf %add3A_26, %sub3A : vector<10000x128xf32>
    %integer_pow3A = arith.mulf %sub3A_30, %sub3A_30 : vector<10000x128xf32>
    %reduce_sum3A_31 = arith.constant dense<0.000000e+00> : vector<128xf32>
    %reduce_sum3A_32 = vector.multi_reduction <add>, %integer_pow3A, %reduce_sum3A_31 [0] : vector<10000x128xf32> to vector<128xf32>
    %broadcast_in_dim3A_33 = vector.shape_cast %reduce_sum3A_32 : vector<128xf32> to vector<1x128xf32>
    %div3A_34 = arith.constant 1.000000e+04 : f32
    %div3A_35 = vector.broadcast %div3A_34 : f32 to vector<1x128xf32>
    %div3A_36 = arith.divf %broadcast_in_dim3A_33, %div3A_35 : vector<1x128xf32>
    %sub3A_37 = vector.broadcast %div3A_29 : vector<1x128xf32> to vector<10000x128xf32>
    %sub3A_38 = arith.subf %add3A_26, %sub3A_37 : vector<10000x128xf32>
    %get3A_39 = arith.constant 0 : index
    %get3A_40 = arith.constant 0 : index
    %get3A_41 = vector.load %arg6[%get3A_39, %get3A_40] : memref<1x128xf32, #tpu.memory_space<vmem>>, vector<1x128xf32>
    %add3A_42 = arith.constant 9.99999974E-6 : f32
    %add3A_43 = vector.broadcast %add3A_42 : f32 to vector<1x128xf32>
    %add3A_44 = arith.addf %div3A_36, %add3A_43 : vector<1x128xf32>
    %rsqrt3A = math.rsqrt %add3A_44 : vector<1x128xf32>
    %mul3A = arith.mulf %get3A_41, %rsqrt3A : vector<1x128xf32>
    %mul3A_45 = vector.broadcast %mul3A : vector<1x128xf32> to vector<10000x128xf32>
    %mul3A_46 = arith.mulf %sub3A_38, %mul3A_45 : vector<10000x128xf32>
    %get3A_47 = arith.constant 0 : index
    %get3A_48 = arith.constant 0 : index
    %get3A_49 = vector.load %arg7[%get3A_47, %get3A_48] : memref<1x128xf32, #tpu.memory_space<vmem>>, vector<1x128xf32>
    %add3A_50 = vector.broadcast %get3A_49 : vector<1x128xf32> to vector<10000x128xf32>
    %add3A_51 = arith.addf %mul3A_46, %add3A_50 : vector<10000x128xf32>
    %max3A_52 = arith.constant 0.000000e+00 : f32
    %max3A_53 = vector.broadcast %max3A_52 : f32 to vector<10000x128xf32>
    %max3A_54 = arith.maximumf %add3A_51, %max3A_53 : vector<10000x128xf32>
    %add3A_55 = arith.addf %get3A_1, %max3A_54 : vector<10000x128xf32>
    %mul3A_56 = arith.constant 5.000000e-01 : f32
    %mul3A_57 = vector.broadcast %mul3A_56 : f32 to vector<10000x128xf32>
    %mul3A_58 = arith.mulf %add3A_55, %mul3A_57 : vector<10000x128xf32>
    %swap3A = arith.constant 0 : index
    %swap3A_59 = arith.constant 0 : index
    %swap3A_60 = vector.load %arg11[%swap3A, %swap3A_59] : memref<10000x128xf32, #tpu.memory_space<vmem>>, vector<10000x128xf32>
    tpu.vector_store %arg11[%swap3A, %swap3A_59], %mul3A_58 {strides = array<i32>} : memref<10000x128xf32, #tpu.memory_space<vmem>>, vector<10000x128xf32>,
    %get3A_61 = arith.constant 0 : index
    %get3A_62 = arith.constant 0 : index
    %get3A_63 = vector.load %arg8[%get3A_61, %get3A_62] : memref<128x128xf32, #tpu.memory_space<vmem>>, vector<128x128xf32>
    %dot_general3A_64 = arith.constant dense<0.000000e+00> : vector<10000x128xf32>
    %dot_general3A_65 = tpu.matmul %mul3A_58, %get3A_63, %dot_general3A_64 {dimension_numbers = #tpu.dot_dimension_numbers<[1], [0], [0], [1], [0, 0, 1, 1], [], []>, transpose_lhs_hint = false} : vector<10000x128xf32>, vector<128x128xf32>, vector<10000x128xf32> -> vector<10000x128xf32>
    %get3A_66 = arith.constant 0 : index
    %get3A_67 = arith.constant 0 : index
    %get3A_68 = vector.load %arg9[%get3A_66, %get3A_67] : memref<1x128xf32, #tpu.memory_space<vmem>>, vector<1x128xf32>
    %add3A_69 = vector.broadcast %get3A_68 : vector<1x128xf32> to vector<10000x128xf32>
    %add3A_70 = arith.addf %dot_general3A_65, %add3A_69 : vector<10000x128xf32>
    %swap3A_71 = arith.constant 0 : index
    %swap3A_72 = arith.constant 0 : index
    %swap3A_73 = vector.load %arg12[%swap3A_71, %swap3A_72] : memref<10000x128xf32, #tpu.memory_space<vmem>>, vector<10000x128xf32>
    tpu.vector_store %arg12[%swap3A_71, %swap3A_72], %add3A_70 {strides = array<i32>} : memref<10000x128xf32, #tpu.memory_space<vmem>>, vector<10000x128xf32>,
    %get3A_74 = arith.constant 0 : index
    %get3A_75 = arith.constant 0 : index
    %get3A_76 = vector.load %arg10[%get3A_74, %get3A_75] : memref<128x128xf32, #tpu.memory_space<vmem>>, vector<128x128xf32>
    %dot_general3A_77 = arith.constant dense<0.000000e+00> : vector<10000x128xf32>
    %dot_general3A_78 = tpu.matmul %mul3A_58, %get3A_76, %dot_general3A_77 {dimension_numbers = #tpu.dot_dimension_numbers<[1], [0], [0], [1], [0, 0, 1, 1], [], []>, transpose_lhs_hint = false} : vector<10000x128xf32>, vector<128x128xf32>, vector<10000x128xf32> -> vector<10000x128xf32>
    %swap3A_79 = arith.constant 0 : index
    %swap3A_80 = arith.constant 0 : index
    %swap3A_81 = vector.load %arg13[%swap3A_79, %swap3A_80] : memref<10000x128xf32, #tpu.memory_space<vmem>>, vector<10000x128xf32>
    tpu.vector_store %arg13[%swap3A_79, %swap3A_80], %dot_general3A_78 {strides = array<i32>} : memref<10000x128xf32, #tpu.memory_space<vmem>>, vector<10000x128xf32>,
    return
  }
}

module attributes {stable_mosaic.version = 14 : i64} {
  func.func @_edge_body(%arg0: i32, %arg1: memref<2000x128xf32, #tpu.memory_space<vmem>>, %arg2: memref<2000x128xf32, #tpu.memory_space<vmem>>, %arg3: memref<128x128xf32, #tpu.memory_space<vmem>>, %arg4: memref<128x128xf32, #tpu.memory_space<vmem>>, %arg5: memref<1x128xf32, #tpu.memory_space<vmem>>, %arg6: memref<2000x128xf32, #tpu.memory_space<vmem>>) attributes {dimension_semantics = [#tpu.dimension_semantics<arbitrary>], iteration_bounds = array<i64: 160>, scalar_prefetch = 0 : i64, scratch_operands = 0 : i64, tpu.core_type = #tpu.core_type<tc>, window_params = [{transform_indices = @transform_0, window_bounds = array<i64: 2000, 128>}, {transform_indices = @transform_1, window_bounds = array<i64: 2000, 128>}, {pipeline_mode = #tpu.pipeline_mode<synchronous>, transform_indices = @transform_2, window_bounds = array<i64: 128, 128>}, {pipeline_mode = #tpu.pipeline_mode<synchronous>, transform_indices = @transform_3, window_bounds = array<i64: 128, 128>}, {pipeline_mode = #tpu.pipeline_mode<synchronous>, transform_indices = @transform_4, window_bounds = array<i64: 1, 128>}, {transform_indices = @transform_5, window_bounds = array<i64: 2000, 128>}]} {
    %get3A = arith.constant 0 : index
    %get3A_0 = arith.constant 0 : index
    %get3A_1 = vector.load %arg2[%get3A, %get3A_0] : memref<2000x128xf32, #tpu.memory_space<vmem>>, vector<2000x128xf32>
    %get3A_2 = arith.constant 0 : index
    %get3A_3 = arith.constant 0 : index
    %get3A_4 = vector.load %arg1[%get3A_2, %get3A_3] : memref<2000x128xf32, #tpu.memory_space<vmem>>, vector<2000x128xf32>
    %get3A_5 = arith.constant 0 : index
    %get3A_6 = arith.constant 0 : index
    %get3A_7 = vector.load %arg3[%get3A_5, %get3A_6] : memref<128x128xf32, #tpu.memory_space<vmem>>, vector<128x128xf32>
    %dot_general3A = arith.constant dense<0.000000e+00> : vector<2000x128xf32>
    %dot_general3A_8 = tpu.matmul %get3A_1, %get3A_7, %dot_general3A {dimension_numbers = #tpu.dot_dimension_numbers<[1], [0], [0], [1], [0, 0, 1, 1], [], []>, transpose_lhs_hint = false} : vector<2000x128xf32>, vector<128x128xf32>, vector<2000x128xf32> -> vector<2000x128xf32>
    %add3A = arith.addf %get3A_4, %dot_general3A_8 : vector<2000x128xf32>
    %max3A = arith.constant 0.000000e+00 : f32
    %max3A_9 = vector.broadcast %max3A : f32 to vector<2000x128xf32>
    %max3A_10 = arith.maximumf %add3A, %max3A_9 : vector<2000x128xf32>
    %get3A_11 = arith.constant 0 : index
    %get3A_12 = arith.constant 0 : index
    %get3A_13 = vector.load %arg4[%get3A_11, %get3A_12] : memref<128x128xf32, #tpu.memory_space<vmem>>, vector<128x128xf32>
    %dot_general3A_14 = arith.constant dense<0.000000e+00> : vector<2000x128xf32>
    %dot_general3A_15 = tpu.matmul %max3A_10, %get3A_13, %dot_general3A_14 {dimension_numbers = #tpu.dot_dimension_numbers<[1], [0], [0], [1], [0, 0, 1, 1], [], []>, transpose_lhs_hint = false} : vector<2000x128xf32>, vector<128x128xf32>, vector<2000x128xf32> -> vector<2000x128xf32>
    %get3A_16 = arith.constant 0 : index
    %get3A_17 = arith.constant 0 : index
    %get3A_18 = vector.load %arg5[%get3A_16, %get3A_17] : memref<1x128xf32, #tpu.memory_space<vmem>>, vector<1x128xf32>
    %add3A_19 = vector.broadcast %get3A_18 : vector<1x128xf32> to vector<2000x128xf32>
    %add3A_20 = arith.addf %dot_general3A_15, %add3A_19 : vector<2000x128xf32>
    %mul3A = arith.constant 5.000000e-01 : f32
    %mul3A_21 = vector.broadcast %mul3A : f32 to vector<2000x128xf32>
    %mul3A_22 = arith.mulf %add3A_20, %mul3A_21 : vector<2000x128xf32>
    %add3A_23 = arith.addf %get3A_1, %mul3A_22 : vector<2000x128xf32>
    %swap3A = arith.constant 0 : index
    %swap3A_24 = arith.constant 0 : index
    %swap3A_25 = vector.load %arg6[%swap3A, %swap3A_24] : memref<2000x128xf32, #tpu.memory_space<vmem>>, vector<2000x128xf32>
    tpu.vector_store %arg6[%swap3A, %swap3A_24], %add3A_23 {strides = array<i32>} : memref<2000x128xf32, #tpu.memory_space<vmem>>, vector<2000x128xf32>,
    return
  }
  func.func @transform_0(%arg0: i32) -> (i32, i32) {
    %c0_i32 = arith.constant 0 : i32
    %c0_i32_0 = arith.constant 0 : i32
    return %arg0, %c0_i32 : i32, i32
  }
  func.func @transform_1(%arg0: i32) -> (i32, i32) {
    %c0_i32 = arith.constant 0 : i32
    %c0_i32_0 = arith.constant 0 : i32
    return %arg0, %c0_i32 : i32, i32
  }
  func.func @transform_2(%arg0: i32) -> (i32, i32) {
    %c0_i32 = arith.constant 0 : i32
    %c0_i32_0 = arith.constant 0 : i32
    %c0_i32_1 = arith.constant 0 : i32
    return %c0_i32, %c0_i32_0 : i32, i32
  }
  func.func @transform_3(%arg0: i32) -> (i32, i32) {
    %c0_i32 = arith.constant 0 : i32
    %c0_i32_0 = arith.constant 0 : i32
    %c0_i32_1 = arith.constant 0 : i32
    return %c0_i32, %c0_i32_0 : i32, i32
  }
  func.func @transform_4(%arg0: i32) -> (i32, i32) {
    %c0_i32 = arith.constant 0 : i32
    %c0_i32_0 = arith.constant 0 : i32
    %c0_i32_1 = arith.constant 0 : i32
    return %c0_i32, %c0_i32_0 : i32, i32
  }
  func.func @transform_5(%arg0: i32) -> (i32, i32) {
    %c0_i32 = arith.constant 0 : i32
    %c0_i32_0 = arith.constant 0 : i32
    return %arg0, %c0_i32 : i32, i32
  }
}

module attributes {stable_mosaic.version = 14 : i64} {
  func.func @_node1_body(%arg0: memref<10000x128xf32, #tpu.memory_space<vmem>>, %arg1: memref<10240x128xf32, #tpu.memory_space<vmem>>, %arg2: memref<128x128xf32, #tpu.memory_space<vmem>>, %arg3: memref<1x128xf32, #tpu.memory_space<vmem>>, %arg4: memref<128x128xf32, #tpu.memory_space<vmem>>, %arg5: memref<1x128xf32, #tpu.memory_space<vmem>>, %arg6: memref<1x128xf32, #tpu.memory_space<vmem>>, %arg7: memref<1x128xf32, #tpu.memory_space<vmem>>, %arg8: memref<10000x128xf32, #tpu.memory_space<vmem>>) attributes {dimension_semantics = [], scalar_prefetch = 0 : i64, scratch_operands = 0 : i64, tpu.core_type = #tpu.core_type<tc>} {
    %get3A = arith.constant 0 : index
    %get3A_0 = arith.constant 0 : index
    %get3A_1 = vector.load %arg0[%get3A, %get3A_0] : memref<10000x128xf32, #tpu.memory_space<vmem>>, vector<10000x128xf32>
    %get3A_2 = arith.constant 0 : index
    %get3A_3 = arith.constant 0 : index
    %get3A_4 = vector.load %arg1[%get3A_2, %get3A_3] : memref<10240x128xf32, #tpu.memory_space<vmem>>, vector<10240x128xf32>
    %slice3A = vector.extract_strided_slice %get3A_4 {offsets = [0, 0], sizes = [5000, 128], strides = [1, 1]} : vector<10240x128xf32> to vector<5000x128xf32>
    %slice3A_5 = vector.extract_strided_slice %get3A_4 {offsets = [5120, 0], sizes = [5000, 128], strides = [1, 1]} : vector<10240x128xf32> to vector<5000x128xf32>
    %concatenate3A = tpu.concatenate %slice3A, %slice3A_5 in 0 : vector<5000x128xf32>, vector<5000x128xf32> -> vector<10000x128xf32>
    %add3A = arith.addf %get3A_1, %concatenate3A : vector<10000x128xf32>
    %get3A_6 = arith.constant 0 : index
    %get3A_7 = arith.constant 0 : index
    %get3A_8 = vector.load %arg2[%get3A_6, %get3A_7] : memref<128x128xf32, #tpu.memory_space<vmem>>, vector<128x128xf32>
    %dot_general3A = arith.constant dense<0.000000e+00> : vector<10000x128xf32>
    %dot_general3A_9 = tpu.matmul %add3A, %get3A_8, %dot_general3A {dimension_numbers = #tpu.dot_dimension_numbers<[1], [0], [0], [1], [0, 0, 1, 1], [], []>, transpose_lhs_hint = false} : vector<10000x128xf32>, vector<128x128xf32>, vector<10000x128xf32> -> vector<10000x128xf32>
    %get3A_10 = arith.constant 0 : index
    %get3A_11 = arith.constant 0 : index
    %get3A_12 = vector.load %arg3[%get3A_10, %get3A_11] : memref<1x128xf32, #tpu.memory_space<vmem>>, vector<1x128xf32>
    %add3A_13 = vector.broadcast %get3A_12 : vector<1x128xf32> to vector<10000x128xf32>
    %add3A_14 = arith.addf %dot_general3A_9, %add3A_13 : vector<10000x128xf32>
    %max3A = arith.constant 0.000000e+00 : f32
    %max3A_15 = vector.broadcast %max3A : f32 to vector<10000x128xf32>
    %max3A_16 = arith.maximumf %add3A_14, %max3A_15 : vector<10000x128xf32>
    %get3A_17 = arith.constant 0 : index
    %get3A_18 = arith.constant 0 : index
    %get3A_19 = vector.load %arg4[%get3A_17, %get3A_18] : memref<128x128xf32, #tpu.memory_space<vmem>>, vector<128x128xf32>
    %dot_general3A_20 = arith.constant dense<0.000000e+00> : vector<10000x128xf32>
    %dot_general3A_21 = tpu.matmul %max3A_16, %get3A_19, %dot_general3A_20 {dimension_numbers = #tpu.dot_dimension_numbers<[1], [0], [0], [1], [0, 0, 1, 1], [], []>, transpose_lhs_hint = false} : vector<10000x128xf32>, vector<128x128xf32>, vector<10000x128xf32> -> vector<10000x128xf32>
    %get3A_22 = arith.constant 0 : index
    %get3A_23 = arith.constant 0 : index
    %get3A_24 = vector.load %arg5[%get3A_22, %get3A_23] : memref<1x128xf32, #tpu.memory_space<vmem>>, vector<1x128xf32>
    %add3A_25 = vector.broadcast %get3A_24 : vector<1x128xf32> to vector<10000x128xf32>
    %add3A_26 = arith.addf %dot_general3A_21, %add3A_25 : vector<10000x128xf32>
    %reduce_sum3A = arith.constant dense<0.000000e+00> : vector<128xf32>
    %reduce_sum3A_27 = vector.multi_reduction <add>, %add3A_26, %reduce_sum3A [0] : vector<10000x128xf32> to vector<128xf32>
    %broadcast_in_dim3A = vector.shape_cast %reduce_sum3A_27 : vector<128xf32> to vector<1x128xf32>
    %div3A = arith.constant 1.000000e+04 : f32
    %div3A_28 = vector.broadcast %div3A : f32 to vector<1x128xf32>
    %div3A_29 = arith.divf %broadcast_in_dim3A, %div3A_28 : vector<1x128xf32>
    %sub3A = vector.broadcast %div3A_29 : vector<1x128xf32> to vector<10000x128xf32>
    %sub3A_30 = arith.subf %add3A_26, %sub3A : vector<10000x128xf32>
    %integer_pow3A = arith.mulf %sub3A_30, %sub3A_30 : vector<10000x128xf32>
    %reduce_sum3A_31 = arith.constant dense<0.000000e+00> : vector<128xf32>
    %reduce_sum3A_32 = vector.multi_reduction <add>, %integer_pow3A, %reduce_sum3A_31 [0] : vector<10000x128xf32> to vector<128xf32>
    %broadcast_in_dim3A_33 = vector.shape_cast %reduce_sum3A_32 : vector<128xf32> to vector<1x128xf32>
    %div3A_34 = arith.constant 1.000000e+04 : f32
    %div3A_35 = vector.broadcast %div3A_34 : f32 to vector<1x128xf32>
    %div3A_36 = arith.divf %broadcast_in_dim3A_33, %div3A_35 : vector<1x128xf32>
    %sub3A_37 = vector.broadcast %div3A_29 : vector<1x128xf32> to vector<10000x128xf32>
    %sub3A_38 = arith.subf %add3A_26, %sub3A_37 : vector<10000x128xf32>
    %get3A_39 = arith.constant 0 : index
    %get3A_40 = arith.constant 0 : index
    %get3A_41 = vector.load %arg6[%get3A_39, %get3A_40] : memref<1x128xf32, #tpu.memory_space<vmem>>, vector<1x128xf32>
    %add3A_42 = arith.constant 9.99999974E-6 : f32
    %add3A_43 = vector.broadcast %add3A_42 : f32 to vector<1x128xf32>
    %add3A_44 = arith.addf %div3A_36, %add3A_43 : vector<1x128xf32>
    %rsqrt3A = math.rsqrt %add3A_44 : vector<1x128xf32>
    %mul3A = arith.mulf %get3A_41, %rsqrt3A : vector<1x128xf32>
    %mul3A_45 = vector.broadcast %mul3A : vector<1x128xf32> to vector<10000x128xf32>
    %mul3A_46 = arith.mulf %sub3A_38, %mul3A_45 : vector<10000x128xf32>
    %get3A_47 = arith.constant 0 : index
    %get3A_48 = arith.constant 0 : index
    %get3A_49 = vector.load %arg7[%get3A_47, %get3A_48] : memref<1x128xf32, #tpu.memory_space<vmem>>, vector<1x128xf32>
    %add3A_50 = vector.broadcast %get3A_49 : vector<1x128xf32> to vector<10000x128xf32>
    %add3A_51 = arith.addf %mul3A_46, %add3A_50 : vector<10000x128xf32>
    %max3A_52 = arith.constant 0.000000e+00 : f32
    %max3A_53 = vector.broadcast %max3A_52 : f32 to vector<10000x128xf32>
    %max3A_54 = arith.maximumf %add3A_51, %max3A_53 : vector<10000x128xf32>
    %add3A_55 = arith.addf %get3A_1, %max3A_54 : vector<10000x128xf32>
    %mul3A_56 = arith.constant 5.000000e-01 : f32
    %mul3A_57 = vector.broadcast %mul3A_56 : f32 to vector<10000x128xf32>
    %mul3A_58 = arith.mulf %add3A_55, %mul3A_57 : vector<10000x128xf32>
    %swap3A = arith.constant 0 : index
    %swap3A_59 = arith.constant 0 : index
    %swap3A_60 = vector.load %arg8[%swap3A, %swap3A_59] : memref<10000x128xf32, #tpu.memory_space<vmem>>, vector<10000x128xf32>
    tpu.vector_store %arg8[%swap3A, %swap3A_59], %mul3A_58 {strides = array<i32>} : memref<10000x128xf32, #tpu.memory_space<vmem>>, vector<10000x128xf32>,
    return
  }
}

module attributes {stable_mosaic.version = 14 : i64} {
  func.func @_tables_body(%arg0: i32, %arg1: memref<1000x128xf32, #tpu.memory_space<vmem>>, %arg2: memref<128x128xf32, #tpu.memory_space<vmem>>, %arg3: memref<1x128xf32, #tpu.memory_space<vmem>>, %arg4: memref<128x128xf32, #tpu.memory_space<vmem>>, %arg5: memref<128x128xf32, #tpu.memory_space<vmem>>, %arg6: memref<1x128xf32, #tpu.memory_space<vmem>>, %arg7: memref<128x128xf32, #tpu.memory_space<vmem>>, %arg8: memref<1000x128xf32, #tpu.memory_space<vmem>>, %arg9: memref<1000x128xf32, #tpu.memory_space<vmem>>, %arg10: memref<1000x128xf32, #tpu.memory_space<vmem>>, %arg11: memref<1000x128xf32, #tpu.memory_space<vmem>>) attributes {dimension_semantics = [#tpu.dimension_semantics<arbitrary>], iteration_bounds = array<i64: 10>, scalar_prefetch = 0 : i64, scratch_operands = 0 : i64, tpu.core_type = #tpu.core_type<tc>, window_params = [{transform_indices = @transform_0, window_bounds = array<i64: 1000, 128>}, {pipeline_mode = #tpu.pipeline_mode<synchronous>, transform_indices = @transform_1, window_bounds = array<i64: 128, 128>}, {pipeline_mode = #tpu.pipeline_mode<synchronous>, transform_indices = @transform_2, window_bounds = array<i64: 1, 128>}, {pipeline_mode = #tpu.pipeline_mode<synchronous>, transform_indices = @transform_3, window_bounds = array<i64: 128, 128>}, {pipeline_mode = #tpu.pipeline_mode<synchronous>, transform_indices = @transform_4, window_bounds = array<i64: 128, 128>}, {pipeline_mode = #tpu.pipeline_mode<synchronous>, transform_indices = @transform_5, window_bounds = array<i64: 1, 128>}, {pipeline_mode = #tpu.pipeline_mode<synchronous>, transform_indices = @transform_6, window_bounds = array<i64: 128, 128>}, {transform_indices = @transform_7, window_bounds = array<i64: 1000, 128>}, {transform_indices = @transform_8, window_bounds = array<i64: 1000, 128>}, {transform_indices = @transform_9, window_bounds = array<i64: 1000, 128>}, {transform_indices = @transform_10, window_bounds = array<i64: 1000, 128>}]} {
    %get3A = arith.constant 0 : index
    %get3A_0 = arith.constant 0 : index
    %get3A_1 = vector.load %arg1[%get3A, %get3A_0] : memref<1000x128xf32, #tpu.memory_space<vmem>>, vector<1000x128xf32>
    %max3A = arith.constant 0.000000e+00 : f32
    %max3A_2 = vector.broadcast %max3A : f32 to vector<1000x128xf32>
    %max3A_3 = arith.maximumf %get3A_1, %max3A_2 : vector<1000x128xf32>
    %get3A_4 = arith.constant 0 : index
    %get3A_5 = arith.constant 0 : index
    %get3A_6 = vector.load %arg2[%get3A_4, %get3A_5] : memref<128x128xf32, #tpu.memory_space<vmem>>, vector<128x128xf32>
    %dot_general3A = arith.constant dense<0.000000e+00> : vector<1000x128xf32>
    %dot_general3A_7 = tpu.matmul %get3A_1, %get3A_6, %dot_general3A {dimension_numbers = #tpu.dot_dimension_numbers<[1], [0], [0], [1], [0, 0, 1, 1], [], []>, transpose_lhs_hint = false} : vector<1000x128xf32>, vector<128x128xf32>, vector<1000x128xf32> -> vector<1000x128xf32>
    %get3A_8 = arith.constant 0 : index
    %get3A_9 = arith.constant 0 : index
    %get3A_10 = vector.load %arg3[%get3A_8, %get3A_9] : memref<1x128xf32, #tpu.memory_space<vmem>>, vector<1x128xf32>
    %add3A = vector.broadcast %get3A_10 : vector<1x128xf32> to vector<1000x128xf32>
    %add3A_11 = arith.addf %dot_general3A_7, %add3A : vector<1000x128xf32>
    %swap3A = arith.constant 0 : index
    %swap3A_12 = arith.constant 0 : index
    %swap3A_13 = vector.load %arg8[%swap3A, %swap3A_12] : memref<1000x128xf32, #tpu.memory_space<vmem>>, vector<1000x128xf32>
    tpu.vector_store %arg8[%swap3A, %swap3A_12], %add3A_11 {strides = array<i32>} : memref<1000x128xf32, #tpu.memory_space<vmem>>, vector<1000x128xf32>,
    %get3A_14 = arith.constant 0 : index
    %get3A_15 = arith.constant 0 : index
    %get3A_16 = vector.load %arg4[%get3A_14, %get3A_15] : memref<128x128xf32, #tpu.memory_space<vmem>>, vector<128x128xf32>
    %dot_general3A_17 = arith.constant dense<0.000000e+00> : vector<1000x128xf32>
    %dot_general3A_18 = tpu.matmul %get3A_1, %get3A_16, %dot_general3A_17 {dimension_numbers = #tpu.dot_dimension_numbers<[1], [0], [0], [1], [0, 0, 1, 1], [], []>, transpose_lhs_hint = false} : vector<1000x128xf32>, vector<128x128xf32>, vector<1000x128xf32> -> vector<1000x128xf32>
    %swap3A_19 = arith.constant 0 : index
    %swap3A_20 = arith.constant 0 : index
    %swap3A_21 = vector.load %arg9[%swap3A_19, %swap3A_20] : memref<1000x128xf32, #tpu.memory_space<vmem>>, vector<1000x128xf32>
    tpu.vector_store %arg9[%swap3A_19, %swap3A_20], %dot_general3A_18 {strides = array<i32>} : memref<1000x128xf32, #tpu.memory_space<vmem>>, vector<1000x128xf32>,
    %get3A_22 = arith.constant 0 : index
    %get3A_23 = arith.constant 0 : index
    %get3A_24 = vector.load %arg5[%get3A_22, %get3A_23] : memref<128x128xf32, #tpu.memory_space<vmem>>, vector<128x128xf32>
    %dot_general3A_25 = arith.constant dense<0.000000e+00> : vector<1000x128xf32>
    %dot_general3A_26 = tpu.matmul %max3A_3, %get3A_24, %dot_general3A_25 {dimension_numbers = #tpu.dot_dimension_numbers<[1], [0], [0], [1], [0, 0, 1, 1], [], []>, transpose_lhs_hint = false} : vector<1000x128xf32>, vector<128x128xf32>, vector<1000x128xf32> -> vector<1000x128xf32>
    %get3A_27 = arith.constant 0 : index
    %get3A_28 = arith.constant 0 : index
    %get3A_29 = vector.load %arg6[%get3A_27, %get3A_28] : memref<1x128xf32, #tpu.memory_space<vmem>>, vector<1x128xf32>
    %add3A_30 = vector.broadcast %get3A_29 : vector<1x128xf32> to vector<1000x128xf32>
    %add3A_31 = arith.addf %dot_general3A_26, %add3A_30 : vector<1000x128xf32>
    %swap3A_32 = arith.constant 0 : index
    %swap3A_33 = arith.constant 0 : index
    %swap3A_34 = vector.load %arg10[%swap3A_32, %swap3A_33] : memref<1000x128xf32, #tpu.memory_space<vmem>>, vector<1000x128xf32>
    tpu.vector_store %arg10[%swap3A_32, %swap3A_33], %add3A_31 {strides = array<i32>} : memref<1000x128xf32, #tpu.memory_space<vmem>>, vector<1000x128xf32>,
    %get3A_35 = arith.constant 0 : index
    %get3A_36 = arith.constant 0 : index
    %get3A_37 = vector.load %arg7[%get3A_35, %get3A_36] : memref<128x128xf32, #tpu.memory_space<vmem>>, vector<128x128xf32>
    %dot_general3A_38 = arith.constant dense<0.000000e+00> : vector<1000x128xf32>
    %dot_general3A_39 = tpu.matmul %max3A_3, %get3A_37, %dot_general3A_38 {dimension_numbers = #tpu.dot_dimension_numbers<[1], [0], [0], [1], [0, 0, 1, 1], [], []>, transpose_lhs_hint = false} : vector<1000x128xf32>, vector<128x128xf32>, vector<1000x128xf32> -> vector<1000x128xf32>
    %swap3A_40 = arith.constant 0 : index
    %swap3A_41 = arith.constant 0 : index
    %swap3A_42 = vector.load %arg11[%swap3A_40, %swap3A_41] : memref<1000x128xf32, #tpu.memory_space<vmem>>, vector<1000x128xf32>
    tpu.vector_store %arg11[%swap3A_40, %swap3A_41], %dot_general3A_39 {strides = array<i32>} : memref<1000x128xf32, #tpu.memory_space<vmem>>, vector<1000x128xf32>,
    return
  }
  func.func @transform_0(%arg0: i32) -> (i32, i32) {
    %c0_i32 = arith.constant 0 : i32
    %c0_i32_0 = arith.constant 0 : i32
    return %arg0, %c0_i32 : i32, i32
  }
  func.func @transform_1(%arg0: i32) -> (i32, i32) {
    %c0_i32 = arith.constant 0 : i32
    %c0_i32_0 = arith.constant 0 : i32
    %c0_i32_1 = arith.constant 0 : i32
    return %c0_i32, %c0_i32_0 : i32, i32
  }
  func.func @transform_2(%arg0: i32) -> (i32, i32) {
    %c0_i32 = arith.constant 0 : i32
    %c0_i32_0 = arith.constant 0 : i32
    %c0_i32_1 = arith.constant 0 : i32
    return %c0_i32, %c0_i32_0 : i32, i32
  }
  func.func @transform_3(%arg0: i32) -> (i32, i32) {
    %c0_i32 = arith.constant 0 : i32
    %c0_i32_0 = arith.constant 0 : i32
    %c0_i32_1 = arith.constant 0 : i32
    return %c0_i32, %c0_i32_0 : i32, i32
  }
  func.func @transform_4(%arg0: i32) -> (i32, i32) {
    %c0_i32 = arith.constant 0 : i32
    %c0_i32_0 = arith.constant 0 : i32
    %c0_i32_1 = arith.constant 0 : i32
    return %c0_i32, %c0_i32_0 : i32, i32
  }
  func.func @transform_5(%arg0: i32) -> (i32, i32) {
    %c0_i32 = arith.constant 0 : i32
    %c0_i32_0 = arith.constant 0 : i32
    %c0_i32_1 = arith.constant 0 : i32
    return %c0_i32, %c0_i32_0 : i32, i32
  }
  func.func @transform_6(%arg0: i32) -> (i32, i32) {
    %c0_i32 = arith.constant 0 : i32
    %c0_i32_0 = arith.constant 0 : i32
    %c0_i32_1 = arith.constant 0 : i32
    return %c0_i32, %c0_i32_0 : i32, i32
  }
  func.func @transform_7(%arg0: i32) -> (i32, i32) {
    %c0_i32 = arith.constant 0 : i32
    %c0_i32_0 = arith.constant 0 : i32
    return %arg0, %c0_i32 : i32, i32
  }
  func.func @transform_8(%arg0: i32) -> (i32, i32) {
    %c0_i32 = arith.constant 0 : i32
    %c0_i32_0 = arith.constant 0 : i32
    return %arg0, %c0_i32 : i32, i32
  }
  func.func @transform_9(%arg0: i32) -> (i32, i32) {
    %c0_i32 = arith.constant 0 : i32
    %c0_i32_0 = arith.constant 0 : i32
    return %arg0, %c0_i32 : i32, i32
  }
  func.func @transform_10(%arg0: i32) -> (i32, i32) {
    %c0_i32 = arith.constant 0 : i32
    %c0_i32_0 = arith.constant 0 : i32
    return %arg0, %c0_i32 : i32, i32
  }
}

module attributes {stable_mosaic.version = 14 : i64} {
  func.func @_final_body(%arg0: i32, %arg1: memref<2000x128xf32, #tpu.memory_space<vmem>>, %arg2: memref<2000x64xf32, #tpu.memory_space<vmem>>, %arg3: memref<2000x128xf32, #tpu.memory_space<vmem>>, %arg4: memref<128x128xf32, #tpu.memory_space<vmem>>, %arg5: memref<128x128xf32, #tpu.memory_space<vmem>>, %arg6: memref<1x128xf32, #tpu.memory_space<vmem>>, %arg7: memref<128x64xf32, #tpu.memory_space<vmem>>, %arg8: memref<64x32xf32, #tpu.memory_space<vmem>>, %arg9: memref<1x32xf32, #tpu.memory_space<vmem>>, %arg10: memref<32x8xf32, #tpu.memory_space<vmem>>, %arg11: memref<1x8xf32, #tpu.memory_space<vmem>>, %arg12: memref<2000x8xf32, #tpu.memory_space<vmem>>) attributes {dimension_semantics = [#tpu.dimension_semantics<arbitrary>], iteration_bounds = array<i64: 160>, scalar_prefetch = 0 : i64, scratch_operands = 0 : i64, tpu.core_type = #tpu.core_type<tc>, window_params = [{transform_indices = @transform_0, window_bounds = array<i64: 2000, 128>}, {transform_indices = @transform_1, window_bounds = array<i64: 2000, 64>}, {transform_indices = @transform_2, window_bounds = array<i64: 2000, 128>}, {pipeline_mode = #tpu.pipeline_mode<synchronous>, transform_indices = @transform_3, window_bounds = array<i64: 128, 128>}, {pipeline_mode = #tpu.pipeline_mode<synchronous>, transform_indices = @transform_4, window_bounds = array<i64: 128, 128>}, {pipeline_mode = #tpu.pipeline_mode<synchronous>, transform_indices = @transform_5, window_bounds = array<i64: 1, 128>}, {pipeline_mode = #tpu.pipeline_mode<synchronous>, transform_indices = @transform_6, window_bounds = array<i64: 128, 64>}, {pipeline_mode = #tpu.pipeline_mode<synchronous>, transform_indices = @transform_7, window_bounds = array<i64: 64, 32>}, {pipeline_mode = #tpu.pipeline_mode<synchronous>, transform_indices = @transform_8, window_bounds = array<i64: 1, 32>}, {pipeline_mode = #tpu.pipeline_mode<synchronous>, transform_indices = @transform_9, window_bounds = array<i64: 32, 8>}, {pipeline_mode = #tpu.pipeline_mode<synchronous>, transform_indices = @transform_10, window_bounds = array<i64: 1, 8>}, {transform_indices = @transform_11, window_bounds = array<i64: 2000, 8>}]} {
    %get3A = arith.constant 0 : index
    %get3A_0 = arith.constant 0 : index
    %get3A_1 = vector.load %arg3[%get3A, %get3A_0] : memref<2000x128xf32, #tpu.memory_space<vmem>>, vector<2000x128xf32>
    %get3A_2 = arith.constant 0 : index
    %get3A_3 = arith.constant 0 : index
    %get3A_4 = vector.load %arg1[%get3A_2, %get3A_3] : memref<2000x128xf32, #tpu.memory_space<vmem>>, vector<2000x128xf32>
    %get3A_5 = arith.constant 0 : index
    %get3A_6 = arith.constant 0 : index
    %get3A_7 = vector.load %arg4[%get3A_5, %get3A_6] : memref<128x128xf32, #tpu.memory_space<vmem>>, vector<128x128xf32>
    %dot_general3A = arith.constant dense<0.000000e+00> : vector<2000x128xf32>
    %dot_general3A_8 = tpu.matmul %get3A_1, %get3A_7, %dot_general3A {dimension_numbers = #tpu.dot_dimension_numbers<[1], [0], [0], [1], [0, 0, 1, 1], [], []>, transpose_lhs_hint = false} : vector<2000x128xf32>, vector<128x128xf32>, vector<2000x128xf32> -> vector<2000x128xf32>
    %add3A = arith.addf %get3A_4, %dot_general3A_8 : vector<2000x128xf32>
    %max3A = arith.constant 0.000000e+00 : f32
    %max3A_9 = vector.broadcast %max3A : f32 to vector<2000x128xf32>
    %max3A_10 = arith.maximumf %add3A, %max3A_9 : vector<2000x128xf32>
    %get3A_11 = arith.constant 0 : index
    %get3A_12 = arith.constant 0 : index
    %get3A_13 = vector.load %arg5[%get3A_11, %get3A_12] : memref<128x128xf32, #tpu.memory_space<vmem>>, vector<128x128xf32>
    %dot_general3A_14 = arith.constant dense<0.000000e+00> : vector<2000x128xf32>
    %dot_general3A_15 = tpu.matmul %max3A_10, %get3A_13, %dot_general3A_14 {dimension_numbers = #tpu.dot_dimension_numbers<[1], [0], [0], [1], [0, 0, 1, 1], [], []>, transpose_lhs_hint = false} : vector<2000x128xf32>, vector<128x128xf32>, vector<2000x128xf32> -> vector<2000x128xf32>
    %get3A_16 = arith.constant 0 : index
    %get3A_17 = arith.constant 0 : index
    %get3A_18 = vector.load %arg6[%get3A_16, %get3A_17] : memref<1x128xf32, #tpu.memory_space<vmem>>, vector<1x128xf32>
    %add3A_19 = vector.broadcast %get3A_18 : vector<1x128xf32> to vector<2000x128xf32>
    %add3A_20 = arith.addf %dot_general3A_15, %add3A_19 : vector<2000x128xf32>
    %mul3A = arith.constant 5.000000e-01 : f32
    %mul3A_21 = vector.broadcast %mul3A : f32 to vector<2000x128xf32>
    %mul3A_22 = arith.mulf %add3A_20, %mul3A_21 : vector<2000x128xf32>
    %add3A_23 = arith.addf %get3A_1, %mul3A_22 : vector<2000x128xf32>
    %get3A_24 = arith.constant 0 : index
    %get3A_25 = arith.constant 0 : index
    %get3A_26 = vector.load %arg2[%get3A_24, %get3A_25] : memref<2000x64xf32, #tpu.memory_space<vmem>>, vector<2000x64xf32>
    %get3A_27 = arith.constant 0 : index
    %get3A_28 = arith.constant 0 : index
    %get3A_29 = vector.load %arg7[%get3A_27, %get3A_28] : memref<128x64xf32, #tpu.memory_space<vmem>>, vector<128x64xf32>
    %dot_general3A_30 = arith.constant dense<0.000000e+00> : vector<2000x64xf32>
    %dot_general3A_31 = tpu.matmul %add3A_23, %get3A_29, %dot_general3A_30 {dimension_numbers = #tpu.dot_dimension_numbers<[1], [0], [0], [1], [0, 0, 1, 1], [], []>, transpose_lhs_hint = false} : vector<2000x128xf32>, vector<128x64xf32>, vector<2000x64xf32> -> vector<2000x64xf32>
    %add3A_32 = arith.addf %get3A_26, %dot_general3A_31 : vector<2000x64xf32>
    %max3A_33 = arith.constant 0.000000e+00 : f32
    %max3A_34 = vector.broadcast %max3A_33 : f32 to vector<2000x64xf32>
    %max3A_35 = arith.maximumf %add3A_32, %max3A_34 : vector<2000x64xf32>
    %get3A_36 = arith.constant 0 : index
    %get3A_37 = arith.constant 0 : index
    %get3A_38 = vector.load %arg8[%get3A_36, %get3A_37] : memref<64x32xf32, #tpu.memory_space<vmem>>, vector<64x32xf32>
    %dot_general3A_39 = arith.constant dense<0.000000e+00> : vector<2000x32xf32>
    %dot_general3A_40 = tpu.matmul %max3A_35, %get3A_38, %dot_general3A_39 {dimension_numbers = #tpu.dot_dimension_numbers<[1], [0], [0], [1], [0, 0, 1, 1], [], []>, transpose_lhs_hint = false} : vector<2000x64xf32>, vector<64x32xf32>, vector<2000x32xf32> -> vector<2000x32xf32>
    %get3A_41 = arith.constant 0 : index
    %get3A_42 = arith.constant 0 : index
    %get3A_43 = vector.load %arg9[%get3A_41, %get3A_42] : memref<1x32xf32, #tpu.memory_space<vmem>>, vector<1x32xf32>
    %add3A_44 = vector.broadcast %get3A_43 : vector<1x32xf32> to vector<2000x32xf32>
    %add3A_45 = arith.addf %dot_general3A_40, %add3A_44 : vector<2000x32xf32>
    %max3A_46 = arith.constant 0.000000e+00 : f32
    %max3A_47 = vector.broadcast %max3A_46 : f32 to vector<2000x32xf32>
    %max3A_48 = arith.maximumf %add3A_45, %max3A_47 : vector<2000x32xf32>
    %get3A_49 = arith.constant 0 : index
    %get3A_50 = arith.constant 0 : index
    %get3A_51 = vector.load %arg10[%get3A_49, %get3A_50] : memref<32x8xf32, #tpu.memory_space<vmem>>, vector<32x8xf32>
    %dot_general3A_52 = arith.constant dense<0.000000e+00> : vector<2000x8xf32>
    %dot_general3A_53 = tpu.matmul %max3A_48, %get3A_51, %dot_general3A_52 {dimension_numbers = #tpu.dot_dimension_numbers<[1], [0], [0], [1], [0, 0, 1, 1], [], []>, transpose_lhs_hint = false} : vector<2000x32xf32>, vector<32x8xf32>, vector<2000x8xf32> -> vector<2000x8xf32>
    %get3A_54 = arith.constant 0 : index
    %get3A_55 = arith.constant 0 : index
    %get3A_56 = vector.load %arg11[%get3A_54, %get3A_55] : memref<1x8xf32, #tpu.memory_space<vmem>>, vector<1x8xf32>
    %add3A_57 = vector.broadcast %get3A_56 : vector<1x8xf32> to vector<2000x8xf32>
    %add3A_58 = arith.addf %dot_general3A_53, %add3A_57 : vector<2000x8xf32>
    %swap3A = arith.constant 0 : index
    %swap3A_59 = arith.constant 0 : index
    %swap3A_60 = vector.load %arg12[%swap3A, %swap3A_59] : memref<2000x8xf32, #tpu.memory_space<vmem>>, vector<2000x8xf32>
    tpu.vector_store %arg12[%swap3A, %swap3A_59], %add3A_58 {strides = array<i32>} : memref<2000x8xf32, #tpu.memory_space<vmem>>, vector<2000x8xf32>,
    return
  }
  func.func @transform_0(%arg0: i32) -> (i32, i32) {
    %c0_i32 = arith.constant 0 : i32
    %c0_i32_0 = arith.constant 0 : i32
    return %arg0, %c0_i32 : i32, i32
  }
  func.func @transform_1(%arg0: i32) -> (i32, i32) {
    %c0_i32 = arith.constant 0 : i32
    %c0_i32_0 = arith.constant 0 : i32
    return %arg0, %c0_i32 : i32, i32
  }
  func.func @transform_2(%arg0: i32) -> (i32, i32) {
    %c0_i32 = arith.constant 0 : i32
    %c0_i32_0 = arith.constant 0 : i32
    return %arg0, %c0_i32 : i32, i32
  }
  func.func @transform_3(%arg0: i32) -> (i32, i32) {
    %c0_i32 = arith.constant 0 : i32
    %c0_i32_0 = arith.constant 0 : i32
    %c0_i32_1 = arith.constant 0 : i32
    return %c0_i32, %c0_i32_0 : i32, i32
  }
  func.func @transform_4(%arg0: i32) -> (i32, i32) {
    %c0_i32 = arith.constant 0 : i32
    %c0_i32_0 = arith.constant 0 : i32
    %c0_i32_1 = arith.constant 0 : i32
    return %c0_i32, %c0_i32_0 : i32, i32
  }
  func.func @transform_5(%arg0: i32) -> (i32, i32) {
    %c0_i32 = arith.constant 0 : i32
    %c0_i32_0 = arith.constant 0 : i32
    %c0_i32_1 = arith.constant 0 : i32
    return %c0_i32, %c0_i32_0 : i32, i32
  }
  func.func @transform_6(%arg0: i32) -> (i32, i32) {
    %c0_i32 = arith.constant 0 : i32
    %c0_i32_0 = arith.constant 0 : i32
    %c0_i32_1 = arith.constant 0 : i32
    return %c0_i32, %c0_i32_0 : i32, i32
  }
  func.func @transform_7(%arg0: i32) -> (i32, i32) {
    %c0_i32 = arith.constant 0 : i32
    %c0_i32_0 = arith.constant 0 : i32
    %c0_i32_1 = arith.constant 0 : i32
    return %c0_i32, %c0_i32_0 : i32, i32
  }
  func.func @transform_8(%arg0: i32) -> (i32, i32) {
    %c0_i32 = arith.constant 0 : i32
    %c0_i32_0 = arith.constant 0 : i32
    %c0_i32_1 = arith.constant 0 : i32
    return %c0_i32, %c0_i32_0 : i32, i32
  }
  func.func @transform_9(%arg0: i32) -> (i32, i32) {
    %c0_i32 = arith.constant 0 : i32
    %c0_i32_0 = arith.constant 0 : i32
    %c0_i32_1 = arith.constant 0 : i32
    return %c0_i32, %c0_i32_0 : i32, i32
  }
  func.func @transform_10(%arg0: i32) -> (i32, i32) {
    %c0_i32 = arith.constant 0 : i32
    %c0_i32_0 = arith.constant 0 : i32
    %c0_i32_1 = arith.constant 0 : i32
    return %c0_i32, %c0_i32_0 : i32, i32
  }
  func.func @transform_11(%arg0: i32) -> (i32, i32) {
    %c0_i32 = arith.constant 0 : i32
    %c0_i32_0 = arith.constant 0 : i32
    return %arg0, %c0_i32 : i32, i32
  }
}

</mosaic_0001>

<sc_bundles>
// kernel: kernel.13.cloned.1.call-start
scs
__scs_entry_jumppad:
0x0: {  	(pc) =	sbr.rel $0x88, $3  }
0x1: {  	(tag) =	ssettag $0x0;
	lr =	simm.s32 $0x1  }
0x2: {  	[smem:$0x3F8A] =	sst lr;
	_ =	strace $0xD0000000  }
0x3: {  	_ = 	snop  }
0x4: {  	_ = 	snop  }
0x5: {  	_ = 	snop  }
0x6: {  	_ = 	snop  }
0x7: {  	_ = 	snop  }
__scs_overlays_trampoline_lowered:
0x8: {  	[smem:$0x3F99] =	sst s0  }
0x9: {  	[smem:$0x3F9A] =	sst s1  }
0xa: {  	[smem:$0x3F9B] =	sst s2  }
0xb: {  	[smem:$0x3F9C] =	sst s3  }
0xc: {  	[smem:$0x3F9D] =	sst s4  }
0xd: {  	[smem:$0x3F9E] =	sst s5  }
0xe: {  	[smem:$0x3F9F] =	sst s6  }
0xf: {  	[smem:$0x3FA0] =	sst s7  }
0x10: {  	[smem:$0x3FA1] =	sst s8  }
0x11: {  	[smem:$0x3FA2] =	sst s9;
	s0 =	simm.s32 @!p0 $0x0  }
0x12: {  	s1 =	sld [smem:$0x3F88];
	s0 =	simm.s32 @p0 $0x1  }
0x13: {  	[smem:$0x3FA3] =	sst s0;
	s0 =	simm.s32 @!p1 $0x0  }
0x14: {  	s2 =	sld [smem:$0x3F87];
	s0 =	simm.s32 @p1 $0x1  }
0x15: {  	[smem:$0x3FA4] =	sst s0;
	s0 =	simm.s32 @!p2 $0x0  }
0x16: {  	s3 =	sld [smem:$0x3FDB];
	s0 =	simm.s32 @p2 $0x1  }
0x17: {  	s4 =	simm.s32 $0x1BF5;
	[smem:$0x3FA6] =	sst s0  }
0x18: {  	s0 =	sld [smem:$0x3F89];
	_ =	swait.ge [sflag:s4], $0x0  }
0x19: {  	s7 =	sld [smem:$0x3F8A]  }
0x1a: {  	s8 =	sadd.s32 $0xFFFFE003, lr  }
0x1b: {  	s9 =	sadd.s32 $0xFFFFFEF7, lr;
	s5 =	simm.s32 $0xFFFFFFFF;
	p2 =	slt.u32 s8, $0xFFFFF086  }
0x1c: {  	p1 =	slt.u32 s9, $0xF7A;
	s5 =	simm.s32 @!p2 $0x0  }
0x1d: {  	s5 =	simm.s32 @p1 $0x1;
	p0 =	seq.s32 s7, s2  }
0x1e: {  	s7 =	smul.u32 @!p0 $0xF7A, s2;
	p2 =	seq.s32 @!p0 s5, $0x0  }
0x1f: {  	s9 =	smul.u32 $0xF7A, s1;
	s8 =	simm.s32 @!p0 $0x1BF5;
	p2 =	por !p2, p0  }
0x20: {  	[sflag:s8] =	ssyncset.s32 @!p0 $0xFFFFF086;
	s6 =	sadd.s32 @!p0 s3, s7;
	s7 =	simm.s32 @!p0 $0x108  }
0x21: {  	s3 =	sadd.s32 s3, s9;
	s6 =	sadd.s32 @!p0 $0x88, s6;
	s7 =	simm.s32 @p2 $0x1082  }
0x22: {  	[simem:s7], [sflag:s8] =	dma.local @!p0 [hbm:s6], $0xF7A  }
0x23: {  	s9 =	sor.u32 $0xD0000000, s2;
	s6 =	simm.s32 $0x108;
	_ =	swait.ge @!p0 [sflag:s8], $0x0  }
0x24: {  	s3 =	sadd.s32 $0x88, s3;
	s6 =	simm.s32 @!p1 $0x1082;
	[sflag:s4] =	ssyncset.s32 $0xFFFFF086  }
0x25: {  	[simem:s6], [sflag:s4] =	dma.local [hbm:s3], $0xF7A  }
0x26: {  	[smem:$0x3F8A] =	sst s1;
	(tag) =	ssettag s2;
	_ =	strace s9  }
0x27: {  	s1 =	sld [smem:$0x3F9A]  }
0x28: {  	s2 =	sld [smem:$0x3F9B]  }
0x29: {  	s4 =	sld [smem:$0x3F9D]  }
0x2a: {  	p0 =	seq.s32 s5, $0x0;
	s5 =	sld [smem:$0x3F9E]  }
0x2b: {  	s6 =	sld [smem:$0x3F9F]  }
0x2c: {  	s7 =	sld [smem:$0x3FA0]  }
0x2d: {  	s3 =	simm.s32 $0x108;
	s8 =	sld [smem:$0x3FA1]  }
0x2e: {  	s3 =	simm.s32 @!p0 $0x1082;
	s9 =	sld [smem:$0x3FA2]  }
0x2f: {  	lr =	sadd.s32 s0, s3;
	s0 =	sld [smem:$0x3F99]  }
0x30: {  	s3 =	sld [smem:$0x3F9C]  }
0x31: {  	[smem:$0x3FA5] =	sst s10  }
0x32: {  	s10 =	sld [smem:$0x3FA3];
	_ =	sdelay $0x3  }
0x33: {  	p0 =	seq.s32 s10, $0x1;
	s10 =	sld [smem:$0x3FA5];
	_ =	sdelay $0x3  }
0x34: {  	[smem:$0x3FA5] =	sst s10  }
0x35: {  	s10 =	sld [smem:$0x3FA4];
	_ =	sdelay $0x3  }
0x36: {  	p1 =	seq.s32 s10, $0x1;
	s10 =	sld [smem:$0x3FA5];
	_ =	sdelay $0x3  }
0x37: {  	[smem:$0x3FA5] =	sst s10  }
0x38: {  	s10 =	sld [smem:$0x3FA6]  }
0x39: {  	_ = 	snop;
	(pc) =	sbr.ind lr, $3  }
0x3a: {  	_ = 	snop  }
0x3b: {  	_ = 	snop  }
0x3c: {  	p2 =	seq.s32 s10, $0x1;
	s10 =	sld [smem:$0x3FA5]  }
0x3d: {  	_ =	shalt  }
0x3e: {  	_ =	shalt  }
0x3f: {  	_ =	shalt  }
0x40: {  	_ =	shalt  }
0x41: {  	_ =	shalt  }
0x42: {  	_ =	shalt  }
0x43: {  	_ =	shalt  }
0x44: {  	_ =	shalt  }
0x45: {  	_ =	shalt  }
0x46: {  	_ =	shalt  }
0x47: {  	_ =	shalt  }
0x48: {  	_ =	shalt  }
0x49: {  	_ =	shalt  }
0x4a: {  	_ =	shalt  }
0x4b: {  	_ =	shalt  }
0x4c: {  	_ =	shalt  }
0x4d: {  	_ =	shalt  }
0x4e: {  	_ =	shalt  }
0x4f: {  	_ =	shalt  }
0x50: {  	_ =	shalt  }
0x51: {  	_ =	shalt  }
0x52: {  	_ =	shalt  }
0x53: {  	_ =	shalt  }
0x54: {  	_ =	shalt  }
0x55: {  	_ =	shalt  }
0x56: {  	_ =	shalt  }
0x57: {  	_ =	shalt  }
0x58: {  	_ =	shalt  }
0x59: {  	_ =	shalt  }
0x5a: {  	_ =	shalt  }
0x5b: {  	_ =	shalt  }
0x5c: {  	_ =	shalt  }
0x5d: {  	_ =	shalt  }
0x5e: {  	_ =	shalt  }
0x5f: {  	_ =	shalt  }
0x60: {  	_ =	shalt  }
0x61: {  	_ =	shalt  }
0x62: {  	_ =	shalt  }
0x63: {  	_ =	shalt  }
0x64: {  	_ =	shalt  }
0x65: {  	_ =	shalt  }
0x66: {  	_ =	shalt  }
0x67: {  	_ =	shalt  }
0x68: {  	_ =	shalt  }
0x69: {  	_ =	shalt  }
0x6a: {  	_ =	shalt  }
0x6b: {  	_ =	shalt  }
0x6c: {  	_ =	shalt  }
0x6d: {  	_ =	shalt  }
0x6e: {  	_ =	shalt  }
0x6f: {  	_ =	shalt  }
0x70: {  	_ =	shalt  }
0x71: {  	_ =	shalt  }
0x72: {  	_ =	shalt  }
0x73: {  	_ =	shalt  }
0x74: {  	_ =	shalt  }
0x75: {  	_ =	shalt  }
0x76: {  	_ =	shalt  }
0x77: {  	_ =	shalt  }
0x78: {  	_ =	shalt  }
0x79: {  	_ =	shalt  }
0x7a: {  	_ =	shalt  }
0x7b: {  	_ =	shalt  }
0x7c: {  	_ =	shalt  }
0x7d: {  	_ =	shalt  }
0x7e: {  	_ =	shalt  }
0x7f: {  	_ =	shalt  }
0x80: {  	_ =	shalt  }
0x81: {  	_ =	shalt  }
0x82: {  	_ =	shalt  }
0x83: {  	_ =	shalt  }
0x84: {  	_ =	shalt  }
0x85: {  	_ =	shalt  }
0x86: {  	_ =	shalt  }
0x87: {  	_ =	shalt  }
.Lfunc_end0:
.L_simem_size_0:
called_computation_lowered:
.L_overlay_start_0:
0x88: {  	s2 =	sld [smem:$0x3FD9]  }
0x89: {  	s3 =	sld [smem:$0x3FFE];
	_ =	sdelay $0x1  }
0x8a: {  	s1 =	srdreg.scid  }
0x8b: {  	s0 =	sand.u32 $0x1, s1  }
0x8c: {  	s17 =	sshll.u32 s0, $0xA;
	s2 =	sadd.s32 s3, s2  }
0x8d: {  	s2 =	sadd.s32 s2, s17  }
0x8e: {  	[smem:$0x3FB1] =	sst s2  }
0x8f: {  	_ = 	snop  }
0x90: {  	s2 =	sld [smem:$0x3FD0];
	(tm) =	ssettm $0x1  }
0x91: {  	s18 =	sld [smem:$0x3FFB];
	_ =	sdelay $0x3  }
0x92: {  	_ =	strace s18  }
0x93: {  	s3 =	sld [smem:$0x3FFC];
	_ =	sdelay $0x3  }
0x94: {  	_ =	strace s3  }
0x95: {  	s3 =	sld [smem:$0x3FFD];
	_ =	sdelay $0x3  }
0x96: {  	_ =	strace s3  }
0x97: {  	_ =	strace $0x8FFFFFFF  }
0x98: {  	s19 =	sld [smem:$0x3FDB];
	_ =	sdelay $0x1  }
0x99: {  	s4 =	simm.s32 $_scs_section_size  }
0x9a: {  	s5 =	simm.s32 $_size__tile_overlayer_lowered;
	s6 =	simm.s32 $_tile_overlayer_lowered  }
0x9b: {  	s22 =	simm.s32 $0x1BFF;
	s21 =	sshll.u32 s6, $0x1;
	s3 =	sadd.s32 s4, s19  }
0x9c: {  	s7 =	simm.s32 $0x0;
	s20 =	sshll.u32 s5, $0x1;
	s5 =	sadd.s32 s21, s3  }
0x9d: {  	[timem:s7], [sflag:s22] =	dma.local [hbm:s5], s20  }
0x9e: {  	_ =	swait.ge [sflag:s22], s20  }
0x9f: {  	s4 =	ssub.s32 $0x0, s20;
	[sflag:s22] =	ssyncset.done $0x0  }
0xa0: {  	[sflag:s22] =	ssyncadd.s32 s4;
	_ =	sdelay $0x1  }
0xa1: {  	s23 =	simm.s32 $0x1B8B  }
0xa2: {  	_ =	swait.ge [sflag:s23], $0x1  }
0xa3: {  	[sflag:s23] =	ssyncset.done $0x0  }
0xa4: {  	s25 =	simm.s32 $0x1B8E;
	s24 =	sld [smem:$0x3FFE];
	[sflag:s23] =	ssyncadd.s32 $0xFFFFFFFF  }
0xa5: {  	s26 =	simm.s32 $execute0_lowered;
	[smem:$0x3FD2] =	sst s25  }
0xa6: {  	s5 =	sshll.u32 s26, $0x1;
	_ =	strace $0x80000046;
	[dreg:$0x1] =	wrdreg $0xFFFFFFFF  }
0xa7: {  	s28 =	simm.s32 $_size_execute0_lowered;
	s3 =	sadd.s32 s3, s5;
	[dreg:$0x0] =	wrdreg $0x0  }
0xa8: {  	s5 =	sshll.u32 s28, $0x1;
	[dreg:$0x2] =	wrdreg s3  }
0xa9: {  	[dreg:$0x3] =	wrdreg s5  }
0xaa: {  	[dreg:$0x4] =	wrdreg $0xC0  }
0xab: {  	_ =	task [dreg:s7], $0x5FFFF  }
0xac: {  	[dreg:$0x1] =	wrdreg $0xFFFFFFFF  }
0xad: {  	[dreg:$0x0] =	wrdreg $0x60  }
0xae: {  	[dreg:$0x2] =	wrdreg s24  }
0xaf: {  	[dreg:$0x3] =	wrdreg s2  }
0xb0: {  	[dreg:$0x4] =	wrdreg $0x69000  }
0xb1: {  	[dreg:$0x5] =	wrdreg $0x9  }
0xb2: {  	_ =	task.clear_ibuf [dreg:s7], $0x6FFFF;
	_ =	strace $0x90000046  }
0xb3: {  	s29 =	simm.s32 $0x9;
	_ =	strace $0x80000048  }
0xb4: {  	_ =	swait.ge [sflag:s29], $0x1  }
0xb5: {  	[sflag:s29] =	ssyncadd.s32 $0xFFFFFFFF  }
0xb6: {  	_ =	strace $0x90000048  }
0xb7: {  	_ =	sfence  }
0xb8: {  	s30 =	sld [smem:$0x0];
	_ =	sdelay $0x2  }
0xb9: {  	s31 =	sshll.u32 s1, $0xD;
	s1 =	sshrl.u32 s1, $0x2  }
0xba: {  	s3 =	sand.u32 $0x4000, s31;
	s1 =	sadd.s32 s1, s30  }
0xbb: {  	s0 =	sor.u32 s3, s0;
	s1 =	sshll.u32 s1, $0x11  }
0xbc: {  	s0 =	sor.u32 s1, s0  }
0xbd: {  	s0 =	sadd.s32 $0x8F2B, s0  }
0xbe: {  	[sflag:s0] =	ssyncadd.remote.s32 $0x1  }
0xbf: {  	_ =	sfence.sel $0xFFFF  }
0xc0: {  	[dreg:$0x0] =	wrdreg $0xFFFFFFFF;
	(pc) =	sbr.abs _section_cstart, $3  }
0xc1: {  	[dreg:$0x1] =	wrdreg $0xFFFFFFFF  }
0xc2: {  	_ =	task.clear_ibuf [dreg:s7], $0x2FFFF;
	_ =	strace $0x9FFFFFFF  }
0xc3: {  	(tm) =	ssettm $0x7FFFFFFF  }
tec
execute0_lowered:
.L_overlay_start_1:
0x0: {  	(tag) =	ssettag $0x1  }
0x1: {  	s0 =	rddreg [dreg:$0x0]  }
0x2: {  	s1 =	rddreg [dreg:$0x1]  }
0x3: {  	s3 =	rddreg [dreg:$0x2];
	s4 =	simm.s32 $0x0;
	s12 =	stileid.u32  }
0x4: {  	[smem:$0x7FF] =	sst s4;
	s7 =	smul.u32 $0x28000, s12  }
0x5: {  	s2 =	srdreg.scid;
	s5 =	sadd.s32 $0x4F5800, s0;
	s6 =	sadd.s32 $0x51CA00, s0  }
0x6: {  	s2 =	sand.u32 $0x1, s2;
	s22 =	smul.u32 $0x1400, s12;
	s8 =	sshrl.u32 s7, $0x2  }
0x7: {  	p0 =	slt.u32 s12, $0x8;
	_ =	strace $0x80000047;
	s8 =	sadd.s32 s8, s3  }
0x8: {  	s9 =	smul.u32 $0x14000, s2;
	s10 =	ssub.s32 $0x2, s2;
	s13 =	sadd.s32 $0x800, s8  }
0x9: {  	s7 =	sadd.s32 $0x9A00, s0;
	s14 =	sadd.s32 $0x1000, s8;
	[dreg:$0x4] =	wrdreg s13  }
0xa: {  	s11 =	sshrl.u32 s10, $0x1;
	s15 =	sadd.s32 $0x1800, s8;
	[dreg:$0x5] =	wrdreg s14  }
0xb: {  	s0 =	sadd.s32 s9, s0;
	s16 =	sadd.s32 $0x2000, s8;
	[dreg:$0x6] =	wrdreg s15  }
0xc: {  	s9 =	ssub.s32 s10, s11;
	s17 =	sadd.s32 $0x2800, s8;
	[dreg:$0x7] =	wrdreg s16  }
0xd: {  	s10 =	simm.s32 $0x80;
	s18 =	sadd.s32 $0x3000, s8;
	[dreg:$0x8] =	wrdreg s17  }
0xe: {  	s11 =	simm.s32 $0x40;
	s19 =	sadd.s32 $0x3800, s8;
	[dreg:$0x9] =	wrdreg s18  }
0xf: {  	s20 =	sadd.s32 $0x4000, s8;
	s21 =	sadd.s32 $0x4800, s8;
	[dreg:$0xa] =	wrdreg s19  }
0x10: {  	s23 =	sadd.s32 $0x5000, s8;
	s24 =	sadd.s32 $0x5800, s8;
	[dreg:$0xb] =	wrdreg s20  }
0x11: {  	s25 =	sadd.s32 $0x6000, s8;
	s0 =	sadd.s32 s22, s0;
	[dreg:$0xc] =	wrdreg s21  }
0x12: {  	s26 =	sadd.s32 $0x6800, s8;
	s28 =	sadd.s32 $0x8000, s8;
	[dreg:$0xd] =	wrdreg s23  }
0x13: {  	s29 =	sadd.s32 $0x8800, s8;
	s30 =	sadd.s32 $0x9000, s8;
	[dreg:$0xe] =	wrdreg s24  }
0x14: {  	s31 =	sadd.s32 $0x9800, s8;
	[dreg:$0xf] =	wrdreg s25;
	s21 =	simm.s32 $0x139  }
0x15: {  	[dreg:$0x10] =	wrdreg s26;
	s14 =	smul.u32 $0xFFFFEC78, s2;
	s23 =	smax.u32 s9, $0x1  }
0x16: {  	s24 =	sadd.s32 $0x13800, s0;
	s25 =	sadd.s32 $0x7000, s8;
	s26 =	sadd.s32 $0x7800, s8  }
0x17: {  	s0 =	sshll.u32 s12, $0x6;
	s2 =	simm.s32 $0x6100;
	s9 =	simm.s32 $0x2  }
0x18: {  	s12 =	simm.s32 $0x100;
	s13 =	simm.s32 $0x2100;
	s15 =	simm.s32 $0x4100  }
0x19: {  	v1 =	vimm.f32 $0.0e+00;
	s16 =	simm.s32 $0x0;
	s21 =	simm.s32 @!p0 $0x138;
	v0 =	vmov s14;
	s14 =	simm.s32 $0x1  }
.LBB2_1:
0x1a: {  	s17 =	simm.s32 $0x0;
	s18 =	simm.s32 $0x200  }
.LBB2_2:
0x1b: {  	p0 =	sne.s32 s18, $0x1E00;
	[tilespmem:s17+$0x6170] =	vst v1  }
0x1c: {  	[tilespmem:s17+$0x6100] =	vst v1  }
0x1d: {  	[tilespmem:s17+$0x6110] =	vst v1  }
.Ltmp0:
0x1e: {  	[tilespmem:s17+$0x6120] =	vst v1;
	(pc) =	sbr.rel @p0 .LBB2_2-.Ltmp0, $4  }
0x1f: {  	[tilespmem:s17+$0x6130] =	vst v1  }
0x20: {  	[tilespmem:s17+$0x6140] =	vst v1  }
0x21: {  	[tilespmem:s17+$0x6150] =	vst v1  }
0x22: {  	[tilespmem:s17+$0x6160] =	vst v1;
	s17 =	sshra.s32 s18, $0x2;
	s18 =	sadd.s32 $0x200, s18  }
0x23: {  	[tilespmem:s17+$0x6170] =	vst v1  }
0x24: {  	[tilespmem:s17+$0x6100] =	vst v1  }
0x25: {  	[tilespmem:s17+$0x6110] =	vst v1  }
0x26: {  	[tilespmem:s17+$0x6120] =	vst v1  }
0x27: {  	[tilespmem:s17+$0x6130] =	vst v1  }
0x28: {  	[tilespmem:s17+$0x6140] =	vst v1  }
0x29: {  	[tilespmem:s17+$0x6150] =	vst v1  }
0x2a: {  	[tilespmem:s17+$0x6160] =	vst v1  }
0x2b: {  	[spmem:s8] =	stream.linear.scatter [tilespmem:s2], [sflag:$0x2], $0x800, $0x38;
	[tilespmem:$0x10900] =	vst v63  }
0x2c: {  	_ =	swait.ge [sflag:s9], $0x800  }
0x2d: {  	[sflag:s9] =	ssyncset.done $0x0  }
0x2e: {  	s22 =	rddreg [dreg:$0x4];
	[sflag:s9] =	ssyncadd.s32 $0xFFFFF800  }
0x2f: {  	[spmem:s22] =	stream.linear.scatter [tilespmem:s2], [sflag:$0x2], $0x800, $0x38;
	[tilespmem:$0x10900] =	vst v63  }
0x30: {  	_ =	swait.ge [sflag:s9], $0x800  }
0x31: {  	[sflag:s9] =	ssyncset.done $0x0  }
0x32: {  	s18 =	rddreg [dreg:$0x5];
	[sflag:s9] =	ssyncadd.s32 $0xFFFFF800  }
0x33: {  	[spmem:s18] =	stream.linear.scatter [tilespmem:s2], [sflag:$0x2], $0x800, $0x38;
	[tilespmem:$0x10900] =	vst v63  }
0x34: {  	_ =	swait.ge [sflag:s9], $0x800  }
0x35: {  	[sflag:s9] =	ssyncset.done $0x0  }
0x36: {  	s19 =	rddreg [dreg:$0x6];
	[sflag:s9] =	ssyncadd.s32 $0xFFFFF800  }
0x37: {  	[spmem:s19] =	stream.linear.scatter [tilespmem:s2], [sflag:$0x2], $0x800, $0x38;
	[tilespmem:$0x10900] =	vst v63  }
0x38: {  	_ =	swait.ge [sflag:s9], $0x800  }
0x39: {  	[sflag:s9] =	ssyncset.done $0x0  }
0x3a: {  	s20 =	rddreg [dreg:$0x7];
	[sflag:s9] =	ssyncadd.s32 $0xFFFFF800  }
0x3b: {  	[spmem:s20] =	stream.linear.scatter [tilespmem:s2], [sflag:$0x2], $0x800, $0x38;
	[tilespmem:$0x10900] =	vst v63  }
0x3c: {  	_ =	swait.ge [sflag:s9], $0x800  }
0x3d: {  	[sflag:s9] =	ssyncset.done $0x0  }
0x3e: {  	s22 =	rddreg [dreg:$0x8];
	[sflag:s9] =	ssyncadd.s32 $0xFFFFF800  }
0x3f: {  	[spmem:s22] =	stream.linear.scatter [tilespmem:s2], [sflag:$0x2], $0x800, $0x38;
	[tilespmem:$0x10900] =	vst v63  }
0x40: {  	_ =	swait.ge [sflag:s9], $0x800  }
0x41: {  	[sflag:s9] =	ssyncset.done $0x0  }
0x42: {  	s18 =	rddreg [dreg:$0x9];
	[sflag:s9] =	ssyncadd.s32 $0xFFFFF800  }
0x43: {  	[spmem:s18] =	stream.linear.scatter [tilespmem:s2], [sflag:$0x2], $0x800, $0x38;
	[tilespmem:$0x10900] =	vst v63  }
0x44: {  	_ =	swait.ge [sflag:s9], $0x800  }
0x45: {  	[sflag:s9] =	ssyncset.done $0x0  }
0x46: {  	s19 =	rddreg [dreg:$0xa];
	[sflag:s9] =	ssyncadd.s32 $0xFFFFF800  }
0x47: {  	[spmem:s19] =	stream.linear.scatter [tilespmem:s2], [sflag:$0x2], $0x800, $0x38;
	[tilespmem:$0x10900] =	vst v63  }
0x48: {  	_ =	swait.ge [sflag:s9], $0x800  }
0x49: {  	[sflag:s9] =	ssyncset.done $0x0  }
0x4a: {  	s20 =	rddreg [dreg:$0xb];
	[sflag:s9] =	ssyncadd.s32 $0xFFFFF800  }
0x4b: {  	[spmem:s20] =	stream.linear.scatter [tilespmem:s2], [sflag:$0x2], $0x800, $0x38;
	[tilespmem:$0x10900] =	vst v63  }
0x4c: {  	_ =	swait.ge [sflag:s9], $0x800  }
0x4d: {  	[sflag:s9] =	ssyncset.done $0x0  }
0x4e: {  	s22 =	rddreg [dreg:$0xc];
	[sflag:s9] =	ssyncadd.s32 $0xFFFFF800  }
0x4f: {  	[spmem:s22] =	stream.linear.scatter [tilespmem:s2], [sflag:$0x2], $0x800, $0x38;
	[tilespmem:$0x10900] =	vst v63  }
0x50: {  	_ =	swait.ge [sflag:s9], $0x800  }
0x51: {  	[sflag:s9] =	ssyncset.done $0x0  }
0x52: {  	s18 =	rddreg [dreg:$0xd];
	[sflag:s9] =	ssyncadd.s32 $0xFFFFF800  }
0x53: {  	[spmem:s18] =	stream.linear.scatter [tilespmem:s2], [sflag:$0x2], $0x800, $0x38;
	[tilespmem:$0x10900] =	vst v63  }
0x54: {  	_ =	swait.ge [sflag:s9], $0x800  }
0x55: {  	[sflag:s9] =	ssyncset.done $0x0  }
0x56: {  	s19 =	rddreg [dreg:$0xe];
	[sflag:s9] =	ssyncadd.s32 $0xFFFFF800  }
0x57: {  	[spmem:s19] =	stream.linear.scatter [tilespmem:s2], [sflag:$0x2], $0x800, $0x38;
	[tilespmem:$0x10900] =	vst v63  }
0x58: {  	_ =	swait.ge [sflag:s9], $0x800  }
0x59: {  	[sflag:s9] =	ssyncset.done $0x0  }
0x5a: {  	s20 =	rddreg [dreg:$0xf];
	[sflag:s9] =	ssyncadd.s32 $0xFFFFF800  }
0x5b: {  	[spmem:s20] =	stream.linear.scatter [tilespmem:s2], [sflag:$0x2], $0x800, $0x38;
	[tilespmem:$0x10900] =	vst v63  }
0x5c: {  	_ =	swait.ge [sflag:s9], $0x800  }
0x5d: {  	[sflag:s9] =	ssyncset.done $0x0  }
0x5e: {  	s22 =	rddreg [dreg:$0x10];
	[sflag:s9] =	ssyncadd.s32 $0xFFFFF800  }
0x5f: {  	[spmem:s22] =	stream.linear.scatter [tilespmem:s2], [sflag:$0x2], $0x800, $0x38;
	[tilespmem:$0x10900] =	vst v63  }
0x60: {  	_ =	swait.ge [sflag:s9], $0x800  }
0x61: {  	[sflag:s9] =	ssyncset.done $0x0  }
0x62: {  	[sflag:s9] =	ssyncadd.s32 $0xFFFFF800  }
0x63: {  	[spmem:s25] =	stream.linear.scatter [tilespmem:s2], [sflag:$0x2], $0x800, $0x38;
	[tilespmem:$0x10900] =	vst v63  }
0x64: {  	_ =	swait.ge [sflag:s9], $0x800  }
0x65: {  	[sflag:s9] =	ssyncset.done $0x0  }
0x66: {  	[sflag:s9] =	ssyncadd.s32 $0xFFFFF800  }
0x67: {  	[spmem:s26] =	stream.linear.scatter [tilespmem:s2], [sflag:$0x2], $0x800, $0x38;
	[tilespmem:$0x10900] =	vst v63  }
0x68: {  	_ =	swait.ge [sflag:s9], $0x800  }
0x69: {  	[sflag:s9] =	ssyncset.done $0x0  }
0x6a: {  	[sflag:s9] =	ssyncadd.s32 $0xFFFFF800  }
0x6b: {  	[spmem:s28] =	stream.linear.scatter [tilespmem:s2], [sflag:$0x2], $0x800, $0x38;
	[tilespmem:$0x10900] =	vst v63  }
0x6c: {  	_ =	swait.ge [sflag:s9], $0x800  }
0x6d: {  	[sflag:s9] =	ssyncset.done $0x0  }
0x6e: {  	[sflag:s9] =	ssyncadd.s32 $0xFFFFF800  }
0x6f: {  	[spmem:s29] =	stream.linear.scatter [tilespmem:s2], [sflag:$0x2], $0x800, $0x38;
	[tilespmem:$0x10900] =	vst v63  }
0x70: {  	_ =	swait.ge [sflag:s9], $0x800  }
0x71: {  	[sflag:s9] =	ssyncset.done $0x0  }
0x72: {  	[sflag:s9] =	ssyncadd.s32 $0xFFFFF800  }
0x73: {  	[spmem:s30] =	stream.linear.scatter [tilespmem:s2], [sflag:$0x2], $0x800, $0x38;
	[tilespmem:$0x10900] =	vst v63  }
0x74: {  	_ =	swait.ge [sflag:s9], $0x800  }
0x75: {  	[sflag:s9] =	ssyncset.done $0x0  }
0x76: {  	[sflag:s9] =	ssyncadd.s32 $0xFFFFF800  }
0x77: {  	[spmem:s31] =	stream.linear.scatter [tilespmem:s2], [sflag:$0x2], $0x800, $0x38;
	[tilespmem:$0x10900] =	vst v63  }
0x78: {  	_ =	swait.ge [sflag:s9], $0x800  }
0x79: {  	[sflag:s9] =	ssyncset.done $0x0  }
0x7a: {  	[sflag:s9] =	ssyncadd.s32 $0xFFFFF800  }
0x7b: {  	s17 =	simm.s32 $0x0;
	s18 =	simm.s32 $0x0;
	[bflag:$0x0] =	sbarrier.arrive $0xFFFF  }
.LBB2_4:
0x7c: {  	s19 =	sshll.u32 s18, $0xA  }
0x7d: {  	s19 =	sor.u32 s0, s19  }
0x7e: {  	s20 =	sshrl.u32 s19, $0x3  }
0x7f: {  	s22 =	sadd.s32 s7, s20  }
0x80: {  	[tilespmem:s17], [sflag:$0x2] =	stream.linear.gather [hbm4b:s22+s17], $0x40, $0x38;
	[tilespmem:$0x10900] =	vst v63  }
0x81: {  	_ =	swait.ge [sflag:s9], $0x40  }
0x82: {  	[sflag:s9] =	ssyncset.done $0x0  }
0x83: {  	s20 =	sadd.s32 s1, s20;
	[sflag:s9] =	ssyncadd.s32 $0xFFFFFFC0  }
0x84: {  	[tilespmem:s10], [sflag:$0x2] =	stream.linear.gather [hbm4b:s20+s17], $0x40, $0x38;
	[tilespmem:$0x10900] =	vst v63  }
0x85: {  	_ =	swait.ge [sflag:s9], $0x40  }
0x86: {  	[sflag:s9] =	ssyncset.done $0x0  }
0x87: {  	s19 =	sshll.u32 s19, $0x4;
	[sflag:s9] =	ssyncadd.s32 $0xFFFFFFC0  }
0x88: {  	[tilespmem:s12], [sflag:$0x1] =	stream.indirect.gather [hbm4b:s5+s11], $0x80, s17, s11, $0xb8;
	[tilespmem:$0x10900] =	vst v63  }
0x89: {  	s19 =	sadd.s32 s6, s19  }
0x8a: {  	[tilespmem:s13], [sflag:$0x2] =	stream.linear.gather [hbm4b:s19+s17], $0x2000, $0x38;
	[tilespmem:$0x10900] =	vst v63  }
0x8b: {  	_ =	swait.ge [sflag:s9], $0x2000  }
0x8c: {  	[sflag:s9] =	ssyncset.done $0x0  }
0x8d: {  	[sflag:s9] =	ssyncadd.s32 $0xFFFFE000  }
0x8e: {  	_ =	swait.ge [sflag:s14], $0x2000  }
0x8f: {  	[sflag:s14] =	ssyncset.done $0x0  }
0x90: {  	s19 =	simm.s32 $0x0;
	[sflag:s14] =	ssyncadd.s32 $0xFFFFE000  }
0x91: {  	v2 =	vld [tilespmem:s19+$0x170]  }
0x92: {  	v3 =	vld [tilespmem:s19+$0x2170]  }
0x93: {  	v4 =	vld [tilespmem:s19+$0x100]  }
0x94: {  	v5 =	vld [tilespmem:s19+$0x2100]  }
0x95: {  	v6 =	vld [tilespmem:s19+$0x110]  }
0x96: {  	v7 =	vld [tilespmem:s19+$0x2110]  }
0x97: {  	v8 =	vld [tilespmem:s19+$0x120]  }
0x98: {  	v2 =	vadd.f32 v3, v2;
	v3 =	vld [tilespmem:s19+$0x2120]  }
0x99: {  	v9 =	vld [tilespmem:s19+$0x130]  }
0x9a: {  	v10 =	vld [tilespmem:s19+$0x2130];
	v4 =	vadd.f32 v5, v4  }
0x9b: {  	v11 =	vld [tilespmem:s19+$0x140];
	v2 =	vmax.f32 v2, $0.0e+00  }
0x9c: {  	[tilespmem:s19+$0x4170] =	vst v2;
	v2 =	vmax.f32 v4, $0.0e+00;
	v4 =	vadd.f32 v7, v6;
	v7 =	vld [tilespmem:s19+$0x2140]  }
0x9d: {  	v5 =	vld [tilespmem:s19+$0x2150];
	v3 =	vadd.f32 v3, v8  }
0x9e: {  	[tilespmem:s19+$0x4100] =	vst v2;
	v2 =	vld [tilespmem:s19+$0x150];
	v4 =	vmax.f32 v4, $0.0e+00  }
0x9f: {  	v6 =	vld [tilespmem:s19+$0x2160];
	v8 =	vadd.f32 v10, v9;
	[tilespmem:s19+$0x4110] =	vst v4;
	v4 =	vmax.f32 v3, $0.0e+00  }
0xa0: {  	s20 =	simm.s32 $0x80;
	v3 =	vld [tilespmem:s19+$0x160];
	[tilespmem:s19+$0x4120] =	vst v4  }
0xa1: {  	s22 =	simm.s32 $0x400;
	v8 =	vmax.f32 v8, $0.0e+00;
	v7 =	vadd.f32 v7, v11;
	v4 =	vld [tilespmem:s20+$0x170]  }
.LBB2_5:
0xa2: {  	p0 =	sne.s32 s22, $0x7E00;
	v9 =	vld [tilespmem:s20+$0x2170];
	[tilespmem:s19+$0x4130] =	vst v8  }
0xa3: {  	v8 =	vld [tilespmem:s20+$0x100];
	v7 =	vmax.f32 v7, $0.0e+00;
	v2 =	vadd.f32 v5, v2  }
0xa4: {  	v5 =	vld [tilespmem:s20+$0x2100];
	[tilespmem:s19+$0x4140] =	vst v7  }
0xa5: {  	v7 =	vld [tilespmem:s20+$0x110];
	v2 =	vmax.f32 v2, $0.0e+00;
	v3 =	vadd.f32 v6, v3  }
0xa6: {  	v6 =	vld [tilespmem:s20+$0x2110];
	[tilespmem:s19+$0x4150] =	vst v2  }
0xa7: {  	v2 =	vld [tilespmem:s20+$0x120];
	v4 =	vadd.f32 v9, v4;
	v3 =	vmax.f32 v3, $0.0e+00  }
0xa8: {  	v9 =	vld [tilespmem:s20+$0x2120];
	[tilespmem:s19+$0x4160] =	vst v3;
	s19 =	smov.u32 s20  }
0xa9: {  	v3 =	vadd.f32 v5, v8;
	v8 =	vld [tilespmem:s19+$0x130];
	v4 =	vmax.f32 v4, $0.0e+00  }
0xaa: {  	v10 =	vld [tilespmem:s19+$0x2130];
	[tilespmem:s19+$0x4170] =	vst v4  }
0xab: {  	v3 =	vmax.f32 v3, $0.0e+00;
	v4 =	vadd.f32 v6, v7;
	v7 =	vld [tilespmem:s19+$0x140]  }
0xac: {  	[tilespmem:s19+$0x4100] =	vst v3;
	v11 =	vld [tilespmem:s19+$0x2140]  }
.Ltmp1:
0xad: {  	v3 =	vmax.f32 v4, $0.0e+00;
	v4 =	vadd.f32 v9, v2;
	v2 =	vld [tilespmem:s19+$0x150];
	(pc) =	sbr.rel @p0 .LBB2_5-.Ltmp1, $4  }
0xae: {  	[tilespmem:s19+$0x4110] =	vst v3;
	v5 =	vld [tilespmem:s19+$0x2150]  }
0xaf: {  	v4 =	vmax.f32 v4, $0.0e+00;
	v8 =	vadd.f32 v10, v8;
	v3 =	vld [tilespmem:s19+$0x160]  }
0xb0: {  	s20 =	sshra.s32 s22, $0x2;
	[tilespmem:s19+$0x4120] =	vst v4;
	v6 =	vld [tilespmem:s19+$0x2160]  }
0xb1: {  	s22 =	sadd.s32 $0x200, s22;
	v4 =	vld [tilespmem:s20+$0x170];
	v8 =	vmax.f32 v8, $0.0e+00;
	v7 =	vadd.f32 v11, v7  }
0xb2: {  	v9 =	vld [tilespmem:s20+$0x2170];
	[tilespmem:s19+$0x4130] =	vst v8  }
0xb3: {  	v8 =	vld [tilespmem:s20+$0x100];
	v7 =	vmax.f32 v7, $0.0e+00;
	v2 =	vadd.f32 v5, v2  }
0xb4: {  	v10 =	vld [tilespmem:s20+$0x2100];
	[tilespmem:s19+$0x4140] =	vst v7  }
0xb5: {  	v53 =	vld [tilespmem:s20+$0x110];
	v2 =	vmax.f32 v2, $0.0e+00;
	v3 =	vadd.f32 v6, v3  }
0xb6: {  	v7 =	vld [tilespmem:s20+$0x2110];
	[tilespmem:s19+$0x4150] =	vst v2  }
0xb7: {  	v2 =	vld [tilespmem:s20+$0x120];
	v3 =	vmax.f32 v3, $0.0e+00  }
0xb8: {  	v54 =	vld [tilespmem:s20+$0x2120];
	[tilespmem:s19+$0x4160] =	vst v3  }
0xb9: {  	v3 =	vld [tilespmem:s20+$0x130]  }
0xba: {  	v55 =	vld [tilespmem:s20+$0x2130]  }
0xbb: {  	v57 =	vld [tilespmem:s20+$0x140]  }
0xbc: {  	v58 =	vld [tilespmem:s20+$0x2140]  }
0xbd: {  	v59 =	vld [tilespmem:s20+$0x150];
	v2 =	vadd.f32 v54, v2  }
0xbe: {  	v60 =	vld [tilespmem:s20+$0x2150]  }
0xbf: {  	v4 =	vadd.f32 v9, v4;
	v61 =	vld [tilespmem:s20+$0x160];
	v2 =	vmax.f32 v2, $0.0e+00  }
0xc0: {  	v8 =	vadd.f32 v10, v8;
	[tilespmem:s20+$0x4120] =	vst v2;
	v2 =	vld [tilespmem:s20+$0x2160]  }
0xc1: {  	v4 =	vmax.f32 v4, $0.0e+00;
	v5 =	vadd.f32 v7, v53  }
0xc2: {  	[tilespmem:s20+$0x4170] =	vst v4;
	v56 =	vmax.f32 v8, $0.0e+00;
	v3 =	vadd.f32 v55, v3  }
0xc3: {  	[tilespmem:s20+$0x4100] =	vst v56;
	v5 =	vmax.f32 v5, $0.0e+00;
	v4 =	vadd.f32 v58, v57  }
0xc4: {  	[tilespmem:s20+$0x4110] =	vst v5;
	v5 =	vadd.f32 v60, v59;
	v3 =	vmax.f32 v3, $0.0e+00  }
0xc5: {  	[tilespmem:s20+$0x4130] =	vst v3;
	v3 =	vmax.f32 v4, $0.0e+00;
	v2 =	vadd.f32 v2, v61  }
0xc6: {  	[tilespmem:s20+$0x4140] =	vst v3;
	v3 =	vmax.f32 v5, $0.0e+00  }
0xc7: {  	[tilespmem:s20+$0x4150] =	vst v3;
	v2 =	vmax.f32 v2, $0.0e+00  }
0xc8: {  	[tilespmem:s20+$0x4160] =	vst v2  }
0xc9: {  	v2 =	vld [tilespmem:$0x80]  }
0xca: {  	v3 =	vld [tilespmem:$0x90]  }
0xcb: {  	v62 =	vld [tilespmem:$0xA0]  }
0xcc: {  	v63 =	vld [tilespmem:$0xB0];
	_ =	sdelay $0x1  }
0xcd: {  	v2 =	vadd.s32 v0, v2  }
0xce: {  	v3 =	vadd.s32 v0, v3;
	vm0 =	vlt.u32 v2, $0x1388  }
0xcf: {  	v4 =	vadd.s32 v0, v62;
	vm13 =	vlt.u32 v3, $0x1388;
	v2 =	vnsel vm0, $0x13FF, v2  }
0xd0: {  	vm14 =	vlt.u32 v4, $0x1388;
	[tilespmem:$0x80] =	vst v2;
	v2 =	vnsel vm13, $0x13FF, v3;
	v3 =	vadd.s32 v0, v63  }
0xd1: {  	s18 =	sadd.s32 $0x1, s18;
	[tilespmem:$0x90] =	vst v2;
	v2 =	vnsel vm14, $0x13FF, v4;
	vm15 =	vlt.u32 v3, $0x1388  }
0xd2: {  	p0 =	sne.s32 s18, s21;
	[tilespmem:$0xA0] =	vst v2;
	v2 =	vnsel vm15, $0x13FF, v3  }
.Ltmp2:
0xd3: {  	[tilespmem:$0xB0] =	vst v2;
	(pc) =	sbr.rel @p0 .LBB2_4-.Ltmp2, $4  }
0xd4: {  	[spmem:s3] =	stream.indirect.scatter.add.f32 [tilespmem:s15], [sflag:$0x2], $0x80, s10, s11, $0xb8;
	[tilespmem:$0x10900] =	vst v63  }
0xd5: {  	_ =	swait.ge [sflag:s9], $0x2000  }
0xd6: {  	[sflag:s9] =	ssyncset.done $0x0  }
0xd7: {  	[sflag:s9] =	ssyncadd.s32 $0xFFFFE000  }
0xd8: {  	[bflag:$0x0] =	sbarrier.arrive $0xFFFF  }
0xd9: {  	[tilespmem:s2], [sflag:$0x2] =	stream.linear.gather [spmem:s8], $0x800, $0x38;
	[tilespmem:$0x10900] =	vst v63  }
0xda: {  	_ =	swait.ge [sflag:s9], $0x800  }
0xdb: {  	[sflag:s9] =	ssyncset.done $0x0  }
0xdc: {  	s17 =	sadd.s32 $0x0, s24;
	[sflag:s9] =	ssyncadd.s32 $0xFFFFF800  }
0xdd: {  	[hbm4b:s17+s4] =	stream.linear.scatter [tilespmem:s2], [sflag:$0x2], $0x800, $0x38;
	[tilespmem:$0x10900] =	vst v63  }
0xde: {  	_ =	swait.ge [sflag:s9], $0x800  }
0xdf: {  	s18 =	smov.u32 s8;
	s17 =	simm.s32 $0x100;
	[sflag:s9] =	ssyncset.done $0x0  }
.LBB2_8:
0xe0: {  	p0 =	sne.s32 s17, $0x1300;
	[sflag:s9] =	ssyncadd.s32 $0xFFFFF800;
	s18 =	sadd.s32 $0x800, s18  }
0xe1: {  	[tilespmem:s2], [sflag:$0x2] =	stream.linear.gather [spmem:s18], $0x800, $0x38;
	[tilespmem:$0x10900] =	vst v63  }
0xe2: {  	s19 =	smov.u32 s17;
	s17 =	sadd.s32 $0x100, s17;
	_ =	swait.ge [sflag:s9], $0x800  }
.Ltmp3:
0xe3: {  	[sflag:s9] =	ssyncset.done $0x0;
	(pc) =	sbr.rel @p0 .LBB2_8-.Ltmp3, $4  }
0xe4: {  	s19 =	sadd.s32 s19, s24;
	[sflag:s9] =	ssyncadd.s32 $0xFFFFF800  }
0xe5: {  	[hbm4b:s19+s4] =	stream.linear.scatter [tilespmem:s2], [sflag:$0x2], $0x800, $0x38;
	[tilespmem:$0x10900] =	vst v63  }
0xe6: {  	_ =	swait.ge [sflag:s9], $0x800  }
0xe7: {  	[sflag:s9] =	ssyncset.done $0x0  }
0xe8: {  	s16 =	sadd.s32 $0x1, s16  }
0xe9: {  	p0 =	sne.s32 s16, s23  }
.Ltmp4:
0xea: {  	_ = 	snop;
	(pc) =	sbr.rel @p0 .LBB2_1-.Ltmp4, $2  }
0xeb: {  	_ =	sdelay $0x2  }
0xec: {  	[sflag:s9] =	ssyncadd.s32 $0xFFFFF800  }
0xed: {  	_ =	sfence.sel $0x180000  }
0xee: {  	[bflag:$0x0] =	sbarrier.arrive $0xFFFF  }
0xef: {  	_ =	strace $0x90000047  }
0xf0: {  	s0 =	stileid.u32;
	[bflag:$0x2] =	sbarrier.arrive $0xFFFF  }
0xf1: {  	p0 =	sne.s32 s0, $0x0;
	s0 =	rddreg [dreg:$0x3]  }
0xf2: {  	s0 =	sadd.s32 @!p0 $0x100000, s0  }
0xf3: {  	[sflag:s0] =	ssyncadd.tile.s32 @!p0 $0x1;
	_ =	shalt  }
.Lfunc_end2:
_tile_overlayer_lowered:
.L_overlay_start_2:
0xf4: {  	(tag) =	ssettag $0x2  }
0xf5: {  	s0 =	rddreg [dreg:$0x0];
	s2 =	stileid.u32  }
0xf6: {  	s1 =	rddreg [dreg:$0x1];
	p0 =	sne.s32 s2, $0x0  }
0xf7: {  	s3 =	rddreg [dreg:$0x2];
	[bflag:$0x3] =	sbarrier.arrive $0xFFFF;
	s2 =	simm.s32 @!p0 $0x1C02  }
0xf8: {  	[timem:s3], [sflag:s2] =	dma.local @!p0 [hbm:s0], s1  }
0xf9: {  	s0 =	simm.s32 @!p0 $0x2  }
0xfa: {  	_ =	swait.ge @!p0 [sflag:s0], s1  }
0xfb: {  	s1 =	ssub.s32 @!p0 $0x0, s1;
	[sflag:s0] =	ssyncset.done @!p0 $0x0  }
0xfc: {  	[sflag:s0] =	ssyncadd.s32 @!p0 s1  }
0xfd: {  	[bflag:$0x3] =	sbarrier.arrive $0xFFFF  }
0xfe: {  	_ =	shalt  }

// kernel: kernel.16.cloned.1.call-start
scs
__scs_entry_jumppad:
0x0: {  	(pc) =	sbr.rel $0x88, $3  }
0x1: {  	(tag) =	ssettag $0x0;
	lr =	simm.s32 $0x1  }
0x2: {  	[smem:$0x3F8A] =	sst lr;
	_ =	strace $0xD0000000  }
0x3: {  	_ = 	snop  }
0x4: {  	_ = 	snop  }
0x5: {  	_ = 	snop  }
0x6: {  	_ = 	snop  }
0x7: {  	_ = 	snop  }
__scs_overlays_trampoline_lowered:
0x8: {  	[smem:$0x3F99] =	sst s0  }
0x9: {  	[smem:$0x3F9A] =	sst s1  }
0xa: {  	[smem:$0x3F9B] =	sst s2  }
0xb: {  	[smem:$0x3F9C] =	sst s3  }
0xc: {  	[smem:$0x3F9D] =	sst s4  }
0xd: {  	[smem:$0x3F9E] =	sst s5  }
0xe: {  	[smem:$0x3F9F] =	sst s6  }
0xf: {  	[smem:$0x3FA0] =	sst s7  }
0x10: {  	[smem:$0x3FA1] =	sst s8  }
0x11: {  	[smem:$0x3FA2] =	sst s9;
	s0 =	simm.s32 @!p0 $0x0  }
0x12: {  	s1 =	sld [smem:$0x3F88];
	s0 =	simm.s32 @p0 $0x1  }
0x13: {  	[smem:$0x3FA3] =	sst s0;
	s0 =	simm.s32 @!p1 $0x0  }
0x14: {  	s2 =	sld [smem:$0x3F87];
	s0 =	simm.s32 @p1 $0x1  }
0x15: {  	[smem:$0x3FA4] =	sst s0;
	s0 =	simm.s32 @!p2 $0x0  }
0x16: {  	s3 =	sld [smem:$0x3FDB];
	s0 =	simm.s32 @p2 $0x1  }
0x17: {  	s4 =	simm.s32 $0x1BF5;
	[smem:$0x3FA6] =	sst s0  }
0x18: {  	s0 =	sld [smem:$0x3F89];
	_ =	swait.ge [sflag:s4], $0x0  }
0x19: {  	s7 =	sld [smem:$0x3F8A]  }
0x1a: {  	s8 =	sadd.s32 $0xFFFFE003, lr  }
0x1b: {  	s9 =	sadd.s32 $0xFFFFFEF7, lr;
	s5 =	simm.s32 $0xFFFFFFFF;
	p2 =	slt.u32 s8, $0xFFFFF086  }
0x1c: {  	p1 =	slt.u32 s9, $0xF7A;
	s5 =	simm.s32 @!p2 $0x0  }
0x1d: {  	s5 =	simm.s32 @p1 $0x1;
	p0 =	seq.s32 s7, s2  }
0x1e: {  	s7 =	smul.u32 @!p0 $0xF7A, s2;
	p2 =	seq.s32 @!p0 s5, $0x0  }
0x1f: {  	s9 =	smul.u32 $0xF7A, s1;
	s8 =	simm.s32 @!p0 $0x1BF5;
	p2 =	por !p2, p0  }
0x20: {  	[sflag:s8] =	ssyncset.s32 @!p0 $0xFFFFF086;
	s6 =	sadd.s32 @!p0 s3, s7;
	s7 =	simm.s32 @!p0 $0x108  }
0x21: {  	s3 =	sadd.s32 s3, s9;
	s6 =	sadd.s32 @!p0 $0x88, s6;
	s7 =	simm.s32 @p2 $0x1082  }
0x22: {  	[simem:s7], [sflag:s8] =	dma.local @!p0 [hbm:s6], $0xF7A  }
0x23: {  	s9 =	sor.u32 $0xD0000000, s2;
	s6 =	simm.s32 $0x108;
	_ =	swait.ge @!p0 [sflag:s8], $0x0  }
0x24: {  	s3 =	sadd.s32 $0x88, s3;
	s6 =	simm.s32 @!p1 $0x1082;
	[sflag:s4] =	ssyncset.s32 $0xFFFFF086  }
0x25: {  	[simem:s6], [sflag:s4] =	dma.local [hbm:s3], $0xF7A  }
0x26: {  	[smem:$0x3F8A] =	sst s1;
	(tag) =	ssettag s2;
	_ =	strace s9  }
0x27: {  	s1 =	sld [smem:$0x3F9A]  }
0x28: {  	s2 =	sld [smem:$0x3F9B]  }
0x29: {  	s4 =	sld [smem:$0x3F9D]  }
0x2a: {  	p0 =	seq.s32 s5, $0x0;
	s5 =	sld [smem:$0x3F9E]  }
0x2b: {  	s6 =	sld [smem:$0x3F9F]  }
0x2c: {  	s7 =	sld [smem:$0x3FA0]  }
0x2d: {  	s3 =	simm.s32 $0x108;
	s8 =	sld [smem:$0x3FA1]  }
0x2e: {  	s3 =	simm.s32 @!p0 $0x1082;
	s9 =	sld [smem:$0x3FA2]  }
0x2f: {  	lr =	sadd.s32 s0, s3;
	s0 =	sld [smem:$0x3F99]  }
0x30: {  	s3 =	sld [smem:$0x3F9C]  }
0x31: {  	[smem:$0x3FA5] =	sst s10  }
0x32: {  	s10 =	sld [smem:$0x3FA3];
	_ =	sdelay $0x3  }
0x33: {  	p0 =	seq.s32 s10, $0x1;
	s10 =	sld [smem:$0x3FA5];
	_ =	sdelay $0x3  }
0x34: {  	[smem:$0x3FA5] =	sst s10  }
0x35: {  	s10 =	sld [smem:$0x3FA4];
	_ =	sdelay $0x3  }
0x36: {  	p1 =	seq.s32 s10, $0x1;
	s10 =	sld [smem:$0x3FA5];
	_ =	sdelay $0x3  }
0x37: {  	[smem:$0x3FA5] =	sst s10  }
0x38: {  	s10 =	sld [smem:$0x3FA6]  }
0x39: {  	_ = 	snop;
	(pc) =	sbr.ind lr, $3  }
0x3a: {  	_ = 	snop  }
0x3b: {  	_ = 	snop  }
0x3c: {  	p2 =	seq.s32 s10, $0x1;
	s10 =	sld [smem:$0x3FA5]  }
0x3d: {  	_ =	shalt  }
0x3e: {  	_ =	shalt  }
0x3f: {  	_ =	shalt  }
0x40: {  	_ =	shalt  }
0x41: {  	_ =	shalt  }
0x42: {  	_ =	shalt  }
0x43: {  	_ =	shalt  }
0x44: {  	_ =	shalt  }
0x45: {  	_ =	shalt  }
0x46: {  	_ =	shalt  }
0x47: {  	_ =	shalt  }
0x48: {  	_ =	shalt  }
0x49: {  	_ =	shalt  }
0x4a: {  	_ =	shalt  }
0x4b: {  	_ =	shalt  }
0x4c: {  	_ =	shalt  }
0x4d: {  	_ =	shalt  }
0x4e: {  	_ =	shalt  }
0x4f: {  	_ =	shalt  }
0x50: {  	_ =	shalt  }
0x51: {  	_ =	shalt  }
0x52: {  	_ =	shalt  }
0x53: {  	_ =	shalt  }
0x54: {  	_ =	shalt  }
0x55: {  	_ =	shalt  }
0x56: {  	_ =	shalt  }
0x57: {  	_ =	shalt  }
0x58: {  	_ =	shalt  }
0x59: {  	_ =	shalt  }
0x5a: {  	_ =	shalt  }
0x5b: {  	_ =	shalt  }
0x5c: {  	_ =	shalt  }
0x5d: {  	_ =	shalt  }
0x5e: {  	_ =	shalt  }
0x5f: {  	_ =	shalt  }
0x60: {  	_ =	shalt  }
0x61: {  	_ =	shalt  }
0x62: {  	_ =	shalt  }
0x63: {  	_ =	shalt  }
0x64: {  	_ =	shalt  }
0x65: {  	_ =	shalt  }
0x66: {  	_ =	shalt  }
0x67: {  	_ =	shalt  }
0x68: {  	_ =	shalt  }
0x69: {  	_ =	shalt  }
0x6a: {  	_ =	shalt  }
0x6b: {  	_ =	shalt  }
0x6c: {  	_ =	shalt  }
0x6d: {  	_ =	shalt  }
0x6e: {  	_ =	shalt  }
0x6f: {  	_ =	shalt  }
0x70: {  	_ =	shalt  }
0x71: {  	_ =	shalt  }
0x72: {  	_ =	shalt  }
0x73: {  	_ =	shalt  }
0x74: {  	_ =	shalt  }
0x75: {  	_ =	shalt  }
0x76: {  	_ =	shalt  }
0x77: {  	_ =	shalt  }
0x78: {  	_ =	shalt  }
0x79: {  	_ =	shalt  }
0x7a: {  	_ =	shalt  }
0x7b: {  	_ =	shalt  }
0x7c: {  	_ =	shalt  }
0x7d: {  	_ =	shalt  }
0x7e: {  	_ =	shalt  }
0x7f: {  	_ =	shalt  }
0x80: {  	_ =	shalt  }
0x81: {  	_ =	shalt  }
0x82: {  	_ =	shalt  }
0x83: {  	_ =	shalt  }
0x84: {  	_ =	shalt  }
0x85: {  	_ =	shalt  }
0x86: {  	_ =	shalt  }
0x87: {  	_ =	shalt  }
.Lfunc_end0:
.L_simem_size_0:
called_computation.1_lowered:
.L_overlay_start_0:
0x88: {  	s2 =	sld [smem:$0x3FD9]  }
0x89: {  	s3 =	sld [smem:$0x3FFE];
	_ =	sdelay $0x1  }
0x8a: {  	s1 =	srdreg.scid  }
0x8b: {  	s0 =	sand.u32 $0x1, s1  }
0x8c: {  	s17 =	sshll.u32 s0, $0xA;
	s2 =	sadd.s32 s3, s2  }
0x8d: {  	s2 =	sadd.s32 s2, s17  }
0x8e: {  	[smem:$0x3FB1] =	sst s2  }
0x8f: {  	_ = 	snop  }
0x90: {  	s2 =	sld [smem:$0x3FD0];
	(tm) =	ssettm $0x1  }
0x91: {  	s18 =	sld [smem:$0x3FFB];
	_ =	sdelay $0x3  }
0x92: {  	_ =	strace s18  }
0x93: {  	s3 =	sld [smem:$0x3FFC];
	_ =	sdelay $0x3  }
0x94: {  	_ =	strace s3  }
0x95: {  	s3 =	sld [smem:$0x3FFD];
	_ =	sdelay $0x3  }
0x96: {  	_ =	strace s3  }
0x97: {  	_ =	strace $0x8FFFFFFF  }
0x98: {  	s19 =	sld [smem:$0x3FDB];
	_ =	sdelay $0x1  }
0x99: {  	s4 =	simm.s32 $_scs_section_size  }
0x9a: {  	s5 =	simm.s32 $_size__tile_overlayer_lowered;
	s6 =	simm.s32 $_tile_overlayer_lowered  }
0x9b: {  	s22 =	simm.s32 $0x1BFF;
	s21 =	sshll.u32 s6, $0x1;
	s3 =	sadd.s32 s4, s19  }
0x9c: {  	s7 =	simm.s32 $0x0;
	s20 =	sshll.u32 s5, $0x1;
	s5 =	sadd.s32 s21, s3  }
0x9d: {  	[timem:s7], [sflag:s22] =	dma.local [hbm:s5], s20  }
0x9e: {  	_ =	swait.ge [sflag:s22], s20  }
0x9f: {  	s4 =	ssub.s32 $0x0, s20;
	[sflag:s22] =	ssyncset.done $0x0  }
0xa0: {  	[sflag:s22] =	ssyncadd.s32 s4;
	_ =	sdelay $0x1  }
0xa1: {  	s23 =	simm.s32 $0x1B8B  }
0xa2: {  	_ =	swait.ge [sflag:s23], $0x1  }
0xa3: {  	[sflag:s23] =	ssyncset.done $0x0  }
0xa4: {  	s25 =	simm.s32 $0x1B8E;
	s24 =	sld [smem:$0x3FFE];
	[sflag:s23] =	ssyncadd.s32 $0xFFFFFFFF  }
0xa5: {  	s26 =	simm.s32 $execute0_lowered;
	[smem:$0x3FD2] =	sst s25  }
0xa6: {  	s5 =	sshll.u32 s26, $0x1;
	_ =	strace $0x80000049;
	[dreg:$0x1] =	wrdreg $0xFFFFFFFF  }
0xa7: {  	s28 =	simm.s32 $_size_execute0_lowered;
	s3 =	sadd.s32 s3, s5;
	[dreg:$0x0] =	wrdreg $0x0  }
0xa8: {  	s5 =	sshll.u32 s28, $0x1;
	[dreg:$0x2] =	wrdreg s3  }
0xa9: {  	[dreg:$0x3] =	wrdreg s5  }
0xaa: {  	[dreg:$0x4] =	wrdreg $0xC0  }
0xab: {  	_ =	task [dreg:s7], $0x5FFFF  }
0xac: {  	[dreg:$0x1] =	wrdreg $0xFFFFFFFF  }
0xad: {  	[dreg:$0x0] =	wrdreg $0x60  }
0xae: {  	[dreg:$0x2] =	wrdreg s24  }
0xaf: {  	[dreg:$0x3] =	wrdreg s2  }
0xb0: {  	[dreg:$0x4] =	wrdreg $0x9  }
0xb1: {  	_ =	task.clear_ibuf [dreg:s7], $0x5FFFF;
	_ =	strace $0x90000049  }
0xb2: {  	s29 =	simm.s32 $0x9;
	_ =	strace $0x8000004B  }
0xb3: {  	_ =	swait.ge [sflag:s29], $0x1  }
0xb4: {  	[sflag:s29] =	ssyncadd.s32 $0xFFFFFFFF  }
0xb5: {  	_ =	strace $0x9000004B  }
0xb6: {  	_ =	sfence  }
0xb7: {  	s30 =	sld [smem:$0x0];
	_ =	sdelay $0x2  }
0xb8: {  	s31 =	sshll.u32 s1, $0xD;
	s1 =	sshrl.u32 s1, $0x2  }
0xb9: {  	s3 =	sand.u32 $0x4000, s31;
	s1 =	sadd.s32 s1, s30  }
0xba: {  	s0 =	sor.u32 s3, s0;
	s1 =	sshll.u32 s1, $0x11  }
0xbb: {  	s0 =	sor.u32 s1, s0  }
0xbc: {  	s0 =	sadd.s32 $0x8F2B, s0  }
0xbd: {  	[sflag:s0] =	ssyncadd.remote.s32 $0x1  }
0xbe: {  	_ =	sfence.sel $0xFFFF  }
0xbf: {  	[dreg:$0x0] =	wrdreg $0xFFFFFFFF;
	(pc) =	sbr.abs _section_cstart, $3  }
0xc0: {  	[dreg:$0x1] =	wrdreg $0xFFFFFFFF  }
0xc1: {  	_ =	task.clear_ibuf [dreg:s7], $0x2FFFF;
	_ =	strace $0x9FFFFFFF  }
0xc2: {  	(tm) =	ssettm $0x7FFFFFFF  }
0xc3: {  	_ =	shalt  }
tec
execute0_lowered:
.L_overlay_start_1:
0x0: {  	(tag) =	ssettag $0x1  }
0x1: {  	s4 =	rddreg [dreg:$0x0]  }
0x2: {  	s1 =	rddreg [dreg:$0x1]  }
0x3: {  	s0 =	rddreg [dreg:$0x2]  }
0x4: {  	s2 =	simm.s32 $0x0;
	s5 =	srdreg.scid;
	s12 =	simm.s32 $0x80  }
0x5: {  	s13 =	simm.s32 $0x100;
	s14 =	simm.s32 $0x4100;
	s15 =	simm.s32 $0x1  }
0x6: {  	s16 =	simm.s32 $0x8100;
	s17 =	simm.s32 $0x0;
	[smem:$0x7FF] =	sst s2  }
0x7: {  	s3 =	sadd.s32 $0x13800, s4;
	s9 =	sand.u32 $0x1, s5;
	s5 =	sadd.s32 $0x3F600, s4  }
0x8: {  	s6 =	sadd.s32 $0x9A00, s4;
	s7 =	sadd.s32 $0x9FEA00, s4;
	s4 =	stileid.u32  }
0x9: {  	_ =	strace $0x8000004A;
	s8 =	ssub.s32 $0x2, s9;
	p0 =	slt.u32 s4, $0x2  }
0xa: {  	s11 =	sshll.u32 s4, $0x8;
	s9 =	sshll.u32 s9, $0x7;
	s10 =	sshrl.u32 s8, $0x1  }
0xb: {  	s9 =	sor.u32 s9, s11;
	s10 =	ssub.s32 s8, s10;
	s8 =	simm.s32 $0x4F  }
0xc: {  	s11 =	simm.s32 $0x2;
	s8 =	simm.s32 @!p0 $0x4E;
	s10 =	smax.u32 s10, $0x1  }
.LBB2_1:
0xd: {  	s18 =	simm.s32 $0x0  }
.LBB2_2:
0xe: {  	s19 =	sshll.u32 s18, $0xC  }
0xf: {  	s19 =	sor.u32 s9, s19  }
0x10: {  	s20 =	sshrl.u32 s19, $0x3  }
0x11: {  	s22 =	simm.s32 $0x0;
	s21 =	sadd.s32 s6, s20  }
0x12: {  	[tilespmem:s22], [sflag:$0x2] =	stream.linear.gather [hbm4b:s21+s22], $0x80, $0x38;
	[tilespmem:$0xC100] =	vst v63  }
0x13: {  	_ =	swait.ge [sflag:s11], $0x80  }
0x14: {  	[sflag:s11] =	ssyncset.done $0x0  }
0x15: {  	s20 =	sadd.s32 s1, s20;
	[sflag:s11] =	ssyncadd.s32 $0xFFFFFF80  }
0x16: {  	[tilespmem:s12], [sflag:$0x2] =	stream.linear.gather [hbm4b:s20+s22], $0x80, $0x38;
	[tilespmem:$0xC100] =	vst v63  }
0x17: {  	_ =	swait.ge [sflag:s11], $0x80  }
0x18: {  	[sflag:s11] =	ssyncset.done $0x0  }
0x19: {  	[sflag:s11] =	ssyncadd.s32 $0xFFFFFF80  }
0x1a: {  	[tilespmem:s13], [sflag:$0x1] =	stream.indirect.gather [hbm4b:s3+s12], $0x80, s22, s12, $0xb8;
	[tilespmem:$0xC100] =	vst v63  }
0x1b: {  	_ = 	snop  }
0x1c: {  	[tilespmem:s14], [sflag:$0x1] =	stream.indirect.gather [hbm4b:s5+s12], $0x80, s12, s12, $0xb8;
	[tilespmem:$0xC100] =	vst v63  }
0x1d: {  	_ =	swait.ge [sflag:s15], $0x4000  }
0x1e: {  	[sflag:s15] =	ssyncset.done $0x0  }
0x1f: {  	[sflag:s15] =	ssyncadd.s32 $0xFFFFC000  }
0x20: {  	_ =	swait.ge [sflag:s15], $0x4000  }
0x21: {  	[sflag:s15] =	ssyncset.done $0x0  }
0x22: {  	s20 =	simm.s32 $0x0;
	[sflag:s15] =	ssyncadd.s32 $0xFFFFC000  }
0x23: {  	v0 =	vld [tilespmem:s20+$0x170]  }
0x24: {  	v1 =	vld [tilespmem:s20+$0x4170]  }
0x25: {  	v2 =	vld [tilespmem:s20+$0x100]  }
0x26: {  	v3 =	vld [tilespmem:s20+$0x4100]  }
0x27: {  	v4 =	vld [tilespmem:s20+$0x110]  }
0x28: {  	v5 =	vld [tilespmem:s20+$0x4110]  }
0x29: {  	v6 =	vld [tilespmem:s20+$0x120]  }
0x2a: {  	v7 =	vld [tilespmem:s20+$0x130]  }
0x2b: {  	v0 =	vadd.f32 v1, v0;
	v1 =	vld [tilespmem:s20+$0x4120]  }
0x2c: {  	v8 =	vld [tilespmem:s20+$0x4130]  }
0x2d: {  	v9 =	vld [tilespmem:s20+$0x4140];
	v2 =	vadd.f32 v3, v2  }
0x2e: {  	[tilespmem:s20+$0x8170] =	vst v0;
	v0 =	vadd.f32 v5, v4;
	v5 =	vld [tilespmem:s20+$0x140]  }
0x2f: {  	v3 =	vld [tilespmem:s20+$0x4150];
	[tilespmem:s20+$0x8100] =	vst v2  }
0x30: {  	v2 =	vld [tilespmem:s20+$0x150];
	[tilespmem:s20+$0x8110] =	vst v0;
	v0 =	vadd.f32 v1, v6  }
0x31: {  	v4 =	vld [tilespmem:s20+$0x4160];
	v6 =	vadd.f32 v8, v7  }
0x32: {  	s21 =	simm.s32 $0x80;
	[tilespmem:s20+$0x8120] =	vst v0;
	v0 =	vld [tilespmem:s20+$0x160]  }
0x33: {  	s22 =	simm.s32 $0x400;
	v5 =	vadd.f32 v9, v5;
	v1 =	vld [tilespmem:s21+$0x170];
	[tilespmem:s20+$0x8130] =	vst v6  }
.LBB2_3:
0x34: {  	p0 =	sne.s32 s22, $0xFE00;
	v6 =	vld [tilespmem:s21+$0x4170]  }
0x35: {  	v7 =	vld [tilespmem:s21+$0x100];
	[tilespmem:s20+$0x8140] =	vst v5;
	v2 =	vadd.f32 v3, v2  }
0x36: {  	v3 =	vld [tilespmem:s21+$0x4100]  }
0x37: {  	v5 =	vld [tilespmem:s21+$0x110];
	[tilespmem:s20+$0x8150] =	vst v2;
	v0 =	vadd.f32 v4, v0  }
0x38: {  	v2 =	vld [tilespmem:s21+$0x4110]  }
0x39: {  	v4 =	vld [tilespmem:s21+$0x120];
	v1 =	vadd.f32 v6, v1;
	[tilespmem:s20+$0x8160] =	vst v0;
	s20 =	smov.u32 s21  }
0x3a: {  	v0 =	vld [tilespmem:s20+$0x4120]  }
0x3b: {  	v3 =	vadd.f32 v3, v7;
	v6 =	vld [tilespmem:s20+$0x130];
	[tilespmem:s20+$0x8170] =	vst v1  }
0x3c: {  	v1 =	vld [tilespmem:s20+$0x4130]  }
0x3d: {  	[tilespmem:s20+$0x8100] =	vst v3;
	v2 =	vadd.f32 v2, v5;
	v5 =	vld [tilespmem:s20+$0x140]  }
0x3e: {  	v7 =	vld [tilespmem:s20+$0x4140]  }
.Ltmp0:
0x3f: {  	[tilespmem:s20+$0x8110] =	vst v2;
	v0 =	vadd.f32 v0, v4;
	v2 =	vld [tilespmem:s20+$0x150];
	(pc) =	sbr.rel @p0 .LBB2_3-.Ltmp0, $4  }
0x40: {  	v3 =	vld [tilespmem:s20+$0x4150]  }
0x41: {  	[tilespmem:s20+$0x8120] =	vst v0;
	v6 =	vadd.f32 v1, v6;
	v0 =	vld [tilespmem:s20+$0x160]  }
0x42: {  	s21 =	sshra.s32 s22, $0x2;
	v4 =	vld [tilespmem:s20+$0x4160]  }
0x43: {  	s22 =	sadd.s32 $0x200, s22;
	v1 =	vld [tilespmem:s21+$0x170];
	[tilespmem:s20+$0x8130] =	vst v6;
	v5 =	vadd.f32 v7, v5  }
0x44: {  	v6 =	vld [tilespmem:s21+$0x4170]  }
0x45: {  	v7 =	vld [tilespmem:s21+$0x100];
	[tilespmem:s20+$0x8140] =	vst v5;
	v2 =	vadd.f32 v3, v2  }
0x46: {  	v51 =	vld [tilespmem:s21+$0x4100]  }
0x47: {  	v5 =	vld [tilespmem:s21+$0x110];
	[tilespmem:s20+$0x8150] =	vst v2;
	v0 =	vadd.f32 v4, v0  }
0x48: {  	v2 =	vld [tilespmem:s21+$0x4110]  }
0x49: {  	v52 =	vld [tilespmem:s21+$0x120];
	[tilespmem:s20+$0x8160] =	vst v0  }
0x4a: {  	v54 =	vld [tilespmem:s21+$0x4120]  }
0x4b: {  	v55 =	vld [tilespmem:s21+$0x130]  }
0x4c: {  	v56 =	vld [tilespmem:s21+$0x4130]  }
0x4d: {  	v57 =	vld [tilespmem:s21+$0x140]  }
0x4e: {  	v58 =	vld [tilespmem:s21+$0x4140]  }
0x4f: {  	v59 =	vld [tilespmem:s21+$0x150]  }
0x50: {  	v53 =	vadd.f32 v6, v1;
	v60 =	vld [tilespmem:s21+$0x4150]  }
0x51: {  	v61 =	vld [tilespmem:s21+$0x160];
	v3 =	vadd.f32 v51, v7  }
0x52: {  	v62 =	vld [tilespmem:s21+$0x4160];
	[tilespmem:s21+$0x8170] =	vst v53;
	v2 =	vadd.f32 v2, v5  }
0x53: {  	[tilespmem:s21+$0x8100] =	vst v3;
	v1 =	vadd.f32 v54, v52  }
0x54: {  	[tilespmem:s21+$0x8110] =	vst v2;
	v0 =	vadd.f32 v56, v55  }
0x55: {  	v3 =	vadd.f32 v58, v57;
	[tilespmem:s21+$0x8120] =	vst v1  }
0x56: {  	v63 =	vadd.f32 v60, v59;
	[tilespmem:s21+$0x8130] =	vst v0  }
0x57: {  	s18 =	sadd.s32 $0x1, s18;
	[tilespmem:s21+$0x8140] =	vst v3;
	v1 =	vadd.f32 v62, v61  }
0x58: {  	s19 =	sshll.u32 s19, $0x4;
	p0 =	sne.s32 s18, s8;
	[tilespmem:s21+$0x8150] =	vst v63  }
.Ltmp1:
0x59: {  	s19 =	sadd.s32 s7, s19;
	[tilespmem:s21+$0x8160] =	vst v1;
	(pc) =	sbr.rel @p0 .LBB2_2-.Ltmp1, $4  }
0x5a: {  	[hbm4b:s19+s2] =	stream.linear.scatter [tilespmem:s16], [sflag:$0x2], $0x4000, $0x38;
	[tilespmem:$0xC100] =	vst v63  }
0x5b: {  	_ =	swait.ge [sflag:s11], $0x4000  }
0x5c: {  	[sflag:s11] =	ssyncset.done $0x0  }
0x5d: {  	[sflag:s11] =	ssyncadd.s32 $0xFFFFC000  }
0x5e: {  	s17 =	sadd.s32 $0x1, s17  }
0x5f: {  	p0 =	sne.s32 s17, s10  }
.Ltmp2:
0x60: {  	_ = 	snop;
	(pc) =	sbr.rel @p0 .LBB2_1-.Ltmp2, $1  }
0x61: {  	_ =	sdelay $0x3  }
0x62: {  	_ =	sfence.sel $0x180000  }
0x63: {  	[bflag:$0x0] =	sbarrier.arrive $0xFFFF  }
0x64: {  	p0 =	sne.s32 s4, $0x0;
	_ =	strace $0x9000004A  }
0x65: {  	s0 =	sadd.s32 @!p0 $0x100000, s0;
	[bflag:$0x2] =	sbarrier.arrive $0xFFFF  }
0x66: {  	[sflag:s0] =	ssyncadd.tile.s32 @!p0 $0x1;
	_ =	shalt  }
.Lfunc_end2:
_tile_overlayer_lowered:
.L_overlay_start_2:
0x67: {  	(tag) =	ssettag $0x2  }
0x68: {  	s0 =	rddreg [dreg:$0x0];
	s2 =	stileid.u32  }
0x69: {  	s1 =	rddreg [dreg:$0x1];
	p0 =	sne.s32 s2, $0x0  }
0x6a: {  	s3 =	rddreg [dreg:$0x2];
	[bflag:$0x3] =	sbarrier.arrive $0xFFFF;
	s2 =	simm.s32 @!p0 $0x1C02  }
0x6b: {  	[timem:s3], [sflag:s2] =	dma.local @!p0 [hbm:s0], s1  }
0x6c: {  	s0 =	simm.s32 @!p0 $0x2  }
0x6d: {  	_ =	swait.ge @!p0 [sflag:s0], s1  }
0x6e: {  	s1 =	ssub.s32 @!p0 $0x0, s1;
	[sflag:s0] =	ssyncset.done @!p0 $0x0  }
0x6f: {  	[sflag:s0] =	ssyncadd.s32 @!p0 s1  }
0x70: {  	[bflag:$0x3] =	sbarrier.arrive $0xFFFF  }
0x71: {  	_ =	shalt  }

// kernel: kernel.19.cloned.1.call-start
scs
__scs_entry_jumppad:
0x0: {  	(pc) =	sbr.rel $0x88, $3  }
0x1: {  	(tag) =	ssettag $0x0;
	lr =	simm.s32 $0x1  }
0x2: {  	[smem:$0x3F8A] =	sst lr;
	_ =	strace $0xD0000000  }
0x3: {  	_ = 	snop  }
0x4: {  	_ = 	snop  }
0x5: {  	_ = 	snop  }
0x6: {  	_ = 	snop  }
0x7: {  	_ = 	snop  }
__scs_overlays_trampoline_lowered:
0x8: {  	[smem:$0x3F99] =	sst s0  }
0x9: {  	[smem:$0x3F9A] =	sst s1  }
0xa: {  	[smem:$0x3F9B] =	sst s2  }
0xb: {  	[smem:$0x3F9C] =	sst s3  }
0xc: {  	[smem:$0x3F9D] =	sst s4  }
0xd: {  	[smem:$0x3F9E] =	sst s5  }
0xe: {  	[smem:$0x3F9F] =	sst s6  }
0xf: {  	[smem:$0x3FA0] =	sst s7  }
0x10: {  	[smem:$0x3FA1] =	sst s8  }
0x11: {  	[smem:$0x3FA2] =	sst s9;
	s0 =	simm.s32 @!p0 $0x0  }
0x12: {  	s1 =	sld [smem:$0x3F88];
	s0 =	simm.s32 @p0 $0x1  }
0x13: {  	[smem:$0x3FA3] =	sst s0;
	s0 =	simm.s32 @!p1 $0x0  }
0x14: {  	s2 =	sld [smem:$0x3F87];
	s0 =	simm.s32 @p1 $0x1  }
0x15: {  	[smem:$0x3FA4] =	sst s0;
	s0 =	simm.s32 @!p2 $0x0  }
0x16: {  	s3 =	sld [smem:$0x3FDB];
	s0 =	simm.s32 @p2 $0x1  }
0x17: {  	s4 =	simm.s32 $0x1BF5;
	[smem:$0x3FA6] =	sst s0  }
0x18: {  	s0 =	sld [smem:$0x3F89];
	_ =	swait.ge [sflag:s4], $0x0  }
0x19: {  	s7 =	sld [smem:$0x3F8A]  }
0x1a: {  	s8 =	sadd.s32 $0xFFFFE003, lr  }
0x1b: {  	s9 =	sadd.s32 $0xFFFFFEF7, lr;
	s5 =	simm.s32 $0xFFFFFFFF;
	p2 =	slt.u32 s8, $0xFFFFF086  }
0x1c: {  	p1 =	slt.u32 s9, $0xF7A;
	s5 =	simm.s32 @!p2 $0x0  }
0x1d: {  	s5 =	simm.s32 @p1 $0x1;
	p0 =	seq.s32 s7, s2  }
0x1e: {  	s7 =	smul.u32 @!p0 $0xF7A, s2;
	p2 =	seq.s32 @!p0 s5, $0x0  }
0x1f: {  	s9 =	smul.u32 $0xF7A, s1;
	s8 =	simm.s32 @!p0 $0x1BF5;
	p2 =	por !p2, p0  }
0x20: {  	[sflag:s8] =	ssyncset.s32 @!p0 $0xFFFFF086;
	s6 =	sadd.s32 @!p0 s3, s7;
	s7 =	simm.s32 @!p0 $0x108  }
0x21: {  	s3 =	sadd.s32 s3, s9;
	s6 =	sadd.s32 @!p0 $0x88, s6;
	s7 =	simm.s32 @p2 $0x1082  }
0x22: {  	[simem:s7], [sflag:s8] =	dma.local @!p0 [hbm:s6], $0xF7A  }
0x23: {  	s9 =	sor.u32 $0xD0000000, s2;
	s6 =	simm.s32 $0x108;
	_ =	swait.ge @!p0 [sflag:s8], $0x0  }
0x24: {  	s3 =	sadd.s32 $0x88, s3;
	s6 =	simm.s32 @!p1 $0x1082;
	[sflag:s4] =	ssyncset.s32 $0xFFFFF086  }
0x25: {  	[simem:s6], [sflag:s4] =	dma.local [hbm:s3], $0xF7A  }
0x26: {  	[smem:$0x3F8A] =	sst s1;
	(tag) =	ssettag s2;
	_ =	strace s9  }
0x27: {  	s1 =	sld [smem:$0x3F9A]  }
0x28: {  	s2 =	sld [smem:$0x3F9B]  }
0x29: {  	s4 =	sld [smem:$0x3F9D]  }
0x2a: {  	p0 =	seq.s32 s5, $0x0;
	s5 =	sld [smem:$0x3F9E]  }
0x2b: {  	s6 =	sld [smem:$0x3F9F]  }
0x2c: {  	s7 =	sld [smem:$0x3FA0]  }
0x2d: {  	s3 =	simm.s32 $0x108;
	s8 =	sld [smem:$0x3FA1]  }
0x2e: {  	s3 =	simm.s32 @!p0 $0x1082;
	s9 =	sld [smem:$0x3FA2]  }
0x2f: {  	lr =	sadd.s32 s0, s3;
	s0 =	sld [smem:$0x3F99]  }
0x30: {  	s3 =	sld [smem:$0x3F9C]  }
0x31: {  	[smem:$0x3FA5] =	sst s10  }
0x32: {  	s10 =	sld [smem:$0x3FA3];
	_ =	sdelay $0x3  }
0x33: {  	p0 =	seq.s32 s10, $0x1;
	s10 =	sld [smem:$0x3FA5];
	_ =	sdelay $0x3  }
0x34: {  	[smem:$0x3FA5] =	sst s10  }
0x35: {  	s10 =	sld [smem:$0x3FA4];
	_ =	sdelay $0x3  }
0x36: {  	p1 =	seq.s32 s10, $0x1;
	s10 =	sld [smem:$0x3FA5];
	_ =	sdelay $0x3  }
0x37: {  	[smem:$0x3FA5] =	sst s10  }
0x38: {  	s10 =	sld [smem:$0x3FA6]  }
0x39: {  	_ = 	snop;
	(pc) =	sbr.ind lr, $3  }
0x3a: {  	_ = 	snop  }
0x3b: {  	_ = 	snop  }
0x3c: {  	p2 =	seq.s32 s10, $0x1;
	s10 =	sld [smem:$0x3FA5]  }
0x3d: {  	_ =	shalt  }
0x3e: {  	_ =	shalt  }
0x3f: {  	_ =	shalt  }
0x40: {  	_ =	shalt  }
0x41: {  	_ =	shalt  }
0x42: {  	_ =	shalt  }
0x43: {  	_ =	shalt  }
0x44: {  	_ =	shalt  }
0x45: {  	_ =	shalt  }
0x46: {  	_ =	shalt  }
0x47: {  	_ =	shalt  }
0x48: {  	_ =	shalt  }
0x49: {  	_ =	shalt  }
0x4a: {  	_ =	shalt  }
0x4b: {  	_ =	shalt  }
0x4c: {  	_ =	shalt  }
0x4d: {  	_ =	shalt  }
0x4e: {  	_ =	shalt  }
0x4f: {  	_ =	shalt  }
0x50: {  	_ =	shalt  }
0x51: {  	_ =	shalt  }
0x52: {  	_ =	shalt  }
0x53: {  	_ =	shalt  }
0x54: {  	_ =	shalt  }
0x55: {  	_ =	shalt  }
0x56: {  	_ =	shalt  }
0x57: {  	_ =	shalt  }
0x58: {  	_ =	shalt  }
0x59: {  	_ =	shalt  }
0x5a: {  	_ =	shalt  }
0x5b: {  	_ =	shalt  }
0x5c: {  	_ =	shalt  }
0x5d: {  	_ =	shalt  }
0x5e: {  	_ =	shalt  }
0x5f: {  	_ =	shalt  }
0x60: {  	_ =	shalt  }
0x61: {  	_ =	shalt  }
0x62: {  	_ =	shalt  }
0x63: {  	_ =	shalt  }
0x64: {  	_ =	shalt  }
0x65: {  	_ =	shalt  }
0x66: {  	_ =	shalt  }
0x67: {  	_ =	shalt  }
0x68: {  	_ =	shalt  }
0x69: {  	_ =	shalt  }
0x6a: {  	_ =	shalt  }
0x6b: {  	_ =	shalt  }
0x6c: {  	_ =	shalt  }
0x6d: {  	_ =	shalt  }
0x6e: {  	_ =	shalt  }
0x6f: {  	_ =	shalt  }
0x70: {  	_ =	shalt  }
0x71: {  	_ =	shalt  }
0x72: {  	_ =	shalt  }
0x73: {  	_ =	shalt  }
0x74: {  	_ =	shalt  }
0x75: {  	_ =	shalt  }
0x76: {  	_ =	shalt  }
0x77: {  	_ =	shalt  }
0x78: {  	_ =	shalt  }
0x79: {  	_ =	shalt  }
0x7a: {  	_ =	shalt  }
0x7b: {  	_ =	shalt  }
0x7c: {  	_ =	shalt  }
0x7d: {  	_ =	shalt  }
0x7e: {  	_ =	shalt  }
0x7f: {  	_ =	shalt  }
0x80: {  	_ =	shalt  }
0x81: {  	_ =	shalt  }
0x82: {  	_ =	shalt  }
0x83: {  	_ =	shalt  }
0x84: {  	_ =	shalt  }
0x85: {  	_ =	shalt  }
0x86: {  	_ =	shalt  }
0x87: {  	_ =	shalt  }
.Lfunc_end0:
.L_simem_size_0:
called_computation.2_lowered:
.L_overlay_start_0:
0x88: {  	s2 =	sld [smem:$0x3FD9]  }
0x89: {  	s3 =	sld [smem:$0x3FFE];
	_ =	sdelay $0x1  }
0x8a: {  	s1 =	srdreg.scid  }
0x8b: {  	s0 =	sand.u32 $0x1, s1  }
0x8c: {  	s17 =	sshll.u32 s0, $0xA;
	s2 =	sadd.s32 s3, s2  }
0x8d: {  	s2 =	sadd.s32 s2, s17  }
0x8e: {  	[smem:$0x3FB1] =	sst s2  }
0x8f: {  	_ = 	snop  }
0x90: {  	s2 =	sld [smem:$0x3FD0];
	(tm) =	ssettm $0x1  }
0x91: {  	s18 =	sld [smem:$0x3FFB];
	_ =	sdelay $0x3  }
0x92: {  	_ =	strace s18  }
0x93: {  	s3 =	sld [smem:$0x3FFC];
	_ =	sdelay $0x3  }
0x94: {  	_ =	strace s3  }
0x95: {  	s3 =	sld [smem:$0x3FFD];
	_ =	sdelay $0x3  }
0x96: {  	_ =	strace s3  }
0x97: {  	_ =	strace $0x8FFFFFFF  }
0x98: {  	s19 =	sld [smem:$0x3FDB];
	_ =	sdelay $0x1  }
0x99: {  	s4 =	simm.s32 $_scs_section_size  }
0x9a: {  	s5 =	simm.s32 $_size__tile_overlayer_lowered;
	s6 =	simm.s32 $_tile_overlayer_lowered  }
0x9b: {  	s22 =	simm.s32 $0x1BFF;
	s21 =	sshll.u32 s6, $0x1;
	s3 =	sadd.s32 s4, s19  }
0x9c: {  	s7 =	simm.s32 $0x0;
	s20 =	sshll.u32 s5, $0x1;
	s5 =	sadd.s32 s21, s3  }
0x9d: {  	[timem:s7], [sflag:s22] =	dma.local [hbm:s5], s20  }
0x9e: {  	_ =	swait.ge [sflag:s22], s20  }
0x9f: {  	s4 =	ssub.s32 $0x0, s20;
	[sflag:s22] =	ssyncset.done $0x0  }
0xa0: {  	[sflag:s22] =	ssyncadd.s32 s4;
	_ =	sdelay $0x1  }
0xa1: {  	s23 =	simm.s32 $0x1B8B  }
0xa2: {  	_ =	swait.ge [sflag:s23], $0x1  }
0xa3: {  	[sflag:s23] =	ssyncset.done $0x0  }
0xa4: {  	s25 =	simm.s32 $0x1B8E;
	s24 =	sld [smem:$0x3FFE];
	[sflag:s23] =	ssyncadd.s32 $0xFFFFFFFF  }
0xa5: {  	s26 =	simm.s32 $execute0_lowered;
	[smem:$0x3FD2] =	sst s25  }
0xa6: {  	s5 =	sshll.u32 s26, $0x1;
	_ =	strace $0x8000004C;
	[dreg:$0x1] =	wrdreg $0xFFFFFFFF  }
0xa7: {  	s28 =	simm.s32 $_size_execute0_lowered;
	s3 =	sadd.s32 s3, s5;
	[dreg:$0x0] =	wrdreg $0x0  }
0xa8: {  	s5 =	sshll.u32 s28, $0x1;
	[dreg:$0x2] =	wrdreg s3  }
0xa9: {  	[dreg:$0x3] =	wrdreg s5  }
0xaa: {  	[dreg:$0x4] =	wrdreg $0xC0  }
0xab: {  	_ =	task [dreg:s7], $0x5FFFF  }
0xac: {  	[dreg:$0x1] =	wrdreg $0xFFFFFFFF  }
0xad: {  	[dreg:$0x0] =	wrdreg $0x60  }
0xae: {  	[dreg:$0x2] =	wrdreg s24  }
0xaf: {  	[dreg:$0x3] =	wrdreg s2  }
0xb0: {  	[dreg:$0x4] =	wrdreg $0x69000  }
0xb1: {  	[dreg:$0x5] =	wrdreg $0x9  }
0xb2: {  	_ =	task.clear_ibuf [dreg:s7], $0x6FFFF;
	_ =	strace $0x9000004C  }
0xb3: {  	s29 =	simm.s32 $0x9;
	_ =	strace $0x8000004E  }
0xb4: {  	_ =	swait.ge [sflag:s29], $0x1  }
0xb5: {  	[sflag:s29] =	ssyncadd.s32 $0xFFFFFFFF  }
0xb6: {  	_ =	strace $0x9000004E  }
0xb7: {  	_ =	sfence  }
0xb8: {  	s30 =	sld [smem:$0x0];
	_ =	sdelay $0x2  }
0xb9: {  	s31 =	sshll.u32 s1, $0xD;
	s1 =	sshrl.u32 s1, $0x2  }
0xba: {  	s3 =	sand.u32 $0x4000, s31;
	s1 =	sadd.s32 s1, s30  }
0xbb: {  	s0 =	sor.u32 s3, s0;
	s1 =	sshll.u32 s1, $0x11  }
0xbc: {  	s0 =	sor.u32 s1, s0  }
0xbd: {  	s0 =	sadd.s32 $0x8F2B, s0  }
0xbe: {  	[sflag:s0] =	ssyncadd.remote.s32 $0x1  }
0xbf: {  	_ =	sfence.sel $0xFFFF  }
0xc0: {  	[dreg:$0x0] =	wrdreg $0xFFFFFFFF;
	(pc) =	sbr.abs _section_cstart, $3  }
0xc1: {  	[dreg:$0x1] =	wrdreg $0xFFFFFFFF  }
0xc2: {  	_ =	task.clear_ibuf [dreg:s7], $0x2FFFF;
	_ =	strace $0x9FFFFFFF  }
0xc3: {  	(tm) =	ssettm $0x7FFFFFFF  }
tec
execute0_lowered:
.L_overlay_start_1:
0x0: {  	(tag) =	ssettag $0x1  }
0x1: {  	s0 =	rddreg [dreg:$0x0]  }
0x2: {  	s1 =	rddreg [dreg:$0x1]  }
0x3: {  	s3 =	rddreg [dreg:$0x2];
	s12 =	stileid.u32  }
0x4: {  	s4 =	simm.s32 $0x0;
	s2 =	srdreg.scid;
	s7 =	smul.u32 $0x28000, s12  }
0x5: {  	[smem:$0x7FF] =	sst s4;
	s5 =	sadd.s32 $0x66800, s0;
	s6 =	sadd.s32 $0xEE0A00, s0  }
0x6: {  	s2 =	sand.u32 $0x1, s2;
	s22 =	smul.u32 $0x1400, s12;
	s8 =	sshrl.u32 s7, $0x2  }
0x7: {  	p0 =	slt.u32 s12, $0x8;
	_ =	strace $0x8000004D;
	s8 =	sadd.s32 s8, s3  }
0x8: {  	s9 =	smul.u32 $0x14000, s2;
	s10 =	ssub.s32 $0x2, s2;
	s13 =	sadd.s32 $0x800, s8  }
0x9: {  	s7 =	sadd.s32 $0x9A00, s0;
	s14 =	sadd.s32 $0x1000, s8;
	[dreg:$0x4] =	wrdreg s13  }
0xa: {  	s11 =	sshrl.u32 s10, $0x1;
	s15 =	sadd.s32 $0x1800, s8;
	[dreg:$0x5] =	wrdreg s14  }
0xb: {  	s0 =	sadd.s32 s9, s0;
	s16 =	sadd.s32 $0x2000, s8;
	[dreg:$0x6] =	wrdreg s15  }
0xc: {  	s9 =	ssub.s32 s10, s11;
	s17 =	sadd.s32 $0x2800, s8;
	[dreg:$0x7] =	wrdreg s16  }
0xd: {  	s10 =	simm.s32 $0x80;
	s18 =	sadd.s32 $0x3000, s8;
	[dreg:$0x8] =	wrdreg s17  }
0xe: {  	s11 =	simm.s32 $0x40;
	s19 =	sadd.s32 $0x3800, s8;
	[dreg:$0x9] =	wrdreg s18  }
0xf: {  	s20 =	sadd.s32 $0x4000, s8;
	s21 =	sadd.s32 $0x4800, s8;
	[dreg:$0xa] =	wrdreg s19  }
0x10: {  	s23 =	sadd.s32 $0x5000, s8;
	s24 =	sadd.s32 $0x5800, s8;
	[dreg:$0xb] =	wrdreg s20  }
0x11: {  	s25 =	sadd.s32 $0x6000, s8;
	s0 =	sadd.s32 s22, s0;
	[dreg:$0xc] =	wrdreg s21  }
0x12: {  	s26 =	sadd.s32 $0x6800, s8;
	s28 =	sadd.s32 $0x8000, s8;
	[dreg:$0xd] =	wrdreg s23  }
0x13: {  	s29 =	sadd.s32 $0x8800, s8;
	s30 =	sadd.s32 $0x9000, s8;
	[dreg:$0xe] =	wrdreg s24  }
0x14: {  	s31 =	sadd.s32 $0x9800, s8;
	[dreg:$0xf] =	wrdreg s25;
	s21 =	simm.s32 $0x139  }
0x15: {  	[dreg:$0x10] =	wrdreg s26;
	s14 =	smul.u32 $0xFFFFEC78, s2;
	s23 =	smax.u32 s9, $0x1  }
0x16: {  	s24 =	sadd.s32 $0x8DA00, s0;
	s25 =	sadd.s32 $0x7000, s8;
	s26 =	sadd.s32 $0x7800, s8  }
0x17: {  	s0 =	sshll.u32 s12, $0x6;
	s2 =	simm.s32 $0x6100;
	s9 =	simm.s32 $0x2  }
0x18: {  	s12 =	simm.s32 $0x100;
	s13 =	simm.s32 $0x2100;
	s15 =	simm.s32 $0x4100  }
0x19: {  	v1 =	vimm.f32 $0.0e+00;
	s16 =	simm.s32 $0x0;
	s21 =	simm.s32 @!p0 $0x138;
	v0 =	vmov s14;
	s14 =	simm.s32 $0x1  }
.LBB2_1:
0x1a: {  	s17 =	simm.s32 $0x0;
	s18 =	simm.s32 $0x200  }
.LBB2_2:
0x1b: {  	p0 =	sne.s32 s18, $0x1E00;
	[tilespmem:s17+$0x6170] =	vst v1  }
0x1c: {  	[tilespmem:s17+$0x6100] =	vst v1  }
0x1d: {  	[tilespmem:s17+$0x6110] =	vst v1  }
.Ltmp0:
0x1e: {  	[tilespmem:s17+$0x6120] =	vst v1;
	(pc) =	sbr.rel @p0 .LBB2_2-.Ltmp0, $4  }
0x1f: {  	[tilespmem:s17+$0x6130] =	vst v1  }
0x20: {  	[tilespmem:s17+$0x6140] =	vst v1  }
0x21: {  	[tilespmem:s17+$0x6150] =	vst v1  }
0x22: {  	[tilespmem:s17+$0x6160] =	vst v1;
	s17 =	sshra.s32 s18, $0x2;
	s18 =	sadd.s32 $0x200, s18  }
0x23: {  	[tilespmem:s17+$0x6170] =	vst v1  }
0x24: {  	[tilespmem:s17+$0x6100] =	vst v1  }
0x25: {  	[tilespmem:s17+$0x6110] =	vst v1  }
0x26: {  	[tilespmem:s17+$0x6120] =	vst v1  }
0x27: {  	[tilespmem:s17+$0x6130] =	vst v1  }
0x28: {  	[tilespmem:s17+$0x6140] =	vst v1  }
0x29: {  	[tilespmem:s17+$0x6150] =	vst v1  }
0x2a: {  	[tilespmem:s17+$0x6160] =	vst v1  }
0x2b: {  	[spmem:s8] =	stream.linear.scatter [tilespmem:s2], [sflag:$0x2], $0x800, $0x38;
	[tilespmem:$0x10900] =	vst v63  }
0x2c: {  	_ =	swait.ge [sflag:s9], $0x800  }
0x2d: {  	[sflag:s9] =	ssyncset.done $0x0  }
0x2e: {  	s22 =	rddreg [dreg:$0x4];
	[sflag:s9] =	ssyncadd.s32 $0xFFFFF800  }
0x2f: {  	[spmem:s22] =	stream.linear.scatter [tilespmem:s2], [sflag:$0x2], $0x800, $0x38;
	[tilespmem:$0x10900] =	vst v63  }
0x30: {  	_ =	swait.ge [sflag:s9], $0x800  }
0x31: {  	[sflag:s9] =	ssyncset.done $0x0  }
0x32: {  	s18 =	rddreg [dreg:$0x5];
	[sflag:s9] =	ssyncadd.s32 $0xFFFFF800  }
0x33: {  	[spmem:s18] =	stream.linear.scatter [tilespmem:s2], [sflag:$0x2], $0x800, $0x38;
	[tilespmem:$0x10900] =	vst v63  }
0x34: {  	_ =	swait.ge [sflag:s9], $0x800  }
0x35: {  	[sflag:s9] =	ssyncset.done $0x0  }
0x36: {  	s19 =	rddreg [dreg:$0x6];
	[sflag:s9] =	ssyncadd.s32 $0xFFFFF800  }
0x37: {  	[spmem:s19] =	stream.linear.scatter [tilespmem:s2], [sflag:$0x2], $0x800, $0x38;
	[tilespmem:$0x10900] =	vst v63  }
0x38: {  	_ =	swait.ge [sflag:s9], $0x800  }
0x39: {  	[sflag:s9] =	ssyncset.done $0x0  }
0x3a: {  	s20 =	rddreg [dreg:$0x7];
	[sflag:s9] =	ssyncadd.s32 $0xFFFFF800  }
0x3b: {  	[spmem:s20] =	stream.linear.scatter [tilespmem:s2], [sflag:$0x2], $0x800, $0x38;
	[tilespmem:$0x10900] =	vst v63  }
0x3c: {  	_ =	swait.ge [sflag:s9], $0x800  }
0x3d: {  	[sflag:s9] =	ssyncset.done $0x0  }
0x3e: {  	s22 =	rddreg [dreg:$0x8];
	[sflag:s9] =	ssyncadd.s32 $0xFFFFF800  }
0x3f: {  	[spmem:s22] =	stream.linear.scatter [tilespmem:s2], [sflag:$0x2], $0x800, $0x38;
	[tilespmem:$0x10900] =	vst v63  }
0x40: {  	_ =	swait.ge [sflag:s9], $0x800  }
0x41: {  	[sflag:s9] =	ssyncset.done $0x0  }
0x42: {  	s18 =	rddreg [dreg:$0x9];
	[sflag:s9] =	ssyncadd.s32 $0xFFFFF800  }
0x43: {  	[spmem:s18] =	stream.linear.scatter [tilespmem:s2], [sflag:$0x2], $0x800, $0x38;
	[tilespmem:$0x10900] =	vst v63  }
0x44: {  	_ =	swait.ge [sflag:s9], $0x800  }
0x45: {  	[sflag:s9] =	ssyncset.done $0x0  }
0x46: {  	s19 =	rddreg [dreg:$0xa];
	[sflag:s9] =	ssyncadd.s32 $0xFFFFF800  }
0x47: {  	[spmem:s19] =	stream.linear.scatter [tilespmem:s2], [sflag:$0x2], $0x800, $0x38;
	[tilespmem:$0x10900] =	vst v63  }
0x48: {  	_ =	swait.ge [sflag:s9], $0x800  }
0x49: {  	[sflag:s9] =	ssyncset.done $0x0  }
0x4a: {  	s20 =	rddreg [dreg:$0xb];
	[sflag:s9] =	ssyncadd.s32 $0xFFFFF800  }
0x4b: {  	[spmem:s20] =	stream.linear.scatter [tilespmem:s2], [sflag:$0x2], $0x800, $0x38;
	[tilespmem:$0x10900] =	vst v63  }
0x4c: {  	_ =	swait.ge [sflag:s9], $0x800  }
0x4d: {  	[sflag:s9] =	ssyncset.done $0x0  }
0x4e: {  	s22 =	rddreg [dreg:$0xc];
	[sflag:s9] =	ssyncadd.s32 $0xFFFFF800  }
0x4f: {  	[spmem:s22] =	stream.linear.scatter [tilespmem:s2], [sflag:$0x2], $0x800, $0x38;
	[tilespmem:$0x10900] =	vst v63  }
0x50: {  	_ =	swait.ge [sflag:s9], $0x800  }
0x51: {  	[sflag:s9] =	ssyncset.done $0x0  }
0x52: {  	s18 =	rddreg [dreg:$0xd];
	[sflag:s9] =	ssyncadd.s32 $0xFFFFF800  }
0x53: {  	[spmem:s18] =	stream.linear.scatter [tilespmem:s2], [sflag:$0x2], $0x800, $0x38;
	[tilespmem:$0x10900] =	vst v63  }
0x54: {  	_ =	swait.ge [sflag:s9], $0x800  }
0x55: {  	[sflag:s9] =	ssyncset.done $0x0  }
0x56: {  	s19 =	rddreg [dreg:$0xe];
	[sflag:s9] =	ssyncadd.s32 $0xFFFFF800  }
0x57: {  	[spmem:s19] =	stream.linear.scatter [tilespmem:s2], [sflag:$0x2], $0x800, $0x38;
	[tilespmem:$0x10900] =	vst v63  }
0x58: {  	_ =	swait.ge [sflag:s9], $0x800  }
0x59: {  	[sflag:s9] =	ssyncset.done $0x0  }
0x5a: {  	s20 =	rddreg [dreg:$0xf];
	[sflag:s9] =	ssyncadd.s32 $0xFFFFF800  }
0x5b: {  	[spmem:s20] =	stream.linear.scatter [tilespmem:s2], [sflag:$0x2], $0x800, $0x38;
	[tilespmem:$0x10900] =	vst v63  }
0x5c: {  	_ =	swait.ge [sflag:s9], $0x800  }
0x5d: {  	[sflag:s9] =	ssyncset.done $0x0  }
0x5e: {  	s22 =	rddreg [dreg:$0x10];
	[sflag:s9] =	ssyncadd.s32 $0xFFFFF800  }
0x5f: {  	[spmem:s22] =	stream.linear.scatter [tilespmem:s2], [sflag:$0x2], $0x800, $0x38;
	[tilespmem:$0x10900] =	vst v63  }
0x60: {  	_ =	swait.ge [sflag:s9], $0x800  }
0x61: {  	[sflag:s9] =	ssyncset.done $0x0  }
0x62: {  	[sflag:s9] =	ssyncadd.s32 $0xFFFFF800  }
0x63: {  	[spmem:s25] =	stream.linear.scatter [tilespmem:s2], [sflag:$0x2], $0x800, $0x38;
	[tilespmem:$0x10900] =	vst v63  }
0x64: {  	_ =	swait.ge [sflag:s9], $0x800  }
0x65: {  	[sflag:s9] =	ssyncset.done $0x0  }
0x66: {  	[sflag:s9] =	ssyncadd.s32 $0xFFFFF800  }
0x67: {  	[spmem:s26] =	stream.linear.scatter [tilespmem:s2], [sflag:$0x2], $0x800, $0x38;
	[tilespmem:$0x10900] =	vst v63  }
0x68: {  	_ =	swait.ge [sflag:s9], $0x800  }
0x69: {  	[sflag:s9] =	ssyncset.done $0x0  }
0x6a: {  	[sflag:s9] =	ssyncadd.s32 $0xFFFFF800  }
0x6b: {  	[spmem:s28] =	stream.linear.scatter [tilespmem:s2], [sflag:$0x2], $0x800, $0x38;
	[tilespmem:$0x10900] =	vst v63  }
0x6c: {  	_ =	swait.ge [sflag:s9], $0x800  }
0x6d: {  	[sflag:s9] =	ssyncset.done $0x0  }
0x6e: {  	[sflag:s9] =	ssyncadd.s32 $0xFFFFF800  }
0x6f: {  	[spmem:s29] =	stream.linear.scatter [tilespmem:s2], [sflag:$0x2], $0x800, $0x38;
	[tilespmem:$0x10900] =	vst v63  }
0x70: {  	_ =	swait.ge [sflag:s9], $0x800  }
0x71: {  	[sflag:s9] =	ssyncset.done $0x0  }
0x72: {  	[sflag:s9] =	ssyncadd.s32 $0xFFFFF800  }
0x73: {  	[spmem:s30] =	stream.linear.scatter [tilespmem:s2], [sflag:$0x2], $0x800, $0x38;
	[tilespmem:$0x10900] =	vst v63  }
0x74: {  	_ =	swait.ge [sflag:s9], $0x800  }
0x75: {  	[sflag:s9] =	ssyncset.done $0x0  }
0x76: {  	[sflag:s9] =	ssyncadd.s32 $0xFFFFF800  }
0x77: {  	[spmem:s31] =	stream.linear.scatter [tilespmem:s2], [sflag:$0x2], $0x800, $0x38;
	[tilespmem:$0x10900] =	vst v63  }
0x78: {  	_ =	swait.ge [sflag:s9], $0x800  }
0x79: {  	[sflag:s9] =	ssyncset.done $0x0  }
0x7a: {  	[sflag:s9] =	ssyncadd.s32 $0xFFFFF800  }
0x7b: {  	s17 =	simm.s32 $0x0;
	s18 =	simm.s32 $0x0;
	[bflag:$0x0] =	sbarrier.arrive $0xFFFF  }
.LBB2_4:
0x7c: {  	s19 =	sshll.u32 s18, $0xA  }
0x7d: {  	s19 =	sor.u32 s0, s19  }
0x7e: {  	s20 =	sshrl.u32 s19, $0x3  }
0x7f: {  	s22 =	sadd.s32 s7, s20  }
0x80: {  	[tilespmem:s17], [sflag:$0x2] =	stream.linear.gather [hbm4b:s22+s17], $0x40, $0x38;
	[tilespmem:$0x10900] =	vst v63  }
0x81: {  	_ =	swait.ge [sflag:s9], $0x40  }
0x82: {  	[sflag:s9] =	ssyncset.done $0x0  }
0x83: {  	s20 =	sadd.s32 s1, s20;
	[sflag:s9] =	ssyncadd.s32 $0xFFFFFFC0  }
0x84: {  	[tilespmem:s10], [sflag:$0x2] =	stream.linear.gather [hbm4b:s20+s17], $0x40, $0x38;
	[tilespmem:$0x10900] =	vst v63  }
0x85: {  	_ =	swait.ge [sflag:s9], $0x40  }
0x86: {  	[sflag:s9] =	ssyncset.done $0x0  }
0x87: {  	s19 =	sshll.u32 s19, $0x4;
	[sflag:s9] =	ssyncadd.s32 $0xFFFFFFC0  }
0x88: {  	[tilespmem:s12], [sflag:$0x1] =	stream.indirect.gather [hbm4b:s5+s11], $0x80, s17, s11, $0xb8;
	[tilespmem:$0x10900] =	vst v63  }
0x89: {  	s19 =	sadd.s32 s6, s19  }
0x8a: {  	[tilespmem:s13], [sflag:$0x2] =	stream.linear.gather [hbm4b:s19+s17], $0x2000, $0x38;
	[tilespmem:$0x10900] =	vst v63  }
0x8b: {  	_ =	swait.ge [sflag:s9], $0x2000  }
0x8c: {  	[sflag:s9] =	ssyncset.done $0x0  }
0x8d: {  	[sflag:s9] =	ssyncadd.s32 $0xFFFFE000  }
0x8e: {  	_ =	swait.ge [sflag:s14], $0x2000  }
0x8f: {  	[sflag:s14] =	ssyncset.done $0x0  }
0x90: {  	s19 =	simm.s32 $0x0;
	[sflag:s14] =	ssyncadd.s32 $0xFFFFE000  }
0x91: {  	v2 =	vld [tilespmem:s19+$0x170]  }
0x92: {  	v3 =	vld [tilespmem:s19+$0x2170]  }
0x93: {  	v4 =	vld [tilespmem:s19+$0x100]  }
0x94: {  	v5 =	vld [tilespmem:s19+$0x2100]  }
0x95: {  	v6 =	vld [tilespmem:s19+$0x110]  }
0x96: {  	v7 =	vld [tilespmem:s19+$0x2110]  }
0x97: {  	v8 =	vld [tilespmem:s19+$0x120]  }
0x98: {  	v2 =	vadd.f32 v3, v2;
	v3 =	vld [tilespmem:s19+$0x2120]  }
0x99: {  	v9 =	vld [tilespmem:s19+$0x130]  }
0x9a: {  	v10 =	vld [tilespmem:s19+$0x2130];
	v4 =	vadd.f32 v5, v4  }
0x9b: {  	v11 =	vld [tilespmem:s19+$0x140];
	v2 =	vmax.f32 v2, $0.0e+00  }
0x9c: {  	[tilespmem:s19+$0x4170] =	vst v2;
	v2 =	vmax.f32 v4, $0.0e+00;
	v4 =	vadd.f32 v7, v6;
	v7 =	vld [tilespmem:s19+$0x2140]  }
0x9d: {  	v5 =	vld [tilespmem:s19+$0x2150];
	v3 =	vadd.f32 v3, v8  }
0x9e: {  	[tilespmem:s19+$0x4100] =	vst v2;
	v2 =	vld [tilespmem:s19+$0x150];
	v4 =	vmax.f32 v4, $0.0e+00  }
0x9f: {  	v6 =	vld [tilespmem:s19+$0x2160];
	v8 =	vadd.f32 v10, v9;
	[tilespmem:s19+$0x4110] =	vst v4;
	v4 =	vmax.f32 v3, $0.0e+00  }
0xa0: {  	s20 =	simm.s32 $0x80;
	v3 =	vld [tilespmem:s19+$0x160];
	[tilespmem:s19+$0x4120] =	vst v4  }
0xa1: {  	s22 =	simm.s32 $0x400;
	v8 =	vmax.f32 v8, $0.0e+00;
	v7 =	vadd.f32 v7, v11;
	v4 =	vld [tilespmem:s20+$0x170]  }
.LBB2_5:
0xa2: {  	p0 =	sne.s32 s22, $0x7E00;
	v9 =	vld [tilespmem:s20+$0x2170];
	[tilespmem:s19+$0x4130] =	vst v8  }
0xa3: {  	v8 =	vld [tilespmem:s20+$0x100];
	v7 =	vmax.f32 v7, $0.0e+00;
	v2 =	vadd.f32 v5, v2  }
0xa4: {  	v5 =	vld [tilespmem:s20+$0x2100];
	[tilespmem:s19+$0x4140] =	vst v7  }
0xa5: {  	v7 =	vld [tilespmem:s20+$0x110];
	v2 =	vmax.f32 v2, $0.0e+00;
	v3 =	vadd.f32 v6, v3  }
0xa6: {  	v6 =	vld [tilespmem:s20+$0x2110];
	[tilespmem:s19+$0x4150] =	vst v2  }
0xa7: {  	v2 =	vld [tilespmem:s20+$0x120];
	v4 =	vadd.f32 v9, v4;
	v3 =	vmax.f32 v3, $0.0e+00  }
0xa8: {  	v9 =	vld [tilespmem:s20+$0x2120];
	[tilespmem:s19+$0x4160] =	vst v3;
	s19 =	smov.u32 s20  }
0xa9: {  	v3 =	vadd.f32 v5, v8;
	v8 =	vld [tilespmem:s19+$0x130];
	v4 =	vmax.f32 v4, $0.0e+00  }
0xaa: {  	v10 =	vld [tilespmem:s19+$0x2130];
	[tilespmem:s19+$0x4170] =	vst v4  }
0xab: {  	v3 =	vmax.f32 v3, $0.0e+00;
	v4 =	vadd.f32 v6, v7;
	v7 =	vld [tilespmem:s19+$0x140]  }
0xac: {  	[tilespmem:s19+$0x4100] =	vst v3;
	v11 =	vld [tilespmem:s19+$0x2140]  }
.Ltmp1:
0xad: {  	v3 =	vmax.f32 v4, $0.0e+00;
	v4 =	vadd.f32 v9, v2;
	v2 =	vld [tilespmem:s19+$0x150];
	(pc) =	sbr.rel @p0 .LBB2_5-.Ltmp1, $4  }
0xae: {  	[tilespmem:s19+$0x4110] =	vst v3;
	v5 =	vld [tilespmem:s19+$0x2150]  }
0xaf: {  	v4 =	vmax.f32 v4, $0.0e+00;
	v8 =	vadd.f32 v10, v8;
	v3 =	vld [tilespmem:s19+$0x160]  }
0xb0: {  	s20 =	sshra.s32 s22, $0x2;
	[tilespmem:s19+$0x4120] =	vst v4;
	v6 =	vld [tilespmem:s19+$0x2160]  }
0xb1: {  	s22 =	sadd.s32 $0x200, s22;
	v4 =	vld [tilespmem:s20+$0x170];
	v8 =	vmax.f32 v8, $0.0e+00;
	v7 =	vadd.f32 v11, v7  }
0xb2: {  	v9 =	vld [tilespmem:s20+$0x2170];
	[tilespmem:s19+$0x4130] =	vst v8  }
0xb3: {  	v8 =	vld [tilespmem:s20+$0x100];
	v7 =	vmax.f32 v7, $0.0e+00;
	v2 =	vadd.f32 v5, v2  }
0xb4: {  	v10 =	vld [tilespmem:s20+$0x2100];
	[tilespmem:s19+$0x4140] =	vst v7  }
0xb5: {  	v53 =	vld [tilespmem:s20+$0x110];
	v2 =	vmax.f32 v2, $0.0e+00;
	v3 =	vadd.f32 v6, v3  }
0xb6: {  	v7 =	vld [tilespmem:s20+$0x2110];
	[tilespmem:s19+$0x4150] =	vst v2  }
0xb7: {  	v2 =	vld [tilespmem:s20+$0x120];
	v3 =	vmax.f32 v3, $0.0e+00  }
0xb8: {  	v54 =	vld [tilespmem:s20+$0x2120];
	[tilespmem:s19+$0x4160] =	vst v3  }
0xb9: {  	v3 =	vld [tilespmem:s20+$0x130]  }
0xba: {  	v55 =	vld [tilespmem:s20+$0x2130]  }
0xbb: {  	v57 =	vld [tilespmem:s20+$0x140]  }
0xbc: {  	v58 =	vld [tilespmem:s20+$0x2140]  }
0xbd: {  	v59 =	vld [tilespmem:s20+$0x150];
	v2 =	vadd.f32 v54, v2  }
0xbe: {  	v60 =	vld [tilespmem:s20+$0x2150]  }
0xbf: {  	v4 =	vadd.f32 v9, v4;
	v61 =	vld [tilespmem:s20+$0x160];
	v2 =	vmax.f32 v2, $0.0e+00  }
0xc0: {  	v8 =	vadd.f32 v10, v8;
	[tilespmem:s20+$0x4120] =	vst v2;
	v2 =	vld [tilespmem:s20+$0x2160]  }
0xc1: {  	v4 =	vmax.f32 v4, $0.0e+00;
	v5 =	vadd.f32 v7, v53  }
0xc2: {  	[tilespmem:s20+$0x4170] =	vst v4;
	v56 =	vmax.f32 v8, $0.0e+00;
	v3 =	vadd.f32 v55, v3  }
0xc3: {  	[tilespmem:s20+$0x4100] =	vst v56;
	v5 =	vmax.f32 v5, $0.0e+00;
	v4 =	vadd.f32 v58, v57  }
0xc4: {  	[tilespmem:s20+$0x4110] =	vst v5;
	v5 =	vadd.f32 v60, v59;
	v3 =	vmax.f32 v3, $0.0e+00  }
0xc5: {  	[tilespmem:s20+$0x4130] =	vst v3;
	v3 =	vmax.f32 v4, $0.0e+00;
	v2 =	vadd.f32 v2, v61  }
0xc6: {  	[tilespmem:s20+$0x4140] =	vst v3;
	v3 =	vmax.f32 v5, $0.0e+00  }
0xc7: {  	[tilespmem:s20+$0x4150] =	vst v3;
	v2 =	vmax.f32 v2, $0.0e+00  }
0xc8: {  	[tilespmem:s20+$0x4160] =	vst v2  }
0xc9: {  	v2 =	vld [tilespmem:$0x80]  }
0xca: {  	v3 =	vld [tilespmem:$0x90]  }
0xcb: {  	v62 =	vld [tilespmem:$0xA0]  }
0xcc: {  	v63 =	vld [tilespmem:$0xB0];
	_ =	sdelay $0x1  }
0xcd: {  	v2 =	vadd.s32 v0, v2  }
0xce: {  	v3 =	vadd.s32 v0, v3;
	vm0 =	vlt.u32 v2, $0x1388  }
0xcf: {  	v4 =	vadd.s32 v0, v62;
	vm13 =	vlt.u32 v3, $0x1388;
	v2 =	vnsel vm0, $0x13FF, v2  }
0xd0: {  	vm14 =	vlt.u32 v4, $0x1388;
	[tilespmem:$0x80] =	vst v2;
	v2 =	vnsel vm13, $0x13FF, v3;
	v3 =	vadd.s32 v0, v63  }
0xd1: {  	s18 =	sadd.s32 $0x1, s18;
	[tilespmem:$0x90] =	vst v2;
	v2 =	vnsel vm14, $0x13FF, v4;
	vm15 =	vlt.u32 v3, $0x1388  }
0xd2: {  	p0 =	sne.s32 s18, s21;
	[tilespmem:$0xA0] =	vst v2;
	v2 =	vnsel vm15, $0x13FF, v3  }
.Ltmp2:
0xd3: {  	[tilespmem:$0xB0] =	vst v2;
	(pc) =	sbr.rel @p0 .LBB2_4-.Ltmp2, $4  }
0xd4: {  	[spmem:s3] =	stream.indirect.scatter.add.f32 [tilespmem:s15], [sflag:$0x2], $0x80, s10, s11, $0xb8;
	[tilespmem:$0x10900] =	vst v63  }
0xd5: {  	_ =	swait.ge [sflag:s9], $0x2000  }
0xd6: {  	[sflag:s9] =	ssyncset.done $0x0  }
0xd7: {  	[sflag:s9] =	ssyncadd.s32 $0xFFFFE000  }
0xd8: {  	[bflag:$0x0] =	sbarrier.arrive $0xFFFF  }
0xd9: {  	[tilespmem:s2], [sflag:$0x2] =	stream.linear.gather [spmem:s8], $0x800, $0x38;
	[tilespmem:$0x10900] =	vst v63  }
0xda: {  	_ =	swait.ge [sflag:s9], $0x800  }
0xdb: {  	[sflag:s9] =	ssyncset.done $0x0  }
0xdc: {  	s17 =	sadd.s32 $0x0, s24;
	[sflag:s9] =	ssyncadd.s32 $0xFFFFF800  }
0xdd: {  	[hbm4b:s17+s4] =	stream.linear.scatter [tilespmem:s2], [sflag:$0x2], $0x800, $0x38;
	[tilespmem:$0x10900] =	vst v63  }
0xde: {  	_ =	swait.ge [sflag:s9], $0x800  }
0xdf: {  	s18 =	smov.u32 s8;
	s17 =	simm.s32 $0x100;
	[sflag:s9] =	ssyncset.done $0x0  }
.LBB2_8:
0xe0: {  	p0 =	sne.s32 s17, $0x1300;
	[sflag:s9] =	ssyncadd.s32 $0xFFFFF800;
	s18 =	sadd.s32 $0x800, s18  }
0xe1: {  	[tilespmem:s2], [sflag:$0x2] =	stream.linear.gather [spmem:s18], $0x800, $0x38;
	[tilespmem:$0x10900] =	vst v63  }
0xe2: {  	s19 =	smov.u32 s17;
	s17 =	sadd.s32 $0x100, s17;
	_ =	swait.ge [sflag:s9], $0x800  }
.Ltmp3:
0xe3: {  	[sflag:s9] =	ssyncset.done $0x0;
	(pc) =	sbr.rel @p0 .LBB2_8-.Ltmp3, $4  }
0xe4: {  	s19 =	sadd.s32 s19, s24;
	[sflag:s9] =	ssyncadd.s32 $0xFFFFF800  }
0xe5: {  	[hbm4b:s19+s4] =	stream.linear.scatter [tilespmem:s2], [sflag:$0x2], $0x800, $0x38;
	[tilespmem:$0x10900] =	vst v63  }
0xe6: {  	_ =	swait.ge [sflag:s9], $0x800  }
0xe7: {  	[sflag:s9] =	ssyncset.done $0x0  }
0xe8: {  	s16 =	sadd.s32 $0x1, s16  }
0xe9: {  	p0 =	sne.s32 s16, s23  }
.Ltmp4:
0xea: {  	_ = 	snop;
	(pc) =	sbr.rel @p0 .LBB2_1-.Ltmp4, $2  }
0xeb: {  	_ =	sdelay $0x2  }
0xec: {  	[sflag:s9] =	ssyncadd.s32 $0xFFFFF800  }
0xed: {  	_ =	sfence.sel $0x180000  }
0xee: {  	[bflag:$0x0] =	sbarrier.arrive $0xFFFF  }
0xef: {  	_ =	strace $0x9000004D  }
0xf0: {  	s0 =	stileid.u32;
	[bflag:$0x2] =	sbarrier.arrive $0xFFFF  }
0xf1: {  	p0 =	sne.s32 s0, $0x0;
	s0 =	rddreg [dreg:$0x3]  }
0xf2: {  	s0 =	sadd.s32 @!p0 $0x100000, s0  }
0xf3: {  	[sflag:s0] =	ssyncadd.tile.s32 @!p0 $0x1;
	_ =	shalt  }
.Lfunc_end2:
_tile_overlayer_lowered:
.L_overlay_start_2:
0xf4: {  	(tag) =	ssettag $0x2  }
0xf5: {  	s0 =	rddreg [dreg:$0x0];
	s2 =	stileid.u32  }
0xf6: {  	s1 =	rddreg [dreg:$0x1];
	p0 =	sne.s32 s2, $0x0  }
0xf7: {  	s3 =	rddreg [dreg:$0x2];
	[bflag:$0x3] =	sbarrier.arrive $0xFFFF;
	s2 =	simm.s32 @!p0 $0x1C02  }
0xf8: {  	[timem:s3], [sflag:s2] =	dma.local @!p0 [hbm:s0], s1  }
0xf9: {  	s0 =	simm.s32 @!p0 $0x2  }
0xfa: {  	_ =	swait.ge @!p0 [sflag:s0], s1  }
0xfb: {  	s1 =	ssub.s32 @!p0 $0x0, s1;
	[sflag:s0] =	ssyncset.done @!p0 $0x0  }
0xfc: {  	[sflag:s0] =	ssyncadd.s32 @!p0 s1  }
0xfd: {  	[bflag:$0x3] =	sbarrier.arrive $0xFFFF  }
0xfe: {  	_ =	shalt  }

// kernel: kernel.22.cloned.1.call-start
scs
__scs_entry_jumppad:
0x0: {  	(pc) =	sbr.rel $0x88, $3  }
0x1: {  	(tag) =	ssettag $0x0;
	lr =	simm.s32 $0x1  }
0x2: {  	[smem:$0x3F8A] =	sst lr;
	_ =	strace $0xD0000000  }
0x3: {  	_ = 	snop  }
0x4: {  	_ = 	snop  }
0x5: {  	_ = 	snop  }
0x6: {  	_ = 	snop  }
0x7: {  	_ = 	snop  }
__scs_overlays_trampoline_lowered:
0x8: {  	[smem:$0x3F99] =	sst s0  }
0x9: {  	[smem:$0x3F9A] =	sst s1  }
0xa: {  	[smem:$0x3F9B] =	sst s2  }
0xb: {  	[smem:$0x3F9C] =	sst s3  }
0xc: {  	[smem:$0x3F9D] =	sst s4  }
0xd: {  	[smem:$0x3F9E] =	sst s5  }
0xe: {  	[smem:$0x3F9F] =	sst s6  }
0xf: {  	[smem:$0x3FA0] =	sst s7  }
0x10: {  	[smem:$0x3FA1] =	sst s8  }
0x11: {  	[smem:$0x3FA2] =	sst s9;
	s0 =	simm.s32 @!p0 $0x0  }
0x12: {  	s1 =	sld [smem:$0x3F88];
	s0 =	simm.s32 @p0 $0x1  }
0x13: {  	[smem:$0x3FA3] =	sst s0;
	s0 =	simm.s32 @!p1 $0x0  }
0x14: {  	s2 =	sld [smem:$0x3F87];
	s0 =	simm.s32 @p1 $0x1  }
0x15: {  	[smem:$0x3FA4] =	sst s0;
	s0 =	simm.s32 @!p2 $0x0  }
0x16: {  	s3 =	sld [smem:$0x3FDB];
	s0 =	simm.s32 @p2 $0x1  }
0x17: {  	s4 =	simm.s32 $0x1BF5;
	[smem:$0x3FA6] =	sst s0  }
0x18: {  	s0 =	sld [smem:$0x3F89];
	_ =	swait.ge [sflag:s4], $0x0  }
0x19: {  	s7 =	sld [smem:$0x3F8A]  }
0x1a: {  	s8 =	sadd.s32 $0xFFFFE003, lr  }
0x1b: {  	s9 =	sadd.s32 $0xFFFFFEF7, lr;
	s5 =	simm.s32 $0xFFFFFFFF;
	p2 =	slt.u32 s8, $0xFFFFF086  }
0x1c: {  	p1 =	slt.u32 s9, $0xF7A;
	s5 =	simm.s32 @!p2 $0x0  }
0x1d: {  	s5 =	simm.s32 @p1 $0x1;
	p0 =	seq.s32 s7, s2  }
0x1e: {  	s7 =	smul.u32 @!p0 $0xF7A, s2;
	p2 =	seq.s32 @!p0 s5, $0x0  }
0x1f: {  	s9 =	smul.u32 $0xF7A, s1;
	s8 =	simm.s32 @!p0 $0x1BF5;
	p2 =	por !p2, p0  }
0x20: {  	[sflag:s8] =	ssyncset.s32 @!p0 $0xFFFFF086;
	s6 =	sadd.s32 @!p0 s3, s7;
	s7 =	simm.s32 @!p0 $0x108  }
0x21: {  	s3 =	sadd.s32 s3, s9;
	s6 =	sadd.s32 @!p0 $0x88, s6;
	s7 =	simm.s32 @p2 $0x1082  }
0x22: {  	[simem:s7], [sflag:s8] =	dma.local @!p0 [hbm:s6], $0xF7A  }
0x23: {  	s9 =	sor.u32 $0xD0000000, s2;
	s6 =	simm.s32 $0x108;
	_ =	swait.ge @!p0 [sflag:s8], $0x0  }
0x24: {  	s3 =	sadd.s32 $0x88, s3;
	s6 =	simm.s32 @!p1 $0x1082;
	[sflag:s4] =	ssyncset.s32 $0xFFFFF086  }
0x25: {  	[simem:s6], [sflag:s4] =	dma.local [hbm:s3], $0xF7A  }
0x26: {  	[smem:$0x3F8A] =	sst s1;
	(tag) =	ssettag s2;
	_ =	strace s9  }
0x27: {  	s1 =	sld [smem:$0x3F9A]  }
0x28: {  	s2 =	sld [smem:$0x3F9B]  }
0x29: {  	s4 =	sld [smem:$0x3F9D]  }
0x2a: {  	p0 =	seq.s32 s5, $0x0;
	s5 =	sld [smem:$0x3F9E]  }
0x2b: {  	s6 =	sld [smem:$0x3F9F]  }
0x2c: {  	s7 =	sld [smem:$0x3FA0]  }
0x2d: {  	s3 =	simm.s32 $0x108;
	s8 =	sld [smem:$0x3FA1]  }
0x2e: {  	s3 =	simm.s32 @!p0 $0x1082;
	s9 =	sld [smem:$0x3FA2]  }
0x2f: {  	lr =	sadd.s32 s0, s3;
	s0 =	sld [smem:$0x3F99]  }
0x30: {  	s3 =	sld [smem:$0x3F9C]  }
0x31: {  	[smem:$0x3FA5] =	sst s10  }
0x32: {  	s10 =	sld [smem:$0x3FA3];
	_ =	sdelay $0x3  }
0x33: {  	p0 =	seq.s32 s10, $0x1;
	s10 =	sld [smem:$0x3FA5];
	_ =	sdelay $0x3  }
0x34: {  	[smem:$0x3FA5] =	sst s10  }
0x35: {  	s10 =	sld [smem:$0x3FA4];
	_ =	sdelay $0x3  }
0x36: {  	p1 =	seq.s32 s10, $0x1;
	s10 =	sld [smem:$0x3FA5];
	_ =	sdelay $0x3  }
0x37: {  	[smem:$0x3FA5] =	sst s10  }
0x38: {  	s10 =	sld [smem:$0x3FA6]  }
0x39: {  	_ = 	snop;
	(pc) =	sbr.ind lr, $3  }
0x3a: {  	_ = 	snop  }
0x3b: {  	_ = 	snop  }
0x3c: {  	p2 =	seq.s32 s10, $0x1;
	s10 =	sld [smem:$0x3FA5]  }
0x3d: {  	_ =	shalt  }
0x3e: {  	_ =	shalt  }
0x3f: {  	_ =	shalt  }
0x40: {  	_ =	shalt  }
0x41: {  	_ =	shalt  }
0x42: {  	_ =	shalt  }
0x43: {  	_ =	shalt  }
0x44: {  	_ =	shalt  }
0x45: {  	_ =	shalt  }
0x46: {  	_ =	shalt  }
0x47: {  	_ =	shalt  }
0x48: {  	_ =	shalt  }
0x49: {  	_ =	shalt  }
0x4a: {  	_ =	shalt  }
0x4b: {  	_ =	shalt  }
0x4c: {  	_ =	shalt  }
0x4d: {  	_ =	shalt  }
0x4e: {  	_ =	shalt  }
0x4f: {  	_ =	shalt  }
0x50: {  	_ =	shalt  }
0x51: {  	_ =	shalt  }
0x52: {  	_ =	shalt  }
0x53: {  	_ =	shalt  }
0x54: {  	_ =	shalt  }
0x55: {  	_ =	shalt  }
0x56: {  	_ =	shalt  }
0x57: {  	_ =	shalt  }
0x58: {  	_ =	shalt  }
0x59: {  	_ =	shalt  }
0x5a: {  	_ =	shalt  }
0x5b: {  	_ =	shalt  }
0x5c: {  	_ =	shalt  }
0x5d: {  	_ =	shalt  }
0x5e: {  	_ =	shalt  }
0x5f: {  	_ =	shalt  }
0x60: {  	_ =	shalt  }
0x61: {  	_ =	shalt  }
0x62: {  	_ =	shalt  }
0x63: {  	_ =	shalt  }
0x64: {  	_ =	shalt  }
0x65: {  	_ =	shalt  }
0x66: {  	_ =	shalt  }
0x67: {  	_ =	shalt  }
0x68: {  	_ =	shalt  }
0x69: {  	_ =	shalt  }
0x6a: {  	_ =	shalt  }
0x6b: {  	_ =	shalt  }
0x6c: {  	_ =	shalt  }
0x6d: {  	_ =	shalt  }
0x6e: {  	_ =	shalt  }
0x6f: {  	_ =	shalt  }
0x70: {  	_ =	shalt  }
0x71: {  	_ =	shalt  }
0x72: {  	_ =	shalt  }
0x73: {  	_ =	shalt  }
0x74: {  	_ =	shalt  }
0x75: {  	_ =	shalt  }
0x76: {  	_ =	shalt  }
0x77: {  	_ =	shalt  }
0x78: {  	_ =	shalt  }
0x79: {  	_ =	shalt  }
0x7a: {  	_ =	shalt  }
0x7b: {  	_ =	shalt  }
0x7c: {  	_ =	shalt  }
0x7d: {  	_ =	shalt  }
0x7e: {  	_ =	shalt  }
0x7f: {  	_ =	shalt  }
0x80: {  	_ =	shalt  }
0x81: {  	_ =	shalt  }
0x82: {  	_ =	shalt  }
0x83: {  	_ =	shalt  }
0x84: {  	_ =	shalt  }
0x85: {  	_ =	shalt  }
0x86: {  	_ =	shalt  }
0x87: {  	_ =	shalt  }
.Lfunc_end0:
.L_simem_size_0:
called_computation.3_lowered:
.L_overlay_start_0:
0x88: {  	s2 =	sld [smem:$0x3FD9]  }
0x89: {  	s3 =	sld [smem:$0x3FFE];
	_ =	sdelay $0x1  }
0x8a: {  	s1 =	srdreg.scid  }
0x8b: {  	s0 =	sand.u32 $0x1, s1  }
0x8c: {  	s17 =	sshll.u32 s0, $0xA;
	s2 =	sadd.s32 s3, s2  }
0x8d: {  	s2 =	sadd.s32 s2, s17  }
0x8e: {  	[smem:$0x3FB1] =	sst s2  }
0x8f: {  	_ = 	snop  }
0x90: {  	s2 =	sld [smem:$0x3FD0];
	(tm) =	ssettm $0x1  }
0x91: {  	s18 =	sld [smem:$0x3FFB];
	_ =	sdelay $0x3  }
0x92: {  	_ =	strace s18  }
0x93: {  	s3 =	sld [smem:$0x3FFC];
	_ =	sdelay $0x3  }
0x94: {  	_ =	strace s3  }
0x95: {  	s3 =	sld [smem:$0x3FFD];
	_ =	sdelay $0x3  }
0x96: {  	_ =	strace s3  }
0x97: {  	_ =	strace $0x8FFFFFFF  }
0x98: {  	s19 =	sld [smem:$0x3FDB];
	_ =	sdelay $0x1  }
0x99: {  	s4 =	simm.s32 $_scs_section_size  }
0x9a: {  	s5 =	simm.s32 $_size__tile_overlayer_lowered;
	s6 =	simm.s32 $_tile_overlayer_lowered  }
0x9b: {  	s22 =	simm.s32 $0x1BFF;
	s21 =	sshll.u32 s6, $0x1;
	s3 =	sadd.s32 s4, s19  }
0x9c: {  	s7 =	simm.s32 $0x0;
	s20 =	sshll.u32 s5, $0x1;
	s5 =	sadd.s32 s21, s3  }
0x9d: {  	[timem:s7], [sflag:s22] =	dma.local [hbm:s5], s20  }
0x9e: {  	_ =	swait.ge [sflag:s22], s20  }
0x9f: {  	s4 =	ssub.s32 $0x0, s20;
	[sflag:s22] =	ssyncset.done $0x0  }
0xa0: {  	[sflag:s22] =	ssyncadd.s32 s4;
	_ =	sdelay $0x1  }
0xa1: {  	s23 =	simm.s32 $0x1B8B  }
0xa2: {  	_ =	swait.ge [sflag:s23], $0x1  }
0xa3: {  	[sflag:s23] =	ssyncset.done $0x0  }
0xa4: {  	s25 =	simm.s32 $0x1B8E;
	s24 =	sld [smem:$0x3FFE];
	[sflag:s23] =	ssyncadd.s32 $0xFFFFFFFF  }
0xa5: {  	s26 =	simm.s32 $execute0_lowered;
	[smem:$0x3FD2] =	sst s25  }
0xa6: {  	s5 =	sshll.u32 s26, $0x1;
	_ =	strace $0x8000004F;
	[dreg:$0x1] =	wrdreg $0xFFFFFFFF  }
0xa7: {  	s28 =	simm.s32 $_size_execute0_lowered;
	s3 =	sadd.s32 s3, s5;
	[dreg:$0x0] =	wrdreg $0x0  }
0xa8: {  	s5 =	sshll.u32 s28, $0x1;
	[dreg:$0x2] =	wrdreg s3  }
0xa9: {  	[dreg:$0x3] =	wrdreg s5  }
0xaa: {  	[dreg:$0x4] =	wrdreg $0xC0  }
0xab: {  	_ =	task [dreg:s7], $0x5FFFF  }
0xac: {  	[dreg:$0x1] =	wrdreg $0xFFFFFFFF  }
0xad: {  	[dreg:$0x0] =	wrdreg $0x60  }
0xae: {  	[dreg:$0x2] =	wrdreg s24  }
0xaf: {  	[dreg:$0x3] =	wrdreg s2  }
0xb0: {  	[dreg:$0x4] =	wrdreg $0x9  }
0xb1: {  	_ =	task.clear_ibuf [dreg:s7], $0x5FFFF;
	_ =	strace $0x9000004F  }
0xb2: {  	s29 =	simm.s32 $0x9;
	_ =	strace $0x80000051  }
0xb3: {  	_ =	swait.ge [sflag:s29], $0x1  }
0xb4: {  	[sflag:s29] =	ssyncadd.s32 $0xFFFFFFFF  }
0xb5: {  	_ =	strace $0x90000051  }
0xb6: {  	_ =	sfence  }
0xb7: {  	s30 =	sld [smem:$0x0];
	_ =	sdelay $0x2  }
0xb8: {  	s31 =	sshll.u32 s1, $0xD;
	s1 =	sshrl.u32 s1, $0x2  }
0xb9: {  	s3 =	sand.u32 $0x4000, s31;
	s1 =	sadd.s32 s1, s30  }
0xba: {  	s0 =	sor.u32 s3, s0;
	s1 =	sshll.u32 s1, $0x11  }
0xbb: {  	s0 =	sor.u32 s1, s0  }
0xbc: {  	s0 =	sadd.s32 $0x8F2B, s0  }
0xbd: {  	[sflag:s0] =	ssyncadd.remote.s32 $0x1  }
0xbe: {  	_ =	sfence.sel $0xFFFF  }
0xbf: {  	[dreg:$0x0] =	wrdreg $0xFFFFFFFF;
	(pc) =	sbr.abs _section_cstart, $3  }
0xc0: {  	[dreg:$0x1] =	wrdreg $0xFFFFFFFF  }
0xc1: {  	_ =	task.clear_ibuf [dreg:s7], $0x2FFFF;
	_ =	strace $0x9FFFFFFF  }
0xc2: {  	(tm) =	ssettm $0x7FFFFFFF  }
0xc3: {  	_ =	shalt  }
tec
execute0_lowered:
.L_overlay_start_1:
0x0: {  	(tag) =	ssettag $0x1  }
0x1: {  	s7 =	rddreg [dreg:$0x0]  }
0x2: {  	s1 =	rddreg [dreg:$0x1]  }
0x3: {  	s0 =	rddreg [dreg:$0x2]  }
0x4: {  	s2 =	simm.s32 $0x0;
	s8 =	srdreg.scid;
	s15 =	simm.s32 $0x80  }
0x5: {  	s16 =	simm.s32 $0x100;
	s17 =	simm.s32 $0x4100;
	s18 =	simm.s32 $0xC100  }
0x6: {  	s19 =	simm.s32 $0x10100;
	s20 =	simm.s32 $0x1;
	s21 =	simm.s32 $0x8100  }
0x7: {  	s22 =	simm.s32 $0x14100;
	s23 =	simm.s32 $0x0;
	[smem:$0x7FF] =	sst s2  }
0x8: {  	s3 =	sadd.s32 $0x13800, s7;
	s4 =	sadd.s32 $0x3B400, s7;
	s5 =	sadd.s32 $0x62600, s7  }
0x9: {  	s6 =	sadd.s32 $0x89800, s7;
	s12 =	sand.u32 $0x1, s8;
	s8 =	sadd.s32 $0x9A00, s7  }
0xa: {  	s9 =	sadd.s32 $0xB0A00, s7;
	s10 =	sadd.s32 $0x592A00, s7;
	s7 =	stileid.u32  }
0xb: {  	_ =	strace $0x80000050;
	s11 =	ssub.s32 $0x2, s12;
	p0 =	slt.u32 s7, $0x2  }
0xc: {  	s14 =	sshll.u32 s7, $0x8;
	s12 =	sshll.u32 s12, $0x7;
	s13 =	sshrl.u32 s11, $0x1  }
0xd: {  	s12 =	sor.u32 s12, s14;
	s13 =	ssub.s32 s11, s13;
	s11 =	simm.s32 $0x4F  }
0xe: {  	s14 =	simm.s32 $0x2;
	s11 =	simm.s32 @!p0 $0x4E;
	s13 =	smax.u32 s13, $0x1  }
.LBB2_1:
0xf: {  	s24 =	simm.s32 $0x0  }
.LBB2_2:
0x10: {  	s25 =	sshll.u32 s24, $0xC  }
0x11: {  	s25 =	sor.u32 s12, s25  }
0x12: {  	s26 =	sshrl.u32 s25, $0x3  }
0x13: {  	s29 =	simm.s32 $0x0;
	s28 =	sadd.s32 s8, s26  }
0x14: {  	[tilespmem:s29], [sflag:$0x2] =	stream.linear.gather [hbm4b:s28+s29], $0x80, $0x38;
	[tilespmem:$0x18100] =	vst v63  }
0x15: {  	_ =	swait.ge [sflag:s14], $0x80  }
0x16: {  	[sflag:s14] =	ssyncset.done $0x0  }
0x17: {  	s26 =	sadd.s32 s1, s26;
	[sflag:s14] =	ssyncadd.s32 $0xFFFFFF80  }
0x18: {  	[tilespmem:s15], [sflag:$0x2] =	stream.linear.gather [hbm4b:s26+s29], $0x80, $0x38;
	[tilespmem:$0x18100] =	vst v63  }
0x19: {  	_ =	swait.ge [sflag:s14], $0x80  }
0x1a: {  	[sflag:s14] =	ssyncset.done $0x0  }
0x1b: {  	[sflag:s14] =	ssyncadd.s32 $0xFFFFFF80  }
0x1c: {  	[tilespmem:s16], [sflag:$0x1] =	stream.indirect.gather [hbm4b:s3+s15], $0x80, s29, s15, $0xb8;
	[tilespmem:$0x18100] =	vst v63  }
0x1d: {  	_ = 	snop  }
0x1e: {  	[tilespmem:s17], [sflag:$0x1] =	stream.indirect.gather [hbm4b:s4+s15], $0x80, s15, s15, $0xb8;
	[tilespmem:$0x18100] =	vst v63  }
0x1f: {  	_ = 	snop  }
0x20: {  	[tilespmem:s18], [sflag:$0x1] =	stream.indirect.gather [hbm4b:s5+s15], $0x80, s29, s15, $0xb8;
	[tilespmem:$0x18100] =	vst v63  }
0x21: {  	_ = 	snop  }
0x22: {  	[tilespmem:s19], [sflag:$0x1] =	stream.indirect.gather [hbm4b:s6+s15], $0x80, s15, s15, $0xb8;
	[tilespmem:$0x18100] =	vst v63  }
0x23: {  	_ =	swait.ge [sflag:s20], $0x4000  }
0x24: {  	[sflag:s20] =	ssyncset.done $0x0  }
0x25: {  	[sflag:s20] =	ssyncadd.s32 $0xFFFFC000  }
0x26: {  	_ =	swait.ge [sflag:s20], $0x4000  }
0x27: {  	[sflag:s20] =	ssyncset.done $0x0  }
0x28: {  	[sflag:s20] =	ssyncadd.s32 $0xFFFFC000  }
0x29: {  	_ =	swait.ge [sflag:s20], $0x4000  }
0x2a: {  	[sflag:s20] =	ssyncset.done $0x0  }
0x2b: {  	[sflag:s20] =	ssyncadd.s32 $0xFFFFC000  }
0x2c: {  	_ =	swait.ge [sflag:s20], $0x4000  }
0x2d: {  	[sflag:s20] =	ssyncset.done $0x0  }
0x2e: {  	s26 =	simm.s32 $0x0;
	[sflag:s20] =	ssyncadd.s32 $0xFFFFC000  }
0x2f: {  	v0 =	vld [tilespmem:s26+$0xC130]  }
0x30: {  	v1 =	vld [tilespmem:s26+$0x10130]  }
0x31: {  	v2 =	vld [tilespmem:s26+$0x100]  }
0x32: {  	v3 =	vld [tilespmem:s26+$0x4100]  }
0x33: {  	v4 =	vld [tilespmem:s26+$0x110]  }
0x34: {  	v5 =	vld [tilespmem:s26+$0x4110]  }
0x35: {  	v6 =	vld [tilespmem:s26+$0x120]  }
0x36: {  	v7 =	vld [tilespmem:s26+$0x130]  }
0x37: {  	v0 =	vadd.f32 v1, v0;
	v1 =	vld [tilespmem:s26+$0x4120]  }
0x38: {  	v2 =	vadd.f32 v3, v2;
	v3 =	vld [tilespmem:s26+$0x140]  }
0x39: {  	[tilespmem:s26+$0x14130] =	vst v0;
	v0 =	vld [tilespmem:s26+$0x4130]  }
0x3a: {  	[tilespmem:s26+$0x8100] =	vst v2;
	v2 =	vadd.f32 v5, v4;
	v4 =	vld [tilespmem:s26+$0x4140]  }
0x3b: {  	v5 =	vld [tilespmem:s26+$0x4150]  }
0x3c: {  	[tilespmem:s26+$0x8110] =	vst v2;
	v2 =	vld [tilespmem:s26+$0x150];
	v1 =	vadd.f32 v1, v6  }
0x3d: {  	v6 =	vld [tilespmem:s26+$0x4160]  }
0x3e: {  	[tilespmem:s26+$0x8120] =	vst v1;
	v0 =	vadd.f32 v0, v7;
	v1 =	vld [tilespmem:s26+$0x160]  }
0x3f: {  	v7 =	vld [tilespmem:s26+$0x4170]  }
0x40: {  	[tilespmem:s26+$0x8130] =	vst v0;
	v0 =	vadd.f32 v4, v3;
	v4 =	vld [tilespmem:s26+$0x170]  }
0x41: {  	v8 =	vld [tilespmem:s26+$0x10100]  }
0x42: {  	[tilespmem:s26+$0x8140] =	vst v0;
	v0 =	vadd.f32 v5, v2;
	v5 =	vld [tilespmem:s26+$0xC100]  }
0x43: {  	v3 =	vld [tilespmem:s26+$0x10110]  }
0x44: {  	v2 =	vld [tilespmem:s26+$0xC110];
	[tilespmem:s26+$0x8150] =	vst v0;
	v0 =	vadd.f32 v6, v1  }
0x45: {  	v6 =	vadd.f32 v7, v4;
	v4 =	vld [tilespmem:s26+$0x10120]  }
0x46: {  	s28 =	simm.s32 $0x80;
	[tilespmem:s26+$0x8160] =	vst v0;
	v0 =	vld [tilespmem:s26+$0xC120]  }
0x47: {  	s29 =	simm.s32 $0x400;
	v1 =	vld [tilespmem:s28+$0xC130];
	[tilespmem:s26+$0x8170] =	vst v6;
	v5 =	vadd.f32 v8, v5  }
.LBB2_3:
0x48: {  	p0 =	sne.s32 s29, $0xFE00;
	v6 =	vld [tilespmem:s28+$0x10130]  }
0x49: {  	v7 =	vld [tilespmem:s28+$0x100];
	[tilespmem:s26+$0x14100] =	vst v5;
	v2 =	vadd.f32 v3, v2  }
0x4a: {  	v3 =	vld [tilespmem:s28+$0x4100]  }
0x4b: {  	v5 =	vld [tilespmem:s28+$0x110];
	[tilespmem:s26+$0x14110] =	vst v2;
	v0 =	vadd.f32 v4, v0  }
0x4c: {  	v2 =	vld [tilespmem:s28+$0x4110]  }
0x4d: {  	v4 =	vld [tilespmem:s28+$0x120];
	v1 =	vadd.f32 v6, v1;
	[tilespmem:s26+$0x14120] =	vst v0;
	s26 =	smov.u32 s28  }
0x4e: {  	v0 =	vld [tilespmem:s26+$0x4120]  }
0x4f: {  	v3 =	vadd.f32 v3, v7;
	v6 =	vld [tilespmem:s26+$0x130];
	[tilespmem:s26+$0x14130] =	vst v1  }
0x50: {  	v1 =	vld [tilespmem:s26+$0x4130]  }
0x51: {  	[tilespmem:s26+$0x8100] =	vst v3;
	v2 =	vadd.f32 v2, v5;
	v3 =	vld [tilespmem:s26+$0x140]  }
0x52: {  	v5 =	vld [tilespmem:s26+$0x4140]  }
0x53: {  	[tilespmem:s26+$0x8110] =	vst v2;
	v0 =	vadd.f32 v0, v4;
	v2 =	vld [tilespmem:s26+$0x150]  }
0x54: {  	v4 =	vld [tilespmem:s26+$0x4150]  }
0x55: {  	[tilespmem:s26+$0x8120] =	vst v0;
	v0 =	vadd.f32 v1, v6;
	v1 =	vld [tilespmem:s26+$0x160]  }
0x56: {  	v6 =	vld [tilespmem:s26+$0x4160]  }
0x57: {  	[tilespmem:s26+$0x8130] =	vst v0;
	v0 =	vadd.f32 v5, v3;
	v5 =	vld [tilespmem:s26+$0x170]  }
0x58: {  	v7 =	vld [tilespmem:s26+$0x4170]  }
0x59: {  	[tilespmem:s26+$0x8140] =	vst v0;
	v0 =	vadd.f32 v4, v2;
	v8 =	vld [tilespmem:s26+$0xC100]  }
0x5a: {  	v9 =	vld [tilespmem:s26+$0x10100]  }
.Ltmp0:
0x5b: {  	[tilespmem:s26+$0x8150] =	vst v0;
	v0 =	vadd.f32 v6, v1;
	v2 =	vld [tilespmem:s26+$0xC110];
	(pc) =	sbr.rel @p0 .LBB2_3-.Ltmp0, $4  }
0x5c: {  	v3 =	vld [tilespmem:s26+$0x10110]  }
0x5d: {  	[tilespmem:s26+$0x8160] =	vst v0;
	v5 =	vadd.f32 v7, v5;
	v0 =	vld [tilespmem:s26+$0xC120]  }
0x5e: {  	s28 =	sshra.s32 s29, $0x2;
	v4 =	vld [tilespmem:s26+$0x10120]  }
0x5f: {  	s29 =	sadd.s32 $0x200, s29;
	v1 =	vld [tilespmem:s28+$0xC130];
	[tilespmem:s26+$0x8170] =	vst v5;
	v5 =	vadd.f32 v9, v8  }
0x60: {  	v6 =	vld [tilespmem:s28+$0x10130]  }
0x61: {  	v7 =	vld [tilespmem:s28+$0x100];
	[tilespmem:s26+$0x14100] =	vst v5;
	v2 =	vadd.f32 v3, v2  }
0x62: {  	v41 =	vld [tilespmem:s28+$0x4100]  }
0x63: {  	v5 =	vld [tilespmem:s28+$0x110];
	[tilespmem:s26+$0x14110] =	vst v2;
	v0 =	vadd.f32 v4, v0  }
0x64: {  	v2 =	vld [tilespmem:s28+$0x4110]  }
0x65: {  	v42 =	vld [tilespmem:s28+$0x120];
	[tilespmem:s26+$0x14120] =	vst v0  }
0x66: {  	v44 =	vld [tilespmem:s28+$0x4120]  }
0x67: {  	v45 =	vld [tilespmem:s28+$0x130]  }
0x68: {  	v46 =	vld [tilespmem:s28+$0x4130]  }
0x69: {  	v47 =	vld [tilespmem:s28+$0x140]  }
0x6a: {  	v48 =	vld [tilespmem:s28+$0x4140]  }
0x6b: {  	v49 =	vld [tilespmem:s28+$0x150]  }
0x6c: {  	v50 =	vld [tilespmem:s28+$0x4150]  }
0x6d: {  	v51 =	vld [tilespmem:s28+$0x160]  }
0x6e: {  	v52 =	vld [tilespmem:s28+$0x4160]  }
0x6f: {  	v54 =	vld [tilespmem:s28+$0x170]  }
0x70: {  	v43 =	vadd.f32 v6, v1;
	v55 =	vld [tilespmem:s28+$0x4170]  }
0x71: {  	v57 =	vld [tilespmem:s28+$0xC100];
	v3 =	vadd.f32 v41, v7  }
0x72: {  	v58 =	vld [tilespmem:s28+$0x10100];
	[tilespmem:s28+$0x14130] =	vst v43;
	v2 =	vadd.f32 v2, v5  }
0x73: {  	v60 =	vld [tilespmem:s28+$0xC110];
	[tilespmem:s28+$0x8100] =	vst v3;
	v1 =	vadd.f32 v44, v42  }
0x74: {  	v61 =	vld [tilespmem:s28+$0x10110];
	[tilespmem:s28+$0x8110] =	vst v2;
	v0 =	vadd.f32 v46, v45  }
0x75: {  	v62 =	vld [tilespmem:s28+$0xC120];
	v53 =	vadd.f32 v48, v47;
	[tilespmem:s28+$0x8120] =	vst v1  }
0x76: {  	v63 =	vld [tilespmem:s28+$0x10120];
	v56 =	vadd.f32 v50, v49;
	[tilespmem:s28+$0x8130] =	vst v0  }
0x77: {  	v59 =	vadd.f32 v52, v51;
	[tilespmem:s28+$0x8140] =	vst v53  }
0x78: {  	v3 =	vadd.f32 v55, v54;
	[tilespmem:s28+$0x8150] =	vst v56  }
0x79: {  	v2 =	vadd.f32 v58, v57;
	[tilespmem:s28+$0x8160] =	vst v59  }
0x7a: {  	[tilespmem:s28+$0x8170] =	vst v3;
	v1 =	vadd.f32 v61, v60  }
0x7b: {  	[tilespmem:s28+$0x14100] =	vst v2;
	v0 =	vadd.f32 v63, v62  }
0x7c: {  	s25 =	sshll.u32 s25, $0x4;
	[tilespmem:s28+$0x14110] =	vst v1  }
0x7d: {  	s31 =	sadd.s32 s9, s25;
	[tilespmem:s28+$0x14120] =	vst v0  }
0x7e: {  	[hbm4b:s31+s2] =	stream.linear.scatter [tilespmem:s21], [sflag:$0x2], $0x4000, $0x38;
	[tilespmem:$0x18100] =	vst v63  }
0x7f: {  	s24 =	sadd.s32 $0x1, s24;
	_ =	swait.ge [sflag:s14], $0x4000  }
0x80: {  	p0 =	sne.s32 s24, s11;
	[sflag:s14] =	ssyncset.done $0x0  }
.Ltmp1:
0x81: {  	s25 =	sadd.s32 s10, s25;
	[sflag:s14] =	ssyncadd.s32 $0xFFFFC000;
	(pc) =	sbr.rel @p0 .LBB2_2-.Ltmp1, $4  }
0x82: {  	[hbm4b:s25+s2] =	stream.linear.scatter [tilespmem:s22], [sflag:$0x2], $0x4000, $0x38;
	[tilespmem:$0x18100] =	vst v63  }
0x83: {  	_ =	swait.ge [sflag:s14], $0x4000  }
0x84: {  	[sflag:s14] =	ssyncset.done $0x0  }
0x85: {  	[sflag:s14] =	ssyncadd.s32 $0xFFFFC000  }
0x86: {  	s23 =	sadd.s32 $0x1, s23  }
0x87: {  	p0 =	sne.s32 s23, s13  }
.Ltmp2:
0x88: {  	_ = 	snop;
	(pc) =	sbr.rel @p0 .LBB2_1-.Ltmp2, $1  }
0x89: {  	_ =	sdelay $0x3  }
0x8a: {  	_ =	sfence.sel $0x180000  }
0x8b: {  	[bflag:$0x0] =	sbarrier.arrive $0xFFFF  }
0x8c: {  	p0 =	sne.s32 s7, $0x0;
	_ =	strace $0x90000050  }
0x8d: {  	s0 =	sadd.s32 @!p0 $0x100000, s0;
	[bflag:$0x2] =	sbarrier.arrive $0xFFFF  }
0x8e: {  	[sflag:s0] =	ssyncadd.tile.s32 @!p0 $0x1;
	_ =	shalt  }
.Lfunc_end2:
_tile_overlayer_lowered:
.L_overlay_start_2:
0x8f: {  	(tag) =	ssettag $0x2  }
0x90: {  	s0 =	rddreg [dreg:$0x0];
	s2 =	stileid.u32  }
0x91: {  	s1 =	rddreg [dreg:$0x1];
	p0 =	sne.s32 s2, $0x0  }
0x92: {  	s3 =	rddreg [dreg:$0x2];
	[bflag:$0x3] =	sbarrier.arrive $0xFFFF;
	s2 =	simm.s32 @!p0 $0x1C02  }
0x93: {  	[timem:s3], [sflag:s2] =	dma.local @!p0 [hbm:s0], s1  }
0x94: {  	s0 =	simm.s32 @!p0 $0x2  }
0x95: {  	_ =	swait.ge @!p0 [sflag:s0], s1  }
0x96: {  	s1 =	ssub.s32 @!p0 $0x0, s1;
	[sflag:s0] =	ssyncset.done @!p0 $0x0  }
0x97: {  	[sflag:s0] =	ssyncadd.s32 @!p0 s1  }
0x98: {  	[bflag:$0x3] =	sbarrier.arrive $0xFFFF  }
0x99: {  	_ =	shalt  }

</sc_bundles>
